<compile_context>
chip_gen: v7x
topology: tpu7x:2x2x1
jax: 0.10.2.dev20260603
libtpu: 0.0.44.dev20260713+nightly
codegen_flags: <defaults>
</compile_context>

<pallas_src>
import functools

import jax
import jax.numpy as jnp
from jax import lax
from jax.experimental import pallas as pl
from jax.experimental.pallas import tpu as pltpu
from jax.experimental.pallas import tpu_sc as plsc


_BS = 1024


def _tc_add_kernel(x_ref, pos_ref, o_ref):
    o_ref[...] = x_ref[...] + pos_ref[...][None, :, :]


def _tc_kernel(x, pos_table):
    batch, seq, d = x.shape
    bs = _BS if seq % _BS == 0 else seq
    grid = (seq // bs,)
    return pl.pallas_call(
        _tc_add_kernel,
        grid=grid,
        in_specs=[
            pl.BlockSpec((batch, bs, d), lambda i: (0, i, 0)),
            pl.BlockSpec((bs, d), lambda i: (i, 0)),
        ],
        out_specs=pl.BlockSpec((batch, bs, d), lambda i: (0, i, 0)),
        out_shape=jax.ShapeDtypeStruct((batch, seq, d), x.dtype),
    )(x, pos_table)


_NW = 32
_CH_ROWS = 32


def _sc_kernel(x, pos_table):
    batch, seq, d = x.shape
    nrows = batch * seq
    rows_per_w = nrows // _NW
    nchunks = rows_per_w // _CH_ROWS
    chunk = _CH_ROWS * d

    mesh = plsc.VectorSubcoreMesh(core_axis_name="c", subcore_axis_name="s")

    @functools.partial(
        pl.kernel,
        mesh=mesh,
        out_type=jax.ShapeDtypeStruct((nrows * d,), jnp.float32),
        scratch_types=[
            pltpu.VMEM((chunk,), jnp.float32),
            pltpu.VMEM((chunk,), jnp.float32),
            pltpu.VMEM((chunk,), jnp.float32),
            pltpu.VMEM((chunk,), jnp.float32),
            pltpu.SemaphoreType.DMA,
            pltpu.SemaphoreType.DMA,
            pltpu.SemaphoreType.DMA,
            pltpu.SemaphoreType.DMA,
        ],
    )
    def k(x_hbm, pos_hbm, o_hbm, xb0, xb1, pb0, pb1, si0, si1, so0, so1):
        xbufs, pbufs = (xb0, xb1), (pb0, pb1)
        sins, souts = (si0, si1), (so0, so1)
        wid = lax.axis_index("s") * 2 + lax.axis_index("c")
        base = wid * rows_per_w
        pbase = lax.rem(base, seq)

        def in_copies(g, b):
            r0 = (base + g * _CH_ROWS) * d
            p0 = (pbase + g * _CH_ROWS) * d
            cx = pltpu.make_async_copy(
                x_hbm.at[pl.ds(r0, chunk)], xbufs[b], sins[b])
            cp = pltpu.make_async_copy(
                pos_hbm.at[pl.ds(p0, chunk)], pbufs[b], sins[b])
            return cx, cp

        def out_copy(g, b):
            r0 = (base + g * _CH_ROWS) * d
            return pltpu.make_async_copy(
                xbufs[b], o_hbm.at[pl.ds(r0, chunk)], souts[b])

        cx, cp = in_copies(0, 0)
        cx.start()
        cp.start()
        for g in range(nchunks):
            b = g % 2
            cx, cp = in_copies(g, b)
            cx.wait()
            cp.wait()
            if g + 1 < nchunks:
                if g >= 1:
                    out_copy(g - 1, 1 - b).wait()
                ncx, ncp = in_copies(g + 1, 1 - b)
                ncx.start()
                ncp.start()

            xbuf, pbuf = xbufs[b], pbufs[b]

            @plsc.parallel_loop(0, chunk, step=16, unroll=8)
            def add(o):
                xbuf[pl.ds(o, 16)] = xbuf[pl.ds(o, 16)] + pbuf[pl.ds(o, 16)]

            out_copy(g, b).start()
        out_copy(nchunks - 2, nchunks % 2).wait()
        out_copy(nchunks - 1, 1 - nchunks % 2).wait()

    out = k(x.reshape(-1), pos_table.reshape(-1))
    return out.reshape(batch, seq, d)


def kernel(x, pos_table):
    return _sc_kernel(x, pos_table)

# --- scband reference (transcript-rebuilt; emitter-appended) ---
"""Pipeline reference for scband-positional-encoding-61641370633012 (READ-ONLY COPY).

The authoritative reference and input builder live on the scoring server;
editing this copy changes nothing except your own understanding.
"""

import jax, jax.numpy as jnp
import numpy as np

MAX_LEN = 8192
D_MODEL = 768
BATCH = 4
SEQ = 8192

def setup_inputs(seed: int = 0) -> dict:
    key = jax.random.key(seed)
    k1, k2 = jax.random.split(key)
    x = jax.random.normal(k1, (BATCH, SEQ, D_MODEL), dtype=jnp.float32)
    # Embedding table for positional encoding (Keras Embedding default: uniform init)
    pos_table = jax.random.uniform(k2, (MAX_LEN, D_MODEL), dtype=jnp.float32, minval=-0.05, maxval=0.05)
    return {"x": x, "pos_table": pos_table}

def reference(x, pos_table):
    seq_len = x.shape[1]
    positions = jnp.arange(seq_len)
    pos = jnp.take(pos_table, positions, axis=0)  # [S, d_model]
    return x + pos[None, :, :]

if __name__ == "__main__":
    import jax
    _d = setup_inputs()
    print(jax.jit(kernel)(*tuple(_d.values())))

</pallas_src>

<mosaic_0001>
#map = affine_map<(d0, d1) -> (0)>
module attributes {stable_mosaic.version = 14 : i64} {
  func.func @k(%arg0: i32, %arg1: i32, %arg2: memref<25165824xf32, #tpu.memory_space<hbm>>, %arg3: memref<6291456xf32, #tpu.memory_space<hbm>>, %arg4: memref<25165824xf32, #tpu.memory_space<hbm>>, %arg5: memref<24576xf32, #tpu.memory_space<vmem>>, %arg6: memref<24576xf32, #tpu.memory_space<vmem>>, %arg7: memref<24576xf32, #tpu.memory_space<vmem>>, %arg8: memref<24576xf32, #tpu.memory_space<vmem>>, %arg9: memref<!tpu.dma_semaphore, #tpu.memory_space<semaphore_mem>>, %arg10: memref<!tpu.dma_semaphore, #tpu.memory_space<semaphore_mem>>, %arg11: memref<!tpu.dma_semaphore, #tpu.memory_space<semaphore_mem>>, %arg12: memref<!tpu.dma_semaphore, #tpu.memory_space<semaphore_mem>>) attributes {dimension_semantics = [#tpu.dimension_semantics<core_parallel>, #tpu.dimension_semantics<subcore_parallel>], iteration_bounds = array<i64: 2, 16>, scalar_prefetch = 0 : i64, scratch_operands = 8 : i64, tpu.core_type = #tpu.core_type<sc_vector_subcore>, window_params = [{transform_indices = #map}, {transform_indices = #map}, {transform_indices = #map}]} {
    %mul3A = arith.constant 2 : i32
    %mul3A_0 = arith.muli %arg1, %mul3A : i32
    %add3A = arith.addi %mul3A_0, %arg0 : i32
    %mul3A_1 = arith.constant 1024 : i32
    %mul3A_2 = arith.muli %add3A, %mul3A_1 : i32
    %rem3A = arith.constant 8192 : i32
    %rem3A_3 = arith.remsi %mul3A_2, %rem3A : i32
    %add3A_4 = arith.constant 0 : i32
    %add3A_5 = arith.addi %mul3A_2, %add3A_4 : i32
    %mul3A_6 = arith.constant 768 : i32
    %mul3A_7 = arith.muli %add3A_5, %mul3A_6 : i32
    %add3A_8 = arith.constant 0 : i32
    %add3A_9 = arith.addi %rem3A_3, %add3A_8 : i32
    %mul3A_10 = arith.constant 768 : i32
    %mul3A_11 = arith.muli %add3A_9, %mul3A_10 : i32
    %dma_start3A = tpu.memref_slice %arg2[%mul3A_7] : memref<25165824xf32, #tpu.memory_space<hbm>> -> memref<24576xf32, #tpu.memory_space<hbm>>
    %dma_start3A_12 = tpu.memref_slice %arg2[%mul3A_7] : memref<25165824xf32, #tpu.memory_space<hbm>> -> memref<24576xf32, #tpu.memory_space<hbm>>
    tpu.enqueue_dma source(%dma_start3A_12 : memref<24576xf32, #tpu.memory_space<hbm>>) target(%arg5 : memref<24576xf32, #tpu.memory_space<vmem>>) target_semaphore(%arg9 : memref<!tpu.dma_semaphore, #tpu.memory_space<semaphore_mem>>)
    %dma_start3A_13 = tpu.memref_slice %arg3[%mul3A_11] : memref<6291456xf32, #tpu.memory_space<hbm>> -> memref<24576xf32, #tpu.memory_space<hbm>>
    %dma_start3A_14 = tpu.memref_slice %arg3[%mul3A_11] : memref<6291456xf32, #tpu.memory_space<hbm>> -> memref<24576xf32, #tpu.memory_space<hbm>>
    tpu.enqueue_dma source(%dma_start3A_14 : memref<24576xf32, #tpu.memory_space<hbm>>) target(%arg7 : memref<24576xf32, #tpu.memory_space<vmem>>) target_semaphore(%arg9 : memref<!tpu.dma_semaphore, #tpu.memory_space<semaphore_mem>>)
    %add3A_15 = arith.constant 0 : i32
    %add3A_16 = arith.addi %mul3A_2, %add3A_15 : i32
    %mul3A_17 = arith.constant 768 : i32
    %mul3A_18 = arith.muli %add3A_16, %mul3A_17 : i32
    %add3A_19 = arith.constant 0 : i32
    %add3A_20 = arith.addi %rem3A_3, %add3A_19 : i32
    %mul3A_21 = arith.constant 768 : i32
    %mul3A_22 = arith.muli %add3A_20, %mul3A_21 : i32
    %dma_wait3A = tpu.memref_slice %arg2[%mul3A_18] : memref<25165824xf32, #tpu.memory_space<hbm>> -> memref<24576xf32, #tpu.memory_space<hbm>>
    %dma_wait3A_23 = tpu.memref_slice %arg2[%mul3A_18] : memref<25165824xf32, #tpu.memory_space<hbm>> -> memref<24576xf32, #tpu.memory_space<hbm>>
    tpu.wait_dma2 semaphore(%arg9 : memref<!tpu.dma_semaphore, #tpu.memory_space<semaphore_mem>>) src(%dma_wait3A_23 : memref<24576xf32, #tpu.memory_space<hbm>>) dst(%arg5 : memref<24576xf32, #tpu.memory_space<vmem>>)
    %dma_wait3A_24 = tpu.memref_slice %arg3[%mul3A_22] : memref<6291456xf32, #tpu.memory_space<hbm>> -> memref<24576xf32, #tpu.memory_space<hbm>>
    %dma_wait3A_25 = tpu.memref_slice %arg3[%mul3A_22] : memref<6291456xf32, #tpu.memory_space<hbm>> -> memref<24576xf32, #tpu.memory_space<hbm>>
    tpu.wait_dma2 semaphore(%arg9 : memref<!tpu.dma_semaphore, #tpu.memory_space<semaphore_mem>>) src(%dma_wait3A_25 : memref<24576xf32, #tpu.memory_space<hbm>>) dst(%arg7 : memref<24576xf32, #tpu.memory_space<vmem>>)
    %add3A_26 = arith.constant 32 : i32
    %add3A_27 = arith.addi %mul3A_2, %add3A_26 : i32
    %mul3A_28 = arith.constant 768 : i32
    %mul3A_29 = arith.muli %add3A_27, %mul3A_28 : i32
    %add3A_30 = arith.constant 32 : i32
    %add3A_31 = arith.addi %rem3A_3, %add3A_30 : i32
    %mul3A_32 = arith.constant 768 : i32
    %mul3A_33 = arith.muli %add3A_31, %mul3A_32 : i32
    %dma_start3A_34 = tpu.memref_slice %arg2[%mul3A_29] : memref<25165824xf32, #tpu.memory_space<hbm>> -> memref<24576xf32, #tpu.memory_space<hbm>>
    %dma_start3A_35 = tpu.memref_slice %arg2[%mul3A_29] : memref<25165824xf32, #tpu.memory_space<hbm>> -> memref<24576xf32, #tpu.memory_space<hbm>>
    tpu.enqueue_dma source(%dma_start3A_35 : memref<24576xf32, #tpu.memory_space<hbm>>) target(%arg6 : memref<24576xf32, #tpu.memory_space<vmem>>) target_semaphore(%arg10 : memref<!tpu.dma_semaphore, #tpu.memory_space<semaphore_mem>>)
    %dma_start3A_36 = tpu.memref_slice %arg3[%mul3A_33] : memref<6291456xf32, #tpu.memory_space<hbm>> -> memref<24576xf32, #tpu.memory_space<hbm>>
    %dma_start3A_37 = tpu.memref_slice %arg3[%mul3A_33] : memref<6291456xf32, #tpu.memory_space<hbm>> -> memref<24576xf32, #tpu.memory_space<hbm>>
    tpu.enqueue_dma source(%dma_start3A_37 : memref<24576xf32, #tpu.memory_space<hbm>>) target(%arg8 : memref<24576xf32, #tpu.memory_space<vmem>>) target_semaphore(%arg10 : memref<!tpu.dma_semaphore, #tpu.memory_space<semaphore_mem>>)
    %parallel_loop3A = arith.constant 0 : i32
    %parallel_loop3A_38 = arith.constant 24576 : i32
    %parallel_loop3A_39 = arith.constant 16 : i32
    scf.for %parallel_loop3A_1249 = %parallel_loop3A to %parallel_loop3A_38 step %parallel_loop3A_39  : i32 {
      %parallel_loop3A_1250 = arith.index_cast %parallel_loop3A_1249 : i32 to index
      %parallel_loop3A_1251 = tpu.vector_load %arg5[%parallel_loop3A_1250] {strides = array<i32>} : memref<24576xf32, #tpu.memory_space<vmem>>, vector<16xf32>,
      %parallel_loop3A_1252 = vector.shape_cast %parallel_loop3A_1251 : vector<16xf32> to vector<16xf32>
      %parallel_loop3A_1253 = arith.index_cast %parallel_loop3A_1249 : i32 to index
      %parallel_loop3A_1254 = tpu.vector_load %arg7[%parallel_loop3A_1253] {strides = array<i32>} : memref<24576xf32, #tpu.memory_space<vmem>>, vector<16xf32>,
      %parallel_loop3A_1255 = vector.shape_cast %parallel_loop3A_1254 : vector<16xf32> to vector<16xf32>
      %parallel_loop3A_1256 = arith.addf %parallel_loop3A_1252, %parallel_loop3A_1255 : vector<16xf32>
      %parallel_loop3A_1257 = arith.index_cast %parallel_loop3A_1249 : i32 to index
      %parallel_loop3A_1258 = tpu.vector_load %arg5[%parallel_loop3A_1257] {strides = array<i32>} : memref<24576xf32, #tpu.memory_space<vmem>>, vector<16xf32>,
      %parallel_loop3A_1259 = vector.shape_cast %parallel_loop3A_1258 : vector<16xf32> to vector<16xf32>
      %parallel_loop3A_1260 = vector.shape_cast %parallel_loop3A_1256 : vector<16xf32> to vector<16xf32>
      tpu.vector_store %arg5[%parallel_loop3A_1257], %parallel_loop3A_1260 {strides = array<i32>} : memref<24576xf32, #tpu.memory_space<vmem>>, vector<16xf32>,
    } {sc.loop_unroll_factor = 8 : i64, sc.parallel_access}
    %add3A_40 = arith.constant 0 : i32
    %add3A_41 = arith.addi %mul3A_2, %add3A_40 : i32
    %mul3A_42 = arith.constant 768 : i32
    %mul3A_43 = arith.muli %add3A_41, %mul3A_42 : i32
    %dma_start3A_44 = tpu.memref_slice %arg4[%mul3A_43] : memref<25165824xf32, #tpu.memory_space<hbm>> -> memref<24576xf32, #tpu.memory_space<hbm>>
    %dma_start3A_45 = tpu.memref_slice %arg4[%mul3A_43] : memref<25165824xf32, #tpu.memory_space<hbm>> -> memref<24576xf32, #tpu.memory_space<hbm>>
    tpu.enqueue_dma source(%arg5 : memref<24576xf32, #tpu.memory_space<vmem>>) target(%dma_start3A_45 : memref<24576xf32, #tpu.memory_space<hbm>>) target_semaphore(%arg11 : memref<!tpu.dma_semaphore, #tpu.memory_space<semaphore_mem>>)
    %add3A_46 = arith.constant 32 : i32
    %add3A_47 = arith.addi %mul3A_2, %add3A_46 : i32
    %mul3A_48 = arith.constant 768 : i32
    %mul3A_49 = arith.muli %add3A_47, %mul3A_48 : i32
    %add3A_50 = arith.constant 32 : i32
    %add3A_51 = arith.addi %rem3A_3, %add3A_50 : i32
    %mul3A_52 = arith.constant 768 : i32
    %mul3A_53 = arith.muli %add3A_51, %mul3A_52 : i32
    %dma_wait3A_54 = tpu.memref_slice %arg2[%mul3A_49] : memref<25165824xf32, #tpu.memory_space<hbm>> -> memref<24576xf32, #tpu.memory_space<hbm>>
    %dma_wait3A_55 = tpu.memref_slice %arg2[%mul3A_49] : memref<25165824xf32, #tpu.memory_space<hbm>> -> memref<24576xf32, #tpu.memory_space<hbm>>
    tpu.wait_dma2 semaphore(%arg10 : memref<!tpu.dma_semaphore, #tpu.memory_space<semaphore_mem>>) src(%dma_wait3A_55 : memref<24576xf32, #tpu.memory_space<hbm>>) dst(%arg6 : memref<24576xf32, #tpu.memory_space<vmem>>)
    %dma_wait3A_56 = tpu.memref_slice %arg3[%mul3A_53] : memref<6291456xf32, #tpu.memory_space<hbm>> -> memref<24576xf32, #tpu.memory_space<hbm>>
    %dma_wait3A_57 = tpu.memref_slice %arg3[%mul3A_53] : memref<6291456xf32, #tpu.memory_space<hbm>> -> memref<24576xf32, #tpu.memory_space<hbm>>
    tpu.wait_dma2 semaphore(%arg10 : memref<!tpu.dma_semaphore, #tpu.memory_space<semaphore_mem>>) src(%dma_wait3A_57 : memref<24576xf32, #tpu.memory_space<hbm>>) dst(%arg8 : memref<24576xf32, #tpu.memory_space<vmem>>)
    %add3A_58 = arith.constant 0 : i32
    %add3A_59 = arith.addi %mul3A_2, %add3A_58 : i32
    %mul3A_60 = arith.constant 768 : i32
    %mul3A_61 = arith.muli %add3A_59, %mul3A_60 : i32
    %dma_wait3A_62 = tpu.memref_slice %arg4[%mul3A_61] : memref<25165824xf32, #tpu.memory_space<hbm>> -> memref<24576xf32, #tpu.memory_space<hbm>>
    %dma_wait3A_63 = tpu.memref_slice %arg4[%mul3A_61] : memref<25165824xf32, #tpu.memory_space<hbm>> -> memref<24576xf32, #tpu.memory_space<hbm>>
    tpu.wait_dma2 semaphore(%arg11 : memref<!tpu.dma_semaphore, #tpu.memory_space<semaphore_mem>>) src(%arg5 : memref<24576xf32, #tpu.memory_space<vmem>>) dst(%dma_wait3A_63 : memref<24576xf32, #tpu.memory_space<hbm>>)
    %add3A_64 = arith.constant 64 : i32
    %add3A_65 = arith.addi %mul3A_2, %add3A_64 : i32
    %mul3A_66 = arith.constant 768 : i32
    %mul3A_67 = arith.muli %add3A_65, %mul3A_66 : i32
    %add3A_68 = arith.constant 64 : i32
    %add3A_69 = arith.addi %rem3A_3, %add3A_68 : i32
    %mul3A_70 = arith.constant 768 : i32
    %mul3A_71 = arith.muli %add3A_69, %mul3A_70 : i32
    %dma_start3A_72 = tpu.memref_slice %arg2[%mul3A_67] : memref<25165824xf32, #tpu.memory_space<hbm>> -> memref<24576xf32, #tpu.memory_space<hbm>>
    %dma_start3A_73 = tpu.memref_slice %arg2[%mul3A_67] : memref<25165824xf32, #tpu.memory_space<hbm>> -> memref<24576xf32, #tpu.memory_space<hbm>>
    tpu.enqueue_dma source(%dma_start3A_73 : memref<24576xf32, #tpu.memory_space<hbm>>) target(%arg5 : memref<24576xf32, #tpu.memory_space<vmem>>) target_semaphore(%arg9 : memref<!tpu.dma_semaphore, #tpu.memory_space<semaphore_mem>>)
    %dma_start3A_74 = tpu.memref_slice %arg3[%mul3A_71] : memref<6291456xf32, #tpu.memory_space<hbm>> -> memref<24576xf32, #tpu.memory_space<hbm>>
    %dma_start3A_75 = tpu.memref_slice %arg3[%mul3A_71] : memref<6291456xf32, #tpu.memory_space<hbm>> -> memref<24576xf32, #tpu.memory_space<hbm>>
    tpu.enqueue_dma source(%dma_start3A_75 : memref<24576xf32, #tpu.memory_space<hbm>>) target(%arg7 : memref<24576xf32, #tpu.memory_space<vmem>>) target_semaphore(%arg9 : memref<!tpu.dma_semaphore, #tpu.memory_space<semaphore_mem>>)
    %parallel_loop3A_76 = arith.constant 0 : i32
    %parallel_loop3A_77 = arith.constant 24576 : i32
    %parallel_loop3A_78 = arith.constant 16 : i32
    scf.for %parallel_loop3A_1249 = %parallel_loop3A_76 to %parallel_loop3A_77 step %parallel_loop3A_78  : i32 {
      %parallel_loop3A_1250 = arith.index_cast %parallel_loop3A_1249 : i32 to index
      %parallel_loop3A_1251 = tpu.vector_load %arg6[%parallel_loop3A_1250] {strides = array<i32>} : memref<24576xf32, #tpu.memory_space<vmem>>, vector<16xf32>,
      %parallel_loop3A_1252 = vector.shape_cast %parallel_loop3A_1251 : vector<16xf32> to vector<16xf32>
      %parallel_loop3A_1253 = arith.index_cast %parallel_loop3A_1249 : i32 to index
      %parallel_loop3A_1254 = tpu.vector_load %arg8[%parallel_loop3A_1253] {strides = array<i32>} : memref<24576xf32, #tpu.memory_space<vmem>>, vector<16xf32>,
      %parallel_loop3A_1255 = vector.shape_cast %parallel_loop3A_1254 : vector<16xf32> to vector<16xf32>
      %parallel_loop3A_1256 = arith.addf %parallel_loop3A_1252, %parallel_loop3A_1255 : vector<16xf32>
      %parallel_loop3A_1257 = arith.index_cast %parallel_loop3A_1249 : i32 to index
      %parallel_loop3A_1258 = tpu.vector_load %arg6[%parallel_loop3A_1257] {strides = array<i32>} : memref<24576xf32, #tpu.memory_space<vmem>>, vector<16xf32>,
      %parallel_loop3A_1259 = vector.shape_cast %parallel_loop3A_1258 : vector<16xf32> to vector<16xf32>
      %parallel_loop3A_1260 = vector.shape_cast %parallel_loop3A_1256 : vector<16xf32> to vector<16xf32>
      tpu.vector_store %arg6[%parallel_loop3A_1257], %parallel_loop3A_1260 {strides = array<i32>} : memref<24576xf32, #tpu.memory_space<vmem>>, vector<16xf32>,
    } {sc.loop_unroll_factor = 8 : i64, sc.parallel_access}
    %add3A_79 = arith.constant 32 : i32
    %add3A_80 = arith.addi %mul3A_2, %add3A_79 : i32
    %mul3A_81 = arith.constant 768 : i32
    %mul3A_82 = arith.muli %add3A_80, %mul3A_81 : i32
    %dma_start3A_83 = tpu.memref_slice %arg4[%mul3A_82] : memref<25165824xf32, #tpu.memory_space<hbm>> -> memref<24576xf32, #tpu.memory_space<hbm>>
    %dma_start3A_84 = tpu.memref_slice %arg4[%mul3A_82] : memref<25165824xf32, #tpu.memory_space<hbm>> -> memref<24576xf32, #tpu.memory_space<hbm>>
    tpu.enqueue_dma source(%arg6 : memref<24576xf32, #tpu.memory_space<vmem>>) target(%dma_start3A_84 : memref<24576xf32, #tpu.memory_space<hbm>>) target_semaphore(%arg12 : memref<!tpu.dma_semaphore, #tpu.memory_space<semaphore_mem>>)
    %add3A_85 = arith.constant 64 : i32
    %add3A_86 = arith.addi %mul3A_2, %add3A_85 : i32
    %mul3A_87 = arith.constant 768 : i32
    %mul3A_88 = arith.muli %add3A_86, %mul3A_87 : i32
    %add3A_89 = arith.constant 64 : i32
    %add3A_90 = arith.addi %rem3A_3, %add3A_89 : i32
    %mul3A_91 = arith.constant 768 : i32
    %mul3A_92 = arith.muli %add3A_90, %mul3A_91 : i32
    %dma_wait3A_93 = tpu.memref_slice %arg2[%mul3A_88] : memref<25165824xf32, #tpu.memory_space<hbm>> -> memref<24576xf32, #tpu.memory_space<hbm>>
    %dma_wait3A_94 = tpu.memref_slice %arg2[%mul3A_88] : memref<25165824xf32, #tpu.memory_space<hbm>> -> memref<24576xf32, #tpu.memory_space<hbm>>
    tpu.wait_dma2 semaphore(%arg9 : memref<!tpu.dma_semaphore, #tpu.memory_space<semaphore_mem>>) src(%dma_wait3A_94 : memref<24576xf32, #tpu.memory_space<hbm>>) dst(%arg5 : memref<24576xf32, #tpu.memory_space<vmem>>)
    %dma_wait3A_95 = tpu.memref_slice %arg3[%mul3A_92] : memref<6291456xf32, #tpu.memory_space<hbm>> -> memref<24576xf32, #tpu.memory_space<hbm>>
    %dma_wait3A_96 = tpu.memref_slice %arg3[%mul3A_92] : memref<6291456xf32, #tpu.memory_space<hbm>> -> memref<24576xf32, #tpu.memory_space<hbm>>
    tpu.wait_dma2 semaphore(%arg9 : memref<!tpu.dma_semaphore, #tpu.memory_space<semaphore_mem>>) src(%dma_wait3A_96 : memref<24576xf32, #tpu.memory_space<hbm>>) dst(%arg7 : memref<24576xf32, #tpu.memory_space<vmem>>)
    %add3A_97 = arith.constant 32 : i32
    %add3A_98 = arith.addi %mul3A_2, %add3A_97 : i32
    %mul3A_99 = arith.constant 768 : i32
    %mul3A_100 = arith.muli %add3A_98, %mul3A_99 : i32
    %dma_wait3A_101 = tpu.memref_slice %arg4[%mul3A_100] : memref<25165824xf32, #tpu.memory_space<hbm>> -> memref<24576xf32, #tpu.memory_space<hbm>>
    %dma_wait3A_102 = tpu.memref_slice %arg4[%mul3A_100] : memref<25165824xf32, #tpu.memory_space<hbm>> -> memref<24576xf32, #tpu.memory_space<hbm>>
    tpu.wait_dma2 semaphore(%arg12 : memref<!tpu.dma_semaphore, #tpu.memory_space<semaphore_mem>>) src(%arg6 : memref<24576xf32, #tpu.memory_space<vmem>>) dst(%dma_wait3A_102 : memref<24576xf32, #tpu.memory_space<hbm>>)
    %add3A_103 = arith.constant 96 : i32
    %add3A_104 = arith.addi %mul3A_2, %add3A_103 : i32
    %mul3A_105 = arith.constant 768 : i32
    %mul3A_106 = arith.muli %add3A_104, %mul3A_105 : i32
    %add3A_107 = arith.constant 96 : i32
    %add3A_108 = arith.addi %rem3A_3, %add3A_107 : i32
    %mul3A_109 = arith.constant 768 : i32
    %mul3A_110 = arith.muli %add3A_108, %mul3A_109 : i32
    %dma_start3A_111 = tpu.memref_slice %arg2[%mul3A_106] : memref<25165824xf32, #tpu.memory_space<hbm>> -> memref<24576xf32, #tpu.memory_space<hbm>>
    %dma_start3A_112 = tpu.memref_slice %arg2[%mul3A_106] : memref<25165824xf32, #tpu.memory_space<hbm>> -> memref<24576xf32, #tpu.memory_space<hbm>>
    tpu.enqueue_dma source(%dma_start3A_112 : memref<24576xf32, #tpu.memory_space<hbm>>) target(%arg6 : memref<24576xf32, #tpu.memory_space<vmem>>) target_semaphore(%arg10 : memref<!tpu.dma_semaphore, #tpu.memory_space<semaphore_mem>>)
    %dma_start3A_113 = tpu.memref_slice %arg3[%mul3A_110] : memref<6291456xf32, #tpu.memory_space<hbm>> -> memref<24576xf32, #tpu.memory_space<hbm>>
    %dma_start3A_114 = tpu.memref_slice %arg3[%mul3A_110] : memref<6291456xf32, #tpu.memory_space<hbm>> -> memref<24576xf32, #tpu.memory_space<hbm>>
    tpu.enqueue_dma source(%dma_start3A_114 : memref<24576xf32, #tpu.memory_space<hbm>>) target(%arg8 : memref<24576xf32, #tpu.memory_space<vmem>>) target_semaphore(%arg10 : memref<!tpu.dma_semaphore, #tpu.memory_space<semaphore_mem>>)
    %parallel_loop3A_115 = arith.constant 0 : i32
    %parallel_loop3A_116 = arith.constant 24576 : i32
    %parallel_loop3A_117 = arith.constant 16 : i32
    scf.for %parallel_loop3A_1249 = %parallel_loop3A_115 to %parallel_loop3A_116 step %parallel_loop3A_117  : i32 {
      %parallel_loop3A_1250 = arith.index_cast %parallel_loop3A_1249 : i32 to index
      %parallel_loop3A_1251 = tpu.vector_load %arg5[%parallel_loop3A_1250] {strides = array<i32>} : memref<24576xf32, #tpu.memory_space<vmem>>, vector<16xf32>,
      %parallel_loop3A_1252 = vector.shape_cast %parallel_loop3A_1251 : vector<16xf32> to vector<16xf32>
      %parallel_loop3A_1253 = arith.index_cast %parallel_loop3A_1249 : i32 to index
      %parallel_loop3A_1254 = tpu.vector_load %arg7[%parallel_loop3A_1253] {strides = array<i32>} : memref<24576xf32, #tpu.memory_space<vmem>>, vector<16xf32>,
      %parallel_loop3A_1255 = vector.shape_cast %parallel_loop3A_1254 : vector<16xf32> to vector<16xf32>
      %parallel_loop3A_1256 = arith.addf %parallel_loop3A_1252, %parallel_loop3A_1255 : vector<16xf32>
      %parallel_loop3A_1257 = arith.index_cast %parallel_loop3A_1249 : i32 to index
      %parallel_loop3A_1258 = tpu.vector_load %arg5[%parallel_loop3A_1257] {strides = array<i32>} : memref<24576xf32, #tpu.memory_space<vmem>>, vector<16xf32>,
      %parallel_loop3A_1259 = vector.shape_cast %parallel_loop3A_1258 : vector<16xf32> to vector<16xf32>
      %parallel_loop3A_1260 = vector.shape_cast %parallel_loop3A_1256 : vector<16xf32> to vector<16xf32>
      tpu.vector_store %arg5[%parallel_loop3A_1257], %parallel_loop3A_1260 {strides = array<i32>} : memref<24576xf32, #tpu.memory_space<vmem>>, vector<16xf32>,
    } {sc.loop_unroll_factor = 8 : i64, sc.parallel_access}
    %add3A_118 = arith.constant 64 : i32
    %add3A_119 = arith.addi %mul3A_2, %add3A_118 : i32
    %mul3A_120 = arith.constant 768 : i32
    %mul3A_121 = arith.muli %add3A_119, %mul3A_120 : i32
    %dma_start3A_122 = tpu.memref_slice %arg4[%mul3A_121] : memref<25165824xf32, #tpu.memory_space<hbm>> -> memref<24576xf32, #tpu.memory_space<hbm>>
    %dma_start3A_123 = tpu.memref_slice %arg4[%mul3A_121] : memref<25165824xf32, #tpu.memory_space<hbm>> -> memref<24576xf32, #tpu.memory_space<hbm>>
    tpu.enqueue_dma source(%arg5 : memref<24576xf32, #tpu.memory_space<vmem>>) target(%dma_start3A_123 : memref<24576xf32, #tpu.memory_space<hbm>>) target_semaphore(%arg11 : memref<!tpu.dma_semaphore, #tpu.memory_space<semaphore_mem>>)
    %add3A_124 = arith.constant 96 : i32
    %add3A_125 = arith.addi %mul3A_2, %add3A_124 : i32
    %mul3A_126 = arith.constant 768 : i32
    %mul3A_127 = arith.muli %add3A_125, %mul3A_126 : i32
    %add3A_128 = arith.constant 96 : i32
    %add3A_129 = arith.addi %rem3A_3, %add3A_128 : i32
    %mul3A_130 = arith.constant 768 : i32
    %mul3A_131 = arith.muli %add3A_129, %mul3A_130 : i32
    %dma_wait3A_132 = tpu.memref_slice %arg2[%mul3A_127] : memref<25165824xf32, #tpu.memory_space<hbm>> -> memref<24576xf32, #tpu.memory_space<hbm>>
    %dma_wait3A_133 = tpu.memref_slice %arg2[%mul3A_127] : memref<25165824xf32, #tpu.memory_space<hbm>> -> memref<24576xf32, #tpu.memory_space<hbm>>
    tpu.wait_dma2 semaphore(%arg10 : memref<!tpu.dma_semaphore, #tpu.memory_space<semaphore_mem>>) src(%dma_wait3A_133 : memref<24576xf32, #tpu.memory_space<hbm>>) dst(%arg6 : memref<24576xf32, #tpu.memory_space<vmem>>)
    %dma_wait3A_134 = tpu.memref_slice %arg3[%mul3A_131] : memref<6291456xf32, #tpu.memory_space<hbm>> -> memref<24576xf32, #tpu.memory_space<hbm>>
    %dma_wait3A_135 = tpu.memref_slice %arg3[%mul3A_131] : memref<6291456xf32, #tpu.memory_space<hbm>> -> memref<24576xf32, #tpu.memory_space<hbm>>
    tpu.wait_dma2 semaphore(%arg10 : memref<!tpu.dma_semaphore, #tpu.memory_space<semaphore_mem>>) src(%dma_wait3A_135 : memref<24576xf32, #tpu.memory_space<hbm>>) dst(%arg8 : memref<24576xf32, #tpu.memory_space<vmem>>)
    %add3A_136 = arith.constant 64 : i32
    %add3A_137 = arith.addi %mul3A_2, %add3A_136 : i32
    %mul3A_138 = arith.constant 768 : i32
    %mul3A_139 = arith.muli %add3A_137, %mul3A_138 : i32
    %dma_wait3A_140 = tpu.memref_slice %arg4[%mul3A_139] : memref<25165824xf32, #tpu.memory_space<hbm>> -> memref<24576xf32, #tpu.memory_space<hbm>>
    %dma_wait3A_141 = tpu.memref_slice %arg4[%mul3A_139] : memref<25165824xf32, #tpu.memory_space<hbm>> -> memref<24576xf32, #tpu.memory_space<hbm>>
    tpu.wait_dma2 semaphore(%arg11 : memref<!tpu.dma_semaphore, #tpu.memory_space<semaphore_mem>>) src(%arg5 : memref<24576xf32, #tpu.memory_space<vmem>>) dst(%dma_wait3A_141 : memref<24576xf32, #tpu.memory_space<hbm>>)
    %add3A_142 = arith.constant 128 : i32
    %add3A_143 = arith.addi %mul3A_2, %add3A_142 : i32
    %mul3A_144 = arith.constant 768 : i32
    %mul3A_145 = arith.muli %add3A_143, %mul3A_144 : i32
    %add3A_146 = arith.constant 128 : i32
    %add3A_147 = arith.addi %rem3A_3, %add3A_146 : i32
    %mul3A_148 = arith.constant 768 : i32
    %mul3A_149 = arith.muli %add3A_147, %mul3A_148 : i32
    %dma_start3A_150 = tpu.memref_slice %arg2[%mul3A_145] : memref<25165824xf32, #tpu.memory_space<hbm>> -> memref<24576xf32, #tpu.memory_space<hbm>>
    %dma_start3A_151 = tpu.memref_slice %arg2[%mul3A_145] : memref<25165824xf32, #tpu.memory_space<hbm>> -> memref<24576xf32, #tpu.memory_space<hbm>>
    tpu.enqueue_dma source(%dma_start3A_151 : memref<24576xf32, #tpu.memory_space<hbm>>) target(%arg5 : memref<24576xf32, #tpu.memory_space<vmem>>) target_semaphore(%arg9 : memref<!tpu.dma_semaphore, #tpu.memory_space<semaphore_mem>>)
    %dma_start3A_152 = tpu.memref_slice %arg3[%mul3A_149] : memref<6291456xf32, #tpu.memory_space<hbm>> -> memref<24576xf32, #tpu.memory_space<hbm>>
    %dma_start3A_153 = tpu.memref_slice %arg3[%mul3A_149] : memref<6291456xf32, #tpu.memory_space<hbm>> -> memref<24576xf32, #tpu.memory_space<hbm>>
    tpu.enqueue_dma source(%dma_start3A_153 : memref<24576xf32, #tpu.memory_space<hbm>>) target(%arg7 : memref<24576xf32, #tpu.memory_space<vmem>>) target_semaphore(%arg9 : memref<!tpu.dma_semaphore, #tpu.memory_space<semaphore_mem>>)
    %parallel_loop3A_154 = arith.constant 0 : i32
    %parallel_loop3A_155 = arith.constant 24576 : i32
    %parallel_loop3A_156 = arith.constant 16 : i32
    scf.for %parallel_loop3A_1249 = %parallel_loop3A_154 to %parallel_loop3A_155 step %parallel_loop3A_156  : i32 {
      %parallel_loop3A_1250 = arith.index_cast %parallel_loop3A_1249 : i32 to index
      %parallel_loop3A_1251 = tpu.vector_load %arg6[%parallel_loop3A_1250] {strides = array<i32>} : memref<24576xf32, #tpu.memory_space<vmem>>, vector<16xf32>,
      %parallel_loop3A_1252 = vector.shape_cast %parallel_loop3A_1251 : vector<16xf32> to vector<16xf32>
      %parallel_loop3A_1253 = arith.index_cast %parallel_loop3A_1249 : i32 to index
      %parallel_loop3A_1254 = tpu.vector_load %arg8[%parallel_loop3A_1253] {strides = array<i32>} : memref<24576xf32, #tpu.memory_space<vmem>>, vector<16xf32>,
      %parallel_loop3A_1255 = vector.shape_cast %parallel_loop3A_1254 : vector<16xf32> to vector<16xf32>
      %parallel_loop3A_1256 = arith.addf %parallel_loop3A_1252, %parallel_loop3A_1255 : vector<16xf32>
      %parallel_loop3A_1257 = arith.index_cast %parallel_loop3A_1249 : i32 to index
      %parallel_loop3A_1258 = tpu.vector_load %arg6[%parallel_loop3A_1257] {strides = array<i32>} : memref<24576xf32, #tpu.memory_space<vmem>>, vector<16xf32>,
      %parallel_loop3A_1259 = vector.shape_cast %parallel_loop3A_1258 : vector<16xf32> to vector<16xf32>
      %parallel_loop3A_1260 = vector.shape_cast %parallel_loop3A_1256 : vector<16xf32> to vector<16xf32>
      tpu.vector_store %arg6[%parallel_loop3A_1257], %parallel_loop3A_1260 {strides = array<i32>} : memref<24576xf32, #tpu.memory_space<vmem>>, vector<16xf32>,
    } {sc.loop_unroll_factor = 8 : i64, sc.parallel_access}
    %add3A_157 = arith.constant 96 : i32
    %add3A_158 = arith.addi %mul3A_2, %add3A_157 : i32
    %mul3A_159 = arith.constant 768 : i32
    %mul3A_160 = arith.muli %add3A_158, %mul3A_159 : i32
    %dma_start3A_161 = tpu.memref_slice %arg4[%mul3A_160] : memref<25165824xf32, #tpu.memory_space<hbm>> -> memref<24576xf32, #tpu.memory_space<hbm>>
    %dma_start3A_162 = tpu.memref_slice %arg4[%mul3A_160] : memref<25165824xf32, #tpu.memory_space<hbm>> -> memref<24576xf32, #tpu.memory_space<hbm>>
    tpu.enqueue_dma source(%arg6 : memref<24576xf32, #tpu.memory_space<vmem>>) target(%dma_start3A_162 : memref<24576xf32, #tpu.memory_space<hbm>>) target_semaphore(%arg12 : memref<!tpu.dma_semaphore, #tpu.memory_space<semaphore_mem>>)
    %add3A_163 = arith.constant 128 : i32
    %add3A_164 = arith.addi %mul3A_2, %add3A_163 : i32
    %mul3A_165 = arith.constant 768 : i32
    %mul3A_166 = arith.muli %add3A_164, %mul3A_165 : i32
    %add3A_167 = arith.constant 128 : i32
    %add3A_168 = arith.addi %rem3A_3, %add3A_167 : i32
    %mul3A_169 = arith.constant 768 : i32
    %mul3A_170 = arith.muli %add3A_168, %mul3A_169 : i32
    %dma_wait3A_171 = tpu.memref_slice %arg2[%mul3A_166] : memref<25165824xf32, #tpu.memory_space<hbm>> -> memref<24576xf32, #tpu.memory_space<hbm>>
    %dma_wait3A_172 = tpu.memref_slice %arg2[%mul3A_166] : memref<25165824xf32, #tpu.memory_space<hbm>> -> memref<24576xf32, #tpu.memory_space<hbm>>
    tpu.wait_dma2 semaphore(%arg9 : memref<!tpu.dma_semaphore, #tpu.memory_space<semaphore_mem>>) src(%dma_wait3A_172 : memref<24576xf32, #tpu.memory_space<hbm>>) dst(%arg5 : memref<24576xf32, #tpu.memory_space<vmem>>)
    %dma_wait3A_173 = tpu.memref_slice %arg3[%mul3A_170] : memref<6291456xf32, #tpu.memory_space<hbm>> -> memref<24576xf32, #tpu.memory_space<hbm>>
    %dma_wait3A_174 = tpu.memref_slice %arg3[%mul3A_170] : memref<6291456xf32, #tpu.memory_space<hbm>> -> memref<24576xf32, #tpu.memory_space<hbm>>
    tpu.wait_dma2 semaphore(%arg9 : memref<!tpu.dma_semaphore, #tpu.memory_space<semaphore_mem>>) src(%dma_wait3A_174 : memref<24576xf32, #tpu.memory_space<hbm>>) dst(%arg7 : memref<24576xf32, #tpu.memory_space<vmem>>)
    %add3A_175 = arith.constant 96 : i32
    %add3A_176 = arith.addi %mul3A_2, %add3A_175 : i32
    %mul3A_177 = arith.constant 768 : i32
    %mul3A_178 = arith.muli %add3A_176, %mul3A_177 : i32
    %dma_wait3A_179 = tpu.memref_slice %arg4[%mul3A_178] : memref<25165824xf32, #tpu.memory_space<hbm>> -> memref<24576xf32, #tpu.memory_space<hbm>>
    %dma_wait3A_180 = tpu.memref_slice %arg4[%mul3A_178] : memref<25165824xf32, #tpu.memory_space<hbm>> -> memref<24576xf32, #tpu.memory_space<hbm>>
    tpu.wait_dma2 semaphore(%arg12 : memref<!tpu.dma_semaphore, #tpu.memory_space<semaphore_mem>>) src(%arg6 : memref<24576xf32, #tpu.memory_space<vmem>>) dst(%dma_wait3A_180 : memref<24576xf32, #tpu.memory_space<hbm>>)
    %add3A_181 = arith.constant 160 : i32
    %add3A_182 = arith.addi %mul3A_2, %add3A_181 : i32
    %mul3A_183 = arith.constant 768 : i32
    %mul3A_184 = arith.muli %add3A_182, %mul3A_183 : i32
    %add3A_185 = arith.constant 160 : i32
    %add3A_186 = arith.addi %rem3A_3, %add3A_185 : i32
    %mul3A_187 = arith.constant 768 : i32
    %mul3A_188 = arith.muli %add3A_186, %mul3A_187 : i32
    %dma_start3A_189 = tpu.memref_slice %arg2[%mul3A_184] : memref<25165824xf32, #tpu.memory_space<hbm>> -> memref<24576xf32, #tpu.memory_space<hbm>>
    %dma_start3A_190 = tpu.memref_slice %arg2[%mul3A_184] : memref<25165824xf32, #tpu.memory_space<hbm>> -> memref<24576xf32, #tpu.memory_space<hbm>>
    tpu.enqueue_dma source(%dma_start3A_190 : memref<24576xf32, #tpu.memory_space<hbm>>) target(%arg6 : memref<24576xf32, #tpu.memory_space<vmem>>) target_semaphore(%arg10 : memref<!tpu.dma_semaphore, #tpu.memory_space<semaphore_mem>>)
    %dma_start3A_191 = tpu.memref_slice %arg3[%mul3A_188] : memref<6291456xf32, #tpu.memory_space<hbm>> -> memref<24576xf32, #tpu.memory_space<hbm>>
    %dma_start3A_192 = tpu.memref_slice %arg3[%mul3A_188] : memref<6291456xf32, #tpu.memory_space<hbm>> -> memref<24576xf32, #tpu.memory_space<hbm>>
    tpu.enqueue_dma source(%dma_start3A_192 : memref<24576xf32, #tpu.memory_space<hbm>>) target(%arg8 : memref<24576xf32, #tpu.memory_space<vmem>>) target_semaphore(%arg10 : memref<!tpu.dma_semaphore, #tpu.memory_space<semaphore_mem>>)
    %parallel_loop3A_193 = arith.constant 0 : i32
    %parallel_loop3A_194 = arith.constant 24576 : i32
    %parallel_loop3A_195 = arith.constant 16 : i32
    scf.for %parallel_loop3A_1249 = %parallel_loop3A_193 to %parallel_loop3A_194 step %parallel_loop3A_195  : i32 {
      %parallel_loop3A_1250 = arith.index_cast %parallel_loop3A_1249 : i32 to index
      %parallel_loop3A_1251 = tpu.vector_load %arg5[%parallel_loop3A_1250] {strides = array<i32>} : memref<24576xf32, #tpu.memory_space<vmem>>, vector<16xf32>,
      %parallel_loop3A_1252 = vector.shape_cast %parallel_loop3A_1251 : vector<16xf32> to vector<16xf32>
      %parallel_loop3A_1253 = arith.index_cast %parallel_loop3A_1249 : i32 to index
      %parallel_loop3A_1254 = tpu.vector_load %arg7[%parallel_loop3A_1253] {strides = array<i32>} : memref<24576xf32, #tpu.memory_space<vmem>>, vector<16xf32>,
      %parallel_loop3A_1255 = vector.shape_cast %parallel_loop3A_1254 : vector<16xf32> to vector<16xf32>
      %parallel_loop3A_1256 = arith.addf %parallel_loop3A_1252, %parallel_loop3A_1255 : vector<16xf32>
      %parallel_loop3A_1257 = arith.index_cast %parallel_loop3A_1249 : i32 to index
      %parallel_loop3A_1258 = tpu.vector_load %arg5[%parallel_loop3A_1257] {strides = array<i32>} : memref<24576xf32, #tpu.memory_space<vmem>>, vector<16xf32>,
      %parallel_loop3A_1259 = vector.shape_cast %parallel_loop3A_1258 : vector<16xf32> to vector<16xf32>
      %parallel_loop3A_1260 = vector.shape_cast %parallel_loop3A_1256 : vector<16xf32> to vector<16xf32>
      tpu.vector_store %arg5[%parallel_loop3A_1257], %parallel_loop3A_1260 {strides = array<i32>} : memref<24576xf32, #tpu.memory_space<vmem>>, vector<16xf32>,
    } {sc.loop_unroll_factor = 8 : i64, sc.parallel_access}
    %add3A_196 = arith.constant 128 : i32
    %add3A_197 = arith.addi %mul3A_2, %add3A_196 : i32
    %mul3A_198 = arith.constant 768 : i32
    %mul3A_199 = arith.muli %add3A_197, %mul3A_198 : i32
    %dma_start3A_200 = tpu.memref_slice %arg4[%mul3A_199] : memref<25165824xf32, #tpu.memory_space<hbm>> -> memref<24576xf32, #tpu.memory_space<hbm>>
    %dma_start3A_201 = tpu.memref_slice %arg4[%mul3A_199] : memref<25165824xf32, #tpu.memory_space<hbm>> -> memref<24576xf32, #tpu.memory_space<hbm>>
    tpu.enqueue_dma source(%arg5 : memref<24576xf32, #tpu.memory_space<vmem>>) target(%dma_start3A_201 : memref<24576xf32, #tpu.memory_space<hbm>>) target_semaphore(%arg11 : memref<!tpu.dma_semaphore, #tpu.memory_space<semaphore_mem>>)
    %add3A_202 = arith.constant 160 : i32
    %add3A_203 = arith.addi %mul3A_2, %add3A_202 : i32
    %mul3A_204 = arith.constant 768 : i32
    %mul3A_205 = arith.muli %add3A_203, %mul3A_204 : i32
    %add3A_206 = arith.constant 160 : i32
    %add3A_207 = arith.addi %rem3A_3, %add3A_206 : i32
    %mul3A_208 = arith.constant 768 : i32
    %mul3A_209 = arith.muli %add3A_207, %mul3A_208 : i32
    %dma_wait3A_210 = tpu.memref_slice %arg2[%mul3A_205] : memref<25165824xf32, #tpu.memory_space<hbm>> -> memref<24576xf32, #tpu.memory_space<hbm>>
    %dma_wait3A_211 = tpu.memref_slice %arg2[%mul3A_205] : memref<25165824xf32, #tpu.memory_space<hbm>> -> memref<24576xf32, #tpu.memory_space<hbm>>
    tpu.wait_dma2 semaphore(%arg10 : memref<!tpu.dma_semaphore, #tpu.memory_space<semaphore_mem>>) src(%dma_wait3A_211 : memref<24576xf32, #tpu.memory_space<hbm>>) dst(%arg6 : memref<24576xf32, #tpu.memory_space<vmem>>)
    %dma_wait3A_212 = tpu.memref_slice %arg3[%mul3A_209] : memref<6291456xf32, #tpu.memory_space<hbm>> -> memref<24576xf32, #tpu.memory_space<hbm>>
    %dma_wait3A_213 = tpu.memref_slice %arg3[%mul3A_209] : memref<6291456xf32, #tpu.memory_space<hbm>> -> memref<24576xf32, #tpu.memory_space<hbm>>
    tpu.wait_dma2 semaphore(%arg10 : memref<!tpu.dma_semaphore, #tpu.memory_space<semaphore_mem>>) src(%dma_wait3A_213 : memref<24576xf32, #tpu.memory_space<hbm>>) dst(%arg8 : memref<24576xf32, #tpu.memory_space<vmem>>)
    %add3A_214 = arith.constant 128 : i32
    %add3A_215 = arith.addi %mul3A_2, %add3A_214 : i32
    %mul3A_216 = arith.constant 768 : i32
    %mul3A_217 = arith.muli %add3A_215, %mul3A_216 : i32
    %dma_wait3A_218 = tpu.memref_slice %arg4[%mul3A_217] : memref<25165824xf32, #tpu.memory_space<hbm>> -> memref<24576xf32, #tpu.memory_space<hbm>>
    %dma_wait3A_219 = tpu.memref_slice %arg4[%mul3A_217] : memref<25165824xf32, #tpu.memory_space<hbm>> -> memref<24576xf32, #tpu.memory_space<hbm>>
    tpu.wait_dma2 semaphore(%arg11 : memref<!tpu.dma_semaphore, #tpu.memory_space<semaphore_mem>>) src(%arg5 : memref<24576xf32, #tpu.memory_space<vmem>>) dst(%dma_wait3A_219 : memref<24576xf32, #tpu.memory_space<hbm>>)
    %add3A_220 = arith.constant 192 : i32
    %add3A_221 = arith.addi %mul3A_2, %add3A_220 : i32
    %mul3A_222 = arith.constant 768 : i32
    %mul3A_223 = arith.muli %add3A_221, %mul3A_222 : i32
    %add3A_224 = arith.constant 192 : i32
    %add3A_225 = arith.addi %rem3A_3, %add3A_224 : i32
    %mul3A_226 = arith.constant 768 : i32
    %mul3A_227 = arith.muli %add3A_225, %mul3A_226 : i32
    %dma_start3A_228 = tpu.memref_slice %arg2[%mul3A_223] : memref<25165824xf32, #tpu.memory_space<hbm>> -> memref<24576xf32, #tpu.memory_space<hbm>>
    %dma_start3A_229 = tpu.memref_slice %arg2[%mul3A_223] : memref<25165824xf32, #tpu.memory_space<hbm>> -> memref<24576xf32, #tpu.memory_space<hbm>>
    tpu.enqueue_dma source(%dma_start3A_229 : memref<24576xf32, #tpu.memory_space<hbm>>) target(%arg5 : memref<24576xf32, #tpu.memory_space<vmem>>) target_semaphore(%arg9 : memref<!tpu.dma_semaphore, #tpu.memory_space<semaphore_mem>>)
    %dma_start3A_230 = tpu.memref_slice %arg3[%mul3A_227] : memref<6291456xf32, #tpu.memory_space<hbm>> -> memref<24576xf32, #tpu.memory_space<hbm>>
    %dma_start3A_231 = tpu.memref_slice %arg3[%mul3A_227] : memref<6291456xf32, #tpu.memory_space<hbm>> -> memref<24576xf32, #tpu.memory_space<hbm>>
    tpu.enqueue_dma source(%dma_start3A_231 : memref<24576xf32, #tpu.memory_space<hbm>>) target(%arg7 : memref<24576xf32, #tpu.memory_space<vmem>>) target_semaphore(%arg9 : memref<!tpu.dma_semaphore, #tpu.memory_space<semaphore_mem>>)
    %parallel_loop3A_232 = arith.constant 0 : i32
    %parallel_loop3A_233 = arith.constant 24576 : i32
    %parallel_loop3A_234 = arith.constant 16 : i32
    scf.for %parallel_loop3A_1249 = %parallel_loop3A_232 to %parallel_loop3A_233 step %parallel_loop3A_234  : i32 {
      %parallel_loop3A_1250 = arith.index_cast %parallel_loop3A_1249 : i32 to index
      %parallel_loop3A_1251 = tpu.vector_load %arg6[%parallel_loop3A_1250] {strides = array<i32>} : memref<24576xf32, #tpu.memory_space<vmem>>, vector<16xf32>,
      %parallel_loop3A_1252 = vector.shape_cast %parallel_loop3A_1251 : vector<16xf32> to vector<16xf32>
      %parallel_loop3A_1253 = arith.index_cast %parallel_loop3A_1249 : i32 to index
      %parallel_loop3A_1254 = tpu.vector_load %arg8[%parallel_loop3A_1253] {strides = array<i32>} : memref<24576xf32, #tpu.memory_space<vmem>>, vector<16xf32>,
      %parallel_loop3A_1255 = vector.shape_cast %parallel_loop3A_1254 : vector<16xf32> to vector<16xf32>
      %parallel_loop3A_1256 = arith.addf %parallel_loop3A_1252, %parallel_loop3A_1255 : vector<16xf32>
      %parallel_loop3A_1257 = arith.index_cast %parallel_loop3A_1249 : i32 to index
      %parallel_loop3A_1258 = tpu.vector_load %arg6[%parallel_loop3A_1257] {strides = array<i32>} : memref<24576xf32, #tpu.memory_space<vmem>>, vector<16xf32>,
      %parallel_loop3A_1259 = vector.shape_cast %parallel_loop3A_1258 : vector<16xf32> to vector<16xf32>
      %parallel_loop3A_1260 = vector.shape_cast %parallel_loop3A_1256 : vector<16xf32> to vector<16xf32>
      tpu.vector_store %arg6[%parallel_loop3A_1257], %parallel_loop3A_1260 {strides = array<i32>} : memref<24576xf32, #tpu.memory_space<vmem>>, vector<16xf32>,
    } {sc.loop_unroll_factor = 8 : i64, sc.parallel_access}
    %add3A_235 = arith.constant 160 : i32
    %add3A_236 = arith.addi %mul3A_2, %add3A_235 : i32
    %mul3A_237 = arith.constant 768 : i32
    %mul3A_238 = arith.muli %add3A_236, %mul3A_237 : i32
    %dma_start3A_239 = tpu.memref_slice %arg4[%mul3A_238] : memref<25165824xf32, #tpu.memory_space<hbm>> -> memref<24576xf32, #tpu.memory_space<hbm>>
    %dma_start3A_240 = tpu.memref_slice %arg4[%mul3A_238] : memref<25165824xf32, #tpu.memory_space<hbm>> -> memref<24576xf32, #tpu.memory_space<hbm>>
    tpu.enqueue_dma source(%arg6 : memref<24576xf32, #tpu.memory_space<vmem>>) target(%dma_start3A_240 : memref<24576xf32, #tpu.memory_space<hbm>>) target_semaphore(%arg12 : memref<!tpu.dma_semaphore, #tpu.memory_space<semaphore_mem>>)
    %add3A_241 = arith.constant 192 : i32
    %add3A_242 = arith.addi %mul3A_2, %add3A_241 : i32
    %mul3A_243 = arith.constant 768 : i32
    %mul3A_244 = arith.muli %add3A_242, %mul3A_243 : i32
    %add3A_245 = arith.constant 192 : i32
    %add3A_246 = arith.addi %rem3A_3, %add3A_245 : i32
    %mul3A_247 = arith.constant 768 : i32
    %mul3A_248 = arith.muli %add3A_246, %mul3A_247 : i32
    %dma_wait3A_249 = tpu.memref_slice %arg2[%mul3A_244] : memref<25165824xf32, #tpu.memory_space<hbm>> -> memref<24576xf32, #tpu.memory_space<hbm>>
    %dma_wait3A_250 = tpu.memref_slice %arg2[%mul3A_244] : memref<25165824xf32, #tpu.memory_space<hbm>> -> memref<24576xf32, #tpu.memory_space<hbm>>
    tpu.wait_dma2 semaphore(%arg9 : memref<!tpu.dma_semaphore, #tpu.memory_space<semaphore_mem>>) src(%dma_wait3A_250 : memref<24576xf32, #tpu.memory_space<hbm>>) dst(%arg5 : memref<24576xf32, #tpu.memory_space<vmem>>)
    %dma_wait3A_251 = tpu.memref_slice %arg3[%mul3A_248] : memref<6291456xf32, #tpu.memory_space<hbm>> -> memref<24576xf32, #tpu.memory_space<hbm>>
    %dma_wait3A_252 = tpu.memref_slice %arg3[%mul3A_248] : memref<6291456xf32, #tpu.memory_space<hbm>> -> memref<24576xf32, #tpu.memory_space<hbm>>
    tpu.wait_dma2 semaphore(%arg9 : memref<!tpu.dma_semaphore, #tpu.memory_space<semaphore_mem>>) src(%dma_wait3A_252 : memref<24576xf32, #tpu.memory_space<hbm>>) dst(%arg7 : memref<24576xf32, #tpu.memory_space<vmem>>)
    %add3A_253 = arith.constant 160 : i32
    %add3A_254 = arith.addi %mul3A_2, %add3A_253 : i32
    %mul3A_255 = arith.constant 768 : i32
    %mul3A_256 = arith.muli %add3A_254, %mul3A_255 : i32
    %dma_wait3A_257 = tpu.memref_slice %arg4[%mul3A_256] : memref<25165824xf32, #tpu.memory_space<hbm>> -> memref<24576xf32, #tpu.memory_space<hbm>>
    %dma_wait3A_258 = tpu.memref_slice %arg4[%mul3A_256] : memref<25165824xf32, #tpu.memory_space<hbm>> -> memref<24576xf32, #tpu.memory_space<hbm>>
    tpu.wait_dma2 semaphore(%arg12 : memref<!tpu.dma_semaphore, #tpu.memory_space<semaphore_mem>>) src(%arg6 : memref<24576xf32, #tpu.memory_space<vmem>>) dst(%dma_wait3A_258 : memref<24576xf32, #tpu.memory_space<hbm>>)
    %add3A_259 = arith.constant 224 : i32
    %add3A_260 = arith.addi %mul3A_2, %add3A_259 : i32
    %mul3A_261 = arith.constant 768 : i32
    %mul3A_262 = arith.muli %add3A_260, %mul3A_261 : i32
    %add3A_263 = arith.constant 224 : i32
    %add3A_264 = arith.addi %rem3A_3, %add3A_263 : i32
    %mul3A_265 = arith.constant 768 : i32
    %mul3A_266 = arith.muli %add3A_264, %mul3A_265 : i32
    %dma_start3A_267 = tpu.memref_slice %arg2[%mul3A_262] : memref<25165824xf32, #tpu.memory_space<hbm>> -> memref<24576xf32, #tpu.memory_space<hbm>>
    %dma_start3A_268 = tpu.memref_slice %arg2[%mul3A_262] : memref<25165824xf32, #tpu.memory_space<hbm>> -> memref<24576xf32, #tpu.memory_space<hbm>>
    tpu.enqueue_dma source(%dma_start3A_268 : memref<24576xf32, #tpu.memory_space<hbm>>) target(%arg6 : memref<24576xf32, #tpu.memory_space<vmem>>) target_semaphore(%arg10 : memref<!tpu.dma_semaphore, #tpu.memory_space<semaphore_mem>>)
    %dma_start3A_269 = tpu.memref_slice %arg3[%mul3A_266] : memref<6291456xf32, #tpu.memory_space<hbm>> -> memref<24576xf32, #tpu.memory_space<hbm>>
    %dma_start3A_270 = tpu.memref_slice %arg3[%mul3A_266] : memref<6291456xf32, #tpu.memory_space<hbm>> -> memref<24576xf32, #tpu.memory_space<hbm>>
    tpu.enqueue_dma source(%dma_start3A_270 : memref<24576xf32, #tpu.memory_space<hbm>>) target(%arg8 : memref<24576xf32, #tpu.memory_space<vmem>>) target_semaphore(%arg10 : memref<!tpu.dma_semaphore, #tpu.memory_space<semaphore_mem>>)
    %parallel_loop3A_271 = arith.constant 0 : i32
    %parallel_loop3A_272 = arith.constant 24576 : i32
    %parallel_loop3A_273 = arith.constant 16 : i32
    scf.for %parallel_loop3A_1249 = %parallel_loop3A_271 to %parallel_loop3A_272 step %parallel_loop3A_273  : i32 {
      %parallel_loop3A_1250 = arith.index_cast %parallel_loop3A_1249 : i32 to index
      %parallel_loop3A_1251 = tpu.vector_load %arg5[%parallel_loop3A_1250] {strides = array<i32>} : memref<24576xf32, #tpu.memory_space<vmem>>, vector<16xf32>,
      %parallel_loop3A_1252 = vector.shape_cast %parallel_loop3A_1251 : vector<16xf32> to vector<16xf32>
      %parallel_loop3A_1253 = arith.index_cast %parallel_loop3A_1249 : i32 to index
      %parallel_loop3A_1254 = tpu.vector_load %arg7[%parallel_loop3A_1253] {strides = array<i32>} : memref<24576xf32, #tpu.memory_space<vmem>>, vector<16xf32>,
      %parallel_loop3A_1255 = vector.shape_cast %parallel_loop3A_1254 : vector<16xf32> to vector<16xf32>
      %parallel_loop3A_1256 = arith.addf %parallel_loop3A_1252, %parallel_loop3A_1255 : vector<16xf32>
      %parallel_loop3A_1257 = arith.index_cast %parallel_loop3A_1249 : i32 to index
      %parallel_loop3A_1258 = tpu.vector_load %arg5[%parallel_loop3A_1257] {strides = array<i32>} : memref<24576xf32, #tpu.memory_space<vmem>>, vector<16xf32>,
      %parallel_loop3A_1259 = vector.shape_cast %parallel_loop3A_1258 : vector<16xf32> to vector<16xf32>
      %parallel_loop3A_1260 = vector.shape_cast %parallel_loop3A_1256 : vector<16xf32> to vector<16xf32>
      tpu.vector_store %arg5[%parallel_loop3A_1257], %parallel_loop3A_1260 {strides = array<i32>} : memref<24576xf32, #tpu.memory_space<vmem>>, vector<16xf32>,
    } {sc.loop_unroll_factor = 8 : i64, sc.parallel_access}
    %add3A_274 = arith.constant 192 : i32
    %add3A_275 = arith.addi %mul3A_2, %add3A_274 : i32
    %mul3A_276 = arith.constant 768 : i32
    %mul3A_277 = arith.muli %add3A_275, %mul3A_276 : i32
    %dma_start3A_278 = tpu.memref_slice %arg4[%mul3A_277] : memref<25165824xf32, #tpu.memory_space<hbm>> -> memref<24576xf32, #tpu.memory_space<hbm>>
    %dma_start3A_279 = tpu.memref_slice %arg4[%mul3A_277] : memref<25165824xf32, #tpu.memory_space<hbm>> -> memref<24576xf32, #tpu.memory_space<hbm>>
    tpu.enqueue_dma source(%arg5 : memref<24576xf32, #tpu.memory_space<vmem>>) target(%dma_start3A_279 : memref<24576xf32, #tpu.memory_space<hbm>>) target_semaphore(%arg11 : memref<!tpu.dma_semaphore, #tpu.memory_space<semaphore_mem>>)
    %add3A_280 = arith.constant 224 : i32
    %add3A_281 = arith.addi %mul3A_2, %add3A_280 : i32
    %mul3A_282 = arith.constant 768 : i32
    %mul3A_283 = arith.muli %add3A_281, %mul3A_282 : i32
    %add3A_284 = arith.constant 224 : i32
    %add3A_285 = arith.addi %rem3A_3, %add3A_284 : i32
    %mul3A_286 = arith.constant 768 : i32
    %mul3A_287 = arith.muli %add3A_285, %mul3A_286 : i32
    %dma_wait3A_288 = tpu.memref_slice %arg2[%mul3A_283] : memref<25165824xf32, #tpu.memory_space<hbm>> -> memref<24576xf32, #tpu.memory_space<hbm>>
    %dma_wait3A_289 = tpu.memref_slice %arg2[%mul3A_283] : memref<25165824xf32, #tpu.memory_space<hbm>> -> memref<24576xf32, #tpu.memory_space<hbm>>
    tpu.wait_dma2 semaphore(%arg10 : memref<!tpu.dma_semaphore, #tpu.memory_space<semaphore_mem>>) src(%dma_wait3A_289 : memref<24576xf32, #tpu.memory_space<hbm>>) dst(%arg6 : memref<24576xf32, #tpu.memory_space<vmem>>)
    %dma_wait3A_290 = tpu.memref_slice %arg3[%mul3A_287] : memref<6291456xf32, #tpu.memory_space<hbm>> -> memref<24576xf32, #tpu.memory_space<hbm>>
    %dma_wait3A_291 = tpu.memref_slice %arg3[%mul3A_287] : memref<6291456xf32, #tpu.memory_space<hbm>> -> memref<24576xf32, #tpu.memory_space<hbm>>
    tpu.wait_dma2 semaphore(%arg10 : memref<!tpu.dma_semaphore, #tpu.memory_space<semaphore_mem>>) src(%dma_wait3A_291 : memref<24576xf32, #tpu.memory_space<hbm>>) dst(%arg8 : memref<24576xf32, #tpu.memory_space<vmem>>)
    %add3A_292 = arith.constant 192 : i32
    %add3A_293 = arith.addi %mul3A_2, %add3A_292 : i32
    %mul3A_294 = arith.constant 768 : i32
    %mul3A_295 = arith.muli %add3A_293, %mul3A_294 : i32
    %dma_wait3A_296 = tpu.memref_slice %arg4[%mul3A_295] : memref<25165824xf32, #tpu.memory_space<hbm>> -> memref<24576xf32, #tpu.memory_space<hbm>>
    %dma_wait3A_297 = tpu.memref_slice %arg4[%mul3A_295] : memref<25165824xf32, #tpu.memory_space<hbm>> -> memref<24576xf32, #tpu.memory_space<hbm>>
    tpu.wait_dma2 semaphore(%arg11 : memref<!tpu.dma_semaphore, #tpu.memory_space<semaphore_mem>>) src(%arg5 : memref<24576xf32, #tpu.memory_space<vmem>>) dst(%dma_wait3A_297 : memref<24576xf32, #tpu.memory_space<hbm>>)
    %add3A_298 = arith.constant 256 : i32
    %add3A_299 = arith.addi %mul3A_2, %add3A_298 : i32
    %mul3A_300 = arith.constant 768 : i32
    %mul3A_301 = arith.muli %add3A_299, %mul3A_300 : i32
    %add3A_302 = arith.constant 256 : i32
    %add3A_303 = arith.addi %rem3A_3, %add3A_302 : i32
    %mul3A_304 = arith.constant 768 : i32
    %mul3A_305 = arith.muli %add3A_303, %mul3A_304 : i32
    %dma_start3A_306 = tpu.memref_slice %arg2[%mul3A_301] : memref<25165824xf32, #tpu.memory_space<hbm>> -> memref<24576xf32, #tpu.memory_space<hbm>>
    %dma_start3A_307 = tpu.memref_slice %arg2[%mul3A_301] : memref<25165824xf32, #tpu.memory_space<hbm>> -> memref<24576xf32, #tpu.memory_space<hbm>>
    tpu.enqueue_dma source(%dma_start3A_307 : memref<24576xf32, #tpu.memory_space<hbm>>) target(%arg5 : memref<24576xf32, #tpu.memory_space<vmem>>) target_semaphore(%arg9 : memref<!tpu.dma_semaphore, #tpu.memory_space<semaphore_mem>>)
    %dma_start3A_308 = tpu.memref_slice %arg3[%mul3A_305] : memref<6291456xf32, #tpu.memory_space<hbm>> -> memref<24576xf32, #tpu.memory_space<hbm>>
    %dma_start3A_309 = tpu.memref_slice %arg3[%mul3A_305] : memref<6291456xf32, #tpu.memory_space<hbm>> -> memref<24576xf32, #tpu.memory_space<hbm>>
    tpu.enqueue_dma source(%dma_start3A_309 : memref<24576xf32, #tpu.memory_space<hbm>>) target(%arg7 : memref<24576xf32, #tpu.memory_space<vmem>>) target_semaphore(%arg9 : memref<!tpu.dma_semaphore, #tpu.memory_space<semaphore_mem>>)
    %parallel_loop3A_310 = arith.constant 0 : i32
    %parallel_loop3A_311 = arith.constant 24576 : i32
    %parallel_loop3A_312 = arith.constant 16 : i32
    scf.for %parallel_loop3A_1249 = %parallel_loop3A_310 to %parallel_loop3A_311 step %parallel_loop3A_312  : i32 {
      %parallel_loop3A_1250 = arith.index_cast %parallel_loop3A_1249 : i32 to index
      %parallel_loop3A_1251 = tpu.vector_load %arg6[%parallel_loop3A_1250] {strides = array<i32>} : memref<24576xf32, #tpu.memory_space<vmem>>, vector<16xf32>,
      %parallel_loop3A_1252 = vector.shape_cast %parallel_loop3A_1251 : vector<16xf32> to vector<16xf32>
      %parallel_loop3A_1253 = arith.index_cast %parallel_loop3A_1249 : i32 to index
      %parallel_loop3A_1254 = tpu.vector_load %arg8[%parallel_loop3A_1253] {strides = array<i32>} : memref<24576xf32, #tpu.memory_space<vmem>>, vector<16xf32>,
      %parallel_loop3A_1255 = vector.shape_cast %parallel_loop3A_1254 : vector<16xf32> to vector<16xf32>
      %parallel_loop3A_1256 = arith.addf %parallel_loop3A_1252, %parallel_loop3A_1255 : vector<16xf32>
      %parallel_loop3A_1257 = arith.index_cast %parallel_loop3A_1249 : i32 to index
      %parallel_loop3A_1258 = tpu.vector_load %arg6[%parallel_loop3A_1257] {strides = array<i32>} : memref<24576xf32, #tpu.memory_space<vmem>>, vector<16xf32>,
      %parallel_loop3A_1259 = vector.shape_cast %parallel_loop3A_1258 : vector<16xf32> to vector<16xf32>
      %parallel_loop3A_1260 = vector.shape_cast %parallel_loop3A_1256 : vector<16xf32> to vector<16xf32>
      tpu.vector_store %arg6[%parallel_loop3A_1257], %parallel_loop3A_1260 {strides = array<i32>} : memref<24576xf32, #tpu.memory_space<vmem>>, vector<16xf32>,
    } {sc.loop_unroll_factor = 8 : i64, sc.parallel_access}
    %add3A_313 = arith.constant 224 : i32
    %add3A_314 = arith.addi %mul3A_2, %add3A_313 : i32
    %mul3A_315 = arith.constant 768 : i32
    %mul3A_316 = arith.muli %add3A_314, %mul3A_315 : i32
    %dma_start3A_317 = tpu.memref_slice %arg4[%mul3A_316] : memref<25165824xf32, #tpu.memory_space<hbm>> -> memref<24576xf32, #tpu.memory_space<hbm>>
    %dma_start3A_318 = tpu.memref_slice %arg4[%mul3A_316] : memref<25165824xf32, #tpu.memory_space<hbm>> -> memref<24576xf32, #tpu.memory_space<hbm>>
    tpu.enqueue_dma source(%arg6 : memref<24576xf32, #tpu.memory_space<vmem>>) target(%dma_start3A_318 : memref<24576xf32, #tpu.memory_space<hbm>>) target_semaphore(%arg12 : memref<!tpu.dma_semaphore, #tpu.memory_space<semaphore_mem>>)
    %add3A_319 = arith.constant 256 : i32
    %add3A_320 = arith.addi %mul3A_2, %add3A_319 : i32
    %mul3A_321 = arith.constant 768 : i32
    %mul3A_322 = arith.muli %add3A_320, %mul3A_321 : i32
    %add3A_323 = arith.constant 256 : i32
    %add3A_324 = arith.addi %rem3A_3, %add3A_323 : i32
    %mul3A_325 = arith.constant 768 : i32
    %mul3A_326 = arith.muli %add3A_324, %mul3A_325 : i32
    %dma_wait3A_327 = tpu.memref_slice %arg2[%mul3A_322] : memref<25165824xf32, #tpu.memory_space<hbm>> -> memref<24576xf32, #tpu.memory_space<hbm>>
    %dma_wait3A_328 = tpu.memref_slice %arg2[%mul3A_322] : memref<25165824xf32, #tpu.memory_space<hbm>> -> memref<24576xf32, #tpu.memory_space<hbm>>
    tpu.wait_dma2 semaphore(%arg9 : memref<!tpu.dma_semaphore, #tpu.memory_space<semaphore_mem>>) src(%dma_wait3A_328 : memref<24576xf32, #tpu.memory_space<hbm>>) dst(%arg5 : memref<24576xf32, #tpu.memory_space<vmem>>)
    %dma_wait3A_329 = tpu.memref_slice %arg3[%mul3A_326] : memref<6291456xf32, #tpu.memory_space<hbm>> -> memref<24576xf32, #tpu.memory_space<hbm>>
    %dma_wait3A_330 = tpu.memref_slice %arg3[%mul3A_326] : memref<6291456xf32, #tpu.memory_space<hbm>> -> memref<24576xf32, #tpu.memory_space<hbm>>
    tpu.wait_dma2 semaphore(%arg9 : memref<!tpu.dma_semaphore, #tpu.memory_space<semaphore_mem>>) src(%dma_wait3A_330 : memref<24576xf32, #tpu.memory_space<hbm>>) dst(%arg7 : memref<24576xf32, #tpu.memory_space<vmem>>)
    %add3A_331 = arith.constant 224 : i32
    %add3A_332 = arith.addi %mul3A_2, %add3A_331 : i32
    %mul3A_333 = arith.constant 768 : i32
    %mul3A_334 = arith.muli %add3A_332, %mul3A_333 : i32
    %dma_wait3A_335 = tpu.memref_slice %arg4[%mul3A_334] : memref<25165824xf32, #tpu.memory_space<hbm>> -> memref<24576xf32, #tpu.memory_space<hbm>>
    %dma_wait3A_336 = tpu.memref_slice %arg4[%mul3A_334] : memref<25165824xf32, #tpu.memory_space<hbm>> -> memref<24576xf32, #tpu.memory_space<hbm>>
    tpu.wait_dma2 semaphore(%arg12 : memref<!tpu.dma_semaphore, #tpu.memory_space<semaphore_mem>>) src(%arg6 : memref<24576xf32, #tpu.memory_space<vmem>>) dst(%dma_wait3A_336 : memref<24576xf32, #tpu.memory_space<hbm>>)
    %add3A_337 = arith.constant 288 : i32
    %add3A_338 = arith.addi %mul3A_2, %add3A_337 : i32
    %mul3A_339 = arith.constant 768 : i32
    %mul3A_340 = arith.muli %add3A_338, %mul3A_339 : i32
    %add3A_341 = arith.constant 288 : i32
    %add3A_342 = arith.addi %rem3A_3, %add3A_341 : i32
    %mul3A_343 = arith.constant 768 : i32
    %mul3A_344 = arith.muli %add3A_342, %mul3A_343 : i32
    %dma_start3A_345 = tpu.memref_slice %arg2[%mul3A_340] : memref<25165824xf32, #tpu.memory_space<hbm>> -> memref<24576xf32, #tpu.memory_space<hbm>>
    %dma_start3A_346 = tpu.memref_slice %arg2[%mul3A_340] : memref<25165824xf32, #tpu.memory_space<hbm>> -> memref<24576xf32, #tpu.memory_space<hbm>>
    tpu.enqueue_dma source(%dma_start3A_346 : memref<24576xf32, #tpu.memory_space<hbm>>) target(%arg6 : memref<24576xf32, #tpu.memory_space<vmem>>) target_semaphore(%arg10 : memref<!tpu.dma_semaphore, #tpu.memory_space<semaphore_mem>>)
    %dma_start3A_347 = tpu.memref_slice %arg3[%mul3A_344] : memref<6291456xf32, #tpu.memory_space<hbm>> -> memref<24576xf32, #tpu.memory_space<hbm>>
    %dma_start3A_348 = tpu.memref_slice %arg3[%mul3A_344] : memref<6291456xf32, #tpu.memory_space<hbm>> -> memref<24576xf32, #tpu.memory_space<hbm>>
    tpu.enqueue_dma source(%dma_start3A_348 : memref<24576xf32, #tpu.memory_space<hbm>>) target(%arg8 : memref<24576xf32, #tpu.memory_space<vmem>>) target_semaphore(%arg10 : memref<!tpu.dma_semaphore, #tpu.memory_space<semaphore_mem>>)
    %parallel_loop3A_349 = arith.constant 0 : i32
    %parallel_loop3A_350 = arith.constant 24576 : i32
    %parallel_loop3A_351 = arith.constant 16 : i32
    scf.for %parallel_loop3A_1249 = %parallel_loop3A_349 to %parallel_loop3A_350 step %parallel_loop3A_351  : i32 {
      %parallel_loop3A_1250 = arith.index_cast %parallel_loop3A_1249 : i32 to index
      %parallel_loop3A_1251 = tpu.vector_load %arg5[%parallel_loop3A_1250] {strides = array<i32>} : memref<24576xf32, #tpu.memory_space<vmem>>, vector<16xf32>,
      %parallel_loop3A_1252 = vector.shape_cast %parallel_loop3A_1251 : vector<16xf32> to vector<16xf32>
      %parallel_loop3A_1253 = arith.index_cast %parallel_loop3A_1249 : i32 to index
      %parallel_loop3A_1254 = tpu.vector_load %arg7[%parallel_loop3A_1253] {strides = array<i32>} : memref<24576xf32, #tpu.memory_space<vmem>>, vector<16xf32>,
      %parallel_loop3A_1255 = vector.shape_cast %parallel_loop3A_1254 : vector<16xf32> to vector<16xf32>
      %parallel_loop3A_1256 = arith.addf %parallel_loop3A_1252, %parallel_loop3A_1255 : vector<16xf32>
      %parallel_loop3A_1257 = arith.index_cast %parallel_loop3A_1249 : i32 to index
      %parallel_loop3A_1258 = tpu.vector_load %arg5[%parallel_loop3A_1257] {strides = array<i32>} : memref<24576xf32, #tpu.memory_space<vmem>>, vector<16xf32>,
      %parallel_loop3A_1259 = vector.shape_cast %parallel_loop3A_1258 : vector<16xf32> to vector<16xf32>
      %parallel_loop3A_1260 = vector.shape_cast %parallel_loop3A_1256 : vector<16xf32> to vector<16xf32>
      tpu.vector_store %arg5[%parallel_loop3A_1257], %parallel_loop3A_1260 {strides = array<i32>} : memref<24576xf32, #tpu.memory_space<vmem>>, vector<16xf32>,
    } {sc.loop_unroll_factor = 8 : i64, sc.parallel_access}
    %add3A_352 = arith.constant 256 : i32
    %add3A_353 = arith.addi %mul3A_2, %add3A_352 : i32
    %mul3A_354 = arith.constant 768 : i32
    %mul3A_355 = arith.muli %add3A_353, %mul3A_354 : i32
    %dma_start3A_356 = tpu.memref_slice %arg4[%mul3A_355] : memref<25165824xf32, #tpu.memory_space<hbm>> -> memref<24576xf32, #tpu.memory_space<hbm>>
    %dma_start3A_357 = tpu.memref_slice %arg4[%mul3A_355] : memref<25165824xf32, #tpu.memory_space<hbm>> -> memref<24576xf32, #tpu.memory_space<hbm>>
    tpu.enqueue_dma source(%arg5 : memref<24576xf32, #tpu.memory_space<vmem>>) target(%dma_start3A_357 : memref<24576xf32, #tpu.memory_space<hbm>>) target_semaphore(%arg11 : memref<!tpu.dma_semaphore, #tpu.memory_space<semaphore_mem>>)
    %add3A_358 = arith.constant 288 : i32
    %add3A_359 = arith.addi %mul3A_2, %add3A_358 : i32
    %mul3A_360 = arith.constant 768 : i32
    %mul3A_361 = arith.muli %add3A_359, %mul3A_360 : i32
    %add3A_362 = arith.constant 288 : i32
    %add3A_363 = arith.addi %rem3A_3, %add3A_362 : i32
    %mul3A_364 = arith.constant 768 : i32
    %mul3A_365 = arith.muli %add3A_363, %mul3A_364 : i32
    %dma_wait3A_366 = tpu.memref_slice %arg2[%mul3A_361] : memref<25165824xf32, #tpu.memory_space<hbm>> -> memref<24576xf32, #tpu.memory_space<hbm>>
    %dma_wait3A_367 = tpu.memref_slice %arg2[%mul3A_361] : memref<25165824xf32, #tpu.memory_space<hbm>> -> memref<24576xf32, #tpu.memory_space<hbm>>
    tpu.wait_dma2 semaphore(%arg10 : memref<!tpu.dma_semaphore, #tpu.memory_space<semaphore_mem>>) src(%dma_wait3A_367 : memref<24576xf32, #tpu.memory_space<hbm>>) dst(%arg6 : memref<24576xf32, #tpu.memory_space<vmem>>)
    %dma_wait3A_368 = tpu.memref_slice %arg3[%mul3A_365] : memref<6291456xf32, #tpu.memory_space<hbm>> -> memref<24576xf32, #tpu.memory_space<hbm>>
    %dma_wait3A_369 = tpu.memref_slice %arg3[%mul3A_365] : memref<6291456xf32, #tpu.memory_space<hbm>> -> memref<24576xf32, #tpu.memory_space<hbm>>
    tpu.wait_dma2 semaphore(%arg10 : memref<!tpu.dma_semaphore, #tpu.memory_space<semaphore_mem>>) src(%dma_wait3A_369 : memref<24576xf32, #tpu.memory_space<hbm>>) dst(%arg8 : memref<24576xf32, #tpu.memory_space<vmem>>)
    %add3A_370 = arith.constant 256 : i32
    %add3A_371 = arith.addi %mul3A_2, %add3A_370 : i32
    %mul3A_372 = arith.constant 768 : i32
    %mul3A_373 = arith.muli %add3A_371, %mul3A_372 : i32
    %dma_wait3A_374 = tpu.memref_slice %arg4[%mul3A_373] : memref<25165824xf32, #tpu.memory_space<hbm>> -> memref<24576xf32, #tpu.memory_space<hbm>>
    %dma_wait3A_375 = tpu.memref_slice %arg4[%mul3A_373] : memref<25165824xf32, #tpu.memory_space<hbm>> -> memref<24576xf32, #tpu.memory_space<hbm>>
    tpu.wait_dma2 semaphore(%arg11 : memref<!tpu.dma_semaphore, #tpu.memory_space<semaphore_mem>>) src(%arg5 : memref<24576xf32, #tpu.memory_space<vmem>>) dst(%dma_wait3A_375 : memref<24576xf32, #tpu.memory_space<hbm>>)
    %add3A_376 = arith.constant 320 : i32
    %add3A_377 = arith.addi %mul3A_2, %add3A_376 : i32
    %mul3A_378 = arith.constant 768 : i32
    %mul3A_379 = arith.muli %add3A_377, %mul3A_378 : i32
    %add3A_380 = arith.constant 320 : i32
    %add3A_381 = arith.addi %rem3A_3, %add3A_380 : i32
    %mul3A_382 = arith.constant 768 : i32
    %mul3A_383 = arith.muli %add3A_381, %mul3A_382 : i32
    %dma_start3A_384 = tpu.memref_slice %arg2[%mul3A_379] : memref<25165824xf32, #tpu.memory_space<hbm>> -> memref<24576xf32, #tpu.memory_space<hbm>>
    %dma_start3A_385 = tpu.memref_slice %arg2[%mul3A_379] : memref<25165824xf32, #tpu.memory_space<hbm>> -> memref<24576xf32, #tpu.memory_space<hbm>>
    tpu.enqueue_dma source(%dma_start3A_385 : memref<24576xf32, #tpu.memory_space<hbm>>) target(%arg5 : memref<24576xf32, #tpu.memory_space<vmem>>) target_semaphore(%arg9 : memref<!tpu.dma_semaphore, #tpu.memory_space<semaphore_mem>>)
    %dma_start3A_386 = tpu.memref_slice %arg3[%mul3A_383] : memref<6291456xf32, #tpu.memory_space<hbm>> -> memref<24576xf32, #tpu.memory_space<hbm>>
    %dma_start3A_387 = tpu.memref_slice %arg3[%mul3A_383] : memref<6291456xf32, #tpu.memory_space<hbm>> -> memref<24576xf32, #tpu.memory_space<hbm>>
    tpu.enqueue_dma source(%dma_start3A_387 : memref<24576xf32, #tpu.memory_space<hbm>>) target(%arg7 : memref<24576xf32, #tpu.memory_space<vmem>>) target_semaphore(%arg9 : memref<!tpu.dma_semaphore, #tpu.memory_space<semaphore_mem>>)
    %parallel_loop3A_388 = arith.constant 0 : i32
    %parallel_loop3A_389 = arith.constant 24576 : i32
    %parallel_loop3A_390 = arith.constant 16 : i32
    scf.for %parallel_loop3A_1249 = %parallel_loop3A_388 to %parallel_loop3A_389 step %parallel_loop3A_390  : i32 {
      %parallel_loop3A_1250 = arith.index_cast %parallel_loop3A_1249 : i32 to index
      %parallel_loop3A_1251 = tpu.vector_load %arg6[%parallel_loop3A_1250] {strides = array<i32>} : memref<24576xf32, #tpu.memory_space<vmem>>, vector<16xf32>,
      %parallel_loop3A_1252 = vector.shape_cast %parallel_loop3A_1251 : vector<16xf32> to vector<16xf32>
      %parallel_loop3A_1253 = arith.index_cast %parallel_loop3A_1249 : i32 to index
      %parallel_loop3A_1254 = tpu.vector_load %arg8[%parallel_loop3A_1253] {strides = array<i32>} : memref<24576xf32, #tpu.memory_space<vmem>>, vector<16xf32>,
      %parallel_loop3A_1255 = vector.shape_cast %parallel_loop3A_1254 : vector<16xf32> to vector<16xf32>
      %parallel_loop3A_1256 = arith.addf %parallel_loop3A_1252, %parallel_loop3A_1255 : vector<16xf32>
      %parallel_loop3A_1257 = arith.index_cast %parallel_loop3A_1249 : i32 to index
      %parallel_loop3A_1258 = tpu.vector_load %arg6[%parallel_loop3A_1257] {strides = array<i32>} : memref<24576xf32, #tpu.memory_space<vmem>>, vector<16xf32>,
      %parallel_loop3A_1259 = vector.shape_cast %parallel_loop3A_1258 : vector<16xf32> to vector<16xf32>
      %parallel_loop3A_1260 = vector.shape_cast %parallel_loop3A_1256 : vector<16xf32> to vector<16xf32>
      tpu.vector_store %arg6[%parallel_loop3A_1257], %parallel_loop3A_1260 {strides = array<i32>} : memref<24576xf32, #tpu.memory_space<vmem>>, vector<16xf32>,
    } {sc.loop_unroll_factor = 8 : i64, sc.parallel_access}
    %add3A_391 = arith.constant 288 : i32
    %add3A_392 = arith.addi %mul3A_2, %add3A_391 : i32
    %mul3A_393 = arith.constant 768 : i32
    %mul3A_394 = arith.muli %add3A_392, %mul3A_393 : i32
    %dma_start3A_395 = tpu.memref_slice %arg4[%mul3A_394] : memref<25165824xf32, #tpu.memory_space<hbm>> -> memref<24576xf32, #tpu.memory_space<hbm>>
    %dma_start3A_396 = tpu.memref_slice %arg4[%mul3A_394] : memref<25165824xf32, #tpu.memory_space<hbm>> -> memref<24576xf32, #tpu.memory_space<hbm>>
    tpu.enqueue_dma source(%arg6 : memref<24576xf32, #tpu.memory_space<vmem>>) target(%dma_start3A_396 : memref<24576xf32, #tpu.memory_space<hbm>>) target_semaphore(%arg12 : memref<!tpu.dma_semaphore, #tpu.memory_space<semaphore_mem>>)
    %add3A_397 = arith.constant 320 : i32
    %add3A_398 = arith.addi %mul3A_2, %add3A_397 : i32
    %mul3A_399 = arith.constant 768 : i32
    %mul3A_400 = arith.muli %add3A_398, %mul3A_399 : i32
    %add3A_401 = arith.constant 320 : i32
    %add3A_402 = arith.addi %rem3A_3, %add3A_401 : i32
    %mul3A_403 = arith.constant 768 : i32
    %mul3A_404 = arith.muli %add3A_402, %mul3A_403 : i32
    %dma_wait3A_405 = tpu.memref_slice %arg2[%mul3A_400] : memref<25165824xf32, #tpu.memory_space<hbm>> -> memref<24576xf32, #tpu.memory_space<hbm>>
    %dma_wait3A_406 = tpu.memref_slice %arg2[%mul3A_400] : memref<25165824xf32, #tpu.memory_space<hbm>> -> memref<24576xf32, #tpu.memory_space<hbm>>
    tpu.wait_dma2 semaphore(%arg9 : memref<!tpu.dma_semaphore, #tpu.memory_space<semaphore_mem>>) src(%dma_wait3A_406 : memref<24576xf32, #tpu.memory_space<hbm>>) dst(%arg5 : memref<24576xf32, #tpu.memory_space<vmem>>)
    %dma_wait3A_407 = tpu.memref_slice %arg3[%mul3A_404] : memref<6291456xf32, #tpu.memory_space<hbm>> -> memref<24576xf32, #tpu.memory_space<hbm>>
    %dma_wait3A_408 = tpu.memref_slice %arg3[%mul3A_404] : memref<6291456xf32, #tpu.memory_space<hbm>> -> memref<24576xf32, #tpu.memory_space<hbm>>
    tpu.wait_dma2 semaphore(%arg9 : memref<!tpu.dma_semaphore, #tpu.memory_space<semaphore_mem>>) src(%dma_wait3A_408 : memref<24576xf32, #tpu.memory_space<hbm>>) dst(%arg7 : memref<24576xf32, #tpu.memory_space<vmem>>)
    %add3A_409 = arith.constant 288 : i32
    %add3A_410 = arith.addi %mul3A_2, %add3A_409 : i32
    %mul3A_411 = arith.constant 768 : i32
    %mul3A_412 = arith.muli %add3A_410, %mul3A_411 : i32
    %dma_wait3A_413 = tpu.memref_slice %arg4[%mul3A_412] : memref<25165824xf32, #tpu.memory_space<hbm>> -> memref<24576xf32, #tpu.memory_space<hbm>>
    %dma_wait3A_414 = tpu.memref_slice %arg4[%mul3A_412] : memref<25165824xf32, #tpu.memory_space<hbm>> -> memref<24576xf32, #tpu.memory_space<hbm>>
    tpu.wait_dma2 semaphore(%arg12 : memref<!tpu.dma_semaphore, #tpu.memory_space<semaphore_mem>>) src(%arg6 : memref<24576xf32, #tpu.memory_space<vmem>>) dst(%dma_wait3A_414 : memref<24576xf32, #tpu.memory_space<hbm>>)
    %add3A_415 = arith.constant 352 : i32
    %add3A_416 = arith.addi %mul3A_2, %add3A_415 : i32
    %mul3A_417 = arith.constant 768 : i32
    %mul3A_418 = arith.muli %add3A_416, %mul3A_417 : i32
    %add3A_419 = arith.constant 352 : i32
    %add3A_420 = arith.addi %rem3A_3, %add3A_419 : i32
    %mul3A_421 = arith.constant 768 : i32
    %mul3A_422 = arith.muli %add3A_420, %mul3A_421 : i32
    %dma_start3A_423 = tpu.memref_slice %arg2[%mul3A_418] : memref<25165824xf32, #tpu.memory_space<hbm>> -> memref<24576xf32, #tpu.memory_space<hbm>>
    %dma_start3A_424 = tpu.memref_slice %arg2[%mul3A_418] : memref<25165824xf32, #tpu.memory_space<hbm>> -> memref<24576xf32, #tpu.memory_space<hbm>>
    tpu.enqueue_dma source(%dma_start3A_424 : memref<24576xf32, #tpu.memory_space<hbm>>) target(%arg6 : memref<24576xf32, #tpu.memory_space<vmem>>) target_semaphore(%arg10 : memref<!tpu.dma_semaphore, #tpu.memory_space<semaphore_mem>>)
    %dma_start3A_425 = tpu.memref_slice %arg3[%mul3A_422] : memref<6291456xf32, #tpu.memory_space<hbm>> -> memref<24576xf32, #tpu.memory_space<hbm>>
    %dma_start3A_426 = tpu.memref_slice %arg3[%mul3A_422] : memref<6291456xf32, #tpu.memory_space<hbm>> -> memref<24576xf32, #tpu.memory_space<hbm>>
    tpu.enqueue_dma source(%dma_start3A_426 : memref<24576xf32, #tpu.memory_space<hbm>>) target(%arg8 : memref<24576xf32, #tpu.memory_space<vmem>>) target_semaphore(%arg10 : memref<!tpu.dma_semaphore, #tpu.memory_space<semaphore_mem>>)
    %parallel_loop3A_427 = arith.constant 0 : i32
    %parallel_loop3A_428 = arith.constant 24576 : i32
    %parallel_loop3A_429 = arith.constant 16 : i32
    scf.for %parallel_loop3A_1249 = %parallel_loop3A_427 to %parallel_loop3A_428 step %parallel_loop3A_429  : i32 {
      %parallel_loop3A_1250 = arith.index_cast %parallel_loop3A_1249 : i32 to index
      %parallel_loop3A_1251 = tpu.vector_load %arg5[%parallel_loop3A_1250] {strides = array<i32>} : memref<24576xf32, #tpu.memory_space<vmem>>, vector<16xf32>,
      %parallel_loop3A_1252 = vector.shape_cast %parallel_loop3A_1251 : vector<16xf32> to vector<16xf32>
      %parallel_loop3A_1253 = arith.index_cast %parallel_loop3A_1249 : i32 to index
      %parallel_loop3A_1254 = tpu.vector_load %arg7[%parallel_loop3A_1253] {strides = array<i32>} : memref<24576xf32, #tpu.memory_space<vmem>>, vector<16xf32>,
      %parallel_loop3A_1255 = vector.shape_cast %parallel_loop3A_1254 : vector<16xf32> to vector<16xf32>
      %parallel_loop3A_1256 = arith.addf %parallel_loop3A_1252, %parallel_loop3A_1255 : vector<16xf32>
      %parallel_loop3A_1257 = arith.index_cast %parallel_loop3A_1249 : i32 to index
      %parallel_loop3A_1258 = tpu.vector_load %arg5[%parallel_loop3A_1257] {strides = array<i32>} : memref<24576xf32, #tpu.memory_space<vmem>>, vector<16xf32>,
      %parallel_loop3A_1259 = vector.shape_cast %parallel_loop3A_1258 : vector<16xf32> to vector<16xf32>
      %parallel_loop3A_1260 = vector.shape_cast %parallel_loop3A_1256 : vector<16xf32> to vector<16xf32>
      tpu.vector_store %arg5[%parallel_loop3A_1257], %parallel_loop3A_1260 {strides = array<i32>} : memref<24576xf32, #tpu.memory_space<vmem>>, vector<16xf32>,
    } {sc.loop_unroll_factor = 8 : i64, sc.parallel_access}
    %add3A_430 = arith.constant 320 : i32
    %add3A_431 = arith.addi %mul3A_2, %add3A_430 : i32
    %mul3A_432 = arith.constant 768 : i32
    %mul3A_433 = arith.muli %add3A_431, %mul3A_432 : i32
    %dma_start3A_434 = tpu.memref_slice %arg4[%mul3A_433] : memref<25165824xf32, #tpu.memory_space<hbm>> -> memref<24576xf32, #tpu.memory_space<hbm>>
    %dma_start3A_435 = tpu.memref_slice %arg4[%mul3A_433] : memref<25165824xf32, #tpu.memory_space<hbm>> -> memref<24576xf32, #tpu.memory_space<hbm>>
    tpu.enqueue_dma source(%arg5 : memref<24576xf32, #tpu.memory_space<vmem>>) target(%dma_start3A_435 : memref<24576xf32, #tpu.memory_space<hbm>>) target_semaphore(%arg11 : memref<!tpu.dma_semaphore, #tpu.memory_space<semaphore_mem>>)
    %add3A_436 = arith.constant 352 : i32
    %add3A_437 = arith.addi %mul3A_2, %add3A_436 : i32
    %mul3A_438 = arith.constant 768 : i32
    %mul3A_439 = arith.muli %add3A_437, %mul3A_438 : i32
    %add3A_440 = arith.constant 352 : i32
    %add3A_441 = arith.addi %rem3A_3, %add3A_440 : i32
    %mul3A_442 = arith.constant 768 : i32
    %mul3A_443 = arith.muli %add3A_441, %mul3A_442 : i32
    %dma_wait3A_444 = tpu.memref_slice %arg2[%mul3A_439] : memref<25165824xf32, #tpu.memory_space<hbm>> -> memref<24576xf32, #tpu.memory_space<hbm>>
    %dma_wait3A_445 = tpu.memref_slice %arg2[%mul3A_439] : memref<25165824xf32, #tpu.memory_space<hbm>> -> memref<24576xf32, #tpu.memory_space<hbm>>
    tpu.wait_dma2 semaphore(%arg10 : memref<!tpu.dma_semaphore, #tpu.memory_space<semaphore_mem>>) src(%dma_wait3A_445 : memref<24576xf32, #tpu.memory_space<hbm>>) dst(%arg6 : memref<24576xf32, #tpu.memory_space<vmem>>)
    %dma_wait3A_446 = tpu.memref_slice %arg3[%mul3A_443] : memref<6291456xf32, #tpu.memory_space<hbm>> -> memref<24576xf32, #tpu.memory_space<hbm>>
    %dma_wait3A_447 = tpu.memref_slice %arg3[%mul3A_443] : memref<6291456xf32, #tpu.memory_space<hbm>> -> memref<24576xf32, #tpu.memory_space<hbm>>
    tpu.wait_dma2 semaphore(%arg10 : memref<!tpu.dma_semaphore, #tpu.memory_space<semaphore_mem>>) src(%dma_wait3A_447 : memref<24576xf32, #tpu.memory_space<hbm>>) dst(%arg8 : memref<24576xf32, #tpu.memory_space<vmem>>)
    %add3A_448 = arith.constant 320 : i32
    %add3A_449 = arith.addi %mul3A_2, %add3A_448 : i32
    %mul3A_450 = arith.constant 768 : i32
    %mul3A_451 = arith.muli %add3A_449, %mul3A_450 : i32
    %dma_wait3A_452 = tpu.memref_slice %arg4[%mul3A_451] : memref<25165824xf32, #tpu.memory_space<hbm>> -> memref<24576xf32, #tpu.memory_space<hbm>>
    %dma_wait3A_453 = tpu.memref_slice %arg4[%mul3A_451] : memref<25165824xf32, #tpu.memory_space<hbm>> -> memref<24576xf32, #tpu.memory_space<hbm>>
    tpu.wait_dma2 semaphore(%arg11 : memref<!tpu.dma_semaphore, #tpu.memory_space<semaphore_mem>>) src(%arg5 : memref<24576xf32, #tpu.memory_space<vmem>>) dst(%dma_wait3A_453 : memref<24576xf32, #tpu.memory_space<hbm>>)
    %add3A_454 = arith.constant 384 : i32
    %add3A_455 = arith.addi %mul3A_2, %add3A_454 : i32
    %mul3A_456 = arith.constant 768 : i32
    %mul3A_457 = arith.muli %add3A_455, %mul3A_456 : i32
    %add3A_458 = arith.constant 384 : i32
    %add3A_459 = arith.addi %rem3A_3, %add3A_458 : i32
    %mul3A_460 = arith.constant 768 : i32
    %mul3A_461 = arith.muli %add3A_459, %mul3A_460 : i32
    %dma_start3A_462 = tpu.memref_slice %arg2[%mul3A_457] : memref<25165824xf32, #tpu.memory_space<hbm>> -> memref<24576xf32, #tpu.memory_space<hbm>>
    %dma_start3A_463 = tpu.memref_slice %arg2[%mul3A_457] : memref<25165824xf32, #tpu.memory_space<hbm>> -> memref<24576xf32, #tpu.memory_space<hbm>>
    tpu.enqueue_dma source(%dma_start3A_463 : memref<24576xf32, #tpu.memory_space<hbm>>) target(%arg5 : memref<24576xf32, #tpu.memory_space<vmem>>) target_semaphore(%arg9 : memref<!tpu.dma_semaphore, #tpu.memory_space<semaphore_mem>>)
    %dma_start3A_464 = tpu.memref_slice %arg3[%mul3A_461] : memref<6291456xf32, #tpu.memory_space<hbm>> -> memref<24576xf32, #tpu.memory_space<hbm>>
    %dma_start3A_465 = tpu.memref_slice %arg3[%mul3A_461] : memref<6291456xf32, #tpu.memory_space<hbm>> -> memref<24576xf32, #tpu.memory_space<hbm>>
    tpu.enqueue_dma source(%dma_start3A_465 : memref<24576xf32, #tpu.memory_space<hbm>>) target(%arg7 : memref<24576xf32, #tpu.memory_space<vmem>>) target_semaphore(%arg9 : memref<!tpu.dma_semaphore, #tpu.memory_space<semaphore_mem>>)
    %parallel_loop3A_466 = arith.constant 0 : i32
    %parallel_loop3A_467 = arith.constant 24576 : i32
    %parallel_loop3A_468 = arith.constant 16 : i32
    scf.for %parallel_loop3A_1249 = %parallel_loop3A_466 to %parallel_loop3A_467 step %parallel_loop3A_468  : i32 {
      %parallel_loop3A_1250 = arith.index_cast %parallel_loop3A_1249 : i32 to index
      %parallel_loop3A_1251 = tpu.vector_load %arg6[%parallel_loop3A_1250] {strides = array<i32>} : memref<24576xf32, #tpu.memory_space<vmem>>, vector<16xf32>,
      %parallel_loop3A_1252 = vector.shape_cast %parallel_loop3A_1251 : vector<16xf32> to vector<16xf32>
      %parallel_loop3A_1253 = arith.index_cast %parallel_loop3A_1249 : i32 to index
      %parallel_loop3A_1254 = tpu.vector_load %arg8[%parallel_loop3A_1253] {strides = array<i32>} : memref<24576xf32, #tpu.memory_space<vmem>>, vector<16xf32>,
      %parallel_loop3A_1255 = vector.shape_cast %parallel_loop3A_1254 : vector<16xf32> to vector<16xf32>
      %parallel_loop3A_1256 = arith.addf %parallel_loop3A_1252, %parallel_loop3A_1255 : vector<16xf32>
      %parallel_loop3A_1257 = arith.index_cast %parallel_loop3A_1249 : i32 to index
      %parallel_loop3A_1258 = tpu.vector_load %arg6[%parallel_loop3A_1257] {strides = array<i32>} : memref<24576xf32, #tpu.memory_space<vmem>>, vector<16xf32>,
      %parallel_loop3A_1259 = vector.shape_cast %parallel_loop3A_1258 : vector<16xf32> to vector<16xf32>
      %parallel_loop3A_1260 = vector.shape_cast %parallel_loop3A_1256 : vector<16xf32> to vector<16xf32>
      tpu.vector_store %arg6[%parallel_loop3A_1257], %parallel_loop3A_1260 {strides = array<i32>} : memref<24576xf32, #tpu.memory_space<vmem>>, vector<16xf32>,
    } {sc.loop_unroll_factor = 8 : i64, sc.parallel_access}
    %add3A_469 = arith.constant 352 : i32
    %add3A_470 = arith.addi %mul3A_2, %add3A_469 : i32
    %mul3A_471 = arith.constant 768 : i32
    %mul3A_472 = arith.muli %add3A_470, %mul3A_471 : i32
    %dma_start3A_473 = tpu.memref_slice %arg4[%mul3A_472] : memref<25165824xf32, #tpu.memory_space<hbm>> -> memref<24576xf32, #tpu.memory_space<hbm>>
    %dma_start3A_474 = tpu.memref_slice %arg4[%mul3A_472] : memref<25165824xf32, #tpu.memory_space<hbm>> -> memref<24576xf32, #tpu.memory_space<hbm>>
    tpu.enqueue_dma source(%arg6 : memref<24576xf32, #tpu.memory_space<vmem>>) target(%dma_start3A_474 : memref<24576xf32, #tpu.memory_space<hbm>>) target_semaphore(%arg12 : memref<!tpu.dma_semaphore, #tpu.memory_space<semaphore_mem>>)
    %add3A_475 = arith.constant 384 : i32
    %add3A_476 = arith.addi %mul3A_2, %add3A_475 : i32
    %mul3A_477 = arith.constant 768 : i32
    %mul3A_478 = arith.muli %add3A_476, %mul3A_477 : i32
    %add3A_479 = arith.constant 384 : i32
    %add3A_480 = arith.addi %rem3A_3, %add3A_479 : i32
    %mul3A_481 = arith.constant 768 : i32
    %mul3A_482 = arith.muli %add3A_480, %mul3A_481 : i32
    %dma_wait3A_483 = tpu.memref_slice %arg2[%mul3A_478] : memref<25165824xf32, #tpu.memory_space<hbm>> -> memref<24576xf32, #tpu.memory_space<hbm>>
    %dma_wait3A_484 = tpu.memref_slice %arg2[%mul3A_478] : memref<25165824xf32, #tpu.memory_space<hbm>> -> memref<24576xf32, #tpu.memory_space<hbm>>
    tpu.wait_dma2 semaphore(%arg9 : memref<!tpu.dma_semaphore, #tpu.memory_space<semaphore_mem>>) src(%dma_wait3A_484 : memref<24576xf32, #tpu.memory_space<hbm>>) dst(%arg5 : memref<24576xf32, #tpu.memory_space<vmem>>)
    %dma_wait3A_485 = tpu.memref_slice %arg3[%mul3A_482] : memref<6291456xf32, #tpu.memory_space<hbm>> -> memref<24576xf32, #tpu.memory_space<hbm>>
    %dma_wait3A_486 = tpu.memref_slice %arg3[%mul3A_482] : memref<6291456xf32, #tpu.memory_space<hbm>> -> memref<24576xf32, #tpu.memory_space<hbm>>
    tpu.wait_dma2 semaphore(%arg9 : memref<!tpu.dma_semaphore, #tpu.memory_space<semaphore_mem>>) src(%dma_wait3A_486 : memref<24576xf32, #tpu.memory_space<hbm>>) dst(%arg7 : memref<24576xf32, #tpu.memory_space<vmem>>)
    %add3A_487 = arith.constant 352 : i32
    %add3A_488 = arith.addi %mul3A_2, %add3A_487 : i32
    %mul3A_489 = arith.constant 768 : i32
    %mul3A_490 = arith.muli %add3A_488, %mul3A_489 : i32
    %dma_wait3A_491 = tpu.memref_slice %arg4[%mul3A_490] : memref<25165824xf32, #tpu.memory_space<hbm>> -> memref<24576xf32, #tpu.memory_space<hbm>>
    %dma_wait3A_492 = tpu.memref_slice %arg4[%mul3A_490] : memref<25165824xf32, #tpu.memory_space<hbm>> -> memref<24576xf32, #tpu.memory_space<hbm>>
    tpu.wait_dma2 semaphore(%arg12 : memref<!tpu.dma_semaphore, #tpu.memory_space<semaphore_mem>>) src(%arg6 : memref<24576xf32, #tpu.memory_space<vmem>>) dst(%dma_wait3A_492 : memref<24576xf32, #tpu.memory_space<hbm>>)
    %add3A_493 = arith.constant 416 : i32
    %add3A_494 = arith.addi %mul3A_2, %add3A_493 : i32
    %mul3A_495 = arith.constant 768 : i32
    %mul3A_496 = arith.muli %add3A_494, %mul3A_495 : i32
    %add3A_497 = arith.constant 416 : i32
    %add3A_498 = arith.addi %rem3A_3, %add3A_497 : i32
    %mul3A_499 = arith.constant 768 : i32
    %mul3A_500 = arith.muli %add3A_498, %mul3A_499 : i32
    %dma_start3A_501 = tpu.memref_slice %arg2[%mul3A_496] : memref<25165824xf32, #tpu.memory_space<hbm>> -> memref<24576xf32, #tpu.memory_space<hbm>>
    %dma_start3A_502 = tpu.memref_slice %arg2[%mul3A_496] : memref<25165824xf32, #tpu.memory_space<hbm>> -> memref<24576xf32, #tpu.memory_space<hbm>>
    tpu.enqueue_dma source(%dma_start3A_502 : memref<24576xf32, #tpu.memory_space<hbm>>) target(%arg6 : memref<24576xf32, #tpu.memory_space<vmem>>) target_semaphore(%arg10 : memref<!tpu.dma_semaphore, #tpu.memory_space<semaphore_mem>>)
    %dma_start3A_503 = tpu.memref_slice %arg3[%mul3A_500] : memref<6291456xf32, #tpu.memory_space<hbm>> -> memref<24576xf32, #tpu.memory_space<hbm>>
    %dma_start3A_504 = tpu.memref_slice %arg3[%mul3A_500] : memref<6291456xf32, #tpu.memory_space<hbm>> -> memref<24576xf32, #tpu.memory_space<hbm>>
    tpu.enqueue_dma source(%dma_start3A_504 : memref<24576xf32, #tpu.memory_space<hbm>>) target(%arg8 : memref<24576xf32, #tpu.memory_space<vmem>>) target_semaphore(%arg10 : memref<!tpu.dma_semaphore, #tpu.memory_space<semaphore_mem>>)
    %parallel_loop3A_505 = arith.constant 0 : i32
    %parallel_loop3A_506 = arith.constant 24576 : i32
    %parallel_loop3A_507 = arith.constant 16 : i32
    scf.for %parallel_loop3A_1249 = %parallel_loop3A_505 to %parallel_loop3A_506 step %parallel_loop3A_507  : i32 {
      %parallel_loop3A_1250 = arith.index_cast %parallel_loop3A_1249 : i32 to index
      %parallel_loop3A_1251 = tpu.vector_load %arg5[%parallel_loop3A_1250] {strides = array<i32>} : memref<24576xf32, #tpu.memory_space<vmem>>, vector<16xf32>,
      %parallel_loop3A_1252 = vector.shape_cast %parallel_loop3A_1251 : vector<16xf32> to vector<16xf32>
      %parallel_loop3A_1253 = arith.index_cast %parallel_loop3A_1249 : i32 to index
      %parallel_loop3A_1254 = tpu.vector_load %arg7[%parallel_loop3A_1253] {strides = array<i32>} : memref<24576xf32, #tpu.memory_space<vmem>>, vector<16xf32>,
      %parallel_loop3A_1255 = vector.shape_cast %parallel_loop3A_1254 : vector<16xf32> to vector<16xf32>
      %parallel_loop3A_1256 = arith.addf %parallel_loop3A_1252, %parallel_loop3A_1255 : vector<16xf32>
      %parallel_loop3A_1257 = arith.index_cast %parallel_loop3A_1249 : i32 to index
      %parallel_loop3A_1258 = tpu.vector_load %arg5[%parallel_loop3A_1257] {strides = array<i32>} : memref<24576xf32, #tpu.memory_space<vmem>>, vector<16xf32>,
      %parallel_loop3A_1259 = vector.shape_cast %parallel_loop3A_1258 : vector<16xf32> to vector<16xf32>
      %parallel_loop3A_1260 = vector.shape_cast %parallel_loop3A_1256 : vector<16xf32> to vector<16xf32>
      tpu.vector_store %arg5[%parallel_loop3A_1257], %parallel_loop3A_1260 {strides = array<i32>} : memref<24576xf32, #tpu.memory_space<vmem>>, vector<16xf32>,
    } {sc.loop_unroll_factor = 8 : i64, sc.parallel_access}
    %add3A_508 = arith.constant 384 : i32
    %add3A_509 = arith.addi %mul3A_2, %add3A_508 : i32
    %mul3A_510 = arith.constant 768 : i32
    %mul3A_511 = arith.muli %add3A_509, %mul3A_510 : i32
    %dma_start3A_512 = tpu.memref_slice %arg4[%mul3A_511] : memref<25165824xf32, #tpu.memory_space<hbm>> -> memref<24576xf32, #tpu.memory_space<hbm>>
    %dma_start3A_513 = tpu.memref_slice %arg4[%mul3A_511] : memref<25165824xf32, #tpu.memory_space<hbm>> -> memref<24576xf32, #tpu.memory_space<hbm>>
    tpu.enqueue_dma source(%arg5 : memref<24576xf32, #tpu.memory_space<vmem>>) target(%dma_start3A_513 : memref<24576xf32, #tpu.memory_space<hbm>>) target_semaphore(%arg11 : memref<!tpu.dma_semaphore, #tpu.memory_space<semaphore_mem>>)
    %add3A_514 = arith.constant 416 : i32
    %add3A_515 = arith.addi %mul3A_2, %add3A_514 : i32
    %mul3A_516 = arith.constant 768 : i32
    %mul3A_517 = arith.muli %add3A_515, %mul3A_516 : i32
    %add3A_518 = arith.constant 416 : i32
    %add3A_519 = arith.addi %rem3A_3, %add3A_518 : i32
    %mul3A_520 = arith.constant 768 : i32
    %mul3A_521 = arith.muli %add3A_519, %mul3A_520 : i32
    %dma_wait3A_522 = tpu.memref_slice %arg2[%mul3A_517] : memref<25165824xf32, #tpu.memory_space<hbm>> -> memref<24576xf32, #tpu.memory_space<hbm>>
    %dma_wait3A_523 = tpu.memref_slice %arg2[%mul3A_517] : memref<25165824xf32, #tpu.memory_space<hbm>> -> memref<24576xf32, #tpu.memory_space<hbm>>
    tpu.wait_dma2 semaphore(%arg10 : memref<!tpu.dma_semaphore, #tpu.memory_space<semaphore_mem>>) src(%dma_wait3A_523 : memref<24576xf32, #tpu.memory_space<hbm>>) dst(%arg6 : memref<24576xf32, #tpu.memory_space<vmem>>)
    %dma_wait3A_524 = tpu.memref_slice %arg3[%mul3A_521] : memref<6291456xf32, #tpu.memory_space<hbm>> -> memref<24576xf32, #tpu.memory_space<hbm>>
    %dma_wait3A_525 = tpu.memref_slice %arg3[%mul3A_521] : memref<6291456xf32, #tpu.memory_space<hbm>> -> memref<24576xf32, #tpu.memory_space<hbm>>
    tpu.wait_dma2 semaphore(%arg10 : memref<!tpu.dma_semaphore, #tpu.memory_space<semaphore_mem>>) src(%dma_wait3A_525 : memref<24576xf32, #tpu.memory_space<hbm>>) dst(%arg8 : memref<24576xf32, #tpu.memory_space<vmem>>)
    %add3A_526 = arith.constant 384 : i32
    %add3A_527 = arith.addi %mul3A_2, %add3A_526 : i32
    %mul3A_528 = arith.constant 768 : i32
    %mul3A_529 = arith.muli %add3A_527, %mul3A_528 : i32
    %dma_wait3A_530 = tpu.memref_slice %arg4[%mul3A_529] : memref<25165824xf32, #tpu.memory_space<hbm>> -> memref<24576xf32, #tpu.memory_space<hbm>>
    %dma_wait3A_531 = tpu.memref_slice %arg4[%mul3A_529] : memref<25165824xf32, #tpu.memory_space<hbm>> -> memref<24576xf32, #tpu.memory_space<hbm>>
    tpu.wait_dma2 semaphore(%arg11 : memref<!tpu.dma_semaphore, #tpu.memory_space<semaphore_mem>>) src(%arg5 : memref<24576xf32, #tpu.memory_space<vmem>>) dst(%dma_wait3A_531 : memref<24576xf32, #tpu.memory_space<hbm>>)
    %add3A_532 = arith.constant 448 : i32
    %add3A_533 = arith.addi %mul3A_2, %add3A_532 : i32
    %mul3A_534 = arith.constant 768 : i32
    %mul3A_535 = arith.muli %add3A_533, %mul3A_534 : i32
    %add3A_536 = arith.constant 448 : i32
    %add3A_537 = arith.addi %rem3A_3, %add3A_536 : i32
    %mul3A_538 = arith.constant 768 : i32
    %mul3A_539 = arith.muli %add3A_537, %mul3A_538 : i32
    %dma_start3A_540 = tpu.memref_slice %arg2[%mul3A_535] : memref<25165824xf32, #tpu.memory_space<hbm>> -> memref<24576xf32, #tpu.memory_space<hbm>>
    %dma_start3A_541 = tpu.memref_slice %arg2[%mul3A_535] : memref<25165824xf32, #tpu.memory_space<hbm>> -> memref<24576xf32, #tpu.memory_space<hbm>>
    tpu.enqueue_dma source(%dma_start3A_541 : memref<24576xf32, #tpu.memory_space<hbm>>) target(%arg5 : memref<24576xf32, #tpu.memory_space<vmem>>) target_semaphore(%arg9 : memref<!tpu.dma_semaphore, #tpu.memory_space<semaphore_mem>>)
    %dma_start3A_542 = tpu.memref_slice %arg3[%mul3A_539] : memref<6291456xf32, #tpu.memory_space<hbm>> -> memref<24576xf32, #tpu.memory_space<hbm>>
    %dma_start3A_543 = tpu.memref_slice %arg3[%mul3A_539] : memref<6291456xf32, #tpu.memory_space<hbm>> -> memref<24576xf32, #tpu.memory_space<hbm>>
    tpu.enqueue_dma source(%dma_start3A_543 : memref<24576xf32, #tpu.memory_space<hbm>>) target(%arg7 : memref<24576xf32, #tpu.memory_space<vmem>>) target_semaphore(%arg9 : memref<!tpu.dma_semaphore, #tpu.memory_space<semaphore_mem>>)
    %parallel_loop3A_544 = arith.constant 0 : i32
    %parallel_loop3A_545 = arith.constant 24576 : i32
    %parallel_loop3A_546 = arith.constant 16 : i32
    scf.for %parallel_loop3A_1249 = %parallel_loop3A_544 to %parallel_loop3A_545 step %parallel_loop3A_546  : i32 {
      %parallel_loop3A_1250 = arith.index_cast %parallel_loop3A_1249 : i32 to index
      %parallel_loop3A_1251 = tpu.vector_load %arg6[%parallel_loop3A_1250] {strides = array<i32>} : memref<24576xf32, #tpu.memory_space<vmem>>, vector<16xf32>,
      %parallel_loop3A_1252 = vector.shape_cast %parallel_loop3A_1251 : vector<16xf32> to vector<16xf32>
      %parallel_loop3A_1253 = arith.index_cast %parallel_loop3A_1249 : i32 to index
      %parallel_loop3A_1254 = tpu.vector_load %arg8[%parallel_loop3A_1253] {strides = array<i32>} : memref<24576xf32, #tpu.memory_space<vmem>>, vector<16xf32>,
      %parallel_loop3A_1255 = vector.shape_cast %parallel_loop3A_1254 : vector<16xf32> to vector<16xf32>
      %parallel_loop3A_1256 = arith.addf %parallel_loop3A_1252, %parallel_loop3A_1255 : vector<16xf32>
      %parallel_loop3A_1257 = arith.index_cast %parallel_loop3A_1249 : i32 to index
      %parallel_loop3A_1258 = tpu.vector_load %arg6[%parallel_loop3A_1257] {strides = array<i32>} : memref<24576xf32, #tpu.memory_space<vmem>>, vector<16xf32>,
      %parallel_loop3A_1259 = vector.shape_cast %parallel_loop3A_1258 : vector<16xf32> to vector<16xf32>
      %parallel_loop3A_1260 = vector.shape_cast %parallel_loop3A_1256 : vector<16xf32> to vector<16xf32>
      tpu.vector_store %arg6[%parallel_loop3A_1257], %parallel_loop3A_1260 {strides = array<i32>} : memref<24576xf32, #tpu.memory_space<vmem>>, vector<16xf32>,
    } {sc.loop_unroll_factor = 8 : i64, sc.parallel_access}
    %add3A_547 = arith.constant 416 : i32
    %add3A_548 = arith.addi %mul3A_2, %add3A_547 : i32
    %mul3A_549 = arith.constant 768 : i32
    %mul3A_550 = arith.muli %add3A_548, %mul3A_549 : i32
    %dma_start3A_551 = tpu.memref_slice %arg4[%mul3A_550] : memref<25165824xf32, #tpu.memory_space<hbm>> -> memref<24576xf32, #tpu.memory_space<hbm>>
    %dma_start3A_552 = tpu.memref_slice %arg4[%mul3A_550] : memref<25165824xf32, #tpu.memory_space<hbm>> -> memref<24576xf32, #tpu.memory_space<hbm>>
    tpu.enqueue_dma source(%arg6 : memref<24576xf32, #tpu.memory_space<vmem>>) target(%dma_start3A_552 : memref<24576xf32, #tpu.memory_space<hbm>>) target_semaphore(%arg12 : memref<!tpu.dma_semaphore, #tpu.memory_space<semaphore_mem>>)
    %add3A_553 = arith.constant 448 : i32
    %add3A_554 = arith.addi %mul3A_2, %add3A_553 : i32
    %mul3A_555 = arith.constant 768 : i32
    %mul3A_556 = arith.muli %add3A_554, %mul3A_555 : i32
    %add3A_557 = arith.constant 448 : i32
    %add3A_558 = arith.addi %rem3A_3, %add3A_557 : i32
    %mul3A_559 = arith.constant 768 : i32
    %mul3A_560 = arith.muli %add3A_558, %mul3A_559 : i32
    %dma_wait3A_561 = tpu.memref_slice %arg2[%mul3A_556] : memref<25165824xf32, #tpu.memory_space<hbm>> -> memref<24576xf32, #tpu.memory_space<hbm>>
    %dma_wait3A_562 = tpu.memref_slice %arg2[%mul3A_556] : memref<25165824xf32, #tpu.memory_space<hbm>> -> memref<24576xf32, #tpu.memory_space<hbm>>
    tpu.wait_dma2 semaphore(%arg9 : memref<!tpu.dma_semaphore, #tpu.memory_space<semaphore_mem>>) src(%dma_wait3A_562 : memref<24576xf32, #tpu.memory_space<hbm>>) dst(%arg5 : memref<24576xf32, #tpu.memory_space<vmem>>)
    %dma_wait3A_563 = tpu.memref_slice %arg3[%mul3A_560] : memref<6291456xf32, #tpu.memory_space<hbm>> -> memref<24576xf32, #tpu.memory_space<hbm>>
    %dma_wait3A_564 = tpu.memref_slice %arg3[%mul3A_560] : memref<6291456xf32, #tpu.memory_space<hbm>> -> memref<24576xf32, #tpu.memory_space<hbm>>
    tpu.wait_dma2 semaphore(%arg9 : memref<!tpu.dma_semaphore, #tpu.memory_space<semaphore_mem>>) src(%dma_wait3A_564 : memref<24576xf32, #tpu.memory_space<hbm>>) dst(%arg7 : memref<24576xf32, #tpu.memory_space<vmem>>)
    %add3A_565 = arith.constant 416 : i32
    %add3A_566 = arith.addi %mul3A_2, %add3A_565 : i32
    %mul3A_567 = arith.constant 768 : i32
    %mul3A_568 = arith.muli %add3A_566, %mul3A_567 : i32
    %dma_wait3A_569 = tpu.memref_slice %arg4[%mul3A_568] : memref<25165824xf32, #tpu.memory_space<hbm>> -> memref<24576xf32, #tpu.memory_space<hbm>>
    %dma_wait3A_570 = tpu.memref_slice %arg4[%mul3A_568] : memref<25165824xf32, #tpu.memory_space<hbm>> -> memref<24576xf32, #tpu.memory_space<hbm>>
    tpu.wait_dma2 semaphore(%arg12 : memref<!tpu.dma_semaphore, #tpu.memory_space<semaphore_mem>>) src(%arg6 : memref<24576xf32, #tpu.memory_space<vmem>>) dst(%dma_wait3A_570 : memref<24576xf32, #tpu.memory_space<hbm>>)
    %add3A_571 = arith.constant 480 : i32
    %add3A_572 = arith.addi %mul3A_2, %add3A_571 : i32
    %mul3A_573 = arith.constant 768 : i32
    %mul3A_574 = arith.muli %add3A_572, %mul3A_573 : i32
    %add3A_575 = arith.constant 480 : i32
    %add3A_576 = arith.addi %rem3A_3, %add3A_575 : i32
    %mul3A_577 = arith.constant 768 : i32
    %mul3A_578 = arith.muli %add3A_576, %mul3A_577 : i32
    %dma_start3A_579 = tpu.memref_slice %arg2[%mul3A_574] : memref<25165824xf32, #tpu.memory_space<hbm>> -> memref<24576xf32, #tpu.memory_space<hbm>>
    %dma_start3A_580 = tpu.memref_slice %arg2[%mul3A_574] : memref<25165824xf32, #tpu.memory_space<hbm>> -> memref<24576xf32, #tpu.memory_space<hbm>>
    tpu.enqueue_dma source(%dma_start3A_580 : memref<24576xf32, #tpu.memory_space<hbm>>) target(%arg6 : memref<24576xf32, #tpu.memory_space<vmem>>) target_semaphore(%arg10 : memref<!tpu.dma_semaphore, #tpu.memory_space<semaphore_mem>>)
    %dma_start3A_581 = tpu.memref_slice %arg3[%mul3A_578] : memref<6291456xf32, #tpu.memory_space<hbm>> -> memref<24576xf32, #tpu.memory_space<hbm>>
    %dma_start3A_582 = tpu.memref_slice %arg3[%mul3A_578] : memref<6291456xf32, #tpu.memory_space<hbm>> -> memref<24576xf32, #tpu.memory_space<hbm>>
    tpu.enqueue_dma source(%dma_start3A_582 : memref<24576xf32, #tpu.memory_space<hbm>>) target(%arg8 : memref<24576xf32, #tpu.memory_space<vmem>>) target_semaphore(%arg10 : memref<!tpu.dma_semaphore, #tpu.memory_space<semaphore_mem>>)
    %parallel_loop3A_583 = arith.constant 0 : i32
    %parallel_loop3A_584 = arith.constant 24576 : i32
    %parallel_loop3A_585 = arith.constant 16 : i32
    scf.for %parallel_loop3A_1249 = %parallel_loop3A_583 to %parallel_loop3A_584 step %parallel_loop3A_585  : i32 {
      %parallel_loop3A_1250 = arith.index_cast %parallel_loop3A_1249 : i32 to index
      %parallel_loop3A_1251 = tpu.vector_load %arg5[%parallel_loop3A_1250] {strides = array<i32>} : memref<24576xf32, #tpu.memory_space<vmem>>, vector<16xf32>,
      %parallel_loop3A_1252 = vector.shape_cast %parallel_loop3A_1251 : vector<16xf32> to vector<16xf32>
      %parallel_loop3A_1253 = arith.index_cast %parallel_loop3A_1249 : i32 to index
      %parallel_loop3A_1254 = tpu.vector_load %arg7[%parallel_loop3A_1253] {strides = array<i32>} : memref<24576xf32, #tpu.memory_space<vmem>>, vector<16xf32>,
      %parallel_loop3A_1255 = vector.shape_cast %parallel_loop3A_1254 : vector<16xf32> to vector<16xf32>
      %parallel_loop3A_1256 = arith.addf %parallel_loop3A_1252, %parallel_loop3A_1255 : vector<16xf32>
      %parallel_loop3A_1257 = arith.index_cast %parallel_loop3A_1249 : i32 to index
      %parallel_loop3A_1258 = tpu.vector_load %arg5[%parallel_loop3A_1257] {strides = array<i32>} : memref<24576xf32, #tpu.memory_space<vmem>>, vector<16xf32>,
      %parallel_loop3A_1259 = vector.shape_cast %parallel_loop3A_1258 : vector<16xf32> to vector<16xf32>
      %parallel_loop3A_1260 = vector.shape_cast %parallel_loop3A_1256 : vector<16xf32> to vector<16xf32>
      tpu.vector_store %arg5[%parallel_loop3A_1257], %parallel_loop3A_1260 {strides = array<i32>} : memref<24576xf32, #tpu.memory_space<vmem>>, vector<16xf32>,
    } {sc.loop_unroll_factor = 8 : i64, sc.parallel_access}
    %add3A_586 = arith.constant 448 : i32
    %add3A_587 = arith.addi %mul3A_2, %add3A_586 : i32
    %mul3A_588 = arith.constant 768 : i32
    %mul3A_589 = arith.muli %add3A_587, %mul3A_588 : i32
    %dma_start3A_590 = tpu.memref_slice %arg4[%mul3A_589] : memref<25165824xf32, #tpu.memory_space<hbm>> -> memref<24576xf32, #tpu.memory_space<hbm>>
    %dma_start3A_591 = tpu.memref_slice %arg4[%mul3A_589] : memref<25165824xf32, #tpu.memory_space<hbm>> -> memref<24576xf32, #tpu.memory_space<hbm>>
    tpu.enqueue_dma source(%arg5 : memref<24576xf32, #tpu.memory_space<vmem>>) target(%dma_start3A_591 : memref<24576xf32, #tpu.memory_space<hbm>>) target_semaphore(%arg11 : memref<!tpu.dma_semaphore, #tpu.memory_space<semaphore_mem>>)
    %add3A_592 = arith.constant 480 : i32
    %add3A_593 = arith.addi %mul3A_2, %add3A_592 : i32
    %mul3A_594 = arith.constant 768 : i32
    %mul3A_595 = arith.muli %add3A_593, %mul3A_594 : i32
    %add3A_596 = arith.constant 480 : i32
    %add3A_597 = arith.addi %rem3A_3, %add3A_596 : i32
    %mul3A_598 = arith.constant 768 : i32
    %mul3A_599 = arith.muli %add3A_597, %mul3A_598 : i32
    %dma_wait3A_600 = tpu.memref_slice %arg2[%mul3A_595] : memref<25165824xf32, #tpu.memory_space<hbm>> -> memref<24576xf32, #tpu.memory_space<hbm>>
    %dma_wait3A_601 = tpu.memref_slice %arg2[%mul3A_595] : memref<25165824xf32, #tpu.memory_space<hbm>> -> memref<24576xf32, #tpu.memory_space<hbm>>
    tpu.wait_dma2 semaphore(%arg10 : memref<!tpu.dma_semaphore, #tpu.memory_space<semaphore_mem>>) src(%dma_wait3A_601 : memref<24576xf32, #tpu.memory_space<hbm>>) dst(%arg6 : memref<24576xf32, #tpu.memory_space<vmem>>)
    %dma_wait3A_602 = tpu.memref_slice %arg3[%mul3A_599] : memref<6291456xf32, #tpu.memory_space<hbm>> -> memref<24576xf32, #tpu.memory_space<hbm>>
    %dma_wait3A_603 = tpu.memref_slice %arg3[%mul3A_599] : memref<6291456xf32, #tpu.memory_space<hbm>> -> memref<24576xf32, #tpu.memory_space<hbm>>
    tpu.wait_dma2 semaphore(%arg10 : memref<!tpu.dma_semaphore, #tpu.memory_space<semaphore_mem>>) src(%dma_wait3A_603 : memref<24576xf32, #tpu.memory_space<hbm>>) dst(%arg8 : memref<24576xf32, #tpu.memory_space<vmem>>)
    %add3A_604 = arith.constant 448 : i32
    %add3A_605 = arith.addi %mul3A_2, %add3A_604 : i32
    %mul3A_606 = arith.constant 768 : i32
    %mul3A_607 = arith.muli %add3A_605, %mul3A_606 : i32
    %dma_wait3A_608 = tpu.memref_slice %arg4[%mul3A_607] : memref<25165824xf32, #tpu.memory_space<hbm>> -> memref<24576xf32, #tpu.memory_space<hbm>>
    %dma_wait3A_609 = tpu.memref_slice %arg4[%mul3A_607] : memref<25165824xf32, #tpu.memory_space<hbm>> -> memref<24576xf32, #tpu.memory_space<hbm>>
    tpu.wait_dma2 semaphore(%arg11 : memref<!tpu.dma_semaphore, #tpu.memory_space<semaphore_mem>>) src(%arg5 : memref<24576xf32, #tpu.memory_space<vmem>>) dst(%dma_wait3A_609 : memref<24576xf32, #tpu.memory_space<hbm>>)
    %add3A_610 = arith.constant 512 : i32
    %add3A_611 = arith.addi %mul3A_2, %add3A_610 : i32
    %mul3A_612 = arith.constant 768 : i32
    %mul3A_613 = arith.muli %add3A_611, %mul3A_612 : i32
    %add3A_614 = arith.constant 512 : i32
    %add3A_615 = arith.addi %rem3A_3, %add3A_614 : i32
    %mul3A_616 = arith.constant 768 : i32
    %mul3A_617 = arith.muli %add3A_615, %mul3A_616 : i32
    %dma_start3A_618 = tpu.memref_slice %arg2[%mul3A_613] : memref<25165824xf32, #tpu.memory_space<hbm>> -> memref<24576xf32, #tpu.memory_space<hbm>>
    %dma_start3A_619 = tpu.memref_slice %arg2[%mul3A_613] : memref<25165824xf32, #tpu.memory_space<hbm>> -> memref<24576xf32, #tpu.memory_space<hbm>>
    tpu.enqueue_dma source(%dma_start3A_619 : memref<24576xf32, #tpu.memory_space<hbm>>) target(%arg5 : memref<24576xf32, #tpu.memory_space<vmem>>) target_semaphore(%arg9 : memref<!tpu.dma_semaphore, #tpu.memory_space<semaphore_mem>>)
    %dma_start3A_620 = tpu.memref_slice %arg3[%mul3A_617] : memref<6291456xf32, #tpu.memory_space<hbm>> -> memref<24576xf32, #tpu.memory_space<hbm>>
    %dma_start3A_621 = tpu.memref_slice %arg3[%mul3A_617] : memref<6291456xf32, #tpu.memory_space<hbm>> -> memref<24576xf32, #tpu.memory_space<hbm>>
    tpu.enqueue_dma source(%dma_start3A_621 : memref<24576xf32, #tpu.memory_space<hbm>>) target(%arg7 : memref<24576xf32, #tpu.memory_space<vmem>>) target_semaphore(%arg9 : memref<!tpu.dma_semaphore, #tpu.memory_space<semaphore_mem>>)
    %parallel_loop3A_622 = arith.constant 0 : i32
    %parallel_loop3A_623 = arith.constant 24576 : i32
    %parallel_loop3A_624 = arith.constant 16 : i32
    scf.for %parallel_loop3A_1249 = %parallel_loop3A_622 to %parallel_loop3A_623 step %parallel_loop3A_624  : i32 {
      %parallel_loop3A_1250 = arith.index_cast %parallel_loop3A_1249 : i32 to index
      %parallel_loop3A_1251 = tpu.vector_load %arg6[%parallel_loop3A_1250] {strides = array<i32>} : memref<24576xf32, #tpu.memory_space<vmem>>, vector<16xf32>,
      %parallel_loop3A_1252 = vector.shape_cast %parallel_loop3A_1251 : vector<16xf32> to vector<16xf32>
      %parallel_loop3A_1253 = arith.index_cast %parallel_loop3A_1249 : i32 to index
      %parallel_loop3A_1254 = tpu.vector_load %arg8[%parallel_loop3A_1253] {strides = array<i32>} : memref<24576xf32, #tpu.memory_space<vmem>>, vector<16xf32>,
      %parallel_loop3A_1255 = vector.shape_cast %parallel_loop3A_1254 : vector<16xf32> to vector<16xf32>
      %parallel_loop3A_1256 = arith.addf %parallel_loop3A_1252, %parallel_loop3A_1255 : vector<16xf32>
      %parallel_loop3A_1257 = arith.index_cast %parallel_loop3A_1249 : i32 to index
      %parallel_loop3A_1258 = tpu.vector_load %arg6[%parallel_loop3A_1257] {strides = array<i32>} : memref<24576xf32, #tpu.memory_space<vmem>>, vector<16xf32>,
      %parallel_loop3A_1259 = vector.shape_cast %parallel_loop3A_1258 : vector<16xf32> to vector<16xf32>
      %parallel_loop3A_1260 = vector.shape_cast %parallel_loop3A_1256 : vector<16xf32> to vector<16xf32>
      tpu.vector_store %arg6[%parallel_loop3A_1257], %parallel_loop3A_1260 {strides = array<i32>} : memref<24576xf32, #tpu.memory_space<vmem>>, vector<16xf32>,
    } {sc.loop_unroll_factor = 8 : i64, sc.parallel_access}
    %add3A_625 = arith.constant 480 : i32
    %add3A_626 = arith.addi %mul3A_2, %add3A_625 : i32
    %mul3A_627 = arith.constant 768 : i32
    %mul3A_628 = arith.muli %add3A_626, %mul3A_627 : i32
    %dma_start3A_629 = tpu.memref_slice %arg4[%mul3A_628] : memref<25165824xf32, #tpu.memory_space<hbm>> -> memref<24576xf32, #tpu.memory_space<hbm>>
    %dma_start3A_630 = tpu.memref_slice %arg4[%mul3A_628] : memref<25165824xf32, #tpu.memory_space<hbm>> -> memref<24576xf32, #tpu.memory_space<hbm>>
    tpu.enqueue_dma source(%arg6 : memref<24576xf32, #tpu.memory_space<vmem>>) target(%dma_start3A_630 : memref<24576xf32, #tpu.memory_space<hbm>>) target_semaphore(%arg12 : memref<!tpu.dma_semaphore, #tpu.memory_space<semaphore_mem>>)
    %add3A_631 = arith.constant 512 : i32
    %add3A_632 = arith.addi %mul3A_2, %add3A_631 : i32
    %mul3A_633 = arith.constant 768 : i32
    %mul3A_634 = arith.muli %add3A_632, %mul3A_633 : i32
    %add3A_635 = arith.constant 512 : i32
    %add3A_636 = arith.addi %rem3A_3, %add3A_635 : i32
    %mul3A_637 = arith.constant 768 : i32
    %mul3A_638 = arith.muli %add3A_636, %mul3A_637 : i32
    %dma_wait3A_639 = tpu.memref_slice %arg2[%mul3A_634] : memref<25165824xf32, #tpu.memory_space<hbm>> -> memref<24576xf32, #tpu.memory_space<hbm>>
    %dma_wait3A_640 = tpu.memref_slice %arg2[%mul3A_634] : memref<25165824xf32, #tpu.memory_space<hbm>> -> memref<24576xf32, #tpu.memory_space<hbm>>
    tpu.wait_dma2 semaphore(%arg9 : memref<!tpu.dma_semaphore, #tpu.memory_space<semaphore_mem>>) src(%dma_wait3A_640 : memref<24576xf32, #tpu.memory_space<hbm>>) dst(%arg5 : memref<24576xf32, #tpu.memory_space<vmem>>)
    %dma_wait3A_641 = tpu.memref_slice %arg3[%mul3A_638] : memref<6291456xf32, #tpu.memory_space<hbm>> -> memref<24576xf32, #tpu.memory_space<hbm>>
    %dma_wait3A_642 = tpu.memref_slice %arg3[%mul3A_638] : memref<6291456xf32, #tpu.memory_space<hbm>> -> memref<24576xf32, #tpu.memory_space<hbm>>
    tpu.wait_dma2 semaphore(%arg9 : memref<!tpu.dma_semaphore, #tpu.memory_space<semaphore_mem>>) src(%dma_wait3A_642 : memref<24576xf32, #tpu.memory_space<hbm>>) dst(%arg7 : memref<24576xf32, #tpu.memory_space<vmem>>)
    %add3A_643 = arith.constant 480 : i32
    %add3A_644 = arith.addi %mul3A_2, %add3A_643 : i32
    %mul3A_645 = arith.constant 768 : i32
    %mul3A_646 = arith.muli %add3A_644, %mul3A_645 : i32
    %dma_wait3A_647 = tpu.memref_slice %arg4[%mul3A_646] : memref<25165824xf32, #tpu.memory_space<hbm>> -> memref<24576xf32, #tpu.memory_space<hbm>>
    %dma_wait3A_648 = tpu.memref_slice %arg4[%mul3A_646] : memref<25165824xf32, #tpu.memory_space<hbm>> -> memref<24576xf32, #tpu.memory_space<hbm>>
    tpu.wait_dma2 semaphore(%arg12 : memref<!tpu.dma_semaphore, #tpu.memory_space<semaphore_mem>>) src(%arg6 : memref<24576xf32, #tpu.memory_space<vmem>>) dst(%dma_wait3A_648 : memref<24576xf32, #tpu.memory_space<hbm>>)
    %add3A_649 = arith.constant 544 : i32
    %add3A_650 = arith.addi %mul3A_2, %add3A_649 : i32
    %mul3A_651 = arith.constant 768 : i32
    %mul3A_652 = arith.muli %add3A_650, %mul3A_651 : i32
    %add3A_653 = arith.constant 544 : i32
    %add3A_654 = arith.addi %rem3A_3, %add3A_653 : i32
    %mul3A_655 = arith.constant 768 : i32
    %mul3A_656 = arith.muli %add3A_654, %mul3A_655 : i32
    %dma_start3A_657 = tpu.memref_slice %arg2[%mul3A_652] : memref<25165824xf32, #tpu.memory_space<hbm>> -> memref<24576xf32, #tpu.memory_space<hbm>>
    %dma_start3A_658 = tpu.memref_slice %arg2[%mul3A_652] : memref<25165824xf32, #tpu.memory_space<hbm>> -> memref<24576xf32, #tpu.memory_space<hbm>>
    tpu.enqueue_dma source(%dma_start3A_658 : memref<24576xf32, #tpu.memory_space<hbm>>) target(%arg6 : memref<24576xf32, #tpu.memory_space<vmem>>) target_semaphore(%arg10 : memref<!tpu.dma_semaphore, #tpu.memory_space<semaphore_mem>>)
    %dma_start3A_659 = tpu.memref_slice %arg3[%mul3A_656] : memref<6291456xf32, #tpu.memory_space<hbm>> -> memref<24576xf32, #tpu.memory_space<hbm>>
    %dma_start3A_660 = tpu.memref_slice %arg3[%mul3A_656] : memref<6291456xf32, #tpu.memory_space<hbm>> -> memref<24576xf32, #tpu.memory_space<hbm>>
    tpu.enqueue_dma source(%dma_start3A_660 : memref<24576xf32, #tpu.memory_space<hbm>>) target(%arg8 : memref<24576xf32, #tpu.memory_space<vmem>>) target_semaphore(%arg10 : memref<!tpu.dma_semaphore, #tpu.memory_space<semaphore_mem>>)
    %parallel_loop3A_661 = arith.constant 0 : i32
    %parallel_loop3A_662 = arith.constant 24576 : i32
    %parallel_loop3A_663 = arith.constant 16 : i32
    scf.for %parallel_loop3A_1249 = %parallel_loop3A_661 to %parallel_loop3A_662 step %parallel_loop3A_663  : i32 {
      %parallel_loop3A_1250 = arith.index_cast %parallel_loop3A_1249 : i32 to index
      %parallel_loop3A_1251 = tpu.vector_load %arg5[%parallel_loop3A_1250] {strides = array<i32>} : memref<24576xf32, #tpu.memory_space<vmem>>, vector<16xf32>,
      %parallel_loop3A_1252 = vector.shape_cast %parallel_loop3A_1251 : vector<16xf32> to vector<16xf32>
      %parallel_loop3A_1253 = arith.index_cast %parallel_loop3A_1249 : i32 to index
      %parallel_loop3A_1254 = tpu.vector_load %arg7[%parallel_loop3A_1253] {strides = array<i32>} : memref<24576xf32, #tpu.memory_space<vmem>>, vector<16xf32>,
      %parallel_loop3A_1255 = vector.shape_cast %parallel_loop3A_1254 : vector<16xf32> to vector<16xf32>
      %parallel_loop3A_1256 = arith.addf %parallel_loop3A_1252, %parallel_loop3A_1255 : vector<16xf32>
      %parallel_loop3A_1257 = arith.index_cast %parallel_loop3A_1249 : i32 to index
      %parallel_loop3A_1258 = tpu.vector_load %arg5[%parallel_loop3A_1257] {strides = array<i32>} : memref<24576xf32, #tpu.memory_space<vmem>>, vector<16xf32>,
      %parallel_loop3A_1259 = vector.shape_cast %parallel_loop3A_1258 : vector<16xf32> to vector<16xf32>
      %parallel_loop3A_1260 = vector.shape_cast %parallel_loop3A_1256 : vector<16xf32> to vector<16xf32>
      tpu.vector_store %arg5[%parallel_loop3A_1257], %parallel_loop3A_1260 {strides = array<i32>} : memref<24576xf32, #tpu.memory_space<vmem>>, vector<16xf32>,
    } {sc.loop_unroll_factor = 8 : i64, sc.parallel_access}
    %add3A_664 = arith.constant 512 : i32
    %add3A_665 = arith.addi %mul3A_2, %add3A_664 : i32
    %mul3A_666 = arith.constant 768 : i32
    %mul3A_667 = arith.muli %add3A_665, %mul3A_666 : i32
    %dma_start3A_668 = tpu.memref_slice %arg4[%mul3A_667] : memref<25165824xf32, #tpu.memory_space<hbm>> -> memref<24576xf32, #tpu.memory_space<hbm>>
    %dma_start3A_669 = tpu.memref_slice %arg4[%mul3A_667] : memref<25165824xf32, #tpu.memory_space<hbm>> -> memref<24576xf32, #tpu.memory_space<hbm>>
    tpu.enqueue_dma source(%arg5 : memref<24576xf32, #tpu.memory_space<vmem>>) target(%dma_start3A_669 : memref<24576xf32, #tpu.memory_space<hbm>>) target_semaphore(%arg11 : memref<!tpu.dma_semaphore, #tpu.memory_space<semaphore_mem>>)
    %add3A_670 = arith.constant 544 : i32
    %add3A_671 = arith.addi %mul3A_2, %add3A_670 : i32
    %mul3A_672 = arith.constant 768 : i32
    %mul3A_673 = arith.muli %add3A_671, %mul3A_672 : i32
    %add3A_674 = arith.constant 544 : i32
    %add3A_675 = arith.addi %rem3A_3, %add3A_674 : i32
    %mul3A_676 = arith.constant 768 : i32
    %mul3A_677 = arith.muli %add3A_675, %mul3A_676 : i32
    %dma_wait3A_678 = tpu.memref_slice %arg2[%mul3A_673] : memref<25165824xf32, #tpu.memory_space<hbm>> -> memref<24576xf32, #tpu.memory_space<hbm>>
    %dma_wait3A_679 = tpu.memref_slice %arg2[%mul3A_673] : memref<25165824xf32, #tpu.memory_space<hbm>> -> memref<24576xf32, #tpu.memory_space<hbm>>
    tpu.wait_dma2 semaphore(%arg10 : memref<!tpu.dma_semaphore, #tpu.memory_space<semaphore_mem>>) src(%dma_wait3A_679 : memref<24576xf32, #tpu.memory_space<hbm>>) dst(%arg6 : memref<24576xf32, #tpu.memory_space<vmem>>)
    %dma_wait3A_680 = tpu.memref_slice %arg3[%mul3A_677] : memref<6291456xf32, #tpu.memory_space<hbm>> -> memref<24576xf32, #tpu.memory_space<hbm>>
    %dma_wait3A_681 = tpu.memref_slice %arg3[%mul3A_677] : memref<6291456xf32, #tpu.memory_space<hbm>> -> memref<24576xf32, #tpu.memory_space<hbm>>
    tpu.wait_dma2 semaphore(%arg10 : memref<!tpu.dma_semaphore, #tpu.memory_space<semaphore_mem>>) src(%dma_wait3A_681 : memref<24576xf32, #tpu.memory_space<hbm>>) dst(%arg8 : memref<24576xf32, #tpu.memory_space<vmem>>)
    %add3A_682 = arith.constant 512 : i32
    %add3A_683 = arith.addi %mul3A_2, %add3A_682 : i32
    %mul3A_684 = arith.constant 768 : i32
    %mul3A_685 = arith.muli %add3A_683, %mul3A_684 : i32
    %dma_wait3A_686 = tpu.memref_slice %arg4[%mul3A_685] : memref<25165824xf32, #tpu.memory_space<hbm>> -> memref<24576xf32, #tpu.memory_space<hbm>>
    %dma_wait3A_687 = tpu.memref_slice %arg4[%mul3A_685] : memref<25165824xf32, #tpu.memory_space<hbm>> -> memref<24576xf32, #tpu.memory_space<hbm>>
    tpu.wait_dma2 semaphore(%arg11 : memref<!tpu.dma_semaphore, #tpu.memory_space<semaphore_mem>>) src(%arg5 : memref<24576xf32, #tpu.memory_space<vmem>>) dst(%dma_wait3A_687 : memref<24576xf32, #tpu.memory_space<hbm>>)
    %add3A_688 = arith.constant 576 : i32
    %add3A_689 = arith.addi %mul3A_2, %add3A_688 : i32
    %mul3A_690 = arith.constant 768 : i32
    %mul3A_691 = arith.muli %add3A_689, %mul3A_690 : i32
    %add3A_692 = arith.constant 576 : i32
    %add3A_693 = arith.addi %rem3A_3, %add3A_692 : i32
    %mul3A_694 = arith.constant 768 : i32
    %mul3A_695 = arith.muli %add3A_693, %mul3A_694 : i32
    %dma_start3A_696 = tpu.memref_slice %arg2[%mul3A_691] : memref<25165824xf32, #tpu.memory_space<hbm>> -> memref<24576xf32, #tpu.memory_space<hbm>>
    %dma_start3A_697 = tpu.memref_slice %arg2[%mul3A_691] : memref<25165824xf32, #tpu.memory_space<hbm>> -> memref<24576xf32, #tpu.memory_space<hbm>>
    tpu.enqueue_dma source(%dma_start3A_697 : memref<24576xf32, #tpu.memory_space<hbm>>) target(%arg5 : memref<24576xf32, #tpu.memory_space<vmem>>) target_semaphore(%arg9 : memref<!tpu.dma_semaphore, #tpu.memory_space<semaphore_mem>>)
    %dma_start3A_698 = tpu.memref_slice %arg3[%mul3A_695] : memref<6291456xf32, #tpu.memory_space<hbm>> -> memref<24576xf32, #tpu.memory_space<hbm>>
    %dma_start3A_699 = tpu.memref_slice %arg3[%mul3A_695] : memref<6291456xf32, #tpu.memory_space<hbm>> -> memref<24576xf32, #tpu.memory_space<hbm>>
    tpu.enqueue_dma source(%dma_start3A_699 : memref<24576xf32, #tpu.memory_space<hbm>>) target(%arg7 : memref<24576xf32, #tpu.memory_space<vmem>>) target_semaphore(%arg9 : memref<!tpu.dma_semaphore, #tpu.memory_space<semaphore_mem>>)
    %parallel_loop3A_700 = arith.constant 0 : i32
    %parallel_loop3A_701 = arith.constant 24576 : i32
    %parallel_loop3A_702 = arith.constant 16 : i32
    scf.for %parallel_loop3A_1249 = %parallel_loop3A_700 to %parallel_loop3A_701 step %parallel_loop3A_702  : i32 {
      %parallel_loop3A_1250 = arith.index_cast %parallel_loop3A_1249 : i32 to index
      %parallel_loop3A_1251 = tpu.vector_load %arg6[%parallel_loop3A_1250] {strides = array<i32>} : memref<24576xf32, #tpu.memory_space<vmem>>, vector<16xf32>,
      %parallel_loop3A_1252 = vector.shape_cast %parallel_loop3A_1251 : vector<16xf32> to vector<16xf32>
      %parallel_loop3A_1253 = arith.index_cast %parallel_loop3A_1249 : i32 to index
      %parallel_loop3A_1254 = tpu.vector_load %arg8[%parallel_loop3A_1253] {strides = array<i32>} : memref<24576xf32, #tpu.memory_space<vmem>>, vector<16xf32>,
      %parallel_loop3A_1255 = vector.shape_cast %parallel_loop3A_1254 : vector<16xf32> to vector<16xf32>
      %parallel_loop3A_1256 = arith.addf %parallel_loop3A_1252, %parallel_loop3A_1255 : vector<16xf32>
      %parallel_loop3A_1257 = arith.index_cast %parallel_loop3A_1249 : i32 to index
      %parallel_loop3A_1258 = tpu.vector_load %arg6[%parallel_loop3A_1257] {strides = array<i32>} : memref<24576xf32, #tpu.memory_space<vmem>>, vector<16xf32>,
      %parallel_loop3A_1259 = vector.shape_cast %parallel_loop3A_1258 : vector<16xf32> to vector<16xf32>
      %parallel_loop3A_1260 = vector.shape_cast %parallel_loop3A_1256 : vector<16xf32> to vector<16xf32>
      tpu.vector_store %arg6[%parallel_loop3A_1257], %parallel_loop3A_1260 {strides = array<i32>} : memref<24576xf32, #tpu.memory_space<vmem>>, vector<16xf32>,
    } {sc.loop_unroll_factor = 8 : i64, sc.parallel_access}
    %add3A_703 = arith.constant 544 : i32
    %add3A_704 = arith.addi %mul3A_2, %add3A_703 : i32
    %mul3A_705 = arith.constant 768 : i32
    %mul3A_706 = arith.muli %add3A_704, %mul3A_705 : i32
    %dma_start3A_707 = tpu.memref_slice %arg4[%mul3A_706] : memref<25165824xf32, #tpu.memory_space<hbm>> -> memref<24576xf32, #tpu.memory_space<hbm>>
    %dma_start3A_708 = tpu.memref_slice %arg4[%mul3A_706] : memref<25165824xf32, #tpu.memory_space<hbm>> -> memref<24576xf32, #tpu.memory_space<hbm>>
    tpu.enqueue_dma source(%arg6 : memref<24576xf32, #tpu.memory_space<vmem>>) target(%dma_start3A_708 : memref<24576xf32, #tpu.memory_space<hbm>>) target_semaphore(%arg12 : memref<!tpu.dma_semaphore, #tpu.memory_space<semaphore_mem>>)
    %add3A_709 = arith.constant 576 : i32
    %add3A_710 = arith.addi %mul3A_2, %add3A_709 : i32
    %mul3A_711 = arith.constant 768 : i32
    %mul3A_712 = arith.muli %add3A_710, %mul3A_711 : i32
    %add3A_713 = arith.constant 576 : i32
    %add3A_714 = arith.addi %rem3A_3, %add3A_713 : i32
    %mul3A_715 = arith.constant 768 : i32
    %mul3A_716 = arith.muli %add3A_714, %mul3A_715 : i32
    %dma_wait3A_717 = tpu.memref_slice %arg2[%mul3A_712] : memref<25165824xf32, #tpu.memory_space<hbm>> -> memref<24576xf32, #tpu.memory_space<hbm>>
    %dma_wait3A_718 = tpu.memref_slice %arg2[%mul3A_712] : memref<25165824xf32, #tpu.memory_space<hbm>> -> memref<24576xf32, #tpu.memory_space<hbm>>
    tpu.wait_dma2 semaphore(%arg9 : memref<!tpu.dma_semaphore, #tpu.memory_space<semaphore_mem>>) src(%dma_wait3A_718 : memref<24576xf32, #tpu.memory_space<hbm>>) dst(%arg5 : memref<24576xf32, #tpu.memory_space<vmem>>)
    %dma_wait3A_719 = tpu.memref_slice %arg3[%mul3A_716] : memref<6291456xf32, #tpu.memory_space<hbm>> -> memref<24576xf32, #tpu.memory_space<hbm>>
    %dma_wait3A_720 = tpu.memref_slice %arg3[%mul3A_716] : memref<6291456xf32, #tpu.memory_space<hbm>> -> memref<24576xf32, #tpu.memory_space<hbm>>
    tpu.wait_dma2 semaphore(%arg9 : memref<!tpu.dma_semaphore, #tpu.memory_space<semaphore_mem>>) src(%dma_wait3A_720 : memref<24576xf32, #tpu.memory_space<hbm>>) dst(%arg7 : memref<24576xf32, #tpu.memory_space<vmem>>)
    %add3A_721 = arith.constant 544 : i32
    %add3A_722 = arith.addi %mul3A_2, %add3A_721 : i32
    %mul3A_723 = arith.constant 768 : i32
    %mul3A_724 = arith.muli %add3A_722, %mul3A_723 : i32
    %dma_wait3A_725 = tpu.memref_slice %arg4[%mul3A_724] : memref<25165824xf32, #tpu.memory_space<hbm>> -> memref<24576xf32, #tpu.memory_space<hbm>>
    %dma_wait3A_726 = tpu.memref_slice %arg4[%mul3A_724] : memref<25165824xf32, #tpu.memory_space<hbm>> -> memref<24576xf32, #tpu.memory_space<hbm>>
    tpu.wait_dma2 semaphore(%arg12 : memref<!tpu.dma_semaphore, #tpu.memory_space<semaphore_mem>>) src(%arg6 : memref<24576xf32, #tpu.memory_space<vmem>>) dst(%dma_wait3A_726 : memref<24576xf32, #tpu.memory_space<hbm>>)
    %add3A_727 = arith.constant 608 : i32
    %add3A_728 = arith.addi %mul3A_2, %add3A_727 : i32
    %mul3A_729 = arith.constant 768 : i32
    %mul3A_730 = arith.muli %add3A_728, %mul3A_729 : i32
    %add3A_731 = arith.constant 608 : i32
    %add3A_732 = arith.addi %rem3A_3, %add3A_731 : i32
    %mul3A_733 = arith.constant 768 : i32
    %mul3A_734 = arith.muli %add3A_732, %mul3A_733 : i32
    %dma_start3A_735 = tpu.memref_slice %arg2[%mul3A_730] : memref<25165824xf32, #tpu.memory_space<hbm>> -> memref<24576xf32, #tpu.memory_space<hbm>>
    %dma_start3A_736 = tpu.memref_slice %arg2[%mul3A_730] : memref<25165824xf32, #tpu.memory_space<hbm>> -> memref<24576xf32, #tpu.memory_space<hbm>>
    tpu.enqueue_dma source(%dma_start3A_736 : memref<24576xf32, #tpu.memory_space<hbm>>) target(%arg6 : memref<24576xf32, #tpu.memory_space<vmem>>) target_semaphore(%arg10 : memref<!tpu.dma_semaphore, #tpu.memory_space<semaphore_mem>>)
    %dma_start3A_737 = tpu.memref_slice %arg3[%mul3A_734] : memref<6291456xf32, #tpu.memory_space<hbm>> -> memref<24576xf32, #tpu.memory_space<hbm>>
    %dma_start3A_738 = tpu.memref_slice %arg3[%mul3A_734] : memref<6291456xf32, #tpu.memory_space<hbm>> -> memref<24576xf32, #tpu.memory_space<hbm>>
    tpu.enqueue_dma source(%dma_start3A_738 : memref<24576xf32, #tpu.memory_space<hbm>>) target(%arg8 : memref<24576xf32, #tpu.memory_space<vmem>>) target_semaphore(%arg10 : memref<!tpu.dma_semaphore, #tpu.memory_space<semaphore_mem>>)
    %parallel_loop3A_739 = arith.constant 0 : i32
    %parallel_loop3A_740 = arith.constant 24576 : i32
    %parallel_loop3A_741 = arith.constant 16 : i32
    scf.for %parallel_loop3A_1249 = %parallel_loop3A_739 to %parallel_loop3A_740 step %parallel_loop3A_741  : i32 {
      %parallel_loop3A_1250 = arith.index_cast %parallel_loop3A_1249 : i32 to index
      %parallel_loop3A_1251 = tpu.vector_load %arg5[%parallel_loop3A_1250] {strides = array<i32>} : memref<24576xf32, #tpu.memory_space<vmem>>, vector<16xf32>,
      %parallel_loop3A_1252 = vector.shape_cast %parallel_loop3A_1251 : vector<16xf32> to vector<16xf32>
      %parallel_loop3A_1253 = arith.index_cast %parallel_loop3A_1249 : i32 to index
      %parallel_loop3A_1254 = tpu.vector_load %arg7[%parallel_loop3A_1253] {strides = array<i32>} : memref<24576xf32, #tpu.memory_space<vmem>>, vector<16xf32>,
      %parallel_loop3A_1255 = vector.shape_cast %parallel_loop3A_1254 : vector<16xf32> to vector<16xf32>
      %parallel_loop3A_1256 = arith.addf %parallel_loop3A_1252, %parallel_loop3A_1255 : vector<16xf32>
      %parallel_loop3A_1257 = arith.index_cast %parallel_loop3A_1249 : i32 to index
      %parallel_loop3A_1258 = tpu.vector_load %arg5[%parallel_loop3A_1257] {strides = array<i32>} : memref<24576xf32, #tpu.memory_space<vmem>>, vector<16xf32>,
      %parallel_loop3A_1259 = vector.shape_cast %parallel_loop3A_1258 : vector<16xf32> to vector<16xf32>
      %parallel_loop3A_1260 = vector.shape_cast %parallel_loop3A_1256 : vector<16xf32> to vector<16xf32>
      tpu.vector_store %arg5[%parallel_loop3A_1257], %parallel_loop3A_1260 {strides = array<i32>} : memref<24576xf32, #tpu.memory_space<vmem>>, vector<16xf32>,
    } {sc.loop_unroll_factor = 8 : i64, sc.parallel_access}
    %add3A_742 = arith.constant 576 : i32
    %add3A_743 = arith.addi %mul3A_2, %add3A_742 : i32
    %mul3A_744 = arith.constant 768 : i32
    %mul3A_745 = arith.muli %add3A_743, %mul3A_744 : i32
    %dma_start3A_746 = tpu.memref_slice %arg4[%mul3A_745] : memref<25165824xf32, #tpu.memory_space<hbm>> -> memref<24576xf32, #tpu.memory_space<hbm>>
    %dma_start3A_747 = tpu.memref_slice %arg4[%mul3A_745] : memref<25165824xf32, #tpu.memory_space<hbm>> -> memref<24576xf32, #tpu.memory_space<hbm>>
    tpu.enqueue_dma source(%arg5 : memref<24576xf32, #tpu.memory_space<vmem>>) target(%dma_start3A_747 : memref<24576xf32, #tpu.memory_space<hbm>>) target_semaphore(%arg11 : memref<!tpu.dma_semaphore, #tpu.memory_space<semaphore_mem>>)
    %add3A_748 = arith.constant 608 : i32
    %add3A_749 = arith.addi %mul3A_2, %add3A_748 : i32
    %mul3A_750 = arith.constant 768 : i32
    %mul3A_751 = arith.muli %add3A_749, %mul3A_750 : i32
    %add3A_752 = arith.constant 608 : i32
    %add3A_753 = arith.addi %rem3A_3, %add3A_752 : i32
    %mul3A_754 = arith.constant 768 : i32
    %mul3A_755 = arith.muli %add3A_753, %mul3A_754 : i32
    %dma_wait3A_756 = tpu.memref_slice %arg2[%mul3A_751] : memref<25165824xf32, #tpu.memory_space<hbm>> -> memref<24576xf32, #tpu.memory_space<hbm>>
    %dma_wait3A_757 = tpu.memref_slice %arg2[%mul3A_751] : memref<25165824xf32, #tpu.memory_space<hbm>> -> memref<24576xf32, #tpu.memory_space<hbm>>
    tpu.wait_dma2 semaphore(%arg10 : memref<!tpu.dma_semaphore, #tpu.memory_space<semaphore_mem>>) src(%dma_wait3A_757 : memref<24576xf32, #tpu.memory_space<hbm>>) dst(%arg6 : memref<24576xf32, #tpu.memory_space<vmem>>)
    %dma_wait3A_758 = tpu.memref_slice %arg3[%mul3A_755] : memref<6291456xf32, #tpu.memory_space<hbm>> -> memref<24576xf32, #tpu.memory_space<hbm>>
    %dma_wait3A_759 = tpu.memref_slice %arg3[%mul3A_755] : memref<6291456xf32, #tpu.memory_space<hbm>> -> memref<24576xf32, #tpu.memory_space<hbm>>
    tpu.wait_dma2 semaphore(%arg10 : memref<!tpu.dma_semaphore, #tpu.memory_space<semaphore_mem>>) src(%dma_wait3A_759 : memref<24576xf32, #tpu.memory_space<hbm>>) dst(%arg8 : memref<24576xf32, #tpu.memory_space<vmem>>)
    %add3A_760 = arith.constant 576 : i32
    %add3A_761 = arith.addi %mul3A_2, %add3A_760 : i32
    %mul3A_762 = arith.constant 768 : i32
    %mul3A_763 = arith.muli %add3A_761, %mul3A_762 : i32
    %dma_wait3A_764 = tpu.memref_slice %arg4[%mul3A_763] : memref<25165824xf32, #tpu.memory_space<hbm>> -> memref<24576xf32, #tpu.memory_space<hbm>>
    %dma_wait3A_765 = tpu.memref_slice %arg4[%mul3A_763] : memref<25165824xf32, #tpu.memory_space<hbm>> -> memref<24576xf32, #tpu.memory_space<hbm>>
    tpu.wait_dma2 semaphore(%arg11 : memref<!tpu.dma_semaphore, #tpu.memory_space<semaphore_mem>>) src(%arg5 : memref<24576xf32, #tpu.memory_space<vmem>>) dst(%dma_wait3A_765 : memref<24576xf32, #tpu.memory_space<hbm>>)
    %add3A_766 = arith.constant 640 : i32
    %add3A_767 = arith.addi %mul3A_2, %add3A_766 : i32
    %mul3A_768 = arith.constant 768 : i32
    %mul3A_769 = arith.muli %add3A_767, %mul3A_768 : i32
    %add3A_770 = arith.constant 640 : i32
    %add3A_771 = arith.addi %rem3A_3, %add3A_770 : i32
    %mul3A_772 = arith.constant 768 : i32
    %mul3A_773 = arith.muli %add3A_771, %mul3A_772 : i32
    %dma_start3A_774 = tpu.memref_slice %arg2[%mul3A_769] : memref<25165824xf32, #tpu.memory_space<hbm>> -> memref<24576xf32, #tpu.memory_space<hbm>>
    %dma_start3A_775 = tpu.memref_slice %arg2[%mul3A_769] : memref<25165824xf32, #tpu.memory_space<hbm>> -> memref<24576xf32, #tpu.memory_space<hbm>>
    tpu.enqueue_dma source(%dma_start3A_775 : memref<24576xf32, #tpu.memory_space<hbm>>) target(%arg5 : memref<24576xf32, #tpu.memory_space<vmem>>) target_semaphore(%arg9 : memref<!tpu.dma_semaphore, #tpu.memory_space<semaphore_mem>>)
    %dma_start3A_776 = tpu.memref_slice %arg3[%mul3A_773] : memref<6291456xf32, #tpu.memory_space<hbm>> -> memref<24576xf32, #tpu.memory_space<hbm>>
    %dma_start3A_777 = tpu.memref_slice %arg3[%mul3A_773] : memref<6291456xf32, #tpu.memory_space<hbm>> -> memref<24576xf32, #tpu.memory_space<hbm>>
    tpu.enqueue_dma source(%dma_start3A_777 : memref<24576xf32, #tpu.memory_space<hbm>>) target(%arg7 : memref<24576xf32, #tpu.memory_space<vmem>>) target_semaphore(%arg9 : memref<!tpu.dma_semaphore, #tpu.memory_space<semaphore_mem>>)
    %parallel_loop3A_778 = arith.constant 0 : i32
    %parallel_loop3A_779 = arith.constant 24576 : i32
    %parallel_loop3A_780 = arith.constant 16 : i32
    scf.for %parallel_loop3A_1249 = %parallel_loop3A_778 to %parallel_loop3A_779 step %parallel_loop3A_780  : i32 {
      %parallel_loop3A_1250 = arith.index_cast %parallel_loop3A_1249 : i32 to index
      %parallel_loop3A_1251 = tpu.vector_load %arg6[%parallel_loop3A_1250] {strides = array<i32>} : memref<24576xf32, #tpu.memory_space<vmem>>, vector<16xf32>,
      %parallel_loop3A_1252 = vector.shape_cast %parallel_loop3A_1251 : vector<16xf32> to vector<16xf32>
      %parallel_loop3A_1253 = arith.index_cast %parallel_loop3A_1249 : i32 to index
      %parallel_loop3A_1254 = tpu.vector_load %arg8[%parallel_loop3A_1253] {strides = array<i32>} : memref<24576xf32, #tpu.memory_space<vmem>>, vector<16xf32>,
      %parallel_loop3A_1255 = vector.shape_cast %parallel_loop3A_1254 : vector<16xf32> to vector<16xf32>
      %parallel_loop3A_1256 = arith.addf %parallel_loop3A_1252, %parallel_loop3A_1255 : vector<16xf32>
      %parallel_loop3A_1257 = arith.index_cast %parallel_loop3A_1249 : i32 to index
      %parallel_loop3A_1258 = tpu.vector_load %arg6[%parallel_loop3A_1257] {strides = array<i32>} : memref<24576xf32, #tpu.memory_space<vmem>>, vector<16xf32>,
      %parallel_loop3A_1259 = vector.shape_cast %parallel_loop3A_1258 : vector<16xf32> to vector<16xf32>
      %parallel_loop3A_1260 = vector.shape_cast %parallel_loop3A_1256 : vector<16xf32> to vector<16xf32>
      tpu.vector_store %arg6[%parallel_loop3A_1257], %parallel_loop3A_1260 {strides = array<i32>} : memref<24576xf32, #tpu.memory_space<vmem>>, vector<16xf32>,
    } {sc.loop_unroll_factor = 8 : i64, sc.parallel_access}
    %add3A_781 = arith.constant 608 : i32
    %add3A_782 = arith.addi %mul3A_2, %add3A_781 : i32
    %mul3A_783 = arith.constant 768 : i32
    %mul3A_784 = arith.muli %add3A_782, %mul3A_783 : i32
    %dma_start3A_785 = tpu.memref_slice %arg4[%mul3A_784] : memref<25165824xf32, #tpu.memory_space<hbm>> -> memref<24576xf32, #tpu.memory_space<hbm>>
    %dma_start3A_786 = tpu.memref_slice %arg4[%mul3A_784] : memref<25165824xf32, #tpu.memory_space<hbm>> -> memref<24576xf32, #tpu.memory_space<hbm>>
    tpu.enqueue_dma source(%arg6 : memref<24576xf32, #tpu.memory_space<vmem>>) target(%dma_start3A_786 : memref<24576xf32, #tpu.memory_space<hbm>>) target_semaphore(%arg12 : memref<!tpu.dma_semaphore, #tpu.memory_space<semaphore_mem>>)
    %add3A_787 = arith.constant 640 : i32
    %add3A_788 = arith.addi %mul3A_2, %add3A_787 : i32
    %mul3A_789 = arith.constant 768 : i32
    %mul3A_790 = arith.muli %add3A_788, %mul3A_789 : i32
    %add3A_791 = arith.constant 640 : i32
    %add3A_792 = arith.addi %rem3A_3, %add3A_791 : i32
    %mul3A_793 = arith.constant 768 : i32
    %mul3A_794 = arith.muli %add3A_792, %mul3A_793 : i32
    %dma_wait3A_795 = tpu.memref_slice %arg2[%mul3A_790] : memref<25165824xf32, #tpu.memory_space<hbm>> -> memref<24576xf32, #tpu.memory_space<hbm>>
    %dma_wait3A_796 = tpu.memref_slice %arg2[%mul3A_790] : memref<25165824xf32, #tpu.memory_space<hbm>> -> memref<24576xf32, #tpu.memory_space<hbm>>
    tpu.wait_dma2 semaphore(%arg9 : memref<!tpu.dma_semaphore, #tpu.memory_space<semaphore_mem>>) src(%dma_wait3A_796 : memref<24576xf32, #tpu.memory_space<hbm>>) dst(%arg5 : memref<24576xf32, #tpu.memory_space<vmem>>)
    %dma_wait3A_797 = tpu.memref_slice %arg3[%mul3A_794] : memref<6291456xf32, #tpu.memory_space<hbm>> -> memref<24576xf32, #tpu.memory_space<hbm>>
    %dma_wait3A_798 = tpu.memref_slice %arg3[%mul3A_794] : memref<6291456xf32, #tpu.memory_space<hbm>> -> memref<24576xf32, #tpu.memory_space<hbm>>
    tpu.wait_dma2 semaphore(%arg9 : memref<!tpu.dma_semaphore, #tpu.memory_space<semaphore_mem>>) src(%dma_wait3A_798 : memref<24576xf32, #tpu.memory_space<hbm>>) dst(%arg7 : memref<24576xf32, #tpu.memory_space<vmem>>)
    %add3A_799 = arith.constant 608 : i32
    %add3A_800 = arith.addi %mul3A_2, %add3A_799 : i32
    %mul3A_801 = arith.constant 768 : i32
    %mul3A_802 = arith.muli %add3A_800, %mul3A_801 : i32
    %dma_wait3A_803 = tpu.memref_slice %arg4[%mul3A_802] : memref<25165824xf32, #tpu.memory_space<hbm>> -> memref<24576xf32, #tpu.memory_space<hbm>>
    %dma_wait3A_804 = tpu.memref_slice %arg4[%mul3A_802] : memref<25165824xf32, #tpu.memory_space<hbm>> -> memref<24576xf32, #tpu.memory_space<hbm>>
    tpu.wait_dma2 semaphore(%arg12 : memref<!tpu.dma_semaphore, #tpu.memory_space<semaphore_mem>>) src(%arg6 : memref<24576xf32, #tpu.memory_space<vmem>>) dst(%dma_wait3A_804 : memref<24576xf32, #tpu.memory_space<hbm>>)
    %add3A_805 = arith.constant 672 : i32
    %add3A_806 = arith.addi %mul3A_2, %add3A_805 : i32
    %mul3A_807 = arith.constant 768 : i32
    %mul3A_808 = arith.muli %add3A_806, %mul3A_807 : i32
    %add3A_809 = arith.constant 672 : i32
    %add3A_810 = arith.addi %rem3A_3, %add3A_809 : i32
    %mul3A_811 = arith.constant 768 : i32
    %mul3A_812 = arith.muli %add3A_810, %mul3A_811 : i32
    %dma_start3A_813 = tpu.memref_slice %arg2[%mul3A_808] : memref<25165824xf32, #tpu.memory_space<hbm>> -> memref<24576xf32, #tpu.memory_space<hbm>>
    %dma_start3A_814 = tpu.memref_slice %arg2[%mul3A_808] : memref<25165824xf32, #tpu.memory_space<hbm>> -> memref<24576xf32, #tpu.memory_space<hbm>>
    tpu.enqueue_dma source(%dma_start3A_814 : memref<24576xf32, #tpu.memory_space<hbm>>) target(%arg6 : memref<24576xf32, #tpu.memory_space<vmem>>) target_semaphore(%arg10 : memref<!tpu.dma_semaphore, #tpu.memory_space<semaphore_mem>>)
    %dma_start3A_815 = tpu.memref_slice %arg3[%mul3A_812] : memref<6291456xf32, #tpu.memory_space<hbm>> -> memref<24576xf32, #tpu.memory_space<hbm>>
    %dma_start3A_816 = tpu.memref_slice %arg3[%mul3A_812] : memref<6291456xf32, #tpu.memory_space<hbm>> -> memref<24576xf32, #tpu.memory_space<hbm>>
    tpu.enqueue_dma source(%dma_start3A_816 : memref<24576xf32, #tpu.memory_space<hbm>>) target(%arg8 : memref<24576xf32, #tpu.memory_space<vmem>>) target_semaphore(%arg10 : memref<!tpu.dma_semaphore, #tpu.memory_space<semaphore_mem>>)
    %parallel_loop3A_817 = arith.constant 0 : i32
    %parallel_loop3A_818 = arith.constant 24576 : i32
    %parallel_loop3A_819 = arith.constant 16 : i32
    scf.for %parallel_loop3A_1249 = %parallel_loop3A_817 to %parallel_loop3A_818 step %parallel_loop3A_819  : i32 {
      %parallel_loop3A_1250 = arith.index_cast %parallel_loop3A_1249 : i32 to index
      %parallel_loop3A_1251 = tpu.vector_load %arg5[%parallel_loop3A_1250] {strides = array<i32>} : memref<24576xf32, #tpu.memory_space<vmem>>, vector<16xf32>,
      %parallel_loop3A_1252 = vector.shape_cast %parallel_loop3A_1251 : vector<16xf32> to vector<16xf32>
      %parallel_loop3A_1253 = arith.index_cast %parallel_loop3A_1249 : i32 to index
      %parallel_loop3A_1254 = tpu.vector_load %arg7[%parallel_loop3A_1253] {strides = array<i32>} : memref<24576xf32, #tpu.memory_space<vmem>>, vector<16xf32>,
      %parallel_loop3A_1255 = vector.shape_cast %parallel_loop3A_1254 : vector<16xf32> to vector<16xf32>
      %parallel_loop3A_1256 = arith.addf %parallel_loop3A_1252, %parallel_loop3A_1255 : vector<16xf32>
      %parallel_loop3A_1257 = arith.index_cast %parallel_loop3A_1249 : i32 to index
      %parallel_loop3A_1258 = tpu.vector_load %arg5[%parallel_loop3A_1257] {strides = array<i32>} : memref<24576xf32, #tpu.memory_space<vmem>>, vector<16xf32>,
      %parallel_loop3A_1259 = vector.shape_cast %parallel_loop3A_1258 : vector<16xf32> to vector<16xf32>
      %parallel_loop3A_1260 = vector.shape_cast %parallel_loop3A_1256 : vector<16xf32> to vector<16xf32>
      tpu.vector_store %arg5[%parallel_loop3A_1257], %parallel_loop3A_1260 {strides = array<i32>} : memref<24576xf32, #tpu.memory_space<vmem>>, vector<16xf32>,
    } {sc.loop_unroll_factor = 8 : i64, sc.parallel_access}
    %add3A_820 = arith.constant 640 : i32
    %add3A_821 = arith.addi %mul3A_2, %add3A_820 : i32
    %mul3A_822 = arith.constant 768 : i32
    %mul3A_823 = arith.muli %add3A_821, %mul3A_822 : i32
    %dma_start3A_824 = tpu.memref_slice %arg4[%mul3A_823] : memref<25165824xf32, #tpu.memory_space<hbm>> -> memref<24576xf32, #tpu.memory_space<hbm>>
    %dma_start3A_825 = tpu.memref_slice %arg4[%mul3A_823] : memref<25165824xf32, #tpu.memory_space<hbm>> -> memref<24576xf32, #tpu.memory_space<hbm>>
    tpu.enqueue_dma source(%arg5 : memref<24576xf32, #tpu.memory_space<vmem>>) target(%dma_start3A_825 : memref<24576xf32, #tpu.memory_space<hbm>>) target_semaphore(%arg11 : memref<!tpu.dma_semaphore, #tpu.memory_space<semaphore_mem>>)
    %add3A_826 = arith.constant 672 : i32
    %add3A_827 = arith.addi %mul3A_2, %add3A_826 : i32
    %mul3A_828 = arith.constant 768 : i32
    %mul3A_829 = arith.muli %add3A_827, %mul3A_828 : i32
    %add3A_830 = arith.constant 672 : i32
    %add3A_831 = arith.addi %rem3A_3, %add3A_830 : i32
    %mul3A_832 = arith.constant 768 : i32
    %mul3A_833 = arith.muli %add3A_831, %mul3A_832 : i32
    %dma_wait3A_834 = tpu.memref_slice %arg2[%mul3A_829] : memref<25165824xf32, #tpu.memory_space<hbm>> -> memref<24576xf32, #tpu.memory_space<hbm>>
    %dma_wait3A_835 = tpu.memref_slice %arg2[%mul3A_829] : memref<25165824xf32, #tpu.memory_space<hbm>> -> memref<24576xf32, #tpu.memory_space<hbm>>
    tpu.wait_dma2 semaphore(%arg10 : memref<!tpu.dma_semaphore, #tpu.memory_space<semaphore_mem>>) src(%dma_wait3A_835 : memref<24576xf32, #tpu.memory_space<hbm>>) dst(%arg6 : memref<24576xf32, #tpu.memory_space<vmem>>)
    %dma_wait3A_836 = tpu.memref_slice %arg3[%mul3A_833] : memref<6291456xf32, #tpu.memory_space<hbm>> -> memref<24576xf32, #tpu.memory_space<hbm>>
    %dma_wait3A_837 = tpu.memref_slice %arg3[%mul3A_833] : memref<6291456xf32, #tpu.memory_space<hbm>> -> memref<24576xf32, #tpu.memory_space<hbm>>
    tpu.wait_dma2 semaphore(%arg10 : memref<!tpu.dma_semaphore, #tpu.memory_space<semaphore_mem>>) src(%dma_wait3A_837 : memref<24576xf32, #tpu.memory_space<hbm>>) dst(%arg8 : memref<24576xf32, #tpu.memory_space<vmem>>)
    %add3A_838 = arith.constant 640 : i32
    %add3A_839 = arith.addi %mul3A_2, %add3A_838 : i32
    %mul3A_840 = arith.constant 768 : i32
    %mul3A_841 = arith.muli %add3A_839, %mul3A_840 : i32
    %dma_wait3A_842 = tpu.memref_slice %arg4[%mul3A_841] : memref<25165824xf32, #tpu.memory_space<hbm>> -> memref<24576xf32, #tpu.memory_space<hbm>>
    %dma_wait3A_843 = tpu.memref_slice %arg4[%mul3A_841] : memref<25165824xf32, #tpu.memory_space<hbm>> -> memref<24576xf32, #tpu.memory_space<hbm>>
    tpu.wait_dma2 semaphore(%arg11 : memref<!tpu.dma_semaphore, #tpu.memory_space<semaphore_mem>>) src(%arg5 : memref<24576xf32, #tpu.memory_space<vmem>>) dst(%dma_wait3A_843 : memref<24576xf32, #tpu.memory_space<hbm>>)
    %add3A_844 = arith.constant 704 : i32
    %add3A_845 = arith.addi %mul3A_2, %add3A_844 : i32
    %mul3A_846 = arith.constant 768 : i32
    %mul3A_847 = arith.muli %add3A_845, %mul3A_846 : i32
    %add3A_848 = arith.constant 704 : i32
    %add3A_849 = arith.addi %rem3A_3, %add3A_848 : i32
    %mul3A_850 = arith.constant 768 : i32
    %mul3A_851 = arith.muli %add3A_849, %mul3A_850 : i32
    %dma_start3A_852 = tpu.memref_slice %arg2[%mul3A_847] : memref<25165824xf32, #tpu.memory_space<hbm>> -> memref<24576xf32, #tpu.memory_space<hbm>>
    %dma_start3A_853 = tpu.memref_slice %arg2[%mul3A_847] : memref<25165824xf32, #tpu.memory_space<hbm>> -> memref<24576xf32, #tpu.memory_space<hbm>>
    tpu.enqueue_dma source(%dma_start3A_853 : memref<24576xf32, #tpu.memory_space<hbm>>) target(%arg5 : memref<24576xf32, #tpu.memory_space<vmem>>) target_semaphore(%arg9 : memref<!tpu.dma_semaphore, #tpu.memory_space<semaphore_mem>>)
    %dma_start3A_854 = tpu.memref_slice %arg3[%mul3A_851] : memref<6291456xf32, #tpu.memory_space<hbm>> -> memref<24576xf32, #tpu.memory_space<hbm>>
    %dma_start3A_855 = tpu.memref_slice %arg3[%mul3A_851] : memref<6291456xf32, #tpu.memory_space<hbm>> -> memref<24576xf32, #tpu.memory_space<hbm>>
    tpu.enqueue_dma source(%dma_start3A_855 : memref<24576xf32, #tpu.memory_space<hbm>>) target(%arg7 : memref<24576xf32, #tpu.memory_space<vmem>>) target_semaphore(%arg9 : memref<!tpu.dma_semaphore, #tpu.memory_space<semaphore_mem>>)
    %parallel_loop3A_856 = arith.constant 0 : i32
    %parallel_loop3A_857 = arith.constant 24576 : i32
    %parallel_loop3A_858 = arith.constant 16 : i32
    scf.for %parallel_loop3A_1249 = %parallel_loop3A_856 to %parallel_loop3A_857 step %parallel_loop3A_858  : i32 {
      %parallel_loop3A_1250 = arith.index_cast %parallel_loop3A_1249 : i32 to index
      %parallel_loop3A_1251 = tpu.vector_load %arg6[%parallel_loop3A_1250] {strides = array<i32>} : memref<24576xf32, #tpu.memory_space<vmem>>, vector<16xf32>,
      %parallel_loop3A_1252 = vector.shape_cast %parallel_loop3A_1251 : vector<16xf32> to vector<16xf32>
      %parallel_loop3A_1253 = arith.index_cast %parallel_loop3A_1249 : i32 to index
      %parallel_loop3A_1254 = tpu.vector_load %arg8[%parallel_loop3A_1253] {strides = array<i32>} : memref<24576xf32, #tpu.memory_space<vmem>>, vector<16xf32>,
      %parallel_loop3A_1255 = vector.shape_cast %parallel_loop3A_1254 : vector<16xf32> to vector<16xf32>
      %parallel_loop3A_1256 = arith.addf %parallel_loop3A_1252, %parallel_loop3A_1255 : vector<16xf32>
      %parallel_loop3A_1257 = arith.index_cast %parallel_loop3A_1249 : i32 to index
      %parallel_loop3A_1258 = tpu.vector_load %arg6[%parallel_loop3A_1257] {strides = array<i32>} : memref<24576xf32, #tpu.memory_space<vmem>>, vector<16xf32>,
      %parallel_loop3A_1259 = vector.shape_cast %parallel_loop3A_1258 : vector<16xf32> to vector<16xf32>
      %parallel_loop3A_1260 = vector.shape_cast %parallel_loop3A_1256 : vector<16xf32> to vector<16xf32>
      tpu.vector_store %arg6[%parallel_loop3A_1257], %parallel_loop3A_1260 {strides = array<i32>} : memref<24576xf32, #tpu.memory_space<vmem>>, vector<16xf32>,
    } {sc.loop_unroll_factor = 8 : i64, sc.parallel_access}
    %add3A_859 = arith.constant 672 : i32
    %add3A_860 = arith.addi %mul3A_2, %add3A_859 : i32
    %mul3A_861 = arith.constant 768 : i32
    %mul3A_862 = arith.muli %add3A_860, %mul3A_861 : i32
    %dma_start3A_863 = tpu.memref_slice %arg4[%mul3A_862] : memref<25165824xf32, #tpu.memory_space<hbm>> -> memref<24576xf32, #tpu.memory_space<hbm>>
    %dma_start3A_864 = tpu.memref_slice %arg4[%mul3A_862] : memref<25165824xf32, #tpu.memory_space<hbm>> -> memref<24576xf32, #tpu.memory_space<hbm>>
    tpu.enqueue_dma source(%arg6 : memref<24576xf32, #tpu.memory_space<vmem>>) target(%dma_start3A_864 : memref<24576xf32, #tpu.memory_space<hbm>>) target_semaphore(%arg12 : memref<!tpu.dma_semaphore, #tpu.memory_space<semaphore_mem>>)
    %add3A_865 = arith.constant 704 : i32
    %add3A_866 = arith.addi %mul3A_2, %add3A_865 : i32
    %mul3A_867 = arith.constant 768 : i32
    %mul3A_868 = arith.muli %add3A_866, %mul3A_867 : i32
    %add3A_869 = arith.constant 704 : i32
    %add3A_870 = arith.addi %rem3A_3, %add3A_869 : i32
    %mul3A_871 = arith.constant 768 : i32
    %mul3A_872 = arith.muli %add3A_870, %mul3A_871 : i32
    %dma_wait3A_873 = tpu.memref_slice %arg2[%mul3A_868] : memref<25165824xf32, #tpu.memory_space<hbm>> -> memref<24576xf32, #tpu.memory_space<hbm>>
    %dma_wait3A_874 = tpu.memref_slice %arg2[%mul3A_868] : memref<25165824xf32, #tpu.memory_space<hbm>> -> memref<24576xf32, #tpu.memory_space<hbm>>
    tpu.wait_dma2 semaphore(%arg9 : memref<!tpu.dma_semaphore, #tpu.memory_space<semaphore_mem>>) src(%dma_wait3A_874 : memref<24576xf32, #tpu.memory_space<hbm>>) dst(%arg5 : memref<24576xf32, #tpu.memory_space<vmem>>)
    %dma_wait3A_875 = tpu.memref_slice %arg3[%mul3A_872] : memref<6291456xf32, #tpu.memory_space<hbm>> -> memref<24576xf32, #tpu.memory_space<hbm>>
    %dma_wait3A_876 = tpu.memref_slice %arg3[%mul3A_872] : memref<6291456xf32, #tpu.memory_space<hbm>> -> memref<24576xf32, #tpu.memory_space<hbm>>
    tpu.wait_dma2 semaphore(%arg9 : memref<!tpu.dma_semaphore, #tpu.memory_space<semaphore_mem>>) src(%dma_wait3A_876 : memref<24576xf32, #tpu.memory_space<hbm>>) dst(%arg7 : memref<24576xf32, #tpu.memory_space<vmem>>)
    %add3A_877 = arith.constant 672 : i32
    %add3A_878 = arith.addi %mul3A_2, %add3A_877 : i32
    %mul3A_879 = arith.constant 768 : i32
    %mul3A_880 = arith.muli %add3A_878, %mul3A_879 : i32
    %dma_wait3A_881 = tpu.memref_slice %arg4[%mul3A_880] : memref<25165824xf32, #tpu.memory_space<hbm>> -> memref<24576xf32, #tpu.memory_space<hbm>>
    %dma_wait3A_882 = tpu.memref_slice %arg4[%mul3A_880] : memref<25165824xf32, #tpu.memory_space<hbm>> -> memref<24576xf32, #tpu.memory_space<hbm>>
    tpu.wait_dma2 semaphore(%arg12 : memref<!tpu.dma_semaphore, #tpu.memory_space<semaphore_mem>>) src(%arg6 : memref<24576xf32, #tpu.memory_space<vmem>>) dst(%dma_wait3A_882 : memref<24576xf32, #tpu.memory_space<hbm>>)
    %add3A_883 = arith.constant 736 : i32
    %add3A_884 = arith.addi %mul3A_2, %add3A_883 : i32
    %mul3A_885 = arith.constant 768 : i32
    %mul3A_886 = arith.muli %add3A_884, %mul3A_885 : i32
    %add3A_887 = arith.constant 736 : i32
    %add3A_888 = arith.addi %rem3A_3, %add3A_887 : i32
    %mul3A_889 = arith.constant 768 : i32
    %mul3A_890 = arith.muli %add3A_888, %mul3A_889 : i32
    %dma_start3A_891 = tpu.memref_slice %arg2[%mul3A_886] : memref<25165824xf32, #tpu.memory_space<hbm>> -> memref<24576xf32, #tpu.memory_space<hbm>>
    %dma_start3A_892 = tpu.memref_slice %arg2[%mul3A_886] : memref<25165824xf32, #tpu.memory_space<hbm>> -> memref<24576xf32, #tpu.memory_space<hbm>>
    tpu.enqueue_dma source(%dma_start3A_892 : memref<24576xf32, #tpu.memory_space<hbm>>) target(%arg6 : memref<24576xf32, #tpu.memory_space<vmem>>) target_semaphore(%arg10 : memref<!tpu.dma_semaphore, #tpu.memory_space<semaphore_mem>>)
    %dma_start3A_893 = tpu.memref_slice %arg3[%mul3A_890] : memref<6291456xf32, #tpu.memory_space<hbm>> -> memref<24576xf32, #tpu.memory_space<hbm>>
    %dma_start3A_894 = tpu.memref_slice %arg3[%mul3A_890] : memref<6291456xf32, #tpu.memory_space<hbm>> -> memref<24576xf32, #tpu.memory_space<hbm>>
    tpu.enqueue_dma source(%dma_start3A_894 : memref<24576xf32, #tpu.memory_space<hbm>>) target(%arg8 : memref<24576xf32, #tpu.memory_space<vmem>>) target_semaphore(%arg10 : memref<!tpu.dma_semaphore, #tpu.memory_space<semaphore_mem>>)
    %parallel_loop3A_895 = arith.constant 0 : i32
    %parallel_loop3A_896 = arith.constant 24576 : i32
    %parallel_loop3A_897 = arith.constant 16 : i32
    scf.for %parallel_loop3A_1249 = %parallel_loop3A_895 to %parallel_loop3A_896 step %parallel_loop3A_897  : i32 {
      %parallel_loop3A_1250 = arith.index_cast %parallel_loop3A_1249 : i32 to index
      %parallel_loop3A_1251 = tpu.vector_load %arg5[%parallel_loop3A_1250] {strides = array<i32>} : memref<24576xf32, #tpu.memory_space<vmem>>, vector<16xf32>,
      %parallel_loop3A_1252 = vector.shape_cast %parallel_loop3A_1251 : vector<16xf32> to vector<16xf32>
      %parallel_loop3A_1253 = arith.index_cast %parallel_loop3A_1249 : i32 to index
      %parallel_loop3A_1254 = tpu.vector_load %arg7[%parallel_loop3A_1253] {strides = array<i32>} : memref<24576xf32, #tpu.memory_space<vmem>>, vector<16xf32>,
      %parallel_loop3A_1255 = vector.shape_cast %parallel_loop3A_1254 : vector<16xf32> to vector<16xf32>
      %parallel_loop3A_1256 = arith.addf %parallel_loop3A_1252, %parallel_loop3A_1255 : vector<16xf32>
      %parallel_loop3A_1257 = arith.index_cast %parallel_loop3A_1249 : i32 to index
      %parallel_loop3A_1258 = tpu.vector_load %arg5[%parallel_loop3A_1257] {strides = array<i32>} : memref<24576xf32, #tpu.memory_space<vmem>>, vector<16xf32>,
      %parallel_loop3A_1259 = vector.shape_cast %parallel_loop3A_1258 : vector<16xf32> to vector<16xf32>
      %parallel_loop3A_1260 = vector.shape_cast %parallel_loop3A_1256 : vector<16xf32> to vector<16xf32>
      tpu.vector_store %arg5[%parallel_loop3A_1257], %parallel_loop3A_1260 {strides = array<i32>} : memref<24576xf32, #tpu.memory_space<vmem>>, vector<16xf32>,
    } {sc.loop_unroll_factor = 8 : i64, sc.parallel_access}
    %add3A_898 = arith.constant 704 : i32
    %add3A_899 = arith.addi %mul3A_2, %add3A_898 : i32
    %mul3A_900 = arith.constant 768 : i32
    %mul3A_901 = arith.muli %add3A_899, %mul3A_900 : i32
    %dma_start3A_902 = tpu.memref_slice %arg4[%mul3A_901] : memref<25165824xf32, #tpu.memory_space<hbm>> -> memref<24576xf32, #tpu.memory_space<hbm>>
    %dma_start3A_903 = tpu.memref_slice %arg4[%mul3A_901] : memref<25165824xf32, #tpu.memory_space<hbm>> -> memref<24576xf32, #tpu.memory_space<hbm>>
    tpu.enqueue_dma source(%arg5 : memref<24576xf32, #tpu.memory_space<vmem>>) target(%dma_start3A_903 : memref<24576xf32, #tpu.memory_space<hbm>>) target_semaphore(%arg11 : memref<!tpu.dma_semaphore, #tpu.memory_space<semaphore_mem>>)
    %add3A_904 = arith.constant 736 : i32
    %add3A_905 = arith.addi %mul3A_2, %add3A_904 : i32
    %mul3A_906 = arith.constant 768 : i32
    %mul3A_907 = arith.muli %add3A_905, %mul3A_906 : i32
    %add3A_908 = arith.constant 736 : i32
    %add3A_909 = arith.addi %rem3A_3, %add3A_908 : i32
    %mul3A_910 = arith.constant 768 : i32
    %mul3A_911 = arith.muli %add3A_909, %mul3A_910 : i32
    %dma_wait3A_912 = tpu.memref_slice %arg2[%mul3A_907] : memref<25165824xf32, #tpu.memory_space<hbm>> -> memref<24576xf32, #tpu.memory_space<hbm>>
    %dma_wait3A_913 = tpu.memref_slice %arg2[%mul3A_907] : memref<25165824xf32, #tpu.memory_space<hbm>> -> memref<24576xf32, #tpu.memory_space<hbm>>
    tpu.wait_dma2 semaphore(%arg10 : memref<!tpu.dma_semaphore, #tpu.memory_space<semaphore_mem>>) src(%dma_wait3A_913 : memref<24576xf32, #tpu.memory_space<hbm>>) dst(%arg6 : memref<24576xf32, #tpu.memory_space<vmem>>)
    %dma_wait3A_914 = tpu.memref_slice %arg3[%mul3A_911] : memref<6291456xf32, #tpu.memory_space<hbm>> -> memref<24576xf32, #tpu.memory_space<hbm>>
    %dma_wait3A_915 = tpu.memref_slice %arg3[%mul3A_911] : memref<6291456xf32, #tpu.memory_space<hbm>> -> memref<24576xf32, #tpu.memory_space<hbm>>
    tpu.wait_dma2 semaphore(%arg10 : memref<!tpu.dma_semaphore, #tpu.memory_space<semaphore_mem>>) src(%dma_wait3A_915 : memref<24576xf32, #tpu.memory_space<hbm>>) dst(%arg8 : memref<24576xf32, #tpu.memory_space<vmem>>)
    %add3A_916 = arith.constant 704 : i32
    %add3A_917 = arith.addi %mul3A_2, %add3A_916 : i32
    %mul3A_918 = arith.constant 768 : i32
    %mul3A_919 = arith.muli %add3A_917, %mul3A_918 : i32
    %dma_wait3A_920 = tpu.memref_slice %arg4[%mul3A_919] : memref<25165824xf32, #tpu.memory_space<hbm>> -> memref<24576xf32, #tpu.memory_space<hbm>>
    %dma_wait3A_921 = tpu.memref_slice %arg4[%mul3A_919] : memref<25165824xf32, #tpu.memory_space<hbm>> -> memref<24576xf32, #tpu.memory_space<hbm>>
    tpu.wait_dma2 semaphore(%arg11 : memref<!tpu.dma_semaphore, #tpu.memory_space<semaphore_mem>>) src(%arg5 : memref<24576xf32, #tpu.memory_space<vmem>>) dst(%dma_wait3A_921 : memref<24576xf32, #tpu.memory_space<hbm>>)
    %add3A_922 = arith.constant 768 : i32
    %add3A_923 = arith.addi %mul3A_2, %add3A_922 : i32
    %mul3A_924 = arith.constant 768 : i32
    %mul3A_925 = arith.muli %add3A_923, %mul3A_924 : i32
    %add3A_926 = arith.constant 768 : i32
    %add3A_927 = arith.addi %rem3A_3, %add3A_926 : i32
    %mul3A_928 = arith.constant 768 : i32
    %mul3A_929 = arith.muli %add3A_927, %mul3A_928 : i32
    %dma_start3A_930 = tpu.memref_slice %arg2[%mul3A_925] : memref<25165824xf32, #tpu.memory_space<hbm>> -> memref<24576xf32, #tpu.memory_space<hbm>>
    %dma_start3A_931 = tpu.memref_slice %arg2[%mul3A_925] : memref<25165824xf32, #tpu.memory_space<hbm>> -> memref<24576xf32, #tpu.memory_space<hbm>>
    tpu.enqueue_dma source(%dma_start3A_931 : memref<24576xf32, #tpu.memory_space<hbm>>) target(%arg5 : memref<24576xf32, #tpu.memory_space<vmem>>) target_semaphore(%arg9 : memref<!tpu.dma_semaphore, #tpu.memory_space<semaphore_mem>>)
    %dma_start3A_932 = tpu.memref_slice %arg3[%mul3A_929] : memref<6291456xf32, #tpu.memory_space<hbm>> -> memref<24576xf32, #tpu.memory_space<hbm>>
    %dma_start3A_933 = tpu.memref_slice %arg3[%mul3A_929] : memref<6291456xf32, #tpu.memory_space<hbm>> -> memref<24576xf32, #tpu.memory_space<hbm>>
    tpu.enqueue_dma source(%dma_start3A_933 : memref<24576xf32, #tpu.memory_space<hbm>>) target(%arg7 : memref<24576xf32, #tpu.memory_space<vmem>>) target_semaphore(%arg9 : memref<!tpu.dma_semaphore, #tpu.memory_space<semaphore_mem>>)
    %parallel_loop3A_934 = arith.constant 0 : i32
    %parallel_loop3A_935 = arith.constant 24576 : i32
    %parallel_loop3A_936 = arith.constant 16 : i32
    scf.for %parallel_loop3A_1249 = %parallel_loop3A_934 to %parallel_loop3A_935 step %parallel_loop3A_936  : i32 {
      %parallel_loop3A_1250 = arith.index_cast %parallel_loop3A_1249 : i32 to index
      %parallel_loop3A_1251 = tpu.vector_load %arg6[%parallel_loop3A_1250] {strides = array<i32>} : memref<24576xf32, #tpu.memory_space<vmem>>, vector<16xf32>,
      %parallel_loop3A_1252 = vector.shape_cast %parallel_loop3A_1251 : vector<16xf32> to vector<16xf32>
      %parallel_loop3A_1253 = arith.index_cast %parallel_loop3A_1249 : i32 to index
      %parallel_loop3A_1254 = tpu.vector_load %arg8[%parallel_loop3A_1253] {strides = array<i32>} : memref<24576xf32, #tpu.memory_space<vmem>>, vector<16xf32>,
      %parallel_loop3A_1255 = vector.shape_cast %parallel_loop3A_1254 : vector<16xf32> to vector<16xf32>
      %parallel_loop3A_1256 = arith.addf %parallel_loop3A_1252, %parallel_loop3A_1255 : vector<16xf32>
      %parallel_loop3A_1257 = arith.index_cast %parallel_loop3A_1249 : i32 to index
      %parallel_loop3A_1258 = tpu.vector_load %arg6[%parallel_loop3A_1257] {strides = array<i32>} : memref<24576xf32, #tpu.memory_space<vmem>>, vector<16xf32>,
      %parallel_loop3A_1259 = vector.shape_cast %parallel_loop3A_1258 : vector<16xf32> to vector<16xf32>
      %parallel_loop3A_1260 = vector.shape_cast %parallel_loop3A_1256 : vector<16xf32> to vector<16xf32>
      tpu.vector_store %arg6[%parallel_loop3A_1257], %parallel_loop3A_1260 {strides = array<i32>} : memref<24576xf32, #tpu.memory_space<vmem>>, vector<16xf32>,
    } {sc.loop_unroll_factor = 8 : i64, sc.parallel_access}
    %add3A_937 = arith.constant 736 : i32
    %add3A_938 = arith.addi %mul3A_2, %add3A_937 : i32
    %mul3A_939 = arith.constant 768 : i32
    %mul3A_940 = arith.muli %add3A_938, %mul3A_939 : i32
    %dma_start3A_941 = tpu.memref_slice %arg4[%mul3A_940] : memref<25165824xf32, #tpu.memory_space<hbm>> -> memref<24576xf32, #tpu.memory_space<hbm>>
    %dma_start3A_942 = tpu.memref_slice %arg4[%mul3A_940] : memref<25165824xf32, #tpu.memory_space<hbm>> -> memref<24576xf32, #tpu.memory_space<hbm>>
    tpu.enqueue_dma source(%arg6 : memref<24576xf32, #tpu.memory_space<vmem>>) target(%dma_start3A_942 : memref<24576xf32, #tpu.memory_space<hbm>>) target_semaphore(%arg12 : memref<!tpu.dma_semaphore, #tpu.memory_space<semaphore_mem>>)
    %add3A_943 = arith.constant 768 : i32
    %add3A_944 = arith.addi %mul3A_2, %add3A_943 : i32
    %mul3A_945 = arith.constant 768 : i32
    %mul3A_946 = arith.muli %add3A_944, %mul3A_945 : i32
    %add3A_947 = arith.constant 768 : i32
    %add3A_948 = arith.addi %rem3A_3, %add3A_947 : i32
    %mul3A_949 = arith.constant 768 : i32
    %mul3A_950 = arith.muli %add3A_948, %mul3A_949 : i32
    %dma_wait3A_951 = tpu.memref_slice %arg2[%mul3A_946] : memref<25165824xf32, #tpu.memory_space<hbm>> -> memref<24576xf32, #tpu.memory_space<hbm>>
    %dma_wait3A_952 = tpu.memref_slice %arg2[%mul3A_946] : memref<25165824xf32, #tpu.memory_space<hbm>> -> memref<24576xf32, #tpu.memory_space<hbm>>
    tpu.wait_dma2 semaphore(%arg9 : memref<!tpu.dma_semaphore, #tpu.memory_space<semaphore_mem>>) src(%dma_wait3A_952 : memref<24576xf32, #tpu.memory_space<hbm>>) dst(%arg5 : memref<24576xf32, #tpu.memory_space<vmem>>)
    %dma_wait3A_953 = tpu.memref_slice %arg3[%mul3A_950] : memref<6291456xf32, #tpu.memory_space<hbm>> -> memref<24576xf32, #tpu.memory_space<hbm>>
    %dma_wait3A_954 = tpu.memref_slice %arg3[%mul3A_950] : memref<6291456xf32, #tpu.memory_space<hbm>> -> memref<24576xf32, #tpu.memory_space<hbm>>
    tpu.wait_dma2 semaphore(%arg9 : memref<!tpu.dma_semaphore, #tpu.memory_space<semaphore_mem>>) src(%dma_wait3A_954 : memref<24576xf32, #tpu.memory_space<hbm>>) dst(%arg7 : memref<24576xf32, #tpu.memory_space<vmem>>)
    %add3A_955 = arith.constant 736 : i32
    %add3A_956 = arith.addi %mul3A_2, %add3A_955 : i32
    %mul3A_957 = arith.constant 768 : i32
    %mul3A_958 = arith.muli %add3A_956, %mul3A_957 : i32
    %dma_wait3A_959 = tpu.memref_slice %arg4[%mul3A_958] : memref<25165824xf32, #tpu.memory_space<hbm>> -> memref<24576xf32, #tpu.memory_space<hbm>>
    %dma_wait3A_960 = tpu.memref_slice %arg4[%mul3A_958] : memref<25165824xf32, #tpu.memory_space<hbm>> -> memref<24576xf32, #tpu.memory_space<hbm>>
    tpu.wait_dma2 semaphore(%arg12 : memref<!tpu.dma_semaphore, #tpu.memory_space<semaphore_mem>>) src(%arg6 : memref<24576xf32, #tpu.memory_space<vmem>>) dst(%dma_wait3A_960 : memref<24576xf32, #tpu.memory_space<hbm>>)
    %add3A_961 = arith.constant 800 : i32
    %add3A_962 = arith.addi %mul3A_2, %add3A_961 : i32
    %mul3A_963 = arith.constant 768 : i32
    %mul3A_964 = arith.muli %add3A_962, %mul3A_963 : i32
    %add3A_965 = arith.constant 800 : i32
    %add3A_966 = arith.addi %rem3A_3, %add3A_965 : i32
    %mul3A_967 = arith.constant 768 : i32
    %mul3A_968 = arith.muli %add3A_966, %mul3A_967 : i32
    %dma_start3A_969 = tpu.memref_slice %arg2[%mul3A_964] : memref<25165824xf32, #tpu.memory_space<hbm>> -> memref<24576xf32, #tpu.memory_space<hbm>>
    %dma_start3A_970 = tpu.memref_slice %arg2[%mul3A_964] : memref<25165824xf32, #tpu.memory_space<hbm>> -> memref<24576xf32, #tpu.memory_space<hbm>>
    tpu.enqueue_dma source(%dma_start3A_970 : memref<24576xf32, #tpu.memory_space<hbm>>) target(%arg6 : memref<24576xf32, #tpu.memory_space<vmem>>) target_semaphore(%arg10 : memref<!tpu.dma_semaphore, #tpu.memory_space<semaphore_mem>>)
    %dma_start3A_971 = tpu.memref_slice %arg3[%mul3A_968] : memref<6291456xf32, #tpu.memory_space<hbm>> -> memref<24576xf32, #tpu.memory_space<hbm>>
    %dma_start3A_972 = tpu.memref_slice %arg3[%mul3A_968] : memref<6291456xf32, #tpu.memory_space<hbm>> -> memref<24576xf32, #tpu.memory_space<hbm>>
    tpu.enqueue_dma source(%dma_start3A_972 : memref<24576xf32, #tpu.memory_space<hbm>>) target(%arg8 : memref<24576xf32, #tpu.memory_space<vmem>>) target_semaphore(%arg10 : memref<!tpu.dma_semaphore, #tpu.memory_space<semaphore_mem>>)
    %parallel_loop3A_973 = arith.constant 0 : i32
    %parallel_loop3A_974 = arith.constant 24576 : i32
    %parallel_loop3A_975 = arith.constant 16 : i32
    scf.for %parallel_loop3A_1249 = %parallel_loop3A_973 to %parallel_loop3A_974 step %parallel_loop3A_975  : i32 {
      %parallel_loop3A_1250 = arith.index_cast %parallel_loop3A_1249 : i32 to index
      %parallel_loop3A_1251 = tpu.vector_load %arg5[%parallel_loop3A_1250] {strides = array<i32>} : memref<24576xf32, #tpu.memory_space<vmem>>, vector<16xf32>,
      %parallel_loop3A_1252 = vector.shape_cast %parallel_loop3A_1251 : vector<16xf32> to vector<16xf32>
      %parallel_loop3A_1253 = arith.index_cast %parallel_loop3A_1249 : i32 to index
      %parallel_loop3A_1254 = tpu.vector_load %arg7[%parallel_loop3A_1253] {strides = array<i32>} : memref<24576xf32, #tpu.memory_space<vmem>>, vector<16xf32>,
      %parallel_loop3A_1255 = vector.shape_cast %parallel_loop3A_1254 : vector<16xf32> to vector<16xf32>
      %parallel_loop3A_1256 = arith.addf %parallel_loop3A_1252, %parallel_loop3A_1255 : vector<16xf32>
      %parallel_loop3A_1257 = arith.index_cast %parallel_loop3A_1249 : i32 to index
      %parallel_loop3A_1258 = tpu.vector_load %arg5[%parallel_loop3A_1257] {strides = array<i32>} : memref<24576xf32, #tpu.memory_space<vmem>>, vector<16xf32>,
      %parallel_loop3A_1259 = vector.shape_cast %parallel_loop3A_1258 : vector<16xf32> to vector<16xf32>
      %parallel_loop3A_1260 = vector.shape_cast %parallel_loop3A_1256 : vector<16xf32> to vector<16xf32>
      tpu.vector_store %arg5[%parallel_loop3A_1257], %parallel_loop3A_1260 {strides = array<i32>} : memref<24576xf32, #tpu.memory_space<vmem>>, vector<16xf32>,
    } {sc.loop_unroll_factor = 8 : i64, sc.parallel_access}
    %add3A_976 = arith.constant 768 : i32
    %add3A_977 = arith.addi %mul3A_2, %add3A_976 : i32
    %mul3A_978 = arith.constant 768 : i32
    %mul3A_979 = arith.muli %add3A_977, %mul3A_978 : i32
    %dma_start3A_980 = tpu.memref_slice %arg4[%mul3A_979] : memref<25165824xf32, #tpu.memory_space<hbm>> -> memref<24576xf32, #tpu.memory_space<hbm>>
    %dma_start3A_981 = tpu.memref_slice %arg4[%mul3A_979] : memref<25165824xf32, #tpu.memory_space<hbm>> -> memref<24576xf32, #tpu.memory_space<hbm>>
    tpu.enqueue_dma source(%arg5 : memref<24576xf32, #tpu.memory_space<vmem>>) target(%dma_start3A_981 : memref<24576xf32, #tpu.memory_space<hbm>>) target_semaphore(%arg11 : memref<!tpu.dma_semaphore, #tpu.memory_space<semaphore_mem>>)
    %add3A_982 = arith.constant 800 : i32
    %add3A_983 = arith.addi %mul3A_2, %add3A_982 : i32
    %mul3A_984 = arith.constant 768 : i32
    %mul3A_985 = arith.muli %add3A_983, %mul3A_984 : i32
    %add3A_986 = arith.constant 800 : i32
    %add3A_987 = arith.addi %rem3A_3, %add3A_986 : i32
    %mul3A_988 = arith.constant 768 : i32
    %mul3A_989 = arith.muli %add3A_987, %mul3A_988 : i32
    %dma_wait3A_990 = tpu.memref_slice %arg2[%mul3A_985] : memref<25165824xf32, #tpu.memory_space<hbm>> -> memref<24576xf32, #tpu.memory_space<hbm>>
    %dma_wait3A_991 = tpu.memref_slice %arg2[%mul3A_985] : memref<25165824xf32, #tpu.memory_space<hbm>> -> memref<24576xf32, #tpu.memory_space<hbm>>
    tpu.wait_dma2 semaphore(%arg10 : memref<!tpu.dma_semaphore, #tpu.memory_space<semaphore_mem>>) src(%dma_wait3A_991 : memref<24576xf32, #tpu.memory_space<hbm>>) dst(%arg6 : memref<24576xf32, #tpu.memory_space<vmem>>)
    %dma_wait3A_992 = tpu.memref_slice %arg3[%mul3A_989] : memref<6291456xf32, #tpu.memory_space<hbm>> -> memref<24576xf32, #tpu.memory_space<hbm>>
    %dma_wait3A_993 = tpu.memref_slice %arg3[%mul3A_989] : memref<6291456xf32, #tpu.memory_space<hbm>> -> memref<24576xf32, #tpu.memory_space<hbm>>
    tpu.wait_dma2 semaphore(%arg10 : memref<!tpu.dma_semaphore, #tpu.memory_space<semaphore_mem>>) src(%dma_wait3A_993 : memref<24576xf32, #tpu.memory_space<hbm>>) dst(%arg8 : memref<24576xf32, #tpu.memory_space<vmem>>)
    %add3A_994 = arith.constant 768 : i32
    %add3A_995 = arith.addi %mul3A_2, %add3A_994 : i32
    %mul3A_996 = arith.constant 768 : i32
    %mul3A_997 = arith.muli %add3A_995, %mul3A_996 : i32
    %dma_wait3A_998 = tpu.memref_slice %arg4[%mul3A_997] : memref<25165824xf32, #tpu.memory_space<hbm>> -> memref<24576xf32, #tpu.memory_space<hbm>>
    %dma_wait3A_999 = tpu.memref_slice %arg4[%mul3A_997] : memref<25165824xf32, #tpu.memory_space<hbm>> -> memref<24576xf32, #tpu.memory_space<hbm>>
    tpu.wait_dma2 semaphore(%arg11 : memref<!tpu.dma_semaphore, #tpu.memory_space<semaphore_mem>>) src(%arg5 : memref<24576xf32, #tpu.memory_space<vmem>>) dst(%dma_wait3A_999 : memref<24576xf32, #tpu.memory_space<hbm>>)
    %add3A_1000 = arith.constant 832 : i32
    %add3A_1001 = arith.addi %mul3A_2, %add3A_1000 : i32
    %mul3A_1002 = arith.constant 768 : i32
    %mul3A_1003 = arith.muli %add3A_1001, %mul3A_1002 : i32
    %add3A_1004 = arith.constant 832 : i32
    %add3A_1005 = arith.addi %rem3A_3, %add3A_1004 : i32
    %mul3A_1006 = arith.constant 768 : i32
    %mul3A_1007 = arith.muli %add3A_1005, %mul3A_1006 : i32
    %dma_start3A_1008 = tpu.memref_slice %arg2[%mul3A_1003] : memref<25165824xf32, #tpu.memory_space<hbm>> -> memref<24576xf32, #tpu.memory_space<hbm>>
    %dma_start3A_1009 = tpu.memref_slice %arg2[%mul3A_1003] : memref<25165824xf32, #tpu.memory_space<hbm>> -> memref<24576xf32, #tpu.memory_space<hbm>>
    tpu.enqueue_dma source(%dma_start3A_1009 : memref<24576xf32, #tpu.memory_space<hbm>>) target(%arg5 : memref<24576xf32, #tpu.memory_space<vmem>>) target_semaphore(%arg9 : memref<!tpu.dma_semaphore, #tpu.memory_space<semaphore_mem>>)
    %dma_start3A_1010 = tpu.memref_slice %arg3[%mul3A_1007] : memref<6291456xf32, #tpu.memory_space<hbm>> -> memref<24576xf32, #tpu.memory_space<hbm>>
    %dma_start3A_1011 = tpu.memref_slice %arg3[%mul3A_1007] : memref<6291456xf32, #tpu.memory_space<hbm>> -> memref<24576xf32, #tpu.memory_space<hbm>>
    tpu.enqueue_dma source(%dma_start3A_1011 : memref<24576xf32, #tpu.memory_space<hbm>>) target(%arg7 : memref<24576xf32, #tpu.memory_space<vmem>>) target_semaphore(%arg9 : memref<!tpu.dma_semaphore, #tpu.memory_space<semaphore_mem>>)
    %parallel_loop3A_1012 = arith.constant 0 : i32
    %parallel_loop3A_1013 = arith.constant 24576 : i32
    %parallel_loop3A_1014 = arith.constant 16 : i32
    scf.for %parallel_loop3A_1249 = %parallel_loop3A_1012 to %parallel_loop3A_1013 step %parallel_loop3A_1014  : i32 {
      %parallel_loop3A_1250 = arith.index_cast %parallel_loop3A_1249 : i32 to index
      %parallel_loop3A_1251 = tpu.vector_load %arg6[%parallel_loop3A_1250] {strides = array<i32>} : memref<24576xf32, #tpu.memory_space<vmem>>, vector<16xf32>,
      %parallel_loop3A_1252 = vector.shape_cast %parallel_loop3A_1251 : vector<16xf32> to vector<16xf32>
      %parallel_loop3A_1253 = arith.index_cast %parallel_loop3A_1249 : i32 to index
      %parallel_loop3A_1254 = tpu.vector_load %arg8[%parallel_loop3A_1253] {strides = array<i32>} : memref<24576xf32, #tpu.memory_space<vmem>>, vector<16xf32>,
      %parallel_loop3A_1255 = vector.shape_cast %parallel_loop3A_1254 : vector<16xf32> to vector<16xf32>
      %parallel_loop3A_1256 = arith.addf %parallel_loop3A_1252, %parallel_loop3A_1255 : vector<16xf32>
      %parallel_loop3A_1257 = arith.index_cast %parallel_loop3A_1249 : i32 to index
      %parallel_loop3A_1258 = tpu.vector_load %arg6[%parallel_loop3A_1257] {strides = array<i32>} : memref<24576xf32, #tpu.memory_space<vmem>>, vector<16xf32>,
      %parallel_loop3A_1259 = vector.shape_cast %parallel_loop3A_1258 : vector<16xf32> to vector<16xf32>
      %parallel_loop3A_1260 = vector.shape_cast %parallel_loop3A_1256 : vector<16xf32> to vector<16xf32>
      tpu.vector_store %arg6[%parallel_loop3A_1257], %parallel_loop3A_1260 {strides = array<i32>} : memref<24576xf32, #tpu.memory_space<vmem>>, vector<16xf32>,
    } {sc.loop_unroll_factor = 8 : i64, sc.parallel_access}
    %add3A_1015 = arith.constant 800 : i32
    %add3A_1016 = arith.addi %mul3A_2, %add3A_1015 : i32
    %mul3A_1017 = arith.constant 768 : i32
    %mul3A_1018 = arith.muli %add3A_1016, %mul3A_1017 : i32
    %dma_start3A_1019 = tpu.memref_slice %arg4[%mul3A_1018] : memref<25165824xf32, #tpu.memory_space<hbm>> -> memref<24576xf32, #tpu.memory_space<hbm>>
    %dma_start3A_1020 = tpu.memref_slice %arg4[%mul3A_1018] : memref<25165824xf32, #tpu.memory_space<hbm>> -> memref<24576xf32, #tpu.memory_space<hbm>>
    tpu.enqueue_dma source(%arg6 : memref<24576xf32, #tpu.memory_space<vmem>>) target(%dma_start3A_1020 : memref<24576xf32, #tpu.memory_space<hbm>>) target_semaphore(%arg12 : memref<!tpu.dma_semaphore, #tpu.memory_space<semaphore_mem>>)
    %add3A_1021 = arith.constant 832 : i32
    %add3A_1022 = arith.addi %mul3A_2, %add3A_1021 : i32
    %mul3A_1023 = arith.constant 768 : i32
    %mul3A_1024 = arith.muli %add3A_1022, %mul3A_1023 : i32
    %add3A_1025 = arith.constant 832 : i32
    %add3A_1026 = arith.addi %rem3A_3, %add3A_1025 : i32
    %mul3A_1027 = arith.constant 768 : i32
    %mul3A_1028 = arith.muli %add3A_1026, %mul3A_1027 : i32
    %dma_wait3A_1029 = tpu.memref_slice %arg2[%mul3A_1024] : memref<25165824xf32, #tpu.memory_space<hbm>> -> memref<24576xf32, #tpu.memory_space<hbm>>
    %dma_wait3A_1030 = tpu.memref_slice %arg2[%mul3A_1024] : memref<25165824xf32, #tpu.memory_space<hbm>> -> memref<24576xf32, #tpu.memory_space<hbm>>
    tpu.wait_dma2 semaphore(%arg9 : memref<!tpu.dma_semaphore, #tpu.memory_space<semaphore_mem>>) src(%dma_wait3A_1030 : memref<24576xf32, #tpu.memory_space<hbm>>) dst(%arg5 : memref<24576xf32, #tpu.memory_space<vmem>>)
    %dma_wait3A_1031 = tpu.memref_slice %arg3[%mul3A_1028] : memref<6291456xf32, #tpu.memory_space<hbm>> -> memref<24576xf32, #tpu.memory_space<hbm>>
    %dma_wait3A_1032 = tpu.memref_slice %arg3[%mul3A_1028] : memref<6291456xf32, #tpu.memory_space<hbm>> -> memref<24576xf32, #tpu.memory_space<hbm>>
    tpu.wait_dma2 semaphore(%arg9 : memref<!tpu.dma_semaphore, #tpu.memory_space<semaphore_mem>>) src(%dma_wait3A_1032 : memref<24576xf32, #tpu.memory_space<hbm>>) dst(%arg7 : memref<24576xf32, #tpu.memory_space<vmem>>)
    %add3A_1033 = arith.constant 800 : i32
    %add3A_1034 = arith.addi %mul3A_2, %add3A_1033 : i32
    %mul3A_1035 = arith.constant 768 : i32
    %mul3A_1036 = arith.muli %add3A_1034, %mul3A_1035 : i32
    %dma_wait3A_1037 = tpu.memref_slice %arg4[%mul3A_1036] : memref<25165824xf32, #tpu.memory_space<hbm>> -> memref<24576xf32, #tpu.memory_space<hbm>>
    %dma_wait3A_1038 = tpu.memref_slice %arg4[%mul3A_1036] : memref<25165824xf32, #tpu.memory_space<hbm>> -> memref<24576xf32, #tpu.memory_space<hbm>>
    tpu.wait_dma2 semaphore(%arg12 : memref<!tpu.dma_semaphore, #tpu.memory_space<semaphore_mem>>) src(%arg6 : memref<24576xf32, #tpu.memory_space<vmem>>) dst(%dma_wait3A_1038 : memref<24576xf32, #tpu.memory_space<hbm>>)
    %add3A_1039 = arith.constant 864 : i32
    %add3A_1040 = arith.addi %mul3A_2, %add3A_1039 : i32
    %mul3A_1041 = arith.constant 768 : i32
    %mul3A_1042 = arith.muli %add3A_1040, %mul3A_1041 : i32
    %add3A_1043 = arith.constant 864 : i32
    %add3A_1044 = arith.addi %rem3A_3, %add3A_1043 : i32
    %mul3A_1045 = arith.constant 768 : i32
    %mul3A_1046 = arith.muli %add3A_1044, %mul3A_1045 : i32
    %dma_start3A_1047 = tpu.memref_slice %arg2[%mul3A_1042] : memref<25165824xf32, #tpu.memory_space<hbm>> -> memref<24576xf32, #tpu.memory_space<hbm>>
    %dma_start3A_1048 = tpu.memref_slice %arg2[%mul3A_1042] : memref<25165824xf32, #tpu.memory_space<hbm>> -> memref<24576xf32, #tpu.memory_space<hbm>>
    tpu.enqueue_dma source(%dma_start3A_1048 : memref<24576xf32, #tpu.memory_space<hbm>>) target(%arg6 : memref<24576xf32, #tpu.memory_space<vmem>>) target_semaphore(%arg10 : memref<!tpu.dma_semaphore, #tpu.memory_space<semaphore_mem>>)
    %dma_start3A_1049 = tpu.memref_slice %arg3[%mul3A_1046] : memref<6291456xf32, #tpu.memory_space<hbm>> -> memref<24576xf32, #tpu.memory_space<hbm>>
    %dma_start3A_1050 = tpu.memref_slice %arg3[%mul3A_1046] : memref<6291456xf32, #tpu.memory_space<hbm>> -> memref<24576xf32, #tpu.memory_space<hbm>>
    tpu.enqueue_dma source(%dma_start3A_1050 : memref<24576xf32, #tpu.memory_space<hbm>>) target(%arg8 : memref<24576xf32, #tpu.memory_space<vmem>>) target_semaphore(%arg10 : memref<!tpu.dma_semaphore, #tpu.memory_space<semaphore_mem>>)
    %parallel_loop3A_1051 = arith.constant 0 : i32
    %parallel_loop3A_1052 = arith.constant 24576 : i32
    %parallel_loop3A_1053 = arith.constant 16 : i32
    scf.for %parallel_loop3A_1249 = %parallel_loop3A_1051 to %parallel_loop3A_1052 step %parallel_loop3A_1053  : i32 {
      %parallel_loop3A_1250 = arith.index_cast %parallel_loop3A_1249 : i32 to index
      %parallel_loop3A_1251 = tpu.vector_load %arg5[%parallel_loop3A_1250] {strides = array<i32>} : memref<24576xf32, #tpu.memory_space<vmem>>, vector<16xf32>,
      %parallel_loop3A_1252 = vector.shape_cast %parallel_loop3A_1251 : vector<16xf32> to vector<16xf32>
      %parallel_loop3A_1253 = arith.index_cast %parallel_loop3A_1249 : i32 to index
      %parallel_loop3A_1254 = tpu.vector_load %arg7[%parallel_loop3A_1253] {strides = array<i32>} : memref<24576xf32, #tpu.memory_space<vmem>>, vector<16xf32>,
      %parallel_loop3A_1255 = vector.shape_cast %parallel_loop3A_1254 : vector<16xf32> to vector<16xf32>
      %parallel_loop3A_1256 = arith.addf %parallel_loop3A_1252, %parallel_loop3A_1255 : vector<16xf32>
      %parallel_loop3A_1257 = arith.index_cast %parallel_loop3A_1249 : i32 to index
      %parallel_loop3A_1258 = tpu.vector_load %arg5[%parallel_loop3A_1257] {strides = array<i32>} : memref<24576xf32, #tpu.memory_space<vmem>>, vector<16xf32>,
      %parallel_loop3A_1259 = vector.shape_cast %parallel_loop3A_1258 : vector<16xf32> to vector<16xf32>
      %parallel_loop3A_1260 = vector.shape_cast %parallel_loop3A_1256 : vector<16xf32> to vector<16xf32>
      tpu.vector_store %arg5[%parallel_loop3A_1257], %parallel_loop3A_1260 {strides = array<i32>} : memref<24576xf32, #tpu.memory_space<vmem>>, vector<16xf32>,
    } {sc.loop_unroll_factor = 8 : i64, sc.parallel_access}
    %add3A_1054 = arith.constant 832 : i32
    %add3A_1055 = arith.addi %mul3A_2, %add3A_1054 : i32
    %mul3A_1056 = arith.constant 768 : i32
    %mul3A_1057 = arith.muli %add3A_1055, %mul3A_1056 : i32
    %dma_start3A_1058 = tpu.memref_slice %arg4[%mul3A_1057] : memref<25165824xf32, #tpu.memory_space<hbm>> -> memref<24576xf32, #tpu.memory_space<hbm>>
    %dma_start3A_1059 = tpu.memref_slice %arg4[%mul3A_1057] : memref<25165824xf32, #tpu.memory_space<hbm>> -> memref<24576xf32, #tpu.memory_space<hbm>>
    tpu.enqueue_dma source(%arg5 : memref<24576xf32, #tpu.memory_space<vmem>>) target(%dma_start3A_1059 : memref<24576xf32, #tpu.memory_space<hbm>>) target_semaphore(%arg11 : memref<!tpu.dma_semaphore, #tpu.memory_space<semaphore_mem>>)
    %add3A_1060 = arith.constant 864 : i32
    %add3A_1061 = arith.addi %mul3A_2, %add3A_1060 : i32
    %mul3A_1062 = arith.constant 768 : i32
    %mul3A_1063 = arith.muli %add3A_1061, %mul3A_1062 : i32
    %add3A_1064 = arith.constant 864 : i32
    %add3A_1065 = arith.addi %rem3A_3, %add3A_1064 : i32
    %mul3A_1066 = arith.constant 768 : i32
    %mul3A_1067 = arith.muli %add3A_1065, %mul3A_1066 : i32
    %dma_wait3A_1068 = tpu.memref_slice %arg2[%mul3A_1063] : memref<25165824xf32, #tpu.memory_space<hbm>> -> memref<24576xf32, #tpu.memory_space<hbm>>
    %dma_wait3A_1069 = tpu.memref_slice %arg2[%mul3A_1063] : memref<25165824xf32, #tpu.memory_space<hbm>> -> memref<24576xf32, #tpu.memory_space<hbm>>
    tpu.wait_dma2 semaphore(%arg10 : memref<!tpu.dma_semaphore, #tpu.memory_space<semaphore_mem>>) src(%dma_wait3A_1069 : memref<24576xf32, #tpu.memory_space<hbm>>) dst(%arg6 : memref<24576xf32, #tpu.memory_space<vmem>>)
    %dma_wait3A_1070 = tpu.memref_slice %arg3[%mul3A_1067] : memref<6291456xf32, #tpu.memory_space<hbm>> -> memref<24576xf32, #tpu.memory_space<hbm>>
    %dma_wait3A_1071 = tpu.memref_slice %arg3[%mul3A_1067] : memref<6291456xf32, #tpu.memory_space<hbm>> -> memref<24576xf32, #tpu.memory_space<hbm>>
    tpu.wait_dma2 semaphore(%arg10 : memref<!tpu.dma_semaphore, #tpu.memory_space<semaphore_mem>>) src(%dma_wait3A_1071 : memref<24576xf32, #tpu.memory_space<hbm>>) dst(%arg8 : memref<24576xf32, #tpu.memory_space<vmem>>)
    %add3A_1072 = arith.constant 832 : i32
    %add3A_1073 = arith.addi %mul3A_2, %add3A_1072 : i32
    %mul3A_1074 = arith.constant 768 : i32
    %mul3A_1075 = arith.muli %add3A_1073, %mul3A_1074 : i32
    %dma_wait3A_1076 = tpu.memref_slice %arg4[%mul3A_1075] : memref<25165824xf32, #tpu.memory_space<hbm>> -> memref<24576xf32, #tpu.memory_space<hbm>>
    %dma_wait3A_1077 = tpu.memref_slice %arg4[%mul3A_1075] : memref<25165824xf32, #tpu.memory_space<hbm>> -> memref<24576xf32, #tpu.memory_space<hbm>>
    tpu.wait_dma2 semaphore(%arg11 : memref<!tpu.dma_semaphore, #tpu.memory_space<semaphore_mem>>) src(%arg5 : memref<24576xf32, #tpu.memory_space<vmem>>) dst(%dma_wait3A_1077 : memref<24576xf32, #tpu.memory_space<hbm>>)
    %add3A_1078 = arith.constant 896 : i32
    %add3A_1079 = arith.addi %mul3A_2, %add3A_1078 : i32
    %mul3A_1080 = arith.constant 768 : i32
    %mul3A_1081 = arith.muli %add3A_1079, %mul3A_1080 : i32
    %add3A_1082 = arith.constant 896 : i32
    %add3A_1083 = arith.addi %rem3A_3, %add3A_1082 : i32
    %mul3A_1084 = arith.constant 768 : i32
    %mul3A_1085 = arith.muli %add3A_1083, %mul3A_1084 : i32
    %dma_start3A_1086 = tpu.memref_slice %arg2[%mul3A_1081] : memref<25165824xf32, #tpu.memory_space<hbm>> -> memref<24576xf32, #tpu.memory_space<hbm>>
    %dma_start3A_1087 = tpu.memref_slice %arg2[%mul3A_1081] : memref<25165824xf32, #tpu.memory_space<hbm>> -> memref<24576xf32, #tpu.memory_space<hbm>>
    tpu.enqueue_dma source(%dma_start3A_1087 : memref<24576xf32, #tpu.memory_space<hbm>>) target(%arg5 : memref<24576xf32, #tpu.memory_space<vmem>>) target_semaphore(%arg9 : memref<!tpu.dma_semaphore, #tpu.memory_space<semaphore_mem>>)
    %dma_start3A_1088 = tpu.memref_slice %arg3[%mul3A_1085] : memref<6291456xf32, #tpu.memory_space<hbm>> -> memref<24576xf32, #tpu.memory_space<hbm>>
    %dma_start3A_1089 = tpu.memref_slice %arg3[%mul3A_1085] : memref<6291456xf32, #tpu.memory_space<hbm>> -> memref<24576xf32, #tpu.memory_space<hbm>>
    tpu.enqueue_dma source(%dma_start3A_1089 : memref<24576xf32, #tpu.memory_space<hbm>>) target(%arg7 : memref<24576xf32, #tpu.memory_space<vmem>>) target_semaphore(%arg9 : memref<!tpu.dma_semaphore, #tpu.memory_space<semaphore_mem>>)
    %parallel_loop3A_1090 = arith.constant 0 : i32
    %parallel_loop3A_1091 = arith.constant 24576 : i32
    %parallel_loop3A_1092 = arith.constant 16 : i32
    scf.for %parallel_loop3A_1249 = %parallel_loop3A_1090 to %parallel_loop3A_1091 step %parallel_loop3A_1092  : i32 {
      %parallel_loop3A_1250 = arith.index_cast %parallel_loop3A_1249 : i32 to index
      %parallel_loop3A_1251 = tpu.vector_load %arg6[%parallel_loop3A_1250] {strides = array<i32>} : memref<24576xf32, #tpu.memory_space<vmem>>, vector<16xf32>,
      %parallel_loop3A_1252 = vector.shape_cast %parallel_loop3A_1251 : vector<16xf32> to vector<16xf32>
      %parallel_loop3A_1253 = arith.index_cast %parallel_loop3A_1249 : i32 to index
      %parallel_loop3A_1254 = tpu.vector_load %arg8[%parallel_loop3A_1253] {strides = array<i32>} : memref<24576xf32, #tpu.memory_space<vmem>>, vector<16xf32>,
      %parallel_loop3A_1255 = vector.shape_cast %parallel_loop3A_1254 : vector<16xf32> to vector<16xf32>
      %parallel_loop3A_1256 = arith.addf %parallel_loop3A_1252, %parallel_loop3A_1255 : vector<16xf32>
      %parallel_loop3A_1257 = arith.index_cast %parallel_loop3A_1249 : i32 to index
      %parallel_loop3A_1258 = tpu.vector_load %arg6[%parallel_loop3A_1257] {strides = array<i32>} : memref<24576xf32, #tpu.memory_space<vmem>>, vector<16xf32>,
      %parallel_loop3A_1259 = vector.shape_cast %parallel_loop3A_1258 : vector<16xf32> to vector<16xf32>
      %parallel_loop3A_1260 = vector.shape_cast %parallel_loop3A_1256 : vector<16xf32> to vector<16xf32>
      tpu.vector_store %arg6[%parallel_loop3A_1257], %parallel_loop3A_1260 {strides = array<i32>} : memref<24576xf32, #tpu.memory_space<vmem>>, vector<16xf32>,
    } {sc.loop_unroll_factor = 8 : i64, sc.parallel_access}
    %add3A_1093 = arith.constant 864 : i32
    %add3A_1094 = arith.addi %mul3A_2, %add3A_1093 : i32
    %mul3A_1095 = arith.constant 768 : i32
    %mul3A_1096 = arith.muli %add3A_1094, %mul3A_1095 : i32
    %dma_start3A_1097 = tpu.memref_slice %arg4[%mul3A_1096] : memref<25165824xf32, #tpu.memory_space<hbm>> -> memref<24576xf32, #tpu.memory_space<hbm>>
    %dma_start3A_1098 = tpu.memref_slice %arg4[%mul3A_1096] : memref<25165824xf32, #tpu.memory_space<hbm>> -> memref<24576xf32, #tpu.memory_space<hbm>>
    tpu.enqueue_dma source(%arg6 : memref<24576xf32, #tpu.memory_space<vmem>>) target(%dma_start3A_1098 : memref<24576xf32, #tpu.memory_space<hbm>>) target_semaphore(%arg12 : memref<!tpu.dma_semaphore, #tpu.memory_space<semaphore_mem>>)
    %add3A_1099 = arith.constant 896 : i32
    %add3A_1100 = arith.addi %mul3A_2, %add3A_1099 : i32
    %mul3A_1101 = arith.constant 768 : i32
    %mul3A_1102 = arith.muli %add3A_1100, %mul3A_1101 : i32
    %add3A_1103 = arith.constant 896 : i32
    %add3A_1104 = arith.addi %rem3A_3, %add3A_1103 : i32
    %mul3A_1105 = arith.constant 768 : i32
    %mul3A_1106 = arith.muli %add3A_1104, %mul3A_1105 : i32
    %dma_wait3A_1107 = tpu.memref_slice %arg2[%mul3A_1102] : memref<25165824xf32, #tpu.memory_space<hbm>> -> memref<24576xf32, #tpu.memory_space<hbm>>
    %dma_wait3A_1108 = tpu.memref_slice %arg2[%mul3A_1102] : memref<25165824xf32, #tpu.memory_space<hbm>> -> memref<24576xf32, #tpu.memory_space<hbm>>
    tpu.wait_dma2 semaphore(%arg9 : memref<!tpu.dma_semaphore, #tpu.memory_space<semaphore_mem>>) src(%dma_wait3A_1108 : memref<24576xf32, #tpu.memory_space<hbm>>) dst(%arg5 : memref<24576xf32, #tpu.memory_space<vmem>>)
    %dma_wait3A_1109 = tpu.memref_slice %arg3[%mul3A_1106] : memref<6291456xf32, #tpu.memory_space<hbm>> -> memref<24576xf32, #tpu.memory_space<hbm>>
    %dma_wait3A_1110 = tpu.memref_slice %arg3[%mul3A_1106] : memref<6291456xf32, #tpu.memory_space<hbm>> -> memref<24576xf32, #tpu.memory_space<hbm>>
    tpu.wait_dma2 semaphore(%arg9 : memref<!tpu.dma_semaphore, #tpu.memory_space<semaphore_mem>>) src(%dma_wait3A_1110 : memref<24576xf32, #tpu.memory_space<hbm>>) dst(%arg7 : memref<24576xf32, #tpu.memory_space<vmem>>)
    %add3A_1111 = arith.constant 864 : i32
    %add3A_1112 = arith.addi %mul3A_2, %add3A_1111 : i32
    %mul3A_1113 = arith.constant 768 : i32
    %mul3A_1114 = arith.muli %add3A_1112, %mul3A_1113 : i32
    %dma_wait3A_1115 = tpu.memref_slice %arg4[%mul3A_1114] : memref<25165824xf32, #tpu.memory_space<hbm>> -> memref<24576xf32, #tpu.memory_space<hbm>>
    %dma_wait3A_1116 = tpu.memref_slice %arg4[%mul3A_1114] : memref<25165824xf32, #tpu.memory_space<hbm>> -> memref<24576xf32, #tpu.memory_space<hbm>>
    tpu.wait_dma2 semaphore(%arg12 : memref<!tpu.dma_semaphore, #tpu.memory_space<semaphore_mem>>) src(%arg6 : memref<24576xf32, #tpu.memory_space<vmem>>) dst(%dma_wait3A_1116 : memref<24576xf32, #tpu.memory_space<hbm>>)
    %add3A_1117 = arith.constant 928 : i32
    %add3A_1118 = arith.addi %mul3A_2, %add3A_1117 : i32
    %mul3A_1119 = arith.constant 768 : i32
    %mul3A_1120 = arith.muli %add3A_1118, %mul3A_1119 : i32
    %add3A_1121 = arith.constant 928 : i32
    %add3A_1122 = arith.addi %rem3A_3, %add3A_1121 : i32
    %mul3A_1123 = arith.constant 768 : i32
    %mul3A_1124 = arith.muli %add3A_1122, %mul3A_1123 : i32
    %dma_start3A_1125 = tpu.memref_slice %arg2[%mul3A_1120] : memref<25165824xf32, #tpu.memory_space<hbm>> -> memref<24576xf32, #tpu.memory_space<hbm>>
    %dma_start3A_1126 = tpu.memref_slice %arg2[%mul3A_1120] : memref<25165824xf32, #tpu.memory_space<hbm>> -> memref<24576xf32, #tpu.memory_space<hbm>>
    tpu.enqueue_dma source(%dma_start3A_1126 : memref<24576xf32, #tpu.memory_space<hbm>>) target(%arg6 : memref<24576xf32, #tpu.memory_space<vmem>>) target_semaphore(%arg10 : memref<!tpu.dma_semaphore, #tpu.memory_space<semaphore_mem>>)
    %dma_start3A_1127 = tpu.memref_slice %arg3[%mul3A_1124] : memref<6291456xf32, #tpu.memory_space<hbm>> -> memref<24576xf32, #tpu.memory_space<hbm>>
    %dma_start3A_1128 = tpu.memref_slice %arg3[%mul3A_1124] : memref<6291456xf32, #tpu.memory_space<hbm>> -> memref<24576xf32, #tpu.memory_space<hbm>>
    tpu.enqueue_dma source(%dma_start3A_1128 : memref<24576xf32, #tpu.memory_space<hbm>>) target(%arg8 : memref<24576xf32, #tpu.memory_space<vmem>>) target_semaphore(%arg10 : memref<!tpu.dma_semaphore, #tpu.memory_space<semaphore_mem>>)
    %parallel_loop3A_1129 = arith.constant 0 : i32
    %parallel_loop3A_1130 = arith.constant 24576 : i32
    %parallel_loop3A_1131 = arith.constant 16 : i32
    scf.for %parallel_loop3A_1249 = %parallel_loop3A_1129 to %parallel_loop3A_1130 step %parallel_loop3A_1131  : i32 {
      %parallel_loop3A_1250 = arith.index_cast %parallel_loop3A_1249 : i32 to index
      %parallel_loop3A_1251 = tpu.vector_load %arg5[%parallel_loop3A_1250] {strides = array<i32>} : memref<24576xf32, #tpu.memory_space<vmem>>, vector<16xf32>,
      %parallel_loop3A_1252 = vector.shape_cast %parallel_loop3A_1251 : vector<16xf32> to vector<16xf32>
      %parallel_loop3A_1253 = arith.index_cast %parallel_loop3A_1249 : i32 to index
      %parallel_loop3A_1254 = tpu.vector_load %arg7[%parallel_loop3A_1253] {strides = array<i32>} : memref<24576xf32, #tpu.memory_space<vmem>>, vector<16xf32>,
      %parallel_loop3A_1255 = vector.shape_cast %parallel_loop3A_1254 : vector<16xf32> to vector<16xf32>
      %parallel_loop3A_1256 = arith.addf %parallel_loop3A_1252, %parallel_loop3A_1255 : vector<16xf32>
      %parallel_loop3A_1257 = arith.index_cast %parallel_loop3A_1249 : i32 to index
      %parallel_loop3A_1258 = tpu.vector_load %arg5[%parallel_loop3A_1257] {strides = array<i32>} : memref<24576xf32, #tpu.memory_space<vmem>>, vector<16xf32>,
      %parallel_loop3A_1259 = vector.shape_cast %parallel_loop3A_1258 : vector<16xf32> to vector<16xf32>
      %parallel_loop3A_1260 = vector.shape_cast %parallel_loop3A_1256 : vector<16xf32> to vector<16xf32>
      tpu.vector_store %arg5[%parallel_loop3A_1257], %parallel_loop3A_1260 {strides = array<i32>} : memref<24576xf32, #tpu.memory_space<vmem>>, vector<16xf32>,
    } {sc.loop_unroll_factor = 8 : i64, sc.parallel_access}
    %add3A_1132 = arith.constant 896 : i32
    %add3A_1133 = arith.addi %mul3A_2, %add3A_1132 : i32
    %mul3A_1134 = arith.constant 768 : i32
    %mul3A_1135 = arith.muli %add3A_1133, %mul3A_1134 : i32
    %dma_start3A_1136 = tpu.memref_slice %arg4[%mul3A_1135] : memref<25165824xf32, #tpu.memory_space<hbm>> -> memref<24576xf32, #tpu.memory_space<hbm>>
    %dma_start3A_1137 = tpu.memref_slice %arg4[%mul3A_1135] : memref<25165824xf32, #tpu.memory_space<hbm>> -> memref<24576xf32, #tpu.memory_space<hbm>>
    tpu.enqueue_dma source(%arg5 : memref<24576xf32, #tpu.memory_space<vmem>>) target(%dma_start3A_1137 : memref<24576xf32, #tpu.memory_space<hbm>>) target_semaphore(%arg11 : memref<!tpu.dma_semaphore, #tpu.memory_space<semaphore_mem>>)
    %add3A_1138 = arith.constant 928 : i32
    %add3A_1139 = arith.addi %mul3A_2, %add3A_1138 : i32
    %mul3A_1140 = arith.constant 768 : i32
    %mul3A_1141 = arith.muli %add3A_1139, %mul3A_1140 : i32
    %add3A_1142 = arith.constant 928 : i32
    %add3A_1143 = arith.addi %rem3A_3, %add3A_1142 : i32
    %mul3A_1144 = arith.constant 768 : i32
    %mul3A_1145 = arith.muli %add3A_1143, %mul3A_1144 : i32
    %dma_wait3A_1146 = tpu.memref_slice %arg2[%mul3A_1141] : memref<25165824xf32, #tpu.memory_space<hbm>> -> memref<24576xf32, #tpu.memory_space<hbm>>
    %dma_wait3A_1147 = tpu.memref_slice %arg2[%mul3A_1141] : memref<25165824xf32, #tpu.memory_space<hbm>> -> memref<24576xf32, #tpu.memory_space<hbm>>
    tpu.wait_dma2 semaphore(%arg10 : memref<!tpu.dma_semaphore, #tpu.memory_space<semaphore_mem>>) src(%dma_wait3A_1147 : memref<24576xf32, #tpu.memory_space<hbm>>) dst(%arg6 : memref<24576xf32, #tpu.memory_space<vmem>>)
    %dma_wait3A_1148 = tpu.memref_slice %arg3[%mul3A_1145] : memref<6291456xf32, #tpu.memory_space<hbm>> -> memref<24576xf32, #tpu.memory_space<hbm>>
    %dma_wait3A_1149 = tpu.memref_slice %arg3[%mul3A_1145] : memref<6291456xf32, #tpu.memory_space<hbm>> -> memref<24576xf32, #tpu.memory_space<hbm>>
    tpu.wait_dma2 semaphore(%arg10 : memref<!tpu.dma_semaphore, #tpu.memory_space<semaphore_mem>>) src(%dma_wait3A_1149 : memref<24576xf32, #tpu.memory_space<hbm>>) dst(%arg8 : memref<24576xf32, #tpu.memory_space<vmem>>)
    %add3A_1150 = arith.constant 896 : i32
    %add3A_1151 = arith.addi %mul3A_2, %add3A_1150 : i32
    %mul3A_1152 = arith.constant 768 : i32
    %mul3A_1153 = arith.muli %add3A_1151, %mul3A_1152 : i32
    %dma_wait3A_1154 = tpu.memref_slice %arg4[%mul3A_1153] : memref<25165824xf32, #tpu.memory_space<hbm>> -> memref<24576xf32, #tpu.memory_space<hbm>>
    %dma_wait3A_1155 = tpu.memref_slice %arg4[%mul3A_1153] : memref<25165824xf32, #tpu.memory_space<hbm>> -> memref<24576xf32, #tpu.memory_space<hbm>>
    tpu.wait_dma2 semaphore(%arg11 : memref<!tpu.dma_semaphore, #tpu.memory_space<semaphore_mem>>) src(%arg5 : memref<24576xf32, #tpu.memory_space<vmem>>) dst(%dma_wait3A_1155 : memref<24576xf32, #tpu.memory_space<hbm>>)
    %add3A_1156 = arith.constant 960 : i32
    %add3A_1157 = arith.addi %mul3A_2, %add3A_1156 : i32
    %mul3A_1158 = arith.constant 768 : i32
    %mul3A_1159 = arith.muli %add3A_1157, %mul3A_1158 : i32
    %add3A_1160 = arith.constant 960 : i32
    %add3A_1161 = arith.addi %rem3A_3, %add3A_1160 : i32
    %mul3A_1162 = arith.constant 768 : i32
    %mul3A_1163 = arith.muli %add3A_1161, %mul3A_1162 : i32
    %dma_start3A_1164 = tpu.memref_slice %arg2[%mul3A_1159] : memref<25165824xf32, #tpu.memory_space<hbm>> -> memref<24576xf32, #tpu.memory_space<hbm>>
    %dma_start3A_1165 = tpu.memref_slice %arg2[%mul3A_1159] : memref<25165824xf32, #tpu.memory_space<hbm>> -> memref<24576xf32, #tpu.memory_space<hbm>>
    tpu.enqueue_dma source(%dma_start3A_1165 : memref<24576xf32, #tpu.memory_space<hbm>>) target(%arg5 : memref<24576xf32, #tpu.memory_space<vmem>>) target_semaphore(%arg9 : memref<!tpu.dma_semaphore, #tpu.memory_space<semaphore_mem>>)
    %dma_start3A_1166 = tpu.memref_slice %arg3[%mul3A_1163] : memref<6291456xf32, #tpu.memory_space<hbm>> -> memref<24576xf32, #tpu.memory_space<hbm>>
    %dma_start3A_1167 = tpu.memref_slice %arg3[%mul3A_1163] : memref<6291456xf32, #tpu.memory_space<hbm>> -> memref<24576xf32, #tpu.memory_space<hbm>>
    tpu.enqueue_dma source(%dma_start3A_1167 : memref<24576xf32, #tpu.memory_space<hbm>>) target(%arg7 : memref<24576xf32, #tpu.memory_space<vmem>>) target_semaphore(%arg9 : memref<!tpu.dma_semaphore, #tpu.memory_space<semaphore_mem>>)
    %parallel_loop3A_1168 = arith.constant 0 : i32
    %parallel_loop3A_1169 = arith.constant 24576 : i32
    %parallel_loop3A_1170 = arith.constant 16 : i32
    scf.for %parallel_loop3A_1249 = %parallel_loop3A_1168 to %parallel_loop3A_1169 step %parallel_loop3A_1170  : i32 {
      %parallel_loop3A_1250 = arith.index_cast %parallel_loop3A_1249 : i32 to index
      %parallel_loop3A_1251 = tpu.vector_load %arg6[%parallel_loop3A_1250] {strides = array<i32>} : memref<24576xf32, #tpu.memory_space<vmem>>, vector<16xf32>,
      %parallel_loop3A_1252 = vector.shape_cast %parallel_loop3A_1251 : vector<16xf32> to vector<16xf32>
      %parallel_loop3A_1253 = arith.index_cast %parallel_loop3A_1249 : i32 to index
      %parallel_loop3A_1254 = tpu.vector_load %arg8[%parallel_loop3A_1253] {strides = array<i32>} : memref<24576xf32, #tpu.memory_space<vmem>>, vector<16xf32>,
      %parallel_loop3A_1255 = vector.shape_cast %parallel_loop3A_1254 : vector<16xf32> to vector<16xf32>
      %parallel_loop3A_1256 = arith.addf %parallel_loop3A_1252, %parallel_loop3A_1255 : vector<16xf32>
      %parallel_loop3A_1257 = arith.index_cast %parallel_loop3A_1249 : i32 to index
      %parallel_loop3A_1258 = tpu.vector_load %arg6[%parallel_loop3A_1257] {strides = array<i32>} : memref<24576xf32, #tpu.memory_space<vmem>>, vector<16xf32>,
      %parallel_loop3A_1259 = vector.shape_cast %parallel_loop3A_1258 : vector<16xf32> to vector<16xf32>
      %parallel_loop3A_1260 = vector.shape_cast %parallel_loop3A_1256 : vector<16xf32> to vector<16xf32>
      tpu.vector_store %arg6[%parallel_loop3A_1257], %parallel_loop3A_1260 {strides = array<i32>} : memref<24576xf32, #tpu.memory_space<vmem>>, vector<16xf32>,
    } {sc.loop_unroll_factor = 8 : i64, sc.parallel_access}
    %add3A_1171 = arith.constant 928 : i32
    %add3A_1172 = arith.addi %mul3A_2, %add3A_1171 : i32
    %mul3A_1173 = arith.constant 768 : i32
    %mul3A_1174 = arith.muli %add3A_1172, %mul3A_1173 : i32
    %dma_start3A_1175 = tpu.memref_slice %arg4[%mul3A_1174] : memref<25165824xf32, #tpu.memory_space<hbm>> -> memref<24576xf32, #tpu.memory_space<hbm>>
    %dma_start3A_1176 = tpu.memref_slice %arg4[%mul3A_1174] : memref<25165824xf32, #tpu.memory_space<hbm>> -> memref<24576xf32, #tpu.memory_space<hbm>>
    tpu.enqueue_dma source(%arg6 : memref<24576xf32, #tpu.memory_space<vmem>>) target(%dma_start3A_1176 : memref<24576xf32, #tpu.memory_space<hbm>>) target_semaphore(%arg12 : memref<!tpu.dma_semaphore, #tpu.memory_space<semaphore_mem>>)
    %add3A_1177 = arith.constant 960 : i32
    %add3A_1178 = arith.addi %mul3A_2, %add3A_1177 : i32
    %mul3A_1179 = arith.constant 768 : i32
    %mul3A_1180 = arith.muli %add3A_1178, %mul3A_1179 : i32
    %add3A_1181 = arith.constant 960 : i32
    %add3A_1182 = arith.addi %rem3A_3, %add3A_1181 : i32
    %mul3A_1183 = arith.constant 768 : i32
    %mul3A_1184 = arith.muli %add3A_1182, %mul3A_1183 : i32
    %dma_wait3A_1185 = tpu.memref_slice %arg2[%mul3A_1180] : memref<25165824xf32, #tpu.memory_space<hbm>> -> memref<24576xf32, #tpu.memory_space<hbm>>
    %dma_wait3A_1186 = tpu.memref_slice %arg2[%mul3A_1180] : memref<25165824xf32, #tpu.memory_space<hbm>> -> memref<24576xf32, #tpu.memory_space<hbm>>
    tpu.wait_dma2 semaphore(%arg9 : memref<!tpu.dma_semaphore, #tpu.memory_space<semaphore_mem>>) src(%dma_wait3A_1186 : memref<24576xf32, #tpu.memory_space<hbm>>) dst(%arg5 : memref<24576xf32, #tpu.memory_space<vmem>>)
    %dma_wait3A_1187 = tpu.memref_slice %arg3[%mul3A_1184] : memref<6291456xf32, #tpu.memory_space<hbm>> -> memref<24576xf32, #tpu.memory_space<hbm>>
    %dma_wait3A_1188 = tpu.memref_slice %arg3[%mul3A_1184] : memref<6291456xf32, #tpu.memory_space<hbm>> -> memref<24576xf32, #tpu.memory_space<hbm>>
    tpu.wait_dma2 semaphore(%arg9 : memref<!tpu.dma_semaphore, #tpu.memory_space<semaphore_mem>>) src(%dma_wait3A_1188 : memref<24576xf32, #tpu.memory_space<hbm>>) dst(%arg7 : memref<24576xf32, #tpu.memory_space<vmem>>)
    %add3A_1189 = arith.constant 928 : i32
    %add3A_1190 = arith.addi %mul3A_2, %add3A_1189 : i32
    %mul3A_1191 = arith.constant 768 : i32
    %mul3A_1192 = arith.muli %add3A_1190, %mul3A_1191 : i32
    %dma_wait3A_1193 = tpu.memref_slice %arg4[%mul3A_1192] : memref<25165824xf32, #tpu.memory_space<hbm>> -> memref<24576xf32, #tpu.memory_space<hbm>>
    %dma_wait3A_1194 = tpu.memref_slice %arg4[%mul3A_1192] : memref<25165824xf32, #tpu.memory_space<hbm>> -> memref<24576xf32, #tpu.memory_space<hbm>>
    tpu.wait_dma2 semaphore(%arg12 : memref<!tpu.dma_semaphore, #tpu.memory_space<semaphore_mem>>) src(%arg6 : memref<24576xf32, #tpu.memory_space<vmem>>) dst(%dma_wait3A_1194 : memref<24576xf32, #tpu.memory_space<hbm>>)
    %add3A_1195 = arith.constant 992 : i32
    %add3A_1196 = arith.addi %mul3A_2, %add3A_1195 : i32
    %mul3A_1197 = arith.constant 768 : i32
    %mul3A_1198 = arith.muli %add3A_1196, %mul3A_1197 : i32
    %add3A_1199 = arith.constant 992 : i32
    %add3A_1200 = arith.addi %rem3A_3, %add3A_1199 : i32
    %mul3A_1201 = arith.constant 768 : i32
    %mul3A_1202 = arith.muli %add3A_1200, %mul3A_1201 : i32
    %dma_start3A_1203 = tpu.memref_slice %arg2[%mul3A_1198] : memref<25165824xf32, #tpu.memory_space<hbm>> -> memref<24576xf32, #tpu.memory_space<hbm>>
    %dma_start3A_1204 = tpu.memref_slice %arg2[%mul3A_1198] : memref<25165824xf32, #tpu.memory_space<hbm>> -> memref<24576xf32, #tpu.memory_space<hbm>>
    tpu.enqueue_dma source(%dma_start3A_1204 : memref<24576xf32, #tpu.memory_space<hbm>>) target(%arg6 : memref<24576xf32, #tpu.memory_space<vmem>>) target_semaphore(%arg10 : memref<!tpu.dma_semaphore, #tpu.memory_space<semaphore_mem>>)
    %dma_start3A_1205 = tpu.memref_slice %arg3[%mul3A_1202] : memref<6291456xf32, #tpu.memory_space<hbm>> -> memref<24576xf32, #tpu.memory_space<hbm>>
    %dma_start3A_1206 = tpu.memref_slice %arg3[%mul3A_1202] : memref<6291456xf32, #tpu.memory_space<hbm>> -> memref<24576xf32, #tpu.memory_space<hbm>>
    tpu.enqueue_dma source(%dma_start3A_1206 : memref<24576xf32, #tpu.memory_space<hbm>>) target(%arg8 : memref<24576xf32, #tpu.memory_space<vmem>>) target_semaphore(%arg10 : memref<!tpu.dma_semaphore, #tpu.memory_space<semaphore_mem>>)
    %parallel_loop3A_1207 = arith.constant 0 : i32
    %parallel_loop3A_1208 = arith.constant 24576 : i32
    %parallel_loop3A_1209 = arith.constant 16 : i32
    scf.for %parallel_loop3A_1249 = %parallel_loop3A_1207 to %parallel_loop3A_1208 step %parallel_loop3A_1209  : i32 {
      %parallel_loop3A_1250 = arith.index_cast %parallel_loop3A_1249 : i32 to index
      %parallel_loop3A_1251 = tpu.vector_load %arg5[%parallel_loop3A_1250] {strides = array<i32>} : memref<24576xf32, #tpu.memory_space<vmem>>, vector<16xf32>,
      %parallel_loop3A_1252 = vector.shape_cast %parallel_loop3A_1251 : vector<16xf32> to vector<16xf32>
      %parallel_loop3A_1253 = arith.index_cast %parallel_loop3A_1249 : i32 to index
      %parallel_loop3A_1254 = tpu.vector_load %arg7[%parallel_loop3A_1253] {strides = array<i32>} : memref<24576xf32, #tpu.memory_space<vmem>>, vector<16xf32>,
      %parallel_loop3A_1255 = vector.shape_cast %parallel_loop3A_1254 : vector<16xf32> to vector<16xf32>
      %parallel_loop3A_1256 = arith.addf %parallel_loop3A_1252, %parallel_loop3A_1255 : vector<16xf32>
      %parallel_loop3A_1257 = arith.index_cast %parallel_loop3A_1249 : i32 to index
      %parallel_loop3A_1258 = tpu.vector_load %arg5[%parallel_loop3A_1257] {strides = array<i32>} : memref<24576xf32, #tpu.memory_space<vmem>>, vector<16xf32>,
      %parallel_loop3A_1259 = vector.shape_cast %parallel_loop3A_1258 : vector<16xf32> to vector<16xf32>
      %parallel_loop3A_1260 = vector.shape_cast %parallel_loop3A_1256 : vector<16xf32> to vector<16xf32>
      tpu.vector_store %arg5[%parallel_loop3A_1257], %parallel_loop3A_1260 {strides = array<i32>} : memref<24576xf32, #tpu.memory_space<vmem>>, vector<16xf32>,
    } {sc.loop_unroll_factor = 8 : i64, sc.parallel_access}
    %add3A_1210 = arith.constant 960 : i32
    %add3A_1211 = arith.addi %mul3A_2, %add3A_1210 : i32
    %mul3A_1212 = arith.constant 768 : i32
    %mul3A_1213 = arith.muli %add3A_1211, %mul3A_1212 : i32
    %dma_start3A_1214 = tpu.memref_slice %arg4[%mul3A_1213] : memref<25165824xf32, #tpu.memory_space<hbm>> -> memref<24576xf32, #tpu.memory_space<hbm>>
    %dma_start3A_1215 = tpu.memref_slice %arg4[%mul3A_1213] : memref<25165824xf32, #tpu.memory_space<hbm>> -> memref<24576xf32, #tpu.memory_space<hbm>>
    tpu.enqueue_dma source(%arg5 : memref<24576xf32, #tpu.memory_space<vmem>>) target(%dma_start3A_1215 : memref<24576xf32, #tpu.memory_space<hbm>>) target_semaphore(%arg11 : memref<!tpu.dma_semaphore, #tpu.memory_space<semaphore_mem>>)
    %add3A_1216 = arith.constant 992 : i32
    %add3A_1217 = arith.addi %mul3A_2, %add3A_1216 : i32
    %mul3A_1218 = arith.constant 768 : i32
    %mul3A_1219 = arith.muli %add3A_1217, %mul3A_1218 : i32
    %add3A_1220 = arith.constant 992 : i32
    %add3A_1221 = arith.addi %rem3A_3, %add3A_1220 : i32
    %mul3A_1222 = arith.constant 768 : i32
    %mul3A_1223 = arith.muli %add3A_1221, %mul3A_1222 : i32
    %dma_wait3A_1224 = tpu.memref_slice %arg2[%mul3A_1219] : memref<25165824xf32, #tpu.memory_space<hbm>> -> memref<24576xf32, #tpu.memory_space<hbm>>
    %dma_wait3A_1225 = tpu.memref_slice %arg2[%mul3A_1219] : memref<25165824xf32, #tpu.memory_space<hbm>> -> memref<24576xf32, #tpu.memory_space<hbm>>
    tpu.wait_dma2 semaphore(%arg10 : memref<!tpu.dma_semaphore, #tpu.memory_space<semaphore_mem>>) src(%dma_wait3A_1225 : memref<24576xf32, #tpu.memory_space<hbm>>) dst(%arg6 : memref<24576xf32, #tpu.memory_space<vmem>>)
    %dma_wait3A_1226 = tpu.memref_slice %arg3[%mul3A_1223] : memref<6291456xf32, #tpu.memory_space<hbm>> -> memref<24576xf32, #tpu.memory_space<hbm>>
    %dma_wait3A_1227 = tpu.memref_slice %arg3[%mul3A_1223] : memref<6291456xf32, #tpu.memory_space<hbm>> -> memref<24576xf32, #tpu.memory_space<hbm>>
    tpu.wait_dma2 semaphore(%arg10 : memref<!tpu.dma_semaphore, #tpu.memory_space<semaphore_mem>>) src(%dma_wait3A_1227 : memref<24576xf32, #tpu.memory_space<hbm>>) dst(%arg8 : memref<24576xf32, #tpu.memory_space<vmem>>)
    %parallel_loop3A_1228 = arith.constant 0 : i32
    %parallel_loop3A_1229 = arith.constant 24576 : i32
    %parallel_loop3A_1230 = arith.constant 16 : i32
    scf.for %parallel_loop3A_1249 = %parallel_loop3A_1228 to %parallel_loop3A_1229 step %parallel_loop3A_1230  : i32 {
      %parallel_loop3A_1250 = arith.index_cast %parallel_loop3A_1249 : i32 to index
      %parallel_loop3A_1251 = tpu.vector_load %arg6[%parallel_loop3A_1250] {strides = array<i32>} : memref<24576xf32, #tpu.memory_space<vmem>>, vector<16xf32>,
      %parallel_loop3A_1252 = vector.shape_cast %parallel_loop3A_1251 : vector<16xf32> to vector<16xf32>
      %parallel_loop3A_1253 = arith.index_cast %parallel_loop3A_1249 : i32 to index
      %parallel_loop3A_1254 = tpu.vector_load %arg8[%parallel_loop3A_1253] {strides = array<i32>} : memref<24576xf32, #tpu.memory_space<vmem>>, vector<16xf32>,
      %parallel_loop3A_1255 = vector.shape_cast %parallel_loop3A_1254 : vector<16xf32> to vector<16xf32>
      %parallel_loop3A_1256 = arith.addf %parallel_loop3A_1252, %parallel_loop3A_1255 : vector<16xf32>
      %parallel_loop3A_1257 = arith.index_cast %parallel_loop3A_1249 : i32 to index
      %parallel_loop3A_1258 = tpu.vector_load %arg6[%parallel_loop3A_1257] {strides = array<i32>} : memref<24576xf32, #tpu.memory_space<vmem>>, vector<16xf32>,
      %parallel_loop3A_1259 = vector.shape_cast %parallel_loop3A_1258 : vector<16xf32> to vector<16xf32>
      %parallel_loop3A_1260 = vector.shape_cast %parallel_loop3A_1256 : vector<16xf32> to vector<16xf32>
      tpu.vector_store %arg6[%parallel_loop3A_1257], %parallel_loop3A_1260 {strides = array<i32>} : memref<24576xf32, #tpu.memory_space<vmem>>, vector<16xf32>,
    } {sc.loop_unroll_factor = 8 : i64, sc.parallel_access}
    %add3A_1231 = arith.constant 992 : i32
    %add3A_1232 = arith.addi %mul3A_2, %add3A_1231 : i32
    %mul3A_1233 = arith.constant 768 : i32
    %mul3A_1234 = arith.muli %add3A_1232, %mul3A_1233 : i32
    %dma_start3A_1235 = tpu.memref_slice %arg4[%mul3A_1234] : memref<25165824xf32, #tpu.memory_space<hbm>> -> memref<24576xf32, #tpu.memory_space<hbm>>
    %dma_start3A_1236 = tpu.memref_slice %arg4[%mul3A_1234] : memref<25165824xf32, #tpu.memory_space<hbm>> -> memref<24576xf32, #tpu.memory_space<hbm>>
    tpu.enqueue_dma source(%arg6 : memref<24576xf32, #tpu.memory_space<vmem>>) target(%dma_start3A_1236 : memref<24576xf32, #tpu.memory_space<hbm>>) target_semaphore(%arg12 : memref<!tpu.dma_semaphore, #tpu.memory_space<semaphore_mem>>)
    %add3A_1237 = arith.constant 960 : i32
    %add3A_1238 = arith.addi %mul3A_2, %add3A_1237 : i32
    %mul3A_1239 = arith.constant 768 : i32
    %mul3A_1240 = arith.muli %add3A_1238, %mul3A_1239 : i32
    %dma_wait3A_1241 = tpu.memref_slice %arg4[%mul3A_1240] : memref<25165824xf32, #tpu.memory_space<hbm>> -> memref<24576xf32, #tpu.memory_space<hbm>>
    %dma_wait3A_1242 = tpu.memref_slice %arg4[%mul3A_1240] : memref<25165824xf32, #tpu.memory_space<hbm>> -> memref<24576xf32, #tpu.memory_space<hbm>>
    tpu.wait_dma2 semaphore(%arg11 : memref<!tpu.dma_semaphore, #tpu.memory_space<semaphore_mem>>) src(%arg5 : memref<24576xf32, #tpu.memory_space<vmem>>) dst(%dma_wait3A_1242 : memref<24576xf32, #tpu.memory_space<hbm>>)
    %add3A_1243 = arith.constant 992 : i32
    %add3A_1244 = arith.addi %mul3A_2, %add3A_1243 : i32
    %mul3A_1245 = arith.constant 768 : i32
    %mul3A_1246 = arith.muli %add3A_1244, %mul3A_1245 : i32
    %dma_wait3A_1247 = tpu.memref_slice %arg4[%mul3A_1246] : memref<25165824xf32, #tpu.memory_space<hbm>> -> memref<24576xf32, #tpu.memory_space<hbm>>
    %dma_wait3A_1248 = tpu.memref_slice %arg4[%mul3A_1246] : memref<25165824xf32, #tpu.memory_space<hbm>> -> memref<24576xf32, #tpu.memory_space<hbm>>
    tpu.wait_dma2 semaphore(%arg12 : memref<!tpu.dma_semaphore, #tpu.memory_space<semaphore_mem>>) src(%arg6 : memref<24576xf32, #tpu.memory_space<vmem>>) dst(%dma_wait3A_1248 : memref<24576xf32, #tpu.memory_space<hbm>>)
    return
  }
}

</mosaic_0001>

<sc_bundles>
// kernel: kernel.3.cloned.1.call-start
scs
__scs_entry_jumppad:
0x0: {  	(pc) =	sbr.rel $0x88, $3  }
0x1: {  	(tag) =	ssettag $0x0;
	lr =	simm.s32 $0x1  }
0x2: {  	[smem:$0x3F9F] =	sst lr;
	_ =	strace $0xD0000000  }
0x3: {  	_ = 	snop  }
0x4: {  	_ = 	snop  }
0x5: {  	_ = 	snop  }
0x6: {  	_ = 	snop  }
0x7: {  	_ = 	snop  }
__scs_overlays_trampoline_lowered:
0x8: {  	[smem:$0x3FAE] =	sst s0  }
0x9: {  	[smem:$0x3FAF] =	sst s1  }
0xa: {  	[smem:$0x3FB0] =	sst s2  }
0xb: {  	[smem:$0x3FB1] =	sst s3  }
0xc: {  	[smem:$0x3FB2] =	sst s4  }
0xd: {  	[smem:$0x3FB3] =	sst s5  }
0xe: {  	[smem:$0x3FB4] =	sst s6  }
0xf: {  	[smem:$0x3FB5] =	sst s7  }
0x10: {  	[smem:$0x3FB6] =	sst s8  }
0x11: {  	[smem:$0x3FB7] =	sst s9;
	s0 =	simm.s32 @!p0 $0x0  }
0x12: {  	s1 =	sld [smem:$0x3F9D];
	s0 =	simm.s32 @p0 $0x1  }
0x13: {  	[smem:$0x3FB8] =	sst s0;
	s0 =	simm.s32 @!p1 $0x0  }
0x14: {  	s2 =	sld [smem:$0x3F9C];
	s0 =	simm.s32 @p1 $0x1  }
0x15: {  	[smem:$0x3FB9] =	sst s0;
	s0 =	simm.s32 @!p2 $0x0  }
0x16: {  	s3 =	sld [smem:$0x3FDB];
	s0 =	simm.s32 @p2 $0x1  }
0x17: {  	s4 =	simm.s32 $0x1BF5;
	[smem:$0x3FBB] =	sst s0  }
0x18: {  	s0 =	sld [smem:$0x3F9E];
	_ =	swait.ge [sflag:s4], $0x0  }
0x19: {  	s7 =	sld [smem:$0x3F9F]  }
0x1a: {  	s8 =	sadd.s32 $0xFFFFE003, lr  }
0x1b: {  	s9 =	sadd.s32 $0xFFFFFEF7, lr;
	s5 =	simm.s32 $0xFFFFFFFF;
	p2 =	slt.u32 s8, $0xFFFFF086  }
0x1c: {  	p1 =	slt.u32 s9, $0xF7A;
	s5 =	simm.s32 @!p2 $0x0  }
0x1d: {  	s5 =	simm.s32 @p1 $0x1;
	p0 =	seq.s32 s7, s2  }
0x1e: {  	s7 =	smul.u32 @!p0 $0xF7A, s2;
	p2 =	seq.s32 @!p0 s5, $0x0  }
0x1f: {  	s9 =	smul.u32 $0xF7A, s1;
	s8 =	simm.s32 @!p0 $0x1BF5;
	p2 =	por !p2, p0  }
0x20: {  	[sflag:s8] =	ssyncset.s32 @!p0 $0xFFFFF086;
	s6 =	sadd.s32 @!p0 s3, s7;
	s7 =	simm.s32 @!p0 $0x108  }
0x21: {  	s3 =	sadd.s32 s3, s9;
	s6 =	sadd.s32 @!p0 $0x88, s6;
	s7 =	simm.s32 @p2 $0x1082  }
0x22: {  	[simem:s7], [sflag:s8] =	dma.local @!p0 [hbm:s6], $0xF7A  }
0x23: {  	s9 =	sor.u32 $0xD0000000, s2;
	s6 =	simm.s32 $0x108;
	_ =	swait.ge @!p0 [sflag:s8], $0x0  }
0x24: {  	s3 =	sadd.s32 $0x88, s3;
	s6 =	simm.s32 @!p1 $0x1082;
	[sflag:s4] =	ssyncset.s32 $0xFFFFF086  }
0x25: {  	[simem:s6], [sflag:s4] =	dma.local [hbm:s3], $0xF7A  }
0x26: {  	[smem:$0x3F9F] =	sst s1;
	(tag) =	ssettag s2;
	_ =	strace s9  }
0x27: {  	s1 =	sld [smem:$0x3FAF]  }
0x28: {  	s2 =	sld [smem:$0x3FB0]  }
0x29: {  	s4 =	sld [smem:$0x3FB2]  }
0x2a: {  	p0 =	seq.s32 s5, $0x0;
	s5 =	sld [smem:$0x3FB3]  }
0x2b: {  	s6 =	sld [smem:$0x3FB4]  }
0x2c: {  	s7 =	sld [smem:$0x3FB5]  }
0x2d: {  	s3 =	simm.s32 $0x108;
	s8 =	sld [smem:$0x3FB6]  }
0x2e: {  	s3 =	simm.s32 @!p0 $0x1082;
	s9 =	sld [smem:$0x3FB7]  }
0x2f: {  	lr =	sadd.s32 s0, s3;
	s0 =	sld [smem:$0x3FAE]  }
0x30: {  	s3 =	sld [smem:$0x3FB1]  }
0x31: {  	[smem:$0x3FBA] =	sst s10  }
0x32: {  	s10 =	sld [smem:$0x3FB8];
	_ =	sdelay $0x3  }
0x33: {  	p0 =	seq.s32 s10, $0x1;
	s10 =	sld [smem:$0x3FBA];
	_ =	sdelay $0x3  }
0x34: {  	[smem:$0x3FBA] =	sst s10  }
0x35: {  	s10 =	sld [smem:$0x3FB9];
	_ =	sdelay $0x3  }
0x36: {  	p1 =	seq.s32 s10, $0x1;
	s10 =	sld [smem:$0x3FBA];
	_ =	sdelay $0x3  }
0x37: {  	[smem:$0x3FBA] =	sst s10  }
0x38: {  	s10 =	sld [smem:$0x3FBB]  }
0x39: {  	_ = 	snop;
	(pc) =	sbr.ind lr, $3  }
0x3a: {  	_ = 	snop  }
0x3b: {  	_ = 	snop  }
0x3c: {  	p2 =	seq.s32 s10, $0x1;
	s10 =	sld [smem:$0x3FBA]  }
0x3d: {  	_ =	shalt  }
0x3e: {  	_ =	shalt  }
0x3f: {  	_ =	shalt  }
0x40: {  	_ =	shalt  }
0x41: {  	_ =	shalt  }
0x42: {  	_ =	shalt  }
0x43: {  	_ =	shalt  }
0x44: {  	_ =	shalt  }
0x45: {  	_ =	shalt  }
0x46: {  	_ =	shalt  }
0x47: {  	_ =	shalt  }
0x48: {  	_ =	shalt  }
0x49: {  	_ =	shalt  }
0x4a: {  	_ =	shalt  }
0x4b: {  	_ =	shalt  }
0x4c: {  	_ =	shalt  }
0x4d: {  	_ =	shalt  }
0x4e: {  	_ =	shalt  }
0x4f: {  	_ =	shalt  }
0x50: {  	_ =	shalt  }
0x51: {  	_ =	shalt  }
0x52: {  	_ =	shalt  }
0x53: {  	_ =	shalt  }
0x54: {  	_ =	shalt  }
0x55: {  	_ =	shalt  }
0x56: {  	_ =	shalt  }
0x57: {  	_ =	shalt  }
0x58: {  	_ =	shalt  }
0x59: {  	_ =	shalt  }
0x5a: {  	_ =	shalt  }
0x5b: {  	_ =	shalt  }
0x5c: {  	_ =	shalt  }
0x5d: {  	_ =	shalt  }
0x5e: {  	_ =	shalt  }
0x5f: {  	_ =	shalt  }
0x60: {  	_ =	shalt  }
0x61: {  	_ =	shalt  }
0x62: {  	_ =	shalt  }
0x63: {  	_ =	shalt  }
0x64: {  	_ =	shalt  }
0x65: {  	_ =	shalt  }
0x66: {  	_ =	shalt  }
0x67: {  	_ =	shalt  }
0x68: {  	_ =	shalt  }
0x69: {  	_ =	shalt  }
0x6a: {  	_ =	shalt  }
0x6b: {  	_ =	shalt  }
0x6c: {  	_ =	shalt  }
0x6d: {  	_ =	shalt  }
0x6e: {  	_ =	shalt  }
0x6f: {  	_ =	shalt  }
0x70: {  	_ =	shalt  }
0x71: {  	_ =	shalt  }
0x72: {  	_ =	shalt  }
0x73: {  	_ =	shalt  }
0x74: {  	_ =	shalt  }
0x75: {  	_ =	shalt  }
0x76: {  	_ =	shalt  }
0x77: {  	_ =	shalt  }
0x78: {  	_ =	shalt  }
0x79: {  	_ =	shalt  }
0x7a: {  	_ =	shalt  }
0x7b: {  	_ =	shalt  }
0x7c: {  	_ =	shalt  }
0x7d: {  	_ =	shalt  }
0x7e: {  	_ =	shalt  }
0x7f: {  	_ =	shalt  }
0x80: {  	_ =	shalt  }
0x81: {  	_ =	shalt  }
0x82: {  	_ =	shalt  }
0x83: {  	_ =	shalt  }
0x84: {  	_ =	shalt  }
0x85: {  	_ =	shalt  }
0x86: {  	_ =	shalt  }
0x87: {  	_ =	shalt  }
.Lfunc_end0:
.L_simem_size_0:
called_computation_lowered:
.L_overlay_start_0:
0x88: {  	s2 =	sld [smem:$0x3FD9]  }
0x89: {  	s3 =	sld [smem:$0x3FFE];
	_ =	sdelay $0x1  }
0x8a: {  	s1 =	srdreg.scid  }
0x8b: {  	s0 =	sand.u32 $0x1, s1  }
0x8c: {  	s17 =	sshll.u32 s0, $0xA;
	s2 =	sadd.s32 s3, s2  }
0x8d: {  	s2 =	sadd.s32 s2, s17  }
0x8e: {  	[smem:$0x3FC6] =	sst s2  }
0x8f: {  	_ = 	snop  }
0x90: {  	s2 =	sld [smem:$0x3FD0];
	(tm) =	ssettm $0x1  }
0x91: {  	s18 =	sld [smem:$0x3FFB];
	_ =	sdelay $0x3  }
0x92: {  	_ =	strace s18  }
0x93: {  	s3 =	sld [smem:$0x3FFC];
	_ =	sdelay $0x3  }
0x94: {  	_ =	strace s3  }
0x95: {  	s3 =	sld [smem:$0x3FFD];
	_ =	sdelay $0x3  }
0x96: {  	_ =	strace s3  }
0x97: {  	_ =	strace $0x8FFFFFFF  }
0x98: {  	s19 =	sld [smem:$0x3FDB];
	_ =	sdelay $0x1  }
0x99: {  	s4 =	simm.s32 $_scs_section_size  }
0x9a: {  	s5 =	simm.s32 $_size__tile_overlayer_lowered;
	s6 =	simm.s32 $_tile_overlayer_lowered  }
0x9b: {  	s22 =	simm.s32 $0x1BFF;
	s21 =	sshll.u32 s6, $0x1;
	s3 =	sadd.s32 s4, s19  }
0x9c: {  	s7 =	simm.s32 $0x0;
	s20 =	sshll.u32 s5, $0x1;
	s5 =	sadd.s32 s21, s3  }
0x9d: {  	[timem:s7], [sflag:s22] =	dma.local [hbm:s5], s20  }
0x9e: {  	_ =	swait.ge [sflag:s22], s20  }
0x9f: {  	s4 =	ssub.s32 $0x0, s20;
	[sflag:s22] =	ssyncset.done $0x0  }
0xa0: {  	[sflag:s22] =	ssyncadd.s32 s4;
	_ =	sdelay $0x1  }
0xa1: {  	s23 =	simm.s32 $0x1B8B  }
0xa2: {  	_ =	swait.ge [sflag:s23], $0x1  }
0xa3: {  	[sflag:s23] =	ssyncset.done $0x0  }
0xa4: {  	s25 =	simm.s32 $0x1B8E;
	s24 =	sld [smem:$0x3FFE];
	[sflag:s23] =	ssyncadd.s32 $0xFFFFFFFF  }
0xa5: {  	s26 =	simm.s32 $execute0_lowered;
	[smem:$0x3FD2] =	sst s25  }
0xa6: {  	s5 =	sshll.u32 s26, $0x1;
	_ =	strace $0x80000046;
	[dreg:$0x1] =	wrdreg $0xFFFFFFFF  }
0xa7: {  	s28 =	simm.s32 $_size_execute0_lowered;
	s3 =	sadd.s32 s3, s5;
	[dreg:$0x0] =	wrdreg $0x0  }
0xa8: {  	s5 =	sshll.u32 s28, $0x1;
	[dreg:$0x2] =	wrdreg s3  }
0xa9: {  	[dreg:$0x3] =	wrdreg s5  }
0xaa: {  	[dreg:$0x4] =	wrdreg $0xC0  }
0xab: {  	_ =	task [dreg:s7], $0x5FFFF  }
0xac: {  	[dreg:$0x1] =	wrdreg $0xFFFFFFFF  }
0xad: {  	[dreg:$0x0] =	wrdreg $0x60  }
0xae: {  	[dreg:$0x2] =	wrdreg s2  }
0xaf: {  	[dreg:$0x3] =	wrdreg s24  }
0xb0: {  	[dreg:$0x4] =	wrdreg $0x9  }
0xb1: {  	_ =	task.clear_ibuf [dreg:s7], $0x5FFFF;
	_ =	strace $0x90000046  }
0xb2: {  	s29 =	simm.s32 $0x9;
	_ =	strace $0x80000048  }
0xb3: {  	_ =	swait.ge [sflag:s29], $0x1  }
0xb4: {  	[sflag:s29] =	ssyncadd.s32 $0xFFFFFFFF  }
0xb5: {  	_ =	strace $0x90000048  }
0xb6: {  	_ =	sfence  }
0xb7: {  	s30 =	sld [smem:$0x0];
	_ =	sdelay $0x2  }
0xb8: {  	s31 =	sshll.u32 s1, $0xD;
	s1 =	sshrl.u32 s1, $0x2  }
0xb9: {  	s3 =	sand.u32 $0x4000, s31;
	s1 =	sadd.s32 s1, s30  }
0xba: {  	s0 =	sor.u32 s3, s0;
	s1 =	sshll.u32 s1, $0x11  }
0xbb: {  	s0 =	sor.u32 s1, s0  }
0xbc: {  	s0 =	sadd.s32 $0x8F2B, s0  }
0xbd: {  	[sflag:s0] =	ssyncadd.remote.s32 $0x1  }
0xbe: {  	_ =	sfence.sel $0xFFFF  }
0xbf: {  	[dreg:$0x0] =	wrdreg $0xFFFFFFFF;
	(pc) =	sbr.abs _section_cstart, $3  }
0xc0: {  	[dreg:$0x1] =	wrdreg $0xFFFFFFFF  }
0xc1: {  	_ =	task.clear_ibuf [dreg:s7], $0x2FFFF;
	_ =	strace $0x9FFFFFFF  }
0xc2: {  	(tm) =	ssettm $0x7FFFFFFF  }
0xc3: {  	_ =	shalt  }
tec
execute0_lowered:
.L_overlay_start_1:
0x0: {  	(tag) =	ssettag $0x1  }
0x1: {  	s0 =	srdreg.scid  }
0x2: {  	s1 =	stileid.u32;
	s2 =	rddreg [dreg:$0x0]  }
0x3: {  	s4 =	rddreg [dreg:$0x1];
	s0 =	sand.u32 $0x1, s0;
	s3 =	sshll.u32 s1, $0x1  }
0x4: {  	s1 =	simm.s32 $0x0;
	s5 =	sadd.s32 $0x400, s4;
	s6 =	sor.u32 s0, s3  }
0x5: {  	s4 =	sadd.s32 $0xC0400, s4;
	s0 =	ssub.s32 $0x2, s0;
	s8 =	smul.u32 $0x18000, s6  }
0x6: {  	[smem:$0x7FF] =	sst s1;
	s3 =	sshll.u32 s6, $0xA;
	s16 =	sshrl.u32 s0, $0x1  }
0x7: {  	s7 =	sand.u32 $0x1C00, s3;
	s17 =	sadd.s32 s2, s8;
	s10 =	sor.u32 $0xC00, s8  }
0x8: {  	s19 =	sor.u32 $0x1800, s8;
	[dreg:$0x3] =	wrdreg s17;
	s18 =	sadd.s32 s2, s10  }
0x9: {  	s0 =	ssub.s32 s0, s16;
	s11 =	sadd.s32 s2, s19;
	[dreg:$0x4] =	wrdreg s18  }
0xa: {  	s20 =	sor.u32 $0x2400, s8;
	s10 =	sadd.s32 s4, s10;
	[dreg:$0x5] =	wrdreg s11  }
0xb: {  	s22 =	sor.u32 $0x3000, s8;
	s21 =	sadd.s32 s2, s20;
	[dreg:$0x6] =	wrdreg s10  }
0xc: {  	s24 =	sor.u32 $0x3C00, s8;
	s23 =	sadd.s32 s2, s22;
	[dreg:$0x7] =	wrdreg s21  }
0xd: {  	s26 =	sor.u32 $0x4800, s8;
	s25 =	sadd.s32 s2, s24;
	[dreg:$0x9] =	wrdreg s23  }
0xe: {  	s13 =	sor.u32 $0x5400, s8;
	s12 =	sadd.s32 s2, s26;
	[dreg:$0xb] =	wrdreg s25  }
0xf: {  	s9 =	smul.u32 $0x60, s7;
	s14 =	sadd.s32 s2, s13;
	[dreg:$0xd] =	wrdreg s12  }
0x10: {  	s16 =	sor.u32 $0x6000, s8;
	s15 =	sadd.s32 s4, s26;
	[dreg:$0xf] =	wrdreg s14  }
0x11: {  	s17 =	sadd.s32 s2, s16;
	[dreg:$0x10] =	wrdreg s15  }
0x12: {  	s3 =	sadd.s32 s5, s9;
	s9 =	sadd.s32 s4, s19;
	[dreg:$0x11] =	wrdreg s17  }
0x13: {  	s10 =	sadd.s32 s4, s20;
	[dreg:$0x8] =	wrdreg s9  }
0x14: {  	s18 =	sadd.s32 s4, s13;
	[dreg:$0xa] =	wrdreg s10  }
0x15: {  	s7 =	smul.u32 $0x300, s7;
	s19 =	sadd.s32 s4, s16;
	[dreg:$0x12] =	wrdreg s18  }
0x16: {  	s6 =	smul.u32 $0xC0000, s6;
	s20 =	sadd.s32 s4, s8;
	[dreg:$0x13] =	wrdreg s19  }
0x17: {  	s7 =	sshrl.u32 s7, $0x3;
	s9 =	sadd.s32 s4, s22;
	[dreg:$0x14] =	wrdreg s20  }
0x18: {  	s21 =	sor.u32 $0x6C00, s8;
	s10 =	sadd.s32 s4, s24;
	[dreg:$0xc] =	wrdreg s9  }
0x19: {  	s8 =	sor.u32 $0x7800, s8;
	s22 =	sadd.s32 s2, s21;
	[dreg:$0xe] =	wrdreg s10  }
0x1a: {  	s5 =	sadd.s32 s5, s7;
	s7 =	sadd.s32 s4, s21;
	[dreg:$0x15] =	wrdreg s22  }
0x1b: {  	s6 =	sshrl.u32 s6, $0x3;
	s23 =	sadd.s32 s2, s8;
	[dreg:$0x16] =	wrdreg s7  }
0x1c: {  	s12 =	sadd.s32 $0xA800, s6;
	s8 =	sadd.s32 s4, s8;
	[dreg:$0x17] =	wrdreg s23  }
0x1d: {  	s14 =	sadd.s32 $0xB400, s6;
	s13 =	sadd.s32 s2, s12;
	[dreg:$0x18] =	wrdreg s8  }
0x1e: {  	s16 =	sadd.s32 $0xC000, s6;
	s15 =	sadd.s32 s2, s14;
	[dreg:$0x1f] =	wrdreg s13  }
0x1f: {  	s24 =	sadd.s32 $0x8400, s6;
	s17 =	sadd.s32 s2, s16;
	[smem:$0x7CD] =	sst s15  }
0x20: {  	s25 =	sadd.s32 s2, s24;
	[smem:$0x7CF] =	sst s17  }
0x21: {  	s26 =	sadd.s32 $0x9000, s6;
	s7 =	sadd.s32 s4, s24;
	[dreg:$0x19] =	wrdreg s25  }
0x22: {  	s9 =	sadd.s32 s2, s26;
	[dreg:$0x1a] =	wrdreg s7  }
0x23: {  	s18 =	sadd.s32 $0xCC00, s6;
	s8 =	sadd.s32 s4, s26;
	[dreg:$0x1b] =	wrdreg s9  }
0x24: {  	s20 =	sadd.s32 $0xD800, s6;
	s19 =	sadd.s32 s2, s18;
	[dreg:$0x1c] =	wrdreg s8  }
0x25: {  	s10 =	sadd.s32 $0x9C00, s6;
	s21 =	sadd.s32 s2, s20;
	[smem:$0x7D1] =	sst s19  }
0x26: {  	s11 =	sadd.s32 s2, s10;
	[smem:$0x7D3] =	sst s21  }
0x27: {  	s7 =	sadd.s32 s4, s10;
	[dreg:$0x1d] =	wrdreg s11  }
0x28: {  	s22 =	sadd.s32 $0xE400, s6;
	s8 =	sadd.s32 s4, s12;
	[dreg:$0x1e] =	wrdreg s7  }
0x29: {  	s24 =	sadd.s32 $0xF000, s6;
	s23 =	sadd.s32 s2, s22;
	[smem:$0x7CC] =	sst s8  }
0x2a: {  	s26 =	sadd.s32 $0xFC00, s6;
	s25 =	sadd.s32 s2, s24;
	[smem:$0x7D5] =	sst s23  }
0x2b: {  	s9 =	sadd.s32 s2, s26;
	[smem:$0x7D7] =	sst s25  }
0x2c: {  	s7 =	sadd.s32 s4, s14;
	[smem:$0x7D9] =	sst s9  }
0x2d: {  	s10 =	sadd.s32 $0x10800, s6;
	s8 =	sadd.s32 s4, s16;
	[smem:$0x7CE] =	sst s7  }
0x2e: {  	s12 =	sadd.s32 $0x11400, s6;
	s11 =	sadd.s32 s2, s10;
	[smem:$0x7D0] =	sst s8  }
0x2f: {  	s13 =	sadd.s32 s2, s12;
	[smem:$0x7DB] =	sst s11  }
0x30: {  	s7 =	sadd.s32 s4, s18;
	[smem:$0x7DD] =	sst s13  }
0x31: {  	s14 =	sadd.s32 $0x12000, s6;
	s8 =	sadd.s32 s4, s20;
	[smem:$0x7D2] =	sst s7  }
0x32: {  	s16 =	sadd.s32 $0x12C00, s6;
	s15 =	sadd.s32 s2, s14;
	[smem:$0x7D4] =	sst s8  }
0x33: {  	s17 =	sadd.s32 s2, s16;
	[smem:$0x7DF] =	sst s15  }
0x34: {  	s7 =	sadd.s32 s4, s22;
	[smem:$0x7E1] =	sst s17  }
0x35: {  	s18 =	sadd.s32 $0x13800, s6;
	s8 =	sadd.s32 s4, s24;
	[smem:$0x7D6] =	sst s7  }
0x36: {  	s20 =	sadd.s32 $0x14400, s6;
	s19 =	sadd.s32 s2, s18;
	[smem:$0x7D8] =	sst s8  }
0x37: {  	s21 =	sadd.s32 s2, s20;
	[smem:$0x7E3] =	sst s19  }
0x38: {  	s7 =	sadd.s32 s4, s26;
	[smem:$0x7E5] =	sst s21  }
0x39: {  	s22 =	sadd.s32 $0x15000, s6;
	s8 =	sadd.s32 s4, s10;
	[smem:$0x7DA] =	sst s7  }
0x3a: {  	s24 =	sadd.s32 $0x15C00, s6;
	s23 =	sadd.s32 s2, s22;
	[smem:$0x7DC] =	sst s8  }
0x3b: {  	s25 =	sadd.s32 s2, s24;
	[smem:$0x7E7] =	sst s23  }
0x3c: {  	s7 =	sadd.s32 s4, s12;
	[smem:$0x7E9] =	sst s25  }
0x3d: {  	s26 =	sadd.s32 $0x16800, s6;
	s8 =	sadd.s32 s4, s14;
	[smem:$0x7DE] =	sst s7  }
0x3e: {  	s6 =	sadd.s32 $0x17400, s6;
	s9 =	sadd.s32 s2, s26;
	[smem:$0x7E0] =	sst s8  }
0x3f: {  	s2 =	sadd.s32 s2, s6;
	[smem:$0x7EB] =	sst s9  }
0x40: {  	s10 =	sadd.s32 s4, s26;
	[smem:$0x7EC] =	sst s2  }
0x41: {  	s11 =	sadd.s32 s4, s6;
	[smem:$0x7ED] =	sst s10  }
0x42: {  	s7 =	sadd.s32 s4, s16;
	[smem:$0x7EE] =	sst s11  }
0x43: {  	s8 =	sadd.s32 s4, s18;
	[smem:$0x7E2] =	sst s7  }
0x44: {  	[smem:$0x7E4] =	sst s8;
	s7 =	sadd.s32 s4, s20  }
0x45: {  	s8 =	sadd.s32 s4, s22;
	[smem:$0x7E6] =	sst s7  }
0x46: {  	[smem:$0x7E8] =	sst s8;
	s7 =	sadd.s32 s4, s24  }
0x47: {  	s12 =	sadd.s32 $0x8400, s5;
	[smem:$0x7EA] =	sst s7  }
0x48: {  	s13 =	sadd.s32 $0x9000, s5;
	_ =	strace $0x80000047;
	[smem:$0x7EF] =	sst s12  }
0x49: {  	s14 =	sadd.s32 $0x9C00, s5;
	[smem:$0x7F0] =	sst s13  }
0x4a: {  	s15 =	sadd.s32 $0xA800, s5;
	[smem:$0x7F1] =	sst s14  }
0x4b: {  	s31 =	smax.u32 s0, $0x1;
	s16 =	sadd.s32 $0xB400, s5;
	[smem:$0x7F2] =	sst s15  }
0x4c: {  	s0 =	sadd.s32 $0xC00, s3;
	s17 =	sadd.s32 $0xC000, s5;
	[smem:$0x7F3] =	sst s16  }
0x4d: {  	s28 =	sadd.s32 $0x15C00, s5;
	s18 =	sadd.s32 $0xCC00, s5;
	[smem:$0x7F4] =	sst s17  }
0x4e: {  	s29 =	sadd.s32 $0x16800, s5;
	s19 =	sadd.s32 $0xD800, s5;
	[smem:$0x7F5] =	sst s18  }
0x4f: {  	s30 =	sadd.s32 $0x17400, s5;
	s20 =	sadd.s32 $0xE400, s5;
	[smem:$0x7F6] =	sst s19  }
0x50: {  	s21 =	sadd.s32 $0xF000, s5;
	s23 =	sadd.s32 $0x10800, s5;
	[smem:$0x7F7] =	sst s20  }
0x51: {  	s25 =	sadd.s32 $0x12000, s5;
	s22 =	sadd.s32 $0xFC00, s5;
	[smem:$0x7F8] =	sst s21  }
0x52: {  	s26 =	sadd.s32 $0x12C00, s5;
	s6 =	sadd.s32 $0x3C00, s3;
	[smem:$0x7F9] =	sst s22  }
0x53: {  	s2 =	sadd.s32 $0x1800, s3;
	s24 =	sadd.s32 $0x11400, s5;
	[smem:$0x7FA] =	sst s23  }
0x54: {  	s9 =	sadd.s32 $0x6000, s3;
	s10 =	sadd.s32 $0x6C00, s3;
	[smem:$0x7FB] =	sst s24  }
0x55: {  	s11 =	sadd.s32 $0x7800, s3;
	s4 =	sadd.s32 $0x2400, s3;
	[smem:$0x7FC] =	sst s25  }
0x56: {  	s8 =	sadd.s32 $0x5400, s3;
	s7 =	sadd.s32 $0x4800, s3;
	[smem:$0x7FD] =	sst s26  }
0x57: {  	s24 =	sadd.s32 $0x13800, s5;
	s25 =	sadd.s32 $0x14400, s5;
	s26 =	sadd.s32 $0x15000, s5  }
0x58: {  	s5 =	sadd.s32 $0x3000, s3;
	s12 =	simm.s32 $0xC000;
	s13 =	simm.s32 $0x1  }
0x59: {  	s14 =	simm.s32 $0x6000;
	s15 =	simm.s32 $0x12000;
	s16 =	simm.s32 $0x2  }
0x5a: {  	s17 =	simm.s32 $0x3;
	s18 =	simm.s32 $0x4;
	s19 =	simm.s32 $0x0  }
.LBB2_1:
0x5b: {  	s20 =	rddreg [dreg:$0x3]  }
0x5c: {  	[tilespmem:s1], [sflag:$0x1] =	stream.linear.gather [hbm4b:s20+s1], $0x6000, $0x38;
	[tilespmem:$0x18000] =	vst v63  }
0x5d: {  	_ = 	snop  }
0x5e: {  	[tilespmem:s12], [sflag:$0x1] =	stream.linear.gather [hbm4b:s3+s1], $0x6000, $0x38;
	[tilespmem:$0x18000] =	vst v63  }
0x5f: {  	_ =	swait.ge [sflag:s13], $0x6000  }
0x60: {  	[sflag:s13] =	ssyncset.done $0x0  }
0x61: {  	[sflag:s13] =	ssyncadd.s32 $0xFFFFA000  }
0x62: {  	_ =	swait.ge [sflag:s13], $0x6000  }
0x63: {  	[sflag:s13] =	ssyncset.done $0x0  }
0x64: {  	s23 =	rddreg [dreg:$0x4];
	[sflag:s13] =	ssyncadd.s32 $0xFFFFA000  }
0x65: {  	[tilespmem:s14], [sflag:$0x2] =	stream.linear.gather [hbm4b:s23+s1], $0x6000, $0x38;
	[tilespmem:$0x18000] =	vst v63  }
0x66: {  	s20 =	simm.s32 $0x40  }
0x67: {  	[tilespmem:s15], [sflag:$0x2] =	stream.linear.gather [hbm4b:s0+s1], $0x6000, $0x38;
	[tilespmem:$0x18000] =	vst v63  }
0x68: {  	s21 =	simm.s32 $0xC040;
	v1 =	vld [tilespmem:s20+$0x30]  }
0x69: {  	v2 =	vld [tilespmem:s21+$0x30]  }
0x6a: {  	v0 =	vld [tilespmem:s21+$0xFFFFFFC0]  }
0x6b: {  	v3 =	vld [tilespmem:s20+$0xFFFFFFD0]  }
0x6c: {  	v4 =	vld [tilespmem:s21+$0xFFFFFFD0]  }
0x6d: {  	v5 =	vld [tilespmem:s20+$0xFFFFFFE0]  }
0x6e: {  	v6 =	vld [tilespmem:s21+$0xFFFFFFE0]  }
0x6f: {  	v7 =	vld [tilespmem:s20+$0xFFFFFFF0]  }
0x70: {  	v8 =	vld [tilespmem:s21+$0xFFFFFFF0]  }
0x71: {  	v9 =	vld [tilespmem:s20+$0x0]  }
0x72: {  	v10 =	vld [tilespmem:s21+$0x0];
	v2 =	vadd.f32 v2, v1  }
0x73: {  	v4 =	vadd.f32 v4, v3;
	v1 =	vld [tilespmem:s20+$0x10]  }
0x74: {  	v5 =	vadd.f32 v6, v5;
	v3 =	vld [tilespmem:s21+$0x10];
	[tilespmem:s20+$0x30] =	vst v2  }
0x75: {  	v6 =	vadd.f32 v8, v7;
	[tilespmem:s20+$0xFFFFFFD0] =	vst v4;
	v2 =	vld [tilespmem:s20+$0x20]  }
0x76: {  	[tilespmem:s20+$0xFFFFFFE0] =	vst v5;
	v5 =	vld [tilespmem:s21+$0x20]  }
0x77: {  	s22 =	simm.s32 $0x0;
	s23 =	simm.s32 $0xC0;
	v4 =	vld [tilespmem:s20+$0xFFFFFFC0];
	[tilespmem:s20+$0xFFFFFFF0] =	vst v6;
	v6 =	vadd.f32 v10, v9  }
.LBB2_2:
0x78: {  	v7 =	vld [tilespmem:s23+$0x30];
	s21 =	sadd.s32 $0x80, s21  }
0x79: {  	s22 =	sadd.s32 $0x80, s22;
	v8 =	vld [tilespmem:s21+$0x30];
	[tilespmem:s20+$0x0] =	vst v6;
	v1 =	vadd.f32 v3, v1  }
0x7a: {  	p0 =	slt.u32 s22, $0x5F80;
	v3 =	vld [tilespmem:s21+$0xFFFFFFC0]  }
0x7b: {  	v6 =	vld [tilespmem:s23+$0xFFFFFFD0];
	[tilespmem:s20+$0x10] =	vst v1;
	v1 =	vadd.f32 v5, v2  }
0x7c: {  	v2 =	vld [tilespmem:s21+$0xFFFFFFD0];
	v9 =	vadd.f32 v0, v4  }
0x7d: {  	v4 =	vld [tilespmem:s23+$0xFFFFFFE0];
	[tilespmem:s20+$0x20] =	vst v1  }
0x7e: {  	v1 =	vld [tilespmem:s21+$0xFFFFFFE0];
	v5 =	vadd.f32 v8, v7;
	[tilespmem:s20+$0xFFFFFFC0] =	vst v9;
	s20 =	smov.u32 s23  }
0x7f: {  	v7 =	vld [tilespmem:s23+$0xFFFFFFF0];
	v0 =	vmov v3  }
0x80: {  	v8 =	vld [tilespmem:s21+$0xFFFFFFF0];
	[tilespmem:s23+$0x30] =	vst v5  }
0x81: {  	v2 =	vadd.f32 v2, v6;
	v6 =	vld [tilespmem:s23+$0x0]  }
0x82: {  	v9 =	vld [tilespmem:s21+$0x0]  }
.Ltmp0:
0x83: {  	[tilespmem:s23+$0xFFFFFFD0] =	vst v2;
	v2 =	vadd.f32 v1, v4;
	v1 =	vld [tilespmem:s23+$0x10];
	(pc) =	sbr.rel @p0 .LBB2_2-.Ltmp0, $4  }
0x84: {  	v3 =	vld [tilespmem:s21+$0x10]  }
0x85: {  	[tilespmem:s23+$0xFFFFFFE0] =	vst v2;
	v7 =	vadd.f32 v8, v7;
	v2 =	vld [tilespmem:s23+$0x20]  }
0x86: {  	v5 =	vld [tilespmem:s21+$0x20]  }
0x87: {  	s23 =	sadd.s32 $0x80, s23;
	v4 =	vld [tilespmem:s20+$0xFFFFFFC0];
	[tilespmem:s20+$0xFFFFFFF0] =	vst v7;
	v6 =	vadd.f32 v9, v6  }
0x88: {  	_ =	sdelay $0x1  }
0x89: {  	v1 =	vadd.f32 v3, v1  }
0x8a: {  	[tilespmem:s20+$0x0] =	vst v6;
	v2 =	vadd.f32 v5, v2  }
0x8b: {  	[tilespmem:s20+$0x10] =	vst v1;
	v0 =	vadd.f32 v0, v4  }
0x8c: {  	[tilespmem:s20+$0x20] =	vst v2  }
0x8d: {  	[tilespmem:s20+$0xFFFFFFC0] =	vst v0  }
0x8e: {  	s20 =	rddreg [dreg:$0x14]  }
0x8f: {  	[hbm4b:s20+s1] =	stream.linear.scatter [tilespmem:s1], [sflag:$0x3], $0x6000, $0x38;
	[tilespmem:$0x18000] =	vst v63  }
0x90: {  	_ =	swait.ge [sflag:s16], $0x6000  }
0x91: {  	[sflag:s16] =	ssyncset.done $0x0  }
0x92: {  	[sflag:s16] =	ssyncadd.s32 $0xFFFFA000  }
0x93: {  	_ =	swait.ge [sflag:s16], $0x6000  }
0x94: {  	[sflag:s16] =	ssyncset.done $0x0  }
0x95: {  	[sflag:s16] =	ssyncadd.s32 $0xFFFFA000  }
0x96: {  	_ =	swait.ge [sflag:s17], $0x6000  }
0x97: {  	[sflag:s17] =	ssyncset.done $0x0  }
0x98: {  	s23 =	rddreg [dreg:$0x5];
	[sflag:s17] =	ssyncadd.s32 $0xFFFFA000  }
0x99: {  	[tilespmem:s1], [sflag:$0x1] =	stream.linear.gather [hbm4b:s23+s1], $0x6000, $0x38;
	[tilespmem:$0x18000] =	vst v63  }
0x9a: {  	s20 =	simm.s32 $0x6040  }
0x9b: {  	[tilespmem:s12], [sflag:$0x1] =	stream.linear.gather [hbm4b:s2+s1], $0x6000, $0x38;
	[tilespmem:$0x18000] =	vst v63  }
0x9c: {  	s21 =	simm.s32 $0x12040;
	v1 =	vld [tilespmem:s20+$0x30]  }
0x9d: {  	v2 =	vld [tilespmem:s21+$0x30]  }
0x9e: {  	v0 =	vld [tilespmem:s21+$0xFFFFFFC0]  }
0x9f: {  	v3 =	vld [tilespmem:s20+$0xFFFFFFD0]  }
0xa0: {  	v4 =	vld [tilespmem:s21+$0xFFFFFFD0]  }
0xa1: {  	v5 =	vld [tilespmem:s20+$0xFFFFFFE0]  }
0xa2: {  	v6 =	vld [tilespmem:s21+$0xFFFFFFE0]  }
0xa3: {  	v7 =	vld [tilespmem:s20+$0xFFFFFFF0]  }
0xa4: {  	v8 =	vld [tilespmem:s21+$0xFFFFFFF0]  }
0xa5: {  	v9 =	vld [tilespmem:s20+$0x0]  }
0xa6: {  	v10 =	vld [tilespmem:s21+$0x0];
	v2 =	vadd.f32 v2, v1  }
0xa7: {  	v4 =	vadd.f32 v4, v3;
	v1 =	vld [tilespmem:s20+$0x10]  }
0xa8: {  	v5 =	vadd.f32 v6, v5;
	v3 =	vld [tilespmem:s21+$0x10];
	[tilespmem:s20+$0x30] =	vst v2  }
0xa9: {  	v6 =	vadd.f32 v8, v7;
	[tilespmem:s20+$0xFFFFFFD0] =	vst v4;
	v2 =	vld [tilespmem:s20+$0x20]  }
0xaa: {  	[tilespmem:s20+$0xFFFFFFE0] =	vst v5;
	v5 =	vld [tilespmem:s21+$0x20]  }
0xab: {  	s22 =	simm.s32 $0x0;
	s23 =	simm.s32 $0x60C0;
	v4 =	vld [tilespmem:s20+$0xFFFFFFC0];
	[tilespmem:s20+$0xFFFFFFF0] =	vst v6;
	v6 =	vadd.f32 v10, v9  }
.LBB2_4:
0xac: {  	v7 =	vld [tilespmem:s23+$0x30];
	s21 =	sadd.s32 $0x80, s21  }
0xad: {  	s22 =	sadd.s32 $0x80, s22;
	v8 =	vld [tilespmem:s21+$0x30];
	[tilespmem:s20+$0x0] =	vst v6;
	v1 =	vadd.f32 v3, v1  }
0xae: {  	p0 =	slt.u32 s22, $0x5F80;
	v3 =	vld [tilespmem:s21+$0xFFFFFFC0]  }
0xaf: {  	v6 =	vld [tilespmem:s23+$0xFFFFFFD0];
	[tilespmem:s20+$0x10] =	vst v1;
	v1 =	vadd.f32 v5, v2  }
0xb0: {  	v2 =	vld [tilespmem:s21+$0xFFFFFFD0];
	v9 =	vadd.f32 v0, v4  }
0xb1: {  	v4 =	vld [tilespmem:s23+$0xFFFFFFE0];
	[tilespmem:s20+$0x20] =	vst v1  }
0xb2: {  	v1 =	vld [tilespmem:s21+$0xFFFFFFE0];
	v5 =	vadd.f32 v8, v7;
	[tilespmem:s20+$0xFFFFFFC0] =	vst v9;
	s20 =	smov.u32 s23  }
0xb3: {  	v7 =	vld [tilespmem:s23+$0xFFFFFFF0];
	v0 =	vmov v3  }
0xb4: {  	v8 =	vld [tilespmem:s21+$0xFFFFFFF0];
	[tilespmem:s23+$0x30] =	vst v5  }
0xb5: {  	v2 =	vadd.f32 v2, v6;
	v6 =	vld [tilespmem:s23+$0x0]  }
0xb6: {  	v9 =	vld [tilespmem:s21+$0x0]  }
.Ltmp1:
0xb7: {  	[tilespmem:s23+$0xFFFFFFD0] =	vst v2;
	v2 =	vadd.f32 v1, v4;
	v1 =	vld [tilespmem:s23+$0x10];
	(pc) =	sbr.rel @p0 .LBB2_4-.Ltmp1, $4  }
0xb8: {  	v3 =	vld [tilespmem:s21+$0x10]  }
0xb9: {  	[tilespmem:s23+$0xFFFFFFE0] =	vst v2;
	v7 =	vadd.f32 v8, v7;
	v2 =	vld [tilespmem:s23+$0x20]  }
0xba: {  	v5 =	vld [tilespmem:s21+$0x20]  }
0xbb: {  	s23 =	sadd.s32 $0x80, s23;
	v4 =	vld [tilespmem:s20+$0xFFFFFFC0];
	[tilespmem:s20+$0xFFFFFFF0] =	vst v7;
	v6 =	vadd.f32 v9, v6  }
0xbc: {  	_ =	sdelay $0x1  }
0xbd: {  	v1 =	vadd.f32 v3, v1  }
0xbe: {  	[tilespmem:s20+$0x0] =	vst v6;
	v2 =	vadd.f32 v5, v2  }
0xbf: {  	[tilespmem:s20+$0x10] =	vst v1;
	v0 =	vadd.f32 v0, v4  }
0xc0: {  	[tilespmem:s20+$0x20] =	vst v2  }
0xc1: {  	[tilespmem:s20+$0xFFFFFFC0] =	vst v0  }
0xc2: {  	s20 =	rddreg [dreg:$0x6]  }
0xc3: {  	[hbm4b:s20+s1] =	stream.linear.scatter [tilespmem:s14], [sflag:$0x4], $0x6000, $0x38;
	[tilespmem:$0x18000] =	vst v63  }
0xc4: {  	_ =	swait.ge [sflag:s13], $0x6000  }
0xc5: {  	[sflag:s13] =	ssyncset.done $0x0  }
0xc6: {  	[sflag:s13] =	ssyncadd.s32 $0xFFFFA000  }
0xc7: {  	_ =	swait.ge [sflag:s13], $0x6000  }
0xc8: {  	[sflag:s13] =	ssyncset.done $0x0  }
0xc9: {  	[sflag:s13] =	ssyncadd.s32 $0xFFFFA000  }
0xca: {  	_ =	swait.ge [sflag:s18], $0x6000  }
0xcb: {  	[sflag:s18] =	ssyncset.done $0x0  }
0xcc: {  	s23 =	rddreg [dreg:$0x7];
	[sflag:s18] =	ssyncadd.s32 $0xFFFFA000  }
0xcd: {  	[tilespmem:s14], [sflag:$0x2] =	stream.linear.gather [hbm4b:s23+s1], $0x6000, $0x38;
	[tilespmem:$0x18000] =	vst v63  }
0xce: {  	s20 =	simm.s32 $0x40  }
0xcf: {  	[tilespmem:s15], [sflag:$0x2] =	stream.linear.gather [hbm4b:s4+s1], $0x6000, $0x38;
	[tilespmem:$0x18000] =	vst v63  }
0xd0: {  	s21 =	simm.s32 $0xC040;
	v1 =	vld [tilespmem:s20+$0x30]  }
0xd1: {  	v2 =	vld [tilespmem:s21+$0x30]  }
0xd2: {  	v0 =	vld [tilespmem:s21+$0xFFFFFFC0]  }
0xd3: {  	v3 =	vld [tilespmem:s20+$0xFFFFFFD0]  }
0xd4: {  	v4 =	vld [tilespmem:s21+$0xFFFFFFD0]  }
0xd5: {  	v5 =	vld [tilespmem:s20+$0xFFFFFFE0]  }
0xd6: {  	v6 =	vld [tilespmem:s21+$0xFFFFFFE0]  }
0xd7: {  	v7 =	vld [tilespmem:s20+$0xFFFFFFF0]  }
0xd8: {  	v8 =	vld [tilespmem:s21+$0xFFFFFFF0]  }
0xd9: {  	v9 =	vld [tilespmem:s20+$0x0]  }
0xda: {  	v10 =	vld [tilespmem:s21+$0x0];
	v2 =	vadd.f32 v2, v1  }
0xdb: {  	v4 =	vadd.f32 v4, v3;
	v1 =	vld [tilespmem:s20+$0x10]  }
0xdc: {  	v5 =	vadd.f32 v6, v5;
	v3 =	vld [tilespmem:s21+$0x10];
	[tilespmem:s20+$0x30] =	vst v2  }
0xdd: {  	v6 =	vadd.f32 v8, v7;
	[tilespmem:s20+$0xFFFFFFD0] =	vst v4;
	v2 =	vld [tilespmem:s20+$0x20]  }
0xde: {  	[tilespmem:s20+$0xFFFFFFE0] =	vst v5;
	v5 =	vld [tilespmem:s21+$0x20]  }
0xdf: {  	s22 =	simm.s32 $0x0;
	s23 =	simm.s32 $0xC0;
	v4 =	vld [tilespmem:s20+$0xFFFFFFC0];
	[tilespmem:s20+$0xFFFFFFF0] =	vst v6;
	v6 =	vadd.f32 v10, v9  }
.LBB2_6:
0xe0: {  	v7 =	vld [tilespmem:s23+$0x30];
	s21 =	sadd.s32 $0x80, s21  }
0xe1: {  	s22 =	sadd.s32 $0x80, s22;
	v8 =	vld [tilespmem:s21+$0x30];
	[tilespmem:s20+$0x0] =	vst v6;
	v1 =	vadd.f32 v3, v1  }
0xe2: {  	p0 =	slt.u32 s22, $0x5F80;
	v3 =	vld [tilespmem:s21+$0xFFFFFFC0]  }
0xe3: {  	v6 =	vld [tilespmem:s23+$0xFFFFFFD0];
	[tilespmem:s20+$0x10] =	vst v1;
	v1 =	vadd.f32 v5, v2  }
0xe4: {  	v2 =	vld [tilespmem:s21+$0xFFFFFFD0];
	v9 =	vadd.f32 v0, v4  }
0xe5: {  	v4 =	vld [tilespmem:s23+$0xFFFFFFE0];
	[tilespmem:s20+$0x20] =	vst v1  }
0xe6: {  	v1 =	vld [tilespmem:s21+$0xFFFFFFE0];
	v5 =	vadd.f32 v8, v7;
	[tilespmem:s20+$0xFFFFFFC0] =	vst v9;
	s20 =	smov.u32 s23  }
0xe7: {  	v7 =	vld [tilespmem:s23+$0xFFFFFFF0];
	v0 =	vmov v3  }
0xe8: {  	v8 =	vld [tilespmem:s21+$0xFFFFFFF0];
	[tilespmem:s23+$0x30] =	vst v5  }
0xe9: {  	v2 =	vadd.f32 v2, v6;
	v6 =	vld [tilespmem:s23+$0x0]  }
0xea: {  	v9 =	vld [tilespmem:s21+$0x0]  }
.Ltmp2:
0xeb: {  	[tilespmem:s23+$0xFFFFFFD0] =	vst v2;
	v2 =	vadd.f32 v1, v4;
	v1 =	vld [tilespmem:s23+$0x10];
	(pc) =	sbr.rel @p0 .LBB2_6-.Ltmp2, $4  }
0xec: {  	v3 =	vld [tilespmem:s21+$0x10]  }
0xed: {  	[tilespmem:s23+$0xFFFFFFE0] =	vst v2;
	v7 =	vadd.f32 v8, v7;
	v2 =	vld [tilespmem:s23+$0x20]  }
0xee: {  	v5 =	vld [tilespmem:s21+$0x20]  }
0xef: {  	s23 =	sadd.s32 $0x80, s23;
	v4 =	vld [tilespmem:s20+$0xFFFFFFC0];
	[tilespmem:s20+$0xFFFFFFF0] =	vst v7;
	v6 =	vadd.f32 v9, v6  }
0xf0: {  	_ =	sdelay $0x1  }
0xf1: {  	v1 =	vadd.f32 v3, v1  }
0xf2: {  	[tilespmem:s20+$0x0] =	vst v6;
	v2 =	vadd.f32 v5, v2  }
0xf3: {  	[tilespmem:s20+$0x10] =	vst v1;
	v0 =	vadd.f32 v0, v4  }
0xf4: {  	[tilespmem:s20+$0x20] =	vst v2  }
0xf5: {  	[tilespmem:s20+$0xFFFFFFC0] =	vst v0  }
0xf6: {  	s20 =	rddreg [dreg:$0x8]  }
0xf7: {  	[hbm4b:s20+s1] =	stream.linear.scatter [tilespmem:s1], [sflag:$0x3], $0x6000, $0x38;
	[tilespmem:$0x18000] =	vst v63  }
0xf8: {  	_ =	swait.ge [sflag:s16], $0x6000  }
0xf9: {  	[sflag:s16] =	ssyncset.done $0x0  }
0xfa: {  	[sflag:s16] =	ssyncadd.s32 $0xFFFFA000  }
0xfb: {  	_ =	swait.ge [sflag:s16], $0x6000  }
0xfc: {  	[sflag:s16] =	ssyncset.done $0x0  }
0xfd: {  	[sflag:s16] =	ssyncadd.s32 $0xFFFFA000  }
0xfe: {  	_ =	swait.ge [sflag:s17], $0x6000  }
0xff: {  	[sflag:s17] =	ssyncset.done $0x0  }
0x100: {  	s23 =	rddreg [dreg:$0x9];
	[sflag:s17] =	ssyncadd.s32 $0xFFFFA000  }
0x101: {  	[tilespmem:s1], [sflag:$0x1] =	stream.linear.gather [hbm4b:s23+s1], $0x6000, $0x38;
	[tilespmem:$0x18000] =	vst v63  }
0x102: {  	s20 =	simm.s32 $0x6040  }
0x103: {  	[tilespmem:s12], [sflag:$0x1] =	stream.linear.gather [hbm4b:s5+s1], $0x6000, $0x38;
	[tilespmem:$0x18000] =	vst v63  }
0x104: {  	s21 =	simm.s32 $0x12040;
	v1 =	vld [tilespmem:s20+$0x30]  }
0x105: {  	v2 =	vld [tilespmem:s21+$0x30]  }
0x106: {  	v0 =	vld [tilespmem:s21+$0xFFFFFFC0]  }
0x107: {  	v3 =	vld [tilespmem:s20+$0xFFFFFFD0]  }
0x108: {  	v4 =	vld [tilespmem:s21+$0xFFFFFFD0]  }
0x109: {  	v5 =	vld [tilespmem:s20+$0xFFFFFFE0]  }
0x10a: {  	v6 =	vld [tilespmem:s21+$0xFFFFFFE0]  }
0x10b: {  	v7 =	vld [tilespmem:s20+$0xFFFFFFF0]  }
0x10c: {  	v8 =	vld [tilespmem:s21+$0xFFFFFFF0]  }
0x10d: {  	v9 =	vld [tilespmem:s20+$0x0]  }
0x10e: {  	v10 =	vld [tilespmem:s21+$0x0];
	v2 =	vadd.f32 v2, v1  }
0x10f: {  	v4 =	vadd.f32 v4, v3;
	v1 =	vld [tilespmem:s20+$0x10]  }
0x110: {  	v5 =	vadd.f32 v6, v5;
	v3 =	vld [tilespmem:s21+$0x10];
	[tilespmem:s20+$0x30] =	vst v2  }
0x111: {  	v6 =	vadd.f32 v8, v7;
	[tilespmem:s20+$0xFFFFFFD0] =	vst v4;
	v2 =	vld [tilespmem:s20+$0x20]  }
0x112: {  	[tilespmem:s20+$0xFFFFFFE0] =	vst v5;
	v5 =	vld [tilespmem:s21+$0x20]  }
0x113: {  	s22 =	simm.s32 $0x0;
	s23 =	simm.s32 $0x60C0;
	v4 =	vld [tilespmem:s20+$0xFFFFFFC0];
	[tilespmem:s20+$0xFFFFFFF0] =	vst v6;
	v6 =	vadd.f32 v10, v9  }
.LBB2_8:
0x114: {  	v7 =	vld [tilespmem:s23+$0x30];
	s21 =	sadd.s32 $0x80, s21  }
0x115: {  	s22 =	sadd.s32 $0x80, s22;
	v8 =	vld [tilespmem:s21+$0x30];
	[tilespmem:s20+$0x0] =	vst v6;
	v1 =	vadd.f32 v3, v1  }
0x116: {  	p0 =	slt.u32 s22, $0x5F80;
	v3 =	vld [tilespmem:s21+$0xFFFFFFC0]  }
0x117: {  	v6 =	vld [tilespmem:s23+$0xFFFFFFD0];
	[tilespmem:s20+$0x10] =	vst v1;
	v1 =	vadd.f32 v5, v2  }
0x118: {  	v2 =	vld [tilespmem:s21+$0xFFFFFFD0];
	v9 =	vadd.f32 v0, v4  }
0x119: {  	v4 =	vld [tilespmem:s23+$0xFFFFFFE0];
	[tilespmem:s20+$0x20] =	vst v1  }
0x11a: {  	v1 =	vld [tilespmem:s21+$0xFFFFFFE0];
	v5 =	vadd.f32 v8, v7;
	[tilespmem:s20+$0xFFFFFFC0] =	vst v9;
	s20 =	smov.u32 s23  }
0x11b: {  	v7 =	vld [tilespmem:s23+$0xFFFFFFF0];
	v0 =	vmov v3  }
0x11c: {  	v8 =	vld [tilespmem:s21+$0xFFFFFFF0];
	[tilespmem:s23+$0x30] =	vst v5  }
0x11d: {  	v2 =	vadd.f32 v2, v6;
	v6 =	vld [tilespmem:s23+$0x0]  }
0x11e: {  	v9 =	vld [tilespmem:s21+$0x0]  }
.Ltmp3:
0x11f: {  	[tilespmem:s23+$0xFFFFFFD0] =	vst v2;
	v2 =	vadd.f32 v1, v4;
	v1 =	vld [tilespmem:s23+$0x10];
	(pc) =	sbr.rel @p0 .LBB2_8-.Ltmp3, $4  }
0x120: {  	v3 =	vld [tilespmem:s21+$0x10]  }
0x121: {  	[tilespmem:s23+$0xFFFFFFE0] =	vst v2;
	v7 =	vadd.f32 v8, v7;
	v2 =	vld [tilespmem:s23+$0x20]  }
0x122: {  	v5 =	vld [tilespmem:s21+$0x20]  }
0x123: {  	s23 =	sadd.s32 $0x80, s23;
	v4 =	vld [tilespmem:s20+$0xFFFFFFC0];
	[tilespmem:s20+$0xFFFFFFF0] =	vst v7;
	v6 =	vadd.f32 v9, v6  }
0x124: {  	_ =	sdelay $0x1  }
0x125: {  	v1 =	vadd.f32 v3, v1  }
0x126: {  	[tilespmem:s20+$0x0] =	vst v6;
	v2 =	vadd.f32 v5, v2  }
0x127: {  	[tilespmem:s20+$0x10] =	vst v1;
	v0 =	vadd.f32 v0, v4  }
0x128: {  	[tilespmem:s20+$0x20] =	vst v2  }
0x129: {  	[tilespmem:s20+$0xFFFFFFC0] =	vst v0  }
0x12a: {  	s20 =	rddreg [dreg:$0xa]  }
0x12b: {  	[hbm4b:s20+s1] =	stream.linear.scatter [tilespmem:s14], [sflag:$0x4], $0x6000, $0x38;
	[tilespmem:$0x18000] =	vst v63  }
0x12c: {  	_ =	swait.ge [sflag:s13], $0x6000  }
0x12d: {  	[sflag:s13] =	ssyncset.done $0x0  }
0x12e: {  	[sflag:s13] =	ssyncadd.s32 $0xFFFFA000  }
0x12f: {  	_ =	swait.ge [sflag:s13], $0x6000  }
0x130: {  	[sflag:s13] =	ssyncset.done $0x0  }
0x131: {  	[sflag:s13] =	ssyncadd.s32 $0xFFFFA000  }
0x132: {  	_ =	swait.ge [sflag:s18], $0x6000  }
0x133: {  	[sflag:s18] =	ssyncset.done $0x0  }
0x134: {  	s23 =	rddreg [dreg:$0xb];
	[sflag:s18] =	ssyncadd.s32 $0xFFFFA000  }
0x135: {  	[tilespmem:s14], [sflag:$0x2] =	stream.linear.gather [hbm4b:s23+s1], $0x6000, $0x38;
	[tilespmem:$0x18000] =	vst v63  }
0x136: {  	s20 =	simm.s32 $0x40  }
0x137: {  	[tilespmem:s15], [sflag:$0x2] =	stream.linear.gather [hbm4b:s6+s1], $0x6000, $0x38;
	[tilespmem:$0x18000] =	vst v63  }
0x138: {  	s21 =	simm.s32 $0xC040;
	v1 =	vld [tilespmem:s20+$0x30]  }
0x139: {  	v2 =	vld [tilespmem:s21+$0x30]  }
0x13a: {  	v0 =	vld [tilespmem:s21+$0xFFFFFFC0]  }
0x13b: {  	v3 =	vld [tilespmem:s20+$0xFFFFFFD0]  }
0x13c: {  	v4 =	vld [tilespmem:s21+$0xFFFFFFD0]  }
0x13d: {  	v5 =	vld [tilespmem:s20+$0xFFFFFFE0]  }
0x13e: {  	v6 =	vld [tilespmem:s21+$0xFFFFFFE0]  }
0x13f: {  	v7 =	vld [tilespmem:s20+$0xFFFFFFF0]  }
0x140: {  	v8 =	vld [tilespmem:s21+$0xFFFFFFF0]  }
0x141: {  	v9 =	vld [tilespmem:s20+$0x0]  }
0x142: {  	v10 =	vld [tilespmem:s21+$0x0];
	v2 =	vadd.f32 v2, v1  }
0x143: {  	v4 =	vadd.f32 v4, v3;
	v1 =	vld [tilespmem:s20+$0x10]  }
0x144: {  	v5 =	vadd.f32 v6, v5;
	v3 =	vld [tilespmem:s21+$0x10];
	[tilespmem:s20+$0x30] =	vst v2  }
0x145: {  	v6 =	vadd.f32 v8, v7;
	[tilespmem:s20+$0xFFFFFFD0] =	vst v4;
	v2 =	vld [tilespmem:s20+$0x20]  }
0x146: {  	[tilespmem:s20+$0xFFFFFFE0] =	vst v5;
	v5 =	vld [tilespmem:s21+$0x20]  }
0x147: {  	s22 =	simm.s32 $0x0;
	s23 =	simm.s32 $0xC0;
	v4 =	vld [tilespmem:s20+$0xFFFFFFC0];
	[tilespmem:s20+$0xFFFFFFF0] =	vst v6;
	v6 =	vadd.f32 v10, v9  }
.LBB2_10:
0x148: {  	v7 =	vld [tilespmem:s23+$0x30];
	s21 =	sadd.s32 $0x80, s21  }
0x149: {  	s22 =	sadd.s32 $0x80, s22;
	v8 =	vld [tilespmem:s21+$0x30];
	[tilespmem:s20+$0x0] =	vst v6;
	v1 =	vadd.f32 v3, v1  }
0x14a: {  	p0 =	slt.u32 s22, $0x5F80;
	v3 =	vld [tilespmem:s21+$0xFFFFFFC0]  }
0x14b: {  	v6 =	vld [tilespmem:s23+$0xFFFFFFD0];
	[tilespmem:s20+$0x10] =	vst v1;
	v1 =	vadd.f32 v5, v2  }
0x14c: {  	v2 =	vld [tilespmem:s21+$0xFFFFFFD0];
	v9 =	vadd.f32 v0, v4  }
0x14d: {  	v4 =	vld [tilespmem:s23+$0xFFFFFFE0];
	[tilespmem:s20+$0x20] =	vst v1  }
0x14e: {  	v1 =	vld [tilespmem:s21+$0xFFFFFFE0];
	v5 =	vadd.f32 v8, v7;
	[tilespmem:s20+$0xFFFFFFC0] =	vst v9;
	s20 =	smov.u32 s23  }
0x14f: {  	v7 =	vld [tilespmem:s23+$0xFFFFFFF0];
	v0 =	vmov v3  }
0x150: {  	v8 =	vld [tilespmem:s21+$0xFFFFFFF0];
	[tilespmem:s23+$0x30] =	vst v5  }
0x151: {  	v2 =	vadd.f32 v2, v6;
	v6 =	vld [tilespmem:s23+$0x0]  }
0x152: {  	v9 =	vld [tilespmem:s21+$0x0]  }
.Ltmp4:
0x153: {  	[tilespmem:s23+$0xFFFFFFD0] =	vst v2;
	v2 =	vadd.f32 v1, v4;
	v1 =	vld [tilespmem:s23+$0x10];
	(pc) =	sbr.rel @p0 .LBB2_10-.Ltmp4, $4  }
0x154: {  	v3 =	vld [tilespmem:s21+$0x10]  }
0x155: {  	[tilespmem:s23+$0xFFFFFFE0] =	vst v2;
	v7 =	vadd.f32 v8, v7;
	v2 =	vld [tilespmem:s23+$0x20]  }
0x156: {  	v5 =	vld [tilespmem:s21+$0x20]  }
0x157: {  	s23 =	sadd.s32 $0x80, s23;
	v4 =	vld [tilespmem:s20+$0xFFFFFFC0];
	[tilespmem:s20+$0xFFFFFFF0] =	vst v7;
	v6 =	vadd.f32 v9, v6  }
0x158: {  	_ =	sdelay $0x1  }
0x159: {  	v1 =	vadd.f32 v3, v1  }
0x15a: {  	[tilespmem:s20+$0x0] =	vst v6;
	v2 =	vadd.f32 v5, v2  }
0x15b: {  	[tilespmem:s20+$0x10] =	vst v1;
	v0 =	vadd.f32 v0, v4  }
0x15c: {  	[tilespmem:s20+$0x20] =	vst v2  }
0x15d: {  	[tilespmem:s20+$0xFFFFFFC0] =	vst v0  }
0x15e: {  	s20 =	rddreg [dreg:$0xc]  }
0x15f: {  	[hbm4b:s20+s1] =	stream.linear.scatter [tilespmem:s1], [sflag:$0x3], $0x6000, $0x38;
	[tilespmem:$0x18000] =	vst v63  }
0x160: {  	_ =	swait.ge [sflag:s16], $0x6000  }
0x161: {  	[sflag:s16] =	ssyncset.done $0x0  }
0x162: {  	[sflag:s16] =	ssyncadd.s32 $0xFFFFA000  }
0x163: {  	_ =	swait.ge [sflag:s16], $0x6000  }
0x164: {  	[sflag:s16] =	ssyncset.done $0x0  }
0x165: {  	[sflag:s16] =	ssyncadd.s32 $0xFFFFA000  }
0x166: {  	_ =	swait.ge [sflag:s17], $0x6000  }
0x167: {  	[sflag:s17] =	ssyncset.done $0x0  }
0x168: {  	s23 =	rddreg [dreg:$0xd];
	[sflag:s17] =	ssyncadd.s32 $0xFFFFA000  }
0x169: {  	[tilespmem:s1], [sflag:$0x1] =	stream.linear.gather [hbm4b:s23+s1], $0x6000, $0x38;
	[tilespmem:$0x18000] =	vst v63  }
0x16a: {  	s20 =	simm.s32 $0x6040  }
0x16b: {  	[tilespmem:s12], [sflag:$0x1] =	stream.linear.gather [hbm4b:s7+s1], $0x6000, $0x38;
	[tilespmem:$0x18000] =	vst v63  }
0x16c: {  	s21 =	simm.s32 $0x12040;
	v1 =	vld [tilespmem:s20+$0x30]  }
0x16d: {  	v2 =	vld [tilespmem:s21+$0x30]  }
0x16e: {  	v0 =	vld [tilespmem:s21+$0xFFFFFFC0]  }
0x16f: {  	v3 =	vld [tilespmem:s20+$0xFFFFFFD0]  }
0x170: {  	v4 =	vld [tilespmem:s21+$0xFFFFFFD0]  }
0x171: {  	v5 =	vld [tilespmem:s20+$0xFFFFFFE0]  }
0x172: {  	v6 =	vld [tilespmem:s21+$0xFFFFFFE0]  }
0x173: {  	v7 =	vld [tilespmem:s20+$0xFFFFFFF0]  }
0x174: {  	v8 =	vld [tilespmem:s21+$0xFFFFFFF0]  }
0x175: {  	v9 =	vld [tilespmem:s20+$0x0]  }
0x176: {  	v10 =	vld [tilespmem:s21+$0x0];
	v2 =	vadd.f32 v2, v1  }
0x177: {  	v4 =	vadd.f32 v4, v3;
	v1 =	vld [tilespmem:s20+$0x10]  }
0x178: {  	v5 =	vadd.f32 v6, v5;
	v3 =	vld [tilespmem:s21+$0x10];
	[tilespmem:s20+$0x30] =	vst v2  }
0x179: {  	v6 =	vadd.f32 v8, v7;
	[tilespmem:s20+$0xFFFFFFD0] =	vst v4;
	v2 =	vld [tilespmem:s20+$0x20]  }
0x17a: {  	[tilespmem:s20+$0xFFFFFFE0] =	vst v5;
	v5 =	vld [tilespmem:s21+$0x20]  }
0x17b: {  	s22 =	simm.s32 $0x0;
	s23 =	simm.s32 $0x60C0;
	v4 =	vld [tilespmem:s20+$0xFFFFFFC0];
	[tilespmem:s20+$0xFFFFFFF0] =	vst v6;
	v6 =	vadd.f32 v10, v9  }
.LBB2_12:
0x17c: {  	v7 =	vld [tilespmem:s23+$0x30];
	s21 =	sadd.s32 $0x80, s21  }
0x17d: {  	s22 =	sadd.s32 $0x80, s22;
	v8 =	vld [tilespmem:s21+$0x30];
	[tilespmem:s20+$0x0] =	vst v6;
	v1 =	vadd.f32 v3, v1  }
0x17e: {  	p0 =	slt.u32 s22, $0x5F80;
	v3 =	vld [tilespmem:s21+$0xFFFFFFC0]  }
0x17f: {  	v6 =	vld [tilespmem:s23+$0xFFFFFFD0];
	[tilespmem:s20+$0x10] =	vst v1;
	v1 =	vadd.f32 v5, v2  }
0x180: {  	v2 =	vld [tilespmem:s21+$0xFFFFFFD0];
	v9 =	vadd.f32 v0, v4  }
0x181: {  	v4 =	vld [tilespmem:s23+$0xFFFFFFE0];
	[tilespmem:s20+$0x20] =	vst v1  }
0x182: {  	v1 =	vld [tilespmem:s21+$0xFFFFFFE0];
	v5 =	vadd.f32 v8, v7;
	[tilespmem:s20+$0xFFFFFFC0] =	vst v9;
	s20 =	smov.u32 s23  }
0x183: {  	v7 =	vld [tilespmem:s23+$0xFFFFFFF0];
	v0 =	vmov v3  }
0x184: {  	v8 =	vld [tilespmem:s21+$0xFFFFFFF0];
	[tilespmem:s23+$0x30] =	vst v5  }
0x185: {  	v2 =	vadd.f32 v2, v6;
	v6 =	vld [tilespmem:s23+$0x0]  }
0x186: {  	v9 =	vld [tilespmem:s21+$0x0]  }
.Ltmp5:
0x187: {  	[tilespmem:s23+$0xFFFFFFD0] =	vst v2;
	v2 =	vadd.f32 v1, v4;
	v1 =	vld [tilespmem:s23+$0x10];
	(pc) =	sbr.rel @p0 .LBB2_12-.Ltmp5, $4  }
0x188: {  	v3 =	vld [tilespmem:s21+$0x10]  }
0x189: {  	[tilespmem:s23+$0xFFFFFFE0] =	vst v2;
	v7 =	vadd.f32 v8, v7;
	v2 =	vld [tilespmem:s23+$0x20]  }
0x18a: {  	v5 =	vld [tilespmem:s21+$0x20]  }
0x18b: {  	s23 =	sadd.s32 $0x80, s23;
	v4 =	vld [tilespmem:s20+$0xFFFFFFC0];
	[tilespmem:s20+$0xFFFFFFF0] =	vst v7;
	v6 =	vadd.f32 v9, v6  }
0x18c: {  	_ =	sdelay $0x1  }
0x18d: {  	v1 =	vadd.f32 v3, v1  }
0x18e: {  	[tilespmem:s20+$0x0] =	vst v6;
	v2 =	vadd.f32 v5, v2  }
0x18f: {  	[tilespmem:s20+$0x10] =	vst v1;
	v0 =	vadd.f32 v0, v4  }
0x190: {  	[tilespmem:s20+$0x20] =	vst v2  }
0x191: {  	[tilespmem:s20+$0xFFFFFFC0] =	vst v0  }
0x192: {  	s20 =	rddreg [dreg:$0xe]  }
0x193: {  	[hbm4b:s20+s1] =	stream.linear.scatter [tilespmem:s14], [sflag:$0x4], $0x6000, $0x38;
	[tilespmem:$0x18000] =	vst v63  }
0x194: {  	_ =	swait.ge [sflag:s13], $0x6000  }
0x195: {  	[sflag:s13] =	ssyncset.done $0x0  }
0x196: {  	[sflag:s13] =	ssyncadd.s32 $0xFFFFA000  }
0x197: {  	_ =	swait.ge [sflag:s13], $0x6000  }
0x198: {  	[sflag:s13] =	ssyncset.done $0x0  }
0x199: {  	[sflag:s13] =	ssyncadd.s32 $0xFFFFA000  }
0x19a: {  	_ =	swait.ge [sflag:s18], $0x6000  }
0x19b: {  	[sflag:s18] =	ssyncset.done $0x0  }
0x19c: {  	s23 =	rddreg [dreg:$0xf];
	[sflag:s18] =	ssyncadd.s32 $0xFFFFA000  }
0x19d: {  	[tilespmem:s14], [sflag:$0x2] =	stream.linear.gather [hbm4b:s23+s1], $0x6000, $0x38;
	[tilespmem:$0x18000] =	vst v63  }
0x19e: {  	s20 =	simm.s32 $0x40  }
0x19f: {  	[tilespmem:s15], [sflag:$0x2] =	stream.linear.gather [hbm4b:s8+s1], $0x6000, $0x38;
	[tilespmem:$0x18000] =	vst v63  }
0x1a0: {  	s21 =	simm.s32 $0xC040;
	v1 =	vld [tilespmem:s20+$0x30]  }
0x1a1: {  	v2 =	vld [tilespmem:s21+$0x30]  }
0x1a2: {  	v0 =	vld [tilespmem:s21+$0xFFFFFFC0]  }
0x1a3: {  	v3 =	vld [tilespmem:s20+$0xFFFFFFD0]  }
0x1a4: {  	v4 =	vld [tilespmem:s21+$0xFFFFFFD0]  }
0x1a5: {  	v5 =	vld [tilespmem:s20+$0xFFFFFFE0]  }
0x1a6: {  	v6 =	vld [tilespmem:s21+$0xFFFFFFE0]  }
0x1a7: {  	v7 =	vld [tilespmem:s20+$0xFFFFFFF0]  }
0x1a8: {  	v8 =	vld [tilespmem:s21+$0xFFFFFFF0]  }
0x1a9: {  	v9 =	vld [tilespmem:s20+$0x0]  }
0x1aa: {  	v10 =	vld [tilespmem:s21+$0x0];
	v2 =	vadd.f32 v2, v1  }
0x1ab: {  	v4 =	vadd.f32 v4, v3;
	v1 =	vld [tilespmem:s20+$0x10]  }
0x1ac: {  	v5 =	vadd.f32 v6, v5;
	v3 =	vld [tilespmem:s21+$0x10];
	[tilespmem:s20+$0x30] =	vst v2  }
0x1ad: {  	v6 =	vadd.f32 v8, v7;
	[tilespmem:s20+$0xFFFFFFD0] =	vst v4;
	v2 =	vld [tilespmem:s20+$0x20]  }
0x1ae: {  	[tilespmem:s20+$0xFFFFFFE0] =	vst v5;
	v5 =	vld [tilespmem:s21+$0x20]  }
0x1af: {  	s22 =	simm.s32 $0x0;
	s23 =	simm.s32 $0xC0;
	v4 =	vld [tilespmem:s20+$0xFFFFFFC0];
	[tilespmem:s20+$0xFFFFFFF0] =	vst v6;
	v6 =	vadd.f32 v10, v9  }
.LBB2_14:
0x1b0: {  	v7 =	vld [tilespmem:s23+$0x30];
	s21 =	sadd.s32 $0x80, s21  }
0x1b1: {  	s22 =	sadd.s32 $0x80, s22;
	v8 =	vld [tilespmem:s21+$0x30];
	[tilespmem:s20+$0x0] =	vst v6;
	v1 =	vadd.f32 v3, v1  }
0x1b2: {  	p0 =	slt.u32 s22, $0x5F80;
	v3 =	vld [tilespmem:s21+$0xFFFFFFC0]  }
0x1b3: {  	v6 =	vld [tilespmem:s23+$0xFFFFFFD0];
	[tilespmem:s20+$0x10] =	vst v1;
	v1 =	vadd.f32 v5, v2  }
0x1b4: {  	v2 =	vld [tilespmem:s21+$0xFFFFFFD0];
	v9 =	vadd.f32 v0, v4  }
0x1b5: {  	v4 =	vld [tilespmem:s23+$0xFFFFFFE0];
	[tilespmem:s20+$0x20] =	vst v1  }
0x1b6: {  	v1 =	vld [tilespmem:s21+$0xFFFFFFE0];
	v5 =	vadd.f32 v8, v7;
	[tilespmem:s20+$0xFFFFFFC0] =	vst v9;
	s20 =	smov.u32 s23  }
0x1b7: {  	v7 =	vld [tilespmem:s23+$0xFFFFFFF0];
	v0 =	vmov v3  }
0x1b8: {  	v8 =	vld [tilespmem:s21+$0xFFFFFFF0];
	[tilespmem:s23+$0x30] =	vst v5  }
0x1b9: {  	v2 =	vadd.f32 v2, v6;
	v6 =	vld [tilespmem:s23+$0x0]  }
0x1ba: {  	v9 =	vld [tilespmem:s21+$0x0]  }
.Ltmp6:
0x1bb: {  	[tilespmem:s23+$0xFFFFFFD0] =	vst v2;
	v2 =	vadd.f32 v1, v4;
	v1 =	vld [tilespmem:s23+$0x10];
	(pc) =	sbr.rel @p0 .LBB2_14-.Ltmp6, $4  }
0x1bc: {  	v3 =	vld [tilespmem:s21+$0x10]  }
0x1bd: {  	[tilespmem:s23+$0xFFFFFFE0] =	vst v2;
	v7 =	vadd.f32 v8, v7;
	v2 =	vld [tilespmem:s23+$0x20]  }
0x1be: {  	v5 =	vld [tilespmem:s21+$0x20]  }
0x1bf: {  	s23 =	sadd.s32 $0x80, s23;
	v4 =	vld [tilespmem:s20+$0xFFFFFFC0];
	[tilespmem:s20+$0xFFFFFFF0] =	vst v7;
	v6 =	vadd.f32 v9, v6  }
0x1c0: {  	_ =	sdelay $0x1  }
0x1c1: {  	v1 =	vadd.f32 v3, v1  }
0x1c2: {  	[tilespmem:s20+$0x0] =	vst v6;
	v2 =	vadd.f32 v5, v2  }
0x1c3: {  	[tilespmem:s20+$0x10] =	vst v1;
	v0 =	vadd.f32 v0, v4  }
0x1c4: {  	[tilespmem:s20+$0x20] =	vst v2  }
0x1c5: {  	[tilespmem:s20+$0xFFFFFFC0] =	vst v0  }
0x1c6: {  	s20 =	rddreg [dreg:$0x10]  }
0x1c7: {  	[hbm4b:s20+s1] =	stream.linear.scatter [tilespmem:s1], [sflag:$0x3], $0x6000, $0x38;
	[tilespmem:$0x18000] =	vst v63  }
0x1c8: {  	_ =	swait.ge [sflag:s16], $0x6000  }
0x1c9: {  	[sflag:s16] =	ssyncset.done $0x0  }
0x1ca: {  	[sflag:s16] =	ssyncadd.s32 $0xFFFFA000  }
0x1cb: {  	_ =	swait.ge [sflag:s16], $0x6000  }
0x1cc: {  	[sflag:s16] =	ssyncset.done $0x0  }
0x1cd: {  	[sflag:s16] =	ssyncadd.s32 $0xFFFFA000  }
0x1ce: {  	_ =	swait.ge [sflag:s17], $0x6000  }
0x1cf: {  	[sflag:s17] =	ssyncset.done $0x0  }
0x1d0: {  	s23 =	rddreg [dreg:$0x11];
	[sflag:s17] =	ssyncadd.s32 $0xFFFFA000  }
0x1d1: {  	[tilespmem:s1], [sflag:$0x1] =	stream.linear.gather [hbm4b:s23+s1], $0x6000, $0x38;
	[tilespmem:$0x18000] =	vst v63  }
0x1d2: {  	s20 =	simm.s32 $0x6040  }
0x1d3: {  	[tilespmem:s12], [sflag:$0x1] =	stream.linear.gather [hbm4b:s9+s1], $0x6000, $0x38;
	[tilespmem:$0x18000] =	vst v63  }
0x1d4: {  	s21 =	simm.s32 $0x12040;
	v1 =	vld [tilespmem:s20+$0x30]  }
0x1d5: {  	v2 =	vld [tilespmem:s21+$0x30]  }
0x1d6: {  	v0 =	vld [tilespmem:s21+$0xFFFFFFC0]  }
0x1d7: {  	v3 =	vld [tilespmem:s20+$0xFFFFFFD0]  }
0x1d8: {  	v4 =	vld [tilespmem:s21+$0xFFFFFFD0]  }
0x1d9: {  	v5 =	vld [tilespmem:s20+$0xFFFFFFE0]  }
0x1da: {  	v6 =	vld [tilespmem:s21+$0xFFFFFFE0]  }
0x1db: {  	v7 =	vld [tilespmem:s20+$0xFFFFFFF0]  }
0x1dc: {  	v8 =	vld [tilespmem:s21+$0xFFFFFFF0]  }
0x1dd: {  	v9 =	vld [tilespmem:s20+$0x0]  }
0x1de: {  	v10 =	vld [tilespmem:s21+$0x0];
	v2 =	vadd.f32 v2, v1  }
0x1df: {  	v4 =	vadd.f32 v4, v3;
	v1 =	vld [tilespmem:s20+$0x10]  }
0x1e0: {  	v5 =	vadd.f32 v6, v5;
	v3 =	vld [tilespmem:s21+$0x10];
	[tilespmem:s20+$0x30] =	vst v2  }
0x1e1: {  	v6 =	vadd.f32 v8, v7;
	[tilespmem:s20+$0xFFFFFFD0] =	vst v4;
	v2 =	vld [tilespmem:s20+$0x20]  }
0x1e2: {  	[tilespmem:s20+$0xFFFFFFE0] =	vst v5;
	v5 =	vld [tilespmem:s21+$0x20]  }
0x1e3: {  	s22 =	simm.s32 $0x0;
	s23 =	simm.s32 $0x60C0;
	v4 =	vld [tilespmem:s20+$0xFFFFFFC0];
	[tilespmem:s20+$0xFFFFFFF0] =	vst v6;
	v6 =	vadd.f32 v10, v9  }
.LBB2_16:
0x1e4: {  	v7 =	vld [tilespmem:s23+$0x30];
	s21 =	sadd.s32 $0x80, s21  }
0x1e5: {  	s22 =	sadd.s32 $0x80, s22;
	v8 =	vld [tilespmem:s21+$0x30];
	[tilespmem:s20+$0x0] =	vst v6;
	v1 =	vadd.f32 v3, v1  }
0x1e6: {  	p0 =	slt.u32 s22, $0x5F80;
	v3 =	vld [tilespmem:s21+$0xFFFFFFC0]  }
0x1e7: {  	v6 =	vld [tilespmem:s23+$0xFFFFFFD0];
	[tilespmem:s20+$0x10] =	vst v1;
	v1 =	vadd.f32 v5, v2  }
0x1e8: {  	v2 =	vld [tilespmem:s21+$0xFFFFFFD0];
	v9 =	vadd.f32 v0, v4  }
0x1e9: {  	v4 =	vld [tilespmem:s23+$0xFFFFFFE0];
	[tilespmem:s20+$0x20] =	vst v1  }
0x1ea: {  	v1 =	vld [tilespmem:s21+$0xFFFFFFE0];
	v5 =	vadd.f32 v8, v7;
	[tilespmem:s20+$0xFFFFFFC0] =	vst v9;
	s20 =	smov.u32 s23  }
0x1eb: {  	v7 =	vld [tilespmem:s23+$0xFFFFFFF0];
	v0 =	vmov v3  }
0x1ec: {  	v8 =	vld [tilespmem:s21+$0xFFFFFFF0];
	[tilespmem:s23+$0x30] =	vst v5  }
0x1ed: {  	v2 =	vadd.f32 v2, v6;
	v6 =	vld [tilespmem:s23+$0x0]  }
0x1ee: {  	v9 =	vld [tilespmem:s21+$0x0]  }
.Ltmp7:
0x1ef: {  	[tilespmem:s23+$0xFFFFFFD0] =	vst v2;
	v2 =	vadd.f32 v1, v4;
	v1 =	vld [tilespmem:s23+$0x10];
	(pc) =	sbr.rel @p0 .LBB2_16-.Ltmp7, $4  }
0x1f0: {  	v3 =	vld [tilespmem:s21+$0x10]  }
0x1f1: {  	[tilespmem:s23+$0xFFFFFFE0] =	vst v2;
	v7 =	vadd.f32 v8, v7;
	v2 =	vld [tilespmem:s23+$0x20]  }
0x1f2: {  	v5 =	vld [tilespmem:s21+$0x20]  }
0x1f3: {  	s23 =	sadd.s32 $0x80, s23;
	v4 =	vld [tilespmem:s20+$0xFFFFFFC0];
	[tilespmem:s20+$0xFFFFFFF0] =	vst v7;
	v6 =	vadd.f32 v9, v6  }
0x1f4: {  	_ =	sdelay $0x1  }
0x1f5: {  	v1 =	vadd.f32 v3, v1  }
0x1f6: {  	[tilespmem:s20+$0x0] =	vst v6;
	v2 =	vadd.f32 v5, v2  }
0x1f7: {  	[tilespmem:s20+$0x10] =	vst v1;
	v0 =	vadd.f32 v0, v4  }
0x1f8: {  	[tilespmem:s20+$0x20] =	vst v2  }
0x1f9: {  	[tilespmem:s20+$0xFFFFFFC0] =	vst v0  }
0x1fa: {  	s20 =	rddreg [dreg:$0x12]  }
0x1fb: {  	[hbm4b:s20+s1] =	stream.linear.scatter [tilespmem:s14], [sflag:$0x4], $0x6000, $0x38;
	[tilespmem:$0x18000] =	vst v63  }
0x1fc: {  	_ =	swait.ge [sflag:s13], $0x6000  }
0x1fd: {  	[sflag:s13] =	ssyncset.done $0x0  }
0x1fe: {  	[sflag:s13] =	ssyncadd.s32 $0xFFFFA000  }
0x1ff: {  	_ =	swait.ge [sflag:s13], $0x6000  }
0x200: {  	[sflag:s13] =	ssyncset.done $0x0  }
0x201: {  	[sflag:s13] =	ssyncadd.s32 $0xFFFFA000  }
0x202: {  	_ =	swait.ge [sflag:s18], $0x6000  }
0x203: {  	[sflag:s18] =	ssyncset.done $0x0  }
0x204: {  	s23 =	rddreg [dreg:$0x15];
	[sflag:s18] =	ssyncadd.s32 $0xFFFFA000  }
0x205: {  	[tilespmem:s14], [sflag:$0x2] =	stream.linear.gather [hbm4b:s23+s1], $0x6000, $0x38;
	[tilespmem:$0x18000] =	vst v63  }
0x206: {  	s20 =	simm.s32 $0x40  }
0x207: {  	[tilespmem:s15], [sflag:$0x2] =	stream.linear.gather [hbm4b:s10+s1], $0x6000, $0x38;
	[tilespmem:$0x18000] =	vst v63  }
0x208: {  	s21 =	simm.s32 $0xC040;
	v1 =	vld [tilespmem:s20+$0x30]  }
0x209: {  	v2 =	vld [tilespmem:s21+$0x30]  }
0x20a: {  	v0 =	vld [tilespmem:s21+$0xFFFFFFC0]  }
0x20b: {  	v3 =	vld [tilespmem:s20+$0xFFFFFFD0]  }
0x20c: {  	v4 =	vld [tilespmem:s21+$0xFFFFFFD0]  }
0x20d: {  	v5 =	vld [tilespmem:s20+$0xFFFFFFE0]  }
0x20e: {  	v6 =	vld [tilespmem:s21+$0xFFFFFFE0]  }
0x20f: {  	v7 =	vld [tilespmem:s20+$0xFFFFFFF0]  }
0x210: {  	v8 =	vld [tilespmem:s21+$0xFFFFFFF0]  }
0x211: {  	v9 =	vld [tilespmem:s20+$0x0]  }
0x212: {  	v10 =	vld [tilespmem:s21+$0x0];
	v2 =	vadd.f32 v2, v1  }
0x213: {  	v4 =	vadd.f32 v4, v3;
	v1 =	vld [tilespmem:s20+$0x10]  }
0x214: {  	v5 =	vadd.f32 v6, v5;
	v3 =	vld [tilespmem:s21+$0x10];
	[tilespmem:s20+$0x30] =	vst v2  }
0x215: {  	v6 =	vadd.f32 v8, v7;
	[tilespmem:s20+$0xFFFFFFD0] =	vst v4;
	v2 =	vld [tilespmem:s20+$0x20]  }
0x216: {  	[tilespmem:s20+$0xFFFFFFE0] =	vst v5;
	v5 =	vld [tilespmem:s21+$0x20]  }
0x217: {  	s22 =	simm.s32 $0x0;
	s23 =	simm.s32 $0xC0;
	v4 =	vld [tilespmem:s20+$0xFFFFFFC0];
	[tilespmem:s20+$0xFFFFFFF0] =	vst v6;
	v6 =	vadd.f32 v10, v9  }
.LBB2_18:
0x218: {  	v7 =	vld [tilespmem:s23+$0x30];
	s21 =	sadd.s32 $0x80, s21  }
0x219: {  	s22 =	sadd.s32 $0x80, s22;
	v8 =	vld [tilespmem:s21+$0x30];
	[tilespmem:s20+$0x0] =	vst v6;
	v1 =	vadd.f32 v3, v1  }
0x21a: {  	p0 =	slt.u32 s22, $0x5F80;
	v3 =	vld [tilespmem:s21+$0xFFFFFFC0]  }
0x21b: {  	v6 =	vld [tilespmem:s23+$0xFFFFFFD0];
	[tilespmem:s20+$0x10] =	vst v1;
	v1 =	vadd.f32 v5, v2  }
0x21c: {  	v2 =	vld [tilespmem:s21+$0xFFFFFFD0];
	v9 =	vadd.f32 v0, v4  }
0x21d: {  	v4 =	vld [tilespmem:s23+$0xFFFFFFE0];
	[tilespmem:s20+$0x20] =	vst v1  }
0x21e: {  	v1 =	vld [tilespmem:s21+$0xFFFFFFE0];
	v5 =	vadd.f32 v8, v7;
	[tilespmem:s20+$0xFFFFFFC0] =	vst v9;
	s20 =	smov.u32 s23  }
0x21f: {  	v7 =	vld [tilespmem:s23+$0xFFFFFFF0];
	v0 =	vmov v3  }
0x220: {  	v8 =	vld [tilespmem:s21+$0xFFFFFFF0];
	[tilespmem:s23+$0x30] =	vst v5  }
0x221: {  	v2 =	vadd.f32 v2, v6;
	v6 =	vld [tilespmem:s23+$0x0]  }
0x222: {  	v9 =	vld [tilespmem:s21+$0x0]  }
.Ltmp8:
0x223: {  	[tilespmem:s23+$0xFFFFFFD0] =	vst v2;
	v2 =	vadd.f32 v1, v4;
	v1 =	vld [tilespmem:s23+$0x10];
	(pc) =	sbr.rel @p0 .LBB2_18-.Ltmp8, $4  }
0x224: {  	v3 =	vld [tilespmem:s21+$0x10]  }
0x225: {  	[tilespmem:s23+$0xFFFFFFE0] =	vst v2;
	v7 =	vadd.f32 v8, v7;
	v2 =	vld [tilespmem:s23+$0x20]  }
0x226: {  	v5 =	vld [tilespmem:s21+$0x20]  }
0x227: {  	s23 =	sadd.s32 $0x80, s23;
	v4 =	vld [tilespmem:s20+$0xFFFFFFC0];
	[tilespmem:s20+$0xFFFFFFF0] =	vst v7;
	v6 =	vadd.f32 v9, v6  }
0x228: {  	_ =	sdelay $0x1  }
0x229: {  	v1 =	vadd.f32 v3, v1  }
0x22a: {  	[tilespmem:s20+$0x0] =	vst v6;
	v2 =	vadd.f32 v5, v2  }
0x22b: {  	[tilespmem:s20+$0x10] =	vst v1;
	v0 =	vadd.f32 v0, v4  }
0x22c: {  	[tilespmem:s20+$0x20] =	vst v2  }
0x22d: {  	[tilespmem:s20+$0xFFFFFFC0] =	vst v0  }
0x22e: {  	s20 =	rddreg [dreg:$0x13]  }
0x22f: {  	[hbm4b:s20+s1] =	stream.linear.scatter [tilespmem:s1], [sflag:$0x3], $0x6000, $0x38;
	[tilespmem:$0x18000] =	vst v63  }
0x230: {  	_ =	swait.ge [sflag:s16], $0x6000  }
0x231: {  	[sflag:s16] =	ssyncset.done $0x0  }
0x232: {  	[sflag:s16] =	ssyncadd.s32 $0xFFFFA000  }
0x233: {  	_ =	swait.ge [sflag:s16], $0x6000  }
0x234: {  	[sflag:s16] =	ssyncset.done $0x0  }
0x235: {  	[sflag:s16] =	ssyncadd.s32 $0xFFFFA000  }
0x236: {  	_ =	swait.ge [sflag:s17], $0x6000  }
0x237: {  	[sflag:s17] =	ssyncset.done $0x0  }
0x238: {  	s23 =	rddreg [dreg:$0x17];
	[sflag:s17] =	ssyncadd.s32 $0xFFFFA000  }
0x239: {  	[tilespmem:s1], [sflag:$0x1] =	stream.linear.gather [hbm4b:s23+s1], $0x6000, $0x38;
	[tilespmem:$0x18000] =	vst v63  }
0x23a: {  	s20 =	simm.s32 $0x6040  }
0x23b: {  	[tilespmem:s12], [sflag:$0x1] =	stream.linear.gather [hbm4b:s11+s1], $0x6000, $0x38;
	[tilespmem:$0x18000] =	vst v63  }
0x23c: {  	s21 =	simm.s32 $0x12040;
	v1 =	vld [tilespmem:s20+$0x30]  }
0x23d: {  	v2 =	vld [tilespmem:s21+$0x30]  }
0x23e: {  	v0 =	vld [tilespmem:s21+$0xFFFFFFC0]  }
0x23f: {  	v3 =	vld [tilespmem:s20+$0xFFFFFFD0]  }
0x240: {  	v4 =	vld [tilespmem:s21+$0xFFFFFFD0]  }
0x241: {  	v5 =	vld [tilespmem:s20+$0xFFFFFFE0]  }
0x242: {  	v6 =	vld [tilespmem:s21+$0xFFFFFFE0]  }
0x243: {  	v7 =	vld [tilespmem:s20+$0xFFFFFFF0]  }
0x244: {  	v8 =	vld [tilespmem:s21+$0xFFFFFFF0]  }
0x245: {  	v9 =	vld [tilespmem:s20+$0x0]  }
0x246: {  	v10 =	vld [tilespmem:s21+$0x0];
	v2 =	vadd.f32 v2, v1  }
0x247: {  	v4 =	vadd.f32 v4, v3;
	v1 =	vld [tilespmem:s20+$0x10]  }
0x248: {  	v5 =	vadd.f32 v6, v5;
	v3 =	vld [tilespmem:s21+$0x10];
	[tilespmem:s20+$0x30] =	vst v2  }
0x249: {  	v6 =	vadd.f32 v8, v7;
	[tilespmem:s20+$0xFFFFFFD0] =	vst v4;
	v2 =	vld [tilespmem:s20+$0x20]  }
0x24a: {  	[tilespmem:s20+$0xFFFFFFE0] =	vst v5;
	v5 =	vld [tilespmem:s21+$0x20]  }
0x24b: {  	s22 =	simm.s32 $0x0;
	s23 =	simm.s32 $0x60C0;
	v4 =	vld [tilespmem:s20+$0xFFFFFFC0];
	[tilespmem:s20+$0xFFFFFFF0] =	vst v6;
	v6 =	vadd.f32 v10, v9  }
.LBB2_20:
0x24c: {  	v7 =	vld [tilespmem:s23+$0x30];
	s21 =	sadd.s32 $0x80, s21  }
0x24d: {  	s22 =	sadd.s32 $0x80, s22;
	v8 =	vld [tilespmem:s21+$0x30];
	[tilespmem:s20+$0x0] =	vst v6;
	v1 =	vadd.f32 v3, v1  }
0x24e: {  	p0 =	slt.u32 s22, $0x5F80;
	v3 =	vld [tilespmem:s21+$0xFFFFFFC0]  }
0x24f: {  	v6 =	vld [tilespmem:s23+$0xFFFFFFD0];
	[tilespmem:s20+$0x10] =	vst v1;
	v1 =	vadd.f32 v5, v2  }
0x250: {  	v2 =	vld [tilespmem:s21+$0xFFFFFFD0];
	v9 =	vadd.f32 v0, v4  }
0x251: {  	v4 =	vld [tilespmem:s23+$0xFFFFFFE0];
	[tilespmem:s20+$0x20] =	vst v1  }
0x252: {  	v1 =	vld [tilespmem:s21+$0xFFFFFFE0];
	v5 =	vadd.f32 v8, v7;
	[tilespmem:s20+$0xFFFFFFC0] =	vst v9;
	s20 =	smov.u32 s23  }
0x253: {  	v7 =	vld [tilespmem:s23+$0xFFFFFFF0];
	v0 =	vmov v3  }
0x254: {  	v8 =	vld [tilespmem:s21+$0xFFFFFFF0];
	[tilespmem:s23+$0x30] =	vst v5  }
0x255: {  	v2 =	vadd.f32 v2, v6;
	v6 =	vld [tilespmem:s23+$0x0]  }
0x256: {  	v9 =	vld [tilespmem:s21+$0x0]  }
.Ltmp9:
0x257: {  	[tilespmem:s23+$0xFFFFFFD0] =	vst v2;
	v2 =	vadd.f32 v1, v4;
	v1 =	vld [tilespmem:s23+$0x10];
	(pc) =	sbr.rel @p0 .LBB2_20-.Ltmp9, $4  }
0x258: {  	v3 =	vld [tilespmem:s21+$0x10]  }
0x259: {  	[tilespmem:s23+$0xFFFFFFE0] =	vst v2;
	v7 =	vadd.f32 v8, v7;
	v2 =	vld [tilespmem:s23+$0x20]  }
0x25a: {  	v5 =	vld [tilespmem:s21+$0x20]  }
0x25b: {  	s23 =	sadd.s32 $0x80, s23;
	v4 =	vld [tilespmem:s20+$0xFFFFFFC0];
	[tilespmem:s20+$0xFFFFFFF0] =	vst v7;
	v6 =	vadd.f32 v9, v6  }
0x25c: {  	_ =	sdelay $0x1  }
0x25d: {  	v1 =	vadd.f32 v3, v1  }
0x25e: {  	[tilespmem:s20+$0x0] =	vst v6;
	v2 =	vadd.f32 v5, v2  }
0x25f: {  	[tilespmem:s20+$0x10] =	vst v1;
	v0 =	vadd.f32 v0, v4  }
0x260: {  	[tilespmem:s20+$0x20] =	vst v2  }
0x261: {  	[tilespmem:s20+$0xFFFFFFC0] =	vst v0  }
0x262: {  	s20 =	rddreg [dreg:$0x16]  }
0x263: {  	[hbm4b:s20+s1] =	stream.linear.scatter [tilespmem:s14], [sflag:$0x4], $0x6000, $0x38;
	[tilespmem:$0x18000] =	vst v63  }
0x264: {  	_ =	swait.ge [sflag:s13], $0x6000  }
0x265: {  	[sflag:s13] =	ssyncset.done $0x0  }
0x266: {  	[sflag:s13] =	ssyncadd.s32 $0xFFFFA000  }
0x267: {  	_ =	swait.ge [sflag:s13], $0x6000  }
0x268: {  	[sflag:s13] =	ssyncset.done $0x0  }
0x269: {  	[sflag:s13] =	ssyncadd.s32 $0xFFFFA000  }
0x26a: {  	_ =	swait.ge [sflag:s18], $0x6000  }
0x26b: {  	[sflag:s18] =	ssyncset.done $0x0;
	s22 =	rddreg [dreg:$0x19]  }
0x26c: {  	s23 =	sld [smem:$0x7EF];
	[sflag:s18] =	ssyncadd.s32 $0xFFFFA000  }
0x26d: {  	[tilespmem:s14], [sflag:$0x2] =	stream.linear.gather [hbm4b:s22+s1], $0x6000, $0x38;
	[tilespmem:$0x18000] =	vst v63  }
0x26e: {  	s20 =	simm.s32 $0x40  }
0x26f: {  	[tilespmem:s15], [sflag:$0x2] =	stream.linear.gather [hbm4b:s23+s1], $0x6000, $0x38;
	[tilespmem:$0x18000] =	vst v63  }
0x270: {  	s21 =	simm.s32 $0xC040;
	v1 =	vld [tilespmem:s20+$0x30]  }
0x271: {  	v2 =	vld [tilespmem:s21+$0x30]  }
0x272: {  	v0 =	vld [tilespmem:s21+$0xFFFFFFC0]  }
0x273: {  	v3 =	vld [tilespmem:s20+$0xFFFFFFD0]  }
0x274: {  	v4 =	vld [tilespmem:s21+$0xFFFFFFD0]  }
0x275: {  	v5 =	vld [tilespmem:s20+$0xFFFFFFE0]  }
0x276: {  	v6 =	vld [tilespmem:s21+$0xFFFFFFE0]  }
0x277: {  	v7 =	vld [tilespmem:s20+$0xFFFFFFF0]  }
0x278: {  	v8 =	vld [tilespmem:s21+$0xFFFFFFF0]  }
0x279: {  	v9 =	vld [tilespmem:s20+$0x0]  }
0x27a: {  	v10 =	vld [tilespmem:s21+$0x0];
	v2 =	vadd.f32 v2, v1  }
0x27b: {  	v4 =	vadd.f32 v4, v3;
	v1 =	vld [tilespmem:s20+$0x10]  }
0x27c: {  	v5 =	vadd.f32 v6, v5;
	v3 =	vld [tilespmem:s21+$0x10];
	[tilespmem:s20+$0x30] =	vst v2  }
0x27d: {  	v6 =	vadd.f32 v8, v7;
	[tilespmem:s20+$0xFFFFFFD0] =	vst v4;
	v2 =	vld [tilespmem:s20+$0x20]  }
0x27e: {  	[tilespmem:s20+$0xFFFFFFE0] =	vst v5;
	v5 =	vld [tilespmem:s21+$0x20]  }
0x27f: {  	s22 =	simm.s32 $0x0;
	s23 =	simm.s32 $0xC0;
	v4 =	vld [tilespmem:s20+$0xFFFFFFC0];
	[tilespmem:s20+$0xFFFFFFF0] =	vst v6;
	v6 =	vadd.f32 v10, v9  }
.LBB2_22:
0x280: {  	v7 =	vld [tilespmem:s23+$0x30];
	s21 =	sadd.s32 $0x80, s21  }
0x281: {  	s22 =	sadd.s32 $0x80, s22;
	v8 =	vld [tilespmem:s21+$0x30];
	[tilespmem:s20+$0x0] =	vst v6;
	v1 =	vadd.f32 v3, v1  }
0x282: {  	p0 =	slt.u32 s22, $0x5F80;
	v3 =	vld [tilespmem:s21+$0xFFFFFFC0]  }
0x283: {  	v6 =	vld [tilespmem:s23+$0xFFFFFFD0];
	[tilespmem:s20+$0x10] =	vst v1;
	v1 =	vadd.f32 v5, v2  }
0x284: {  	v2 =	vld [tilespmem:s21+$0xFFFFFFD0];
	v9 =	vadd.f32 v0, v4  }
0x285: {  	v4 =	vld [tilespmem:s23+$0xFFFFFFE0];
	[tilespmem:s20+$0x20] =	vst v1  }
0x286: {  	v1 =	vld [tilespmem:s21+$0xFFFFFFE0];
	v5 =	vadd.f32 v8, v7;
	[tilespmem:s20+$0xFFFFFFC0] =	vst v9;
	s20 =	smov.u32 s23  }
0x287: {  	v7 =	vld [tilespmem:s23+$0xFFFFFFF0];
	v0 =	vmov v3  }
0x288: {  	v8 =	vld [tilespmem:s21+$0xFFFFFFF0];
	[tilespmem:s23+$0x30] =	vst v5  }
0x289: {  	v2 =	vadd.f32 v2, v6;
	v6 =	vld [tilespmem:s23+$0x0]  }
0x28a: {  	v9 =	vld [tilespmem:s21+$0x0]  }
.Ltmp10:
0x28b: {  	[tilespmem:s23+$0xFFFFFFD0] =	vst v2;
	v2 =	vadd.f32 v1, v4;
	v1 =	vld [tilespmem:s23+$0x10];
	(pc) =	sbr.rel @p0 .LBB2_22-.Ltmp10, $4  }
0x28c: {  	v3 =	vld [tilespmem:s21+$0x10]  }
0x28d: {  	[tilespmem:s23+$0xFFFFFFE0] =	vst v2;
	v7 =	vadd.f32 v8, v7;
	v2 =	vld [tilespmem:s23+$0x20]  }
0x28e: {  	v5 =	vld [tilespmem:s21+$0x20]  }
0x28f: {  	s23 =	sadd.s32 $0x80, s23;
	v4 =	vld [tilespmem:s20+$0xFFFFFFC0];
	[tilespmem:s20+$0xFFFFFFF0] =	vst v7;
	v6 =	vadd.f32 v9, v6  }
0x290: {  	_ =	sdelay $0x1  }
0x291: {  	v1 =	vadd.f32 v3, v1  }
0x292: {  	[tilespmem:s20+$0x0] =	vst v6;
	v2 =	vadd.f32 v5, v2  }
0x293: {  	[tilespmem:s20+$0x10] =	vst v1;
	v0 =	vadd.f32 v0, v4  }
0x294: {  	[tilespmem:s20+$0x20] =	vst v2  }
0x295: {  	[tilespmem:s20+$0xFFFFFFC0] =	vst v0  }
0x296: {  	s20 =	rddreg [dreg:$0x18]  }
0x297: {  	[hbm4b:s20+s1] =	stream.linear.scatter [tilespmem:s1], [sflag:$0x3], $0x6000, $0x38;
	[tilespmem:$0x18000] =	vst v63  }
0x298: {  	_ =	swait.ge [sflag:s16], $0x6000  }
0x299: {  	[sflag:s16] =	ssyncset.done $0x0  }
0x29a: {  	[sflag:s16] =	ssyncadd.s32 $0xFFFFA000  }
0x29b: {  	_ =	swait.ge [sflag:s16], $0x6000  }
0x29c: {  	[sflag:s16] =	ssyncset.done $0x0  }
0x29d: {  	[sflag:s16] =	ssyncadd.s32 $0xFFFFA000  }
0x29e: {  	_ =	swait.ge [sflag:s17], $0x6000  }
0x29f: {  	[sflag:s17] =	ssyncset.done $0x0;
	s22 =	rddreg [dreg:$0x1b]  }
0x2a0: {  	s23 =	sld [smem:$0x7F0];
	[sflag:s17] =	ssyncadd.s32 $0xFFFFA000  }
0x2a1: {  	[tilespmem:s1], [sflag:$0x1] =	stream.linear.gather [hbm4b:s22+s1], $0x6000, $0x38;
	[tilespmem:$0x18000] =	vst v63  }
0x2a2: {  	s20 =	simm.s32 $0x6040  }
0x2a3: {  	[tilespmem:s12], [sflag:$0x1] =	stream.linear.gather [hbm4b:s23+s1], $0x6000, $0x38;
	[tilespmem:$0x18000] =	vst v63  }
0x2a4: {  	s21 =	simm.s32 $0x12040;
	v1 =	vld [tilespmem:s20+$0x30]  }
0x2a5: {  	v2 =	vld [tilespmem:s21+$0x30]  }
0x2a6: {  	v0 =	vld [tilespmem:s21+$0xFFFFFFC0]  }
0x2a7: {  	v3 =	vld [tilespmem:s20+$0xFFFFFFD0]  }
0x2a8: {  	v4 =	vld [tilespmem:s21+$0xFFFFFFD0]  }
0x2a9: {  	v5 =	vld [tilespmem:s20+$0xFFFFFFE0]  }
0x2aa: {  	v6 =	vld [tilespmem:s21+$0xFFFFFFE0]  }
0x2ab: {  	v7 =	vld [tilespmem:s20+$0xFFFFFFF0]  }
0x2ac: {  	v8 =	vld [tilespmem:s21+$0xFFFFFFF0]  }
0x2ad: {  	v9 =	vld [tilespmem:s20+$0x0]  }
0x2ae: {  	v10 =	vld [tilespmem:s21+$0x0];
	v2 =	vadd.f32 v2, v1  }
0x2af: {  	v4 =	vadd.f32 v4, v3;
	v1 =	vld [tilespmem:s20+$0x10]  }
0x2b0: {  	v5 =	vadd.f32 v6, v5;
	v3 =	vld [tilespmem:s21+$0x10];
	[tilespmem:s20+$0x30] =	vst v2  }
0x2b1: {  	v6 =	vadd.f32 v8, v7;
	[tilespmem:s20+$0xFFFFFFD0] =	vst v4;
	v2 =	vld [tilespmem:s20+$0x20]  }
0x2b2: {  	[tilespmem:s20+$0xFFFFFFE0] =	vst v5;
	v5 =	vld [tilespmem:s21+$0x20]  }
0x2b3: {  	s22 =	simm.s32 $0x0;
	s23 =	simm.s32 $0x60C0;
	v4 =	vld [tilespmem:s20+$0xFFFFFFC0];
	[tilespmem:s20+$0xFFFFFFF0] =	vst v6;
	v6 =	vadd.f32 v10, v9  }
.LBB2_24:
0x2b4: {  	v7 =	vld [tilespmem:s23+$0x30];
	s21 =	sadd.s32 $0x80, s21  }
0x2b5: {  	s22 =	sadd.s32 $0x80, s22;
	v8 =	vld [tilespmem:s21+$0x30];
	[tilespmem:s20+$0x0] =	vst v6;
	v1 =	vadd.f32 v3, v1  }
0x2b6: {  	p0 =	slt.u32 s22, $0x5F80;
	v3 =	vld [tilespmem:s21+$0xFFFFFFC0]  }
0x2b7: {  	v6 =	vld [tilespmem:s23+$0xFFFFFFD0];
	[tilespmem:s20+$0x10] =	vst v1;
	v1 =	vadd.f32 v5, v2  }
0x2b8: {  	v2 =	vld [tilespmem:s21+$0xFFFFFFD0];
	v9 =	vadd.f32 v0, v4  }
0x2b9: {  	v4 =	vld [tilespmem:s23+$0xFFFFFFE0];
	[tilespmem:s20+$0x20] =	vst v1  }
0x2ba: {  	v1 =	vld [tilespmem:s21+$0xFFFFFFE0];
	v5 =	vadd.f32 v8, v7;
	[tilespmem:s20+$0xFFFFFFC0] =	vst v9;
	s20 =	smov.u32 s23  }
0x2bb: {  	v7 =	vld [tilespmem:s23+$0xFFFFFFF0];
	v0 =	vmov v3  }
0x2bc: {  	v8 =	vld [tilespmem:s21+$0xFFFFFFF0];
	[tilespmem:s23+$0x30] =	vst v5  }
0x2bd: {  	v2 =	vadd.f32 v2, v6;
	v6 =	vld [tilespmem:s23+$0x0]  }
0x2be: {  	v9 =	vld [tilespmem:s21+$0x0]  }
.Ltmp11:
0x2bf: {  	[tilespmem:s23+$0xFFFFFFD0] =	vst v2;
	v2 =	vadd.f32 v1, v4;
	v1 =	vld [tilespmem:s23+$0x10];
	(pc) =	sbr.rel @p0 .LBB2_24-.Ltmp11, $4  }
0x2c0: {  	v3 =	vld [tilespmem:s21+$0x10]  }
0x2c1: {  	[tilespmem:s23+$0xFFFFFFE0] =	vst v2;
	v7 =	vadd.f32 v8, v7;
	v2 =	vld [tilespmem:s23+$0x20]  }
0x2c2: {  	v5 =	vld [tilespmem:s21+$0x20]  }
0x2c3: {  	s23 =	sadd.s32 $0x80, s23;
	v4 =	vld [tilespmem:s20+$0xFFFFFFC0];
	[tilespmem:s20+$0xFFFFFFF0] =	vst v7;
	v6 =	vadd.f32 v9, v6  }
0x2c4: {  	_ =	sdelay $0x1  }
0x2c5: {  	v1 =	vadd.f32 v3, v1  }
0x2c6: {  	[tilespmem:s20+$0x0] =	vst v6;
	v2 =	vadd.f32 v5, v2  }
0x2c7: {  	[tilespmem:s20+$0x10] =	vst v1;
	v0 =	vadd.f32 v0, v4  }
0x2c8: {  	[tilespmem:s20+$0x20] =	vst v2  }
0x2c9: {  	[tilespmem:s20+$0xFFFFFFC0] =	vst v0  }
0x2ca: {  	s20 =	rddreg [dreg:$0x1a]  }
0x2cb: {  	[hbm4b:s20+s1] =	stream.linear.scatter [tilespmem:s14], [sflag:$0x4], $0x6000, $0x38;
	[tilespmem:$0x18000] =	vst v63  }
0x2cc: {  	_ =	swait.ge [sflag:s13], $0x6000  }
0x2cd: {  	[sflag:s13] =	ssyncset.done $0x0  }
0x2ce: {  	[sflag:s13] =	ssyncadd.s32 $0xFFFFA000  }
0x2cf: {  	_ =	swait.ge [sflag:s13], $0x6000  }
0x2d0: {  	[sflag:s13] =	ssyncset.done $0x0  }
0x2d1: {  	[sflag:s13] =	ssyncadd.s32 $0xFFFFA000  }
0x2d2: {  	_ =	swait.ge [sflag:s18], $0x6000  }
0x2d3: {  	[sflag:s18] =	ssyncset.done $0x0;
	s22 =	rddreg [dreg:$0x1d]  }
0x2d4: {  	s23 =	sld [smem:$0x7F1];
	[sflag:s18] =	ssyncadd.s32 $0xFFFFA000  }
0x2d5: {  	[tilespmem:s14], [sflag:$0x2] =	stream.linear.gather [hbm4b:s22+s1], $0x6000, $0x38;
	[tilespmem:$0x18000] =	vst v63  }
0x2d6: {  	s20 =	simm.s32 $0x40  }
0x2d7: {  	[tilespmem:s15], [sflag:$0x2] =	stream.linear.gather [hbm4b:s23+s1], $0x6000, $0x38;
	[tilespmem:$0x18000] =	vst v63  }
0x2d8: {  	s21 =	simm.s32 $0xC040;
	v1 =	vld [tilespmem:s20+$0x30]  }
0x2d9: {  	v2 =	vld [tilespmem:s21+$0x30]  }
0x2da: {  	v0 =	vld [tilespmem:s21+$0xFFFFFFC0]  }
0x2db: {  	v3 =	vld [tilespmem:s20+$0xFFFFFFD0]  }
0x2dc: {  	v4 =	vld [tilespmem:s21+$0xFFFFFFD0]  }
0x2dd: {  	v5 =	vld [tilespmem:s20+$0xFFFFFFE0]  }
0x2de: {  	v6 =	vld [tilespmem:s21+$0xFFFFFFE0]  }
0x2df: {  	v7 =	vld [tilespmem:s20+$0xFFFFFFF0]  }
0x2e0: {  	v8 =	vld [tilespmem:s21+$0xFFFFFFF0]  }
0x2e1: {  	v9 =	vld [tilespmem:s20+$0x0]  }
0x2e2: {  	v10 =	vld [tilespmem:s21+$0x0];
	v2 =	vadd.f32 v2, v1  }
0x2e3: {  	v4 =	vadd.f32 v4, v3;
	v1 =	vld [tilespmem:s20+$0x10]  }
0x2e4: {  	v5 =	vadd.f32 v6, v5;
	v3 =	vld [tilespmem:s21+$0x10];
	[tilespmem:s20+$0x30] =	vst v2  }
0x2e5: {  	v6 =	vadd.f32 v8, v7;
	[tilespmem:s20+$0xFFFFFFD0] =	vst v4;
	v2 =	vld [tilespmem:s20+$0x20]  }
0x2e6: {  	[tilespmem:s20+$0xFFFFFFE0] =	vst v5;
	v5 =	vld [tilespmem:s21+$0x20]  }
0x2e7: {  	s22 =	simm.s32 $0x0;
	s23 =	simm.s32 $0xC0;
	v4 =	vld [tilespmem:s20+$0xFFFFFFC0];
	[tilespmem:s20+$0xFFFFFFF0] =	vst v6;
	v6 =	vadd.f32 v10, v9  }
.LBB2_26:
0x2e8: {  	v7 =	vld [tilespmem:s23+$0x30];
	s21 =	sadd.s32 $0x80, s21  }
0x2e9: {  	s22 =	sadd.s32 $0x80, s22;
	v8 =	vld [tilespmem:s21+$0x30];
	[tilespmem:s20+$0x0] =	vst v6;
	v1 =	vadd.f32 v3, v1  }
0x2ea: {  	p0 =	slt.u32 s22, $0x5F80;
	v3 =	vld [tilespmem:s21+$0xFFFFFFC0]  }
0x2eb: {  	v6 =	vld [tilespmem:s23+$0xFFFFFFD0];
	[tilespmem:s20+$0x10] =	vst v1;
	v1 =	vadd.f32 v5, v2  }
0x2ec: {  	v2 =	vld [tilespmem:s21+$0xFFFFFFD0];
	v9 =	vadd.f32 v0, v4  }
0x2ed: {  	v4 =	vld [tilespmem:s23+$0xFFFFFFE0];
	[tilespmem:s20+$0x20] =	vst v1  }
0x2ee: {  	v1 =	vld [tilespmem:s21+$0xFFFFFFE0];
	v5 =	vadd.f32 v8, v7;
	[tilespmem:s20+$0xFFFFFFC0] =	vst v9;
	s20 =	smov.u32 s23  }
0x2ef: {  	v7 =	vld [tilespmem:s23+$0xFFFFFFF0];
	v0 =	vmov v3  }
0x2f0: {  	v8 =	vld [tilespmem:s21+$0xFFFFFFF0];
	[tilespmem:s23+$0x30] =	vst v5  }
0x2f1: {  	v2 =	vadd.f32 v2, v6;
	v6 =	vld [tilespmem:s23+$0x0]  }
0x2f2: {  	v9 =	vld [tilespmem:s21+$0x0]  }
.Ltmp12:
0x2f3: {  	[tilespmem:s23+$0xFFFFFFD0] =	vst v2;
	v2 =	vadd.f32 v1, v4;
	v1 =	vld [tilespmem:s23+$0x10];
	(pc) =	sbr.rel @p0 .LBB2_26-.Ltmp12, $4  }
0x2f4: {  	v3 =	vld [tilespmem:s21+$0x10]  }
0x2f5: {  	[tilespmem:s23+$0xFFFFFFE0] =	vst v2;
	v7 =	vadd.f32 v8, v7;
	v2 =	vld [tilespmem:s23+$0x20]  }
0x2f6: {  	v5 =	vld [tilespmem:s21+$0x20]  }
0x2f7: {  	s23 =	sadd.s32 $0x80, s23;
	v4 =	vld [tilespmem:s20+$0xFFFFFFC0];
	[tilespmem:s20+$0xFFFFFFF0] =	vst v7;
	v6 =	vadd.f32 v9, v6  }
0x2f8: {  	_ =	sdelay $0x1  }
0x2f9: {  	v1 =	vadd.f32 v3, v1  }
0x2fa: {  	[tilespmem:s20+$0x0] =	vst v6;
	v2 =	vadd.f32 v5, v2  }
0x2fb: {  	[tilespmem:s20+$0x10] =	vst v1;
	v0 =	vadd.f32 v0, v4  }
0x2fc: {  	[tilespmem:s20+$0x20] =	vst v2  }
0x2fd: {  	[tilespmem:s20+$0xFFFFFFC0] =	vst v0  }
0x2fe: {  	s20 =	rddreg [dreg:$0x1c]  }
0x2ff: {  	[hbm4b:s20+s1] =	stream.linear.scatter [tilespmem:s1], [sflag:$0x3], $0x6000, $0x38;
	[tilespmem:$0x18000] =	vst v63  }
0x300: {  	_ =	swait.ge [sflag:s16], $0x6000  }
0x301: {  	[sflag:s16] =	ssyncset.done $0x0  }
0x302: {  	[sflag:s16] =	ssyncadd.s32 $0xFFFFA000  }
0x303: {  	_ =	swait.ge [sflag:s16], $0x6000  }
0x304: {  	[sflag:s16] =	ssyncset.done $0x0  }
0x305: {  	[sflag:s16] =	ssyncadd.s32 $0xFFFFA000  }
0x306: {  	_ =	swait.ge [sflag:s17], $0x6000  }
0x307: {  	[sflag:s17] =	ssyncset.done $0x0;
	s22 =	rddreg [dreg:$0x1f]  }
0x308: {  	s23 =	sld [smem:$0x7F2];
	[sflag:s17] =	ssyncadd.s32 $0xFFFFA000  }
0x309: {  	[tilespmem:s1], [sflag:$0x1] =	stream.linear.gather [hbm4b:s22+s1], $0x6000, $0x38;
	[tilespmem:$0x18000] =	vst v63  }
0x30a: {  	s20 =	simm.s32 $0x6040  }
0x30b: {  	[tilespmem:s12], [sflag:$0x1] =	stream.linear.gather [hbm4b:s23+s1], $0x6000, $0x38;
	[tilespmem:$0x18000] =	vst v63  }
0x30c: {  	s21 =	simm.s32 $0x12040;
	v1 =	vld [tilespmem:s20+$0x30]  }
0x30d: {  	v2 =	vld [tilespmem:s21+$0x30]  }
0x30e: {  	v0 =	vld [tilespmem:s21+$0xFFFFFFC0]  }
0x30f: {  	v3 =	vld [tilespmem:s20+$0xFFFFFFD0]  }
0x310: {  	v4 =	vld [tilespmem:s21+$0xFFFFFFD0]  }
0x311: {  	v5 =	vld [tilespmem:s20+$0xFFFFFFE0]  }
0x312: {  	v6 =	vld [tilespmem:s21+$0xFFFFFFE0]  }
0x313: {  	v7 =	vld [tilespmem:s20+$0xFFFFFFF0]  }
0x314: {  	v8 =	vld [tilespmem:s21+$0xFFFFFFF0]  }
0x315: {  	v9 =	vld [tilespmem:s20+$0x0]  }
0x316: {  	v10 =	vld [tilespmem:s21+$0x0];
	v2 =	vadd.f32 v2, v1  }
0x317: {  	v4 =	vadd.f32 v4, v3;
	v1 =	vld [tilespmem:s20+$0x10]  }
0x318: {  	v5 =	vadd.f32 v6, v5;
	v3 =	vld [tilespmem:s21+$0x10];
	[tilespmem:s20+$0x30] =	vst v2  }
0x319: {  	v6 =	vadd.f32 v8, v7;
	[tilespmem:s20+$0xFFFFFFD0] =	vst v4;
	v2 =	vld [tilespmem:s20+$0x20]  }
0x31a: {  	[tilespmem:s20+$0xFFFFFFE0] =	vst v5;
	v5 =	vld [tilespmem:s21+$0x20]  }
0x31b: {  	s22 =	simm.s32 $0x0;
	s23 =	simm.s32 $0x60C0;
	v4 =	vld [tilespmem:s20+$0xFFFFFFC0];
	[tilespmem:s20+$0xFFFFFFF0] =	vst v6;
	v6 =	vadd.f32 v10, v9  }
.LBB2_28:
0x31c: {  	v7 =	vld [tilespmem:s23+$0x30];
	s21 =	sadd.s32 $0x80, s21  }
0x31d: {  	s22 =	sadd.s32 $0x80, s22;
	v8 =	vld [tilespmem:s21+$0x30];
	[tilespmem:s20+$0x0] =	vst v6;
	v1 =	vadd.f32 v3, v1  }
0x31e: {  	p0 =	slt.u32 s22, $0x5F80;
	v3 =	vld [tilespmem:s21+$0xFFFFFFC0]  }
0x31f: {  	v6 =	vld [tilespmem:s23+$0xFFFFFFD0];
	[tilespmem:s20+$0x10] =	vst v1;
	v1 =	vadd.f32 v5, v2  }
0x320: {  	v2 =	vld [tilespmem:s21+$0xFFFFFFD0];
	v9 =	vadd.f32 v0, v4  }
0x321: {  	v4 =	vld [tilespmem:s23+$0xFFFFFFE0];
	[tilespmem:s20+$0x20] =	vst v1  }
0x322: {  	v1 =	vld [tilespmem:s21+$0xFFFFFFE0];
	v5 =	vadd.f32 v8, v7;
	[tilespmem:s20+$0xFFFFFFC0] =	vst v9;
	s20 =	smov.u32 s23  }
0x323: {  	v7 =	vld [tilespmem:s23+$0xFFFFFFF0];
	v0 =	vmov v3  }
0x324: {  	v8 =	vld [tilespmem:s21+$0xFFFFFFF0];
	[tilespmem:s23+$0x30] =	vst v5  }
0x325: {  	v2 =	vadd.f32 v2, v6;
	v6 =	vld [tilespmem:s23+$0x0]  }
0x326: {  	v9 =	vld [tilespmem:s21+$0x0]  }
.Ltmp13:
0x327: {  	[tilespmem:s23+$0xFFFFFFD0] =	vst v2;
	v2 =	vadd.f32 v1, v4;
	v1 =	vld [tilespmem:s23+$0x10];
	(pc) =	sbr.rel @p0 .LBB2_28-.Ltmp13, $4  }
0x328: {  	v3 =	vld [tilespmem:s21+$0x10]  }
0x329: {  	[tilespmem:s23+$0xFFFFFFE0] =	vst v2;
	v7 =	vadd.f32 v8, v7;
	v2 =	vld [tilespmem:s23+$0x20]  }
0x32a: {  	v5 =	vld [tilespmem:s21+$0x20]  }
0x32b: {  	s23 =	sadd.s32 $0x80, s23;
	v4 =	vld [tilespmem:s20+$0xFFFFFFC0];
	[tilespmem:s20+$0xFFFFFFF0] =	vst v7;
	v6 =	vadd.f32 v9, v6  }
0x32c: {  	_ =	sdelay $0x1  }
0x32d: {  	v1 =	vadd.f32 v3, v1  }
0x32e: {  	[tilespmem:s20+$0x0] =	vst v6;
	v2 =	vadd.f32 v5, v2  }
0x32f: {  	[tilespmem:s20+$0x10] =	vst v1;
	v0 =	vadd.f32 v0, v4  }
0x330: {  	[tilespmem:s20+$0x20] =	vst v2  }
0x331: {  	[tilespmem:s20+$0xFFFFFFC0] =	vst v0  }
0x332: {  	s20 =	rddreg [dreg:$0x1e]  }
0x333: {  	[hbm4b:s20+s1] =	stream.linear.scatter [tilespmem:s14], [sflag:$0x4], $0x6000, $0x38;
	[tilespmem:$0x18000] =	vst v63  }
0x334: {  	_ =	swait.ge [sflag:s13], $0x6000  }
0x335: {  	[sflag:s13] =	ssyncset.done $0x0  }
0x336: {  	[sflag:s13] =	ssyncadd.s32 $0xFFFFA000  }
0x337: {  	_ =	swait.ge [sflag:s13], $0x6000  }
0x338: {  	[sflag:s13] =	ssyncset.done $0x0  }
0x339: {  	[sflag:s13] =	ssyncadd.s32 $0xFFFFA000  }
0x33a: {  	_ =	swait.ge [sflag:s18], $0x6000  }
0x33b: {  	s22 =	sld [smem:$0x7CD]  }
0x33c: {  	[sflag:s18] =	ssyncset.done $0x0  }
0x33d: {  	s23 =	sld [smem:$0x7F3];
	[sflag:s18] =	ssyncadd.s32 $0xFFFFA000  }
0x33e: {  	[tilespmem:s14], [sflag:$0x2] =	stream.linear.gather [hbm4b:s22+s1], $0x6000, $0x38;
	[tilespmem:$0x18000] =	vst v63  }
0x33f: {  	s20 =	simm.s32 $0x40  }
0x340: {  	[tilespmem:s15], [sflag:$0x2] =	stream.linear.gather [hbm4b:s23+s1], $0x6000, $0x38;
	[tilespmem:$0x18000] =	vst v63  }
0x341: {  	s21 =	simm.s32 $0xC040;
	v1 =	vld [tilespmem:s20+$0x30]  }
0x342: {  	v2 =	vld [tilespmem:s21+$0x30]  }
0x343: {  	v0 =	vld [tilespmem:s21+$0xFFFFFFC0]  }
0x344: {  	v3 =	vld [tilespmem:s20+$0xFFFFFFD0]  }
0x345: {  	v4 =	vld [tilespmem:s21+$0xFFFFFFD0]  }
0x346: {  	v5 =	vld [tilespmem:s20+$0xFFFFFFE0]  }
0x347: {  	v6 =	vld [tilespmem:s21+$0xFFFFFFE0]  }
0x348: {  	v7 =	vld [tilespmem:s20+$0xFFFFFFF0]  }
0x349: {  	v8 =	vld [tilespmem:s21+$0xFFFFFFF0]  }
0x34a: {  	v9 =	vld [tilespmem:s20+$0x0]  }
0x34b: {  	v10 =	vld [tilespmem:s21+$0x0];
	v2 =	vadd.f32 v2, v1  }
0x34c: {  	v4 =	vadd.f32 v4, v3;
	v1 =	vld [tilespmem:s20+$0x10]  }
0x34d: {  	v5 =	vadd.f32 v6, v5;
	v3 =	vld [tilespmem:s21+$0x10];
	[tilespmem:s20+$0x30] =	vst v2  }
0x34e: {  	v6 =	vadd.f32 v8, v7;
	[tilespmem:s20+$0xFFFFFFD0] =	vst v4;
	v2 =	vld [tilespmem:s20+$0x20]  }
0x34f: {  	[tilespmem:s20+$0xFFFFFFE0] =	vst v5;
	v5 =	vld [tilespmem:s21+$0x20]  }
0x350: {  	s22 =	simm.s32 $0x0;
	s23 =	simm.s32 $0xC0;
	v4 =	vld [tilespmem:s20+$0xFFFFFFC0];
	[tilespmem:s20+$0xFFFFFFF0] =	vst v6;
	v6 =	vadd.f32 v10, v9  }
.LBB2_30:
0x351: {  	v7 =	vld [tilespmem:s23+$0x30];
	s21 =	sadd.s32 $0x80, s21  }
0x352: {  	s22 =	sadd.s32 $0x80, s22;
	v8 =	vld [tilespmem:s21+$0x30];
	[tilespmem:s20+$0x0] =	vst v6;
	v1 =	vadd.f32 v3, v1  }
0x353: {  	p0 =	slt.u32 s22, $0x5F80;
	v3 =	vld [tilespmem:s21+$0xFFFFFFC0]  }
0x354: {  	v6 =	vld [tilespmem:s23+$0xFFFFFFD0];
	[tilespmem:s20+$0x10] =	vst v1;
	v1 =	vadd.f32 v5, v2  }
0x355: {  	v2 =	vld [tilespmem:s21+$0xFFFFFFD0];
	v9 =	vadd.f32 v0, v4  }
0x356: {  	v4 =	vld [tilespmem:s23+$0xFFFFFFE0];
	[tilespmem:s20+$0x20] =	vst v1  }
0x357: {  	v1 =	vld [tilespmem:s21+$0xFFFFFFE0];
	v5 =	vadd.f32 v8, v7;
	[tilespmem:s20+$0xFFFFFFC0] =	vst v9;
	s20 =	smov.u32 s23  }
0x358: {  	v7 =	vld [tilespmem:s23+$0xFFFFFFF0];
	v0 =	vmov v3  }
0x359: {  	v8 =	vld [tilespmem:s21+$0xFFFFFFF0];
	[tilespmem:s23+$0x30] =	vst v5  }
0x35a: {  	v2 =	vadd.f32 v2, v6;
	v6 =	vld [tilespmem:s23+$0x0]  }
0x35b: {  	v9 =	vld [tilespmem:s21+$0x0]  }
.Ltmp14:
0x35c: {  	[tilespmem:s23+$0xFFFFFFD0] =	vst v2;
	v2 =	vadd.f32 v1, v4;
	v1 =	vld [tilespmem:s23+$0x10];
	(pc) =	sbr.rel @p0 .LBB2_30-.Ltmp14, $4  }
0x35d: {  	v3 =	vld [tilespmem:s21+$0x10]  }
0x35e: {  	[tilespmem:s23+$0xFFFFFFE0] =	vst v2;
	v7 =	vadd.f32 v8, v7;
	v2 =	vld [tilespmem:s23+$0x20]  }
0x35f: {  	v5 =	vld [tilespmem:s21+$0x20]  }
0x360: {  	s23 =	sadd.s32 $0x80, s23;
	v4 =	vld [tilespmem:s20+$0xFFFFFFC0];
	[tilespmem:s20+$0xFFFFFFF0] =	vst v7;
	v6 =	vadd.f32 v9, v6  }
0x361: {  	_ =	sdelay $0x1  }
0x362: {  	v1 =	vadd.f32 v3, v1  }
0x363: {  	[tilespmem:s20+$0x0] =	vst v6;
	v2 =	vadd.f32 v5, v2  }
0x364: {  	[tilespmem:s20+$0x10] =	vst v1;
	v0 =	vadd.f32 v0, v4  }
0x365: {  	[tilespmem:s20+$0x20] =	vst v2  }
0x366: {  	[tilespmem:s20+$0xFFFFFFC0] =	vst v0  }
0x367: {  	s20 =	sld [smem:$0x7CC];
	_ =	sdelay $0x2  }
0x368: {  	[hbm4b:s20+s1] =	stream.linear.scatter [tilespmem:s1], [sflag:$0x3], $0x6000, $0x38;
	[tilespmem:$0x18000] =	vst v63  }
0x369: {  	_ =	swait.ge [sflag:s16], $0x6000  }
0x36a: {  	[sflag:s16] =	ssyncset.done $0x0  }
0x36b: {  	[sflag:s16] =	ssyncadd.s32 $0xFFFFA000  }
0x36c: {  	_ =	swait.ge [sflag:s16], $0x6000  }
0x36d: {  	[sflag:s16] =	ssyncset.done $0x0  }
0x36e: {  	[sflag:s16] =	ssyncadd.s32 $0xFFFFA000  }
0x36f: {  	_ =	swait.ge [sflag:s17], $0x6000  }
0x370: {  	s22 =	sld [smem:$0x7CF]  }
0x371: {  	[sflag:s17] =	ssyncset.done $0x0  }
0x372: {  	s23 =	sld [smem:$0x7F4];
	[sflag:s17] =	ssyncadd.s32 $0xFFFFA000  }
0x373: {  	[tilespmem:s1], [sflag:$0x1] =	stream.linear.gather [hbm4b:s22+s1], $0x6000, $0x38;
	[tilespmem:$0x18000] =	vst v63  }
0x374: {  	s20 =	simm.s32 $0x6040  }
0x375: {  	[tilespmem:s12], [sflag:$0x1] =	stream.linear.gather [hbm4b:s23+s1], $0x6000, $0x38;
	[tilespmem:$0x18000] =	vst v63  }
0x376: {  	s21 =	simm.s32 $0x12040;
	v1 =	vld [tilespmem:s20+$0x30]  }
0x377: {  	v2 =	vld [tilespmem:s21+$0x30]  }
0x378: {  	v0 =	vld [tilespmem:s21+$0xFFFFFFC0]  }
0x379: {  	v3 =	vld [tilespmem:s20+$0xFFFFFFD0]  }
0x37a: {  	v4 =	vld [tilespmem:s21+$0xFFFFFFD0]  }
0x37b: {  	v5 =	vld [tilespmem:s20+$0xFFFFFFE0]  }
0x37c: {  	v6 =	vld [tilespmem:s21+$0xFFFFFFE0]  }
0x37d: {  	v7 =	vld [tilespmem:s20+$0xFFFFFFF0]  }
0x37e: {  	v8 =	vld [tilespmem:s21+$0xFFFFFFF0]  }
0x37f: {  	v9 =	vld [tilespmem:s20+$0x0]  }
0x380: {  	v10 =	vld [tilespmem:s21+$0x0];
	v2 =	vadd.f32 v2, v1  }
0x381: {  	v4 =	vadd.f32 v4, v3;
	v1 =	vld [tilespmem:s20+$0x10]  }
0x382: {  	v5 =	vadd.f32 v6, v5;
	v3 =	vld [tilespmem:s21+$0x10];
	[tilespmem:s20+$0x30] =	vst v2  }
0x383: {  	v6 =	vadd.f32 v8, v7;
	[tilespmem:s20+$0xFFFFFFD0] =	vst v4;
	v2 =	vld [tilespmem:s20+$0x20]  }
0x384: {  	[tilespmem:s20+$0xFFFFFFE0] =	vst v5;
	v5 =	vld [tilespmem:s21+$0x20]  }
0x385: {  	s22 =	simm.s32 $0x0;
	s23 =	simm.s32 $0x60C0;
	v4 =	vld [tilespmem:s20+$0xFFFFFFC0];
	[tilespmem:s20+$0xFFFFFFF0] =	vst v6;
	v6 =	vadd.f32 v10, v9  }
.LBB2_32:
0x386: {  	v7 =	vld [tilespmem:s23+$0x30];
	s21 =	sadd.s32 $0x80, s21  }
0x387: {  	s22 =	sadd.s32 $0x80, s22;
	v8 =	vld [tilespmem:s21+$0x30];
	[tilespmem:s20+$0x0] =	vst v6;
	v1 =	vadd.f32 v3, v1  }
0x388: {  	p0 =	slt.u32 s22, $0x5F80;
	v3 =	vld [tilespmem:s21+$0xFFFFFFC0]  }
0x389: {  	v6 =	vld [tilespmem:s23+$0xFFFFFFD0];
	[tilespmem:s20+$0x10] =	vst v1;
	v1 =	vadd.f32 v5, v2  }
0x38a: {  	v2 =	vld [tilespmem:s21+$0xFFFFFFD0];
	v9 =	vadd.f32 v0, v4  }
0x38b: {  	v4 =	vld [tilespmem:s23+$0xFFFFFFE0];
	[tilespmem:s20+$0x20] =	vst v1  }
0x38c: {  	v1 =	vld [tilespmem:s21+$0xFFFFFFE0];
	v5 =	vadd.f32 v8, v7;
	[tilespmem:s20+$0xFFFFFFC0] =	vst v9;
	s20 =	smov.u32 s23  }
0x38d: {  	v7 =	vld [tilespmem:s23+$0xFFFFFFF0];
	v0 =	vmov v3  }
0x38e: {  	v8 =	vld [tilespmem:s21+$0xFFFFFFF0];
	[tilespmem:s23+$0x30] =	vst v5  }
0x38f: {  	v2 =	vadd.f32 v2, v6;
	v6 =	vld [tilespmem:s23+$0x0]  }
0x390: {  	v9 =	vld [tilespmem:s21+$0x0]  }
.Ltmp15:
0x391: {  	[tilespmem:s23+$0xFFFFFFD0] =	vst v2;
	v2 =	vadd.f32 v1, v4;
	v1 =	vld [tilespmem:s23+$0x10];
	(pc) =	sbr.rel @p0 .LBB2_32-.Ltmp15, $4  }
0x392: {  	v3 =	vld [tilespmem:s21+$0x10]  }
0x393: {  	[tilespmem:s23+$0xFFFFFFE0] =	vst v2;
	v7 =	vadd.f32 v8, v7;
	v2 =	vld [tilespmem:s23+$0x20]  }
0x394: {  	v5 =	vld [tilespmem:s21+$0x20]  }
0x395: {  	s23 =	sadd.s32 $0x80, s23;
	v4 =	vld [tilespmem:s20+$0xFFFFFFC0];
	[tilespmem:s20+$0xFFFFFFF0] =	vst v7;
	v6 =	vadd.f32 v9, v6  }
0x396: {  	_ =	sdelay $0x1  }
0x397: {  	v1 =	vadd.f32 v3, v1  }
0x398: {  	[tilespmem:s20+$0x0] =	vst v6;
	v2 =	vadd.f32 v5, v2  }
0x399: {  	[tilespmem:s20+$0x10] =	vst v1;
	v0 =	vadd.f32 v0, v4  }
0x39a: {  	[tilespmem:s20+$0x20] =	vst v2  }
0x39b: {  	[tilespmem:s20+$0xFFFFFFC0] =	vst v0  }
0x39c: {  	s20 =	sld [smem:$0x7CE];
	_ =	sdelay $0x2  }
0x39d: {  	[hbm4b:s20+s1] =	stream.linear.scatter [tilespmem:s14], [sflag:$0x4], $0x6000, $0x38;
	[tilespmem:$0x18000] =	vst v63  }
0x39e: {  	_ =	swait.ge [sflag:s13], $0x6000  }
0x39f: {  	[sflag:s13] =	ssyncset.done $0x0  }
0x3a0: {  	[sflag:s13] =	ssyncadd.s32 $0xFFFFA000  }
0x3a1: {  	_ =	swait.ge [sflag:s13], $0x6000  }
0x3a2: {  	[sflag:s13] =	ssyncset.done $0x0  }
0x3a3: {  	[sflag:s13] =	ssyncadd.s32 $0xFFFFA000  }
0x3a4: {  	_ =	swait.ge [sflag:s18], $0x6000  }
0x3a5: {  	s22 =	sld [smem:$0x7D1]  }
0x3a6: {  	[sflag:s18] =	ssyncset.done $0x0  }
0x3a7: {  	s23 =	sld [smem:$0x7F5];
	[sflag:s18] =	ssyncadd.s32 $0xFFFFA000  }
0x3a8: {  	[tilespmem:s14], [sflag:$0x2] =	stream.linear.gather [hbm4b:s22+s1], $0x6000, $0x38;
	[tilespmem:$0x18000] =	vst v63  }
0x3a9: {  	s20 =	simm.s32 $0x40  }
0x3aa: {  	[tilespmem:s15], [sflag:$0x2] =	stream.linear.gather [hbm4b:s23+s1], $0x6000, $0x38;
	[tilespmem:$0x18000] =	vst v63  }
0x3ab: {  	s21 =	simm.s32 $0xC040;
	v1 =	vld [tilespmem:s20+$0x30]  }
0x3ac: {  	v2 =	vld [tilespmem:s21+$0x30]  }
0x3ad: {  	v0 =	vld [tilespmem:s21+$0xFFFFFFC0]  }
0x3ae: {  	v3 =	vld [tilespmem:s20+$0xFFFFFFD0]  }
0x3af: {  	v4 =	vld [tilespmem:s21+$0xFFFFFFD0]  }
0x3b0: {  	v5 =	vld [tilespmem:s20+$0xFFFFFFE0]  }
0x3b1: {  	v6 =	vld [tilespmem:s21+$0xFFFFFFE0]  }
0x3b2: {  	v7 =	vld [tilespmem:s20+$0xFFFFFFF0]  }
0x3b3: {  	v8 =	vld [tilespmem:s21+$0xFFFFFFF0]  }
0x3b4: {  	v9 =	vld [tilespmem:s20+$0x0]  }
0x3b5: {  	v10 =	vld [tilespmem:s21+$0x0];
	v2 =	vadd.f32 v2, v1  }
0x3b6: {  	v4 =	vadd.f32 v4, v3;
	v1 =	vld [tilespmem:s20+$0x10]  }
0x3b7: {  	v5 =	vadd.f32 v6, v5;
	v3 =	vld [tilespmem:s21+$0x10];
	[tilespmem:s20+$0x30] =	vst v2  }
0x3b8: {  	v6 =	vadd.f32 v8, v7;
	[tilespmem:s20+$0xFFFFFFD0] =	vst v4;
	v2 =	vld [tilespmem:s20+$0x20]  }
0x3b9: {  	[tilespmem:s20+$0xFFFFFFE0] =	vst v5;
	v5 =	vld [tilespmem:s21+$0x20]  }
0x3ba: {  	s22 =	simm.s32 $0x0;
	s23 =	simm.s32 $0xC0;
	v4 =	vld [tilespmem:s20+$0xFFFFFFC0];
	[tilespmem:s20+$0xFFFFFFF0] =	vst v6;
	v6 =	vadd.f32 v10, v9  }
.LBB2_34:
0x3bb: {  	v7 =	vld [tilespmem:s23+$0x30];
	s21 =	sadd.s32 $0x80, s21  }
0x3bc: {  	s22 =	sadd.s32 $0x80, s22;
	v8 =	vld [tilespmem:s21+$0x30];
	[tilespmem:s20+$0x0] =	vst v6;
	v1 =	vadd.f32 v3, v1  }
0x3bd: {  	p0 =	slt.u32 s22, $0x5F80;
	v3 =	vld [tilespmem:s21+$0xFFFFFFC0]  }
0x3be: {  	v6 =	vld [tilespmem:s23+$0xFFFFFFD0];
	[tilespmem:s20+$0x10] =	vst v1;
	v1 =	vadd.f32 v5, v2  }
0x3bf: {  	v2 =	vld [tilespmem:s21+$0xFFFFFFD0];
	v9 =	vadd.f32 v0, v4  }
0x3c0: {  	v4 =	vld [tilespmem:s23+$0xFFFFFFE0];
	[tilespmem:s20+$0x20] =	vst v1  }
0x3c1: {  	v1 =	vld [tilespmem:s21+$0xFFFFFFE0];
	v5 =	vadd.f32 v8, v7;
	[tilespmem:s20+$0xFFFFFFC0] =	vst v9;
	s20 =	smov.u32 s23  }
0x3c2: {  	v7 =	vld [tilespmem:s23+$0xFFFFFFF0];
	v0 =	vmov v3  }
0x3c3: {  	v8 =	vld [tilespmem:s21+$0xFFFFFFF0];
	[tilespmem:s23+$0x30] =	vst v5  }
0x3c4: {  	v2 =	vadd.f32 v2, v6;
	v6 =	vld [tilespmem:s23+$0x0]  }
0x3c5: {  	v9 =	vld [tilespmem:s21+$0x0]  }
.Ltmp16:
0x3c6: {  	[tilespmem:s23+$0xFFFFFFD0] =	vst v2;
	v2 =	vadd.f32 v1, v4;
	v1 =	vld [tilespmem:s23+$0x10];
	(pc) =	sbr.rel @p0 .LBB2_34-.Ltmp16, $4  }
0x3c7: {  	v3 =	vld [tilespmem:s21+$0x10]  }
0x3c8: {  	[tilespmem:s23+$0xFFFFFFE0] =	vst v2;
	v7 =	vadd.f32 v8, v7;
	v2 =	vld [tilespmem:s23+$0x20]  }
0x3c9: {  	v5 =	vld [tilespmem:s21+$0x20]  }
0x3ca: {  	s23 =	sadd.s32 $0x80, s23;
	v4 =	vld [tilespmem:s20+$0xFFFFFFC0];
	[tilespmem:s20+$0xFFFFFFF0] =	vst v7;
	v6 =	vadd.f32 v9, v6  }
0x3cb: {  	_ =	sdelay $0x1  }
0x3cc: {  	v1 =	vadd.f32 v3, v1  }
0x3cd: {  	[tilespmem:s20+$0x0] =	vst v6;
	v2 =	vadd.f32 v5, v2  }
0x3ce: {  	[tilespmem:s20+$0x10] =	vst v1;
	v0 =	vadd.f32 v0, v4  }
0x3cf: {  	[tilespmem:s20+$0x20] =	vst v2  }
0x3d0: {  	[tilespmem:s20+$0xFFFFFFC0] =	vst v0  }
0x3d1: {  	s20 =	sld [smem:$0x7D0];
	_ =	sdelay $0x2  }
0x3d2: {  	[hbm4b:s20+s1] =	stream.linear.scatter [tilespmem:s1], [sflag:$0x3], $0x6000, $0x38;
	[tilespmem:$0x18000] =	vst v63  }
0x3d3: {  	_ =	swait.ge [sflag:s16], $0x6000  }
0x3d4: {  	[sflag:s16] =	ssyncset.done $0x0  }
0x3d5: {  	[sflag:s16] =	ssyncadd.s32 $0xFFFFA000  }
0x3d6: {  	_ =	swait.ge [sflag:s16], $0x6000  }
0x3d7: {  	[sflag:s16] =	ssyncset.done $0x0  }
0x3d8: {  	[sflag:s16] =	ssyncadd.s32 $0xFFFFA000  }
0x3d9: {  	_ =	swait.ge [sflag:s17], $0x6000  }
0x3da: {  	s22 =	sld [smem:$0x7D3]  }
0x3db: {  	[sflag:s17] =	ssyncset.done $0x0  }
0x3dc: {  	s23 =	sld [smem:$0x7F6];
	[sflag:s17] =	ssyncadd.s32 $0xFFFFA000  }
0x3dd: {  	[tilespmem:s1], [sflag:$0x1] =	stream.linear.gather [hbm4b:s22+s1], $0x6000, $0x38;
	[tilespmem:$0x18000] =	vst v63  }
0x3de: {  	s20 =	simm.s32 $0x6040  }
0x3df: {  	[tilespmem:s12], [sflag:$0x1] =	stream.linear.gather [hbm4b:s23+s1], $0x6000, $0x38;
	[tilespmem:$0x18000] =	vst v63  }
0x3e0: {  	s21 =	simm.s32 $0x12040;
	v1 =	vld [tilespmem:s20+$0x30]  }
0x3e1: {  	v2 =	vld [tilespmem:s21+$0x30]  }
0x3e2: {  	v0 =	vld [tilespmem:s21+$0xFFFFFFC0]  }
0x3e3: {  	v3 =	vld [tilespmem:s20+$0xFFFFFFD0]  }
0x3e4: {  	v4 =	vld [tilespmem:s21+$0xFFFFFFD0]  }
0x3e5: {  	v5 =	vld [tilespmem:s20+$0xFFFFFFE0]  }
0x3e6: {  	v6 =	vld [tilespmem:s21+$0xFFFFFFE0]  }
0x3e7: {  	v7 =	vld [tilespmem:s20+$0xFFFFFFF0]  }
0x3e8: {  	v8 =	vld [tilespmem:s21+$0xFFFFFFF0]  }
0x3e9: {  	v9 =	vld [tilespmem:s20+$0x0]  }
0x3ea: {  	v10 =	vld [tilespmem:s21+$0x0];
	v2 =	vadd.f32 v2, v1  }
0x3eb: {  	v4 =	vadd.f32 v4, v3;
	v1 =	vld [tilespmem:s20+$0x10]  }
0x3ec: {  	v5 =	vadd.f32 v6, v5;
	v3 =	vld [tilespmem:s21+$0x10];
	[tilespmem:s20+$0x30] =	vst v2  }
0x3ed: {  	v6 =	vadd.f32 v8, v7;
	[tilespmem:s20+$0xFFFFFFD0] =	vst v4;
	v2 =	vld [tilespmem:s20+$0x20]  }
0x3ee: {  	[tilespmem:s20+$0xFFFFFFE0] =	vst v5;
	v5 =	vld [tilespmem:s21+$0x20]  }
0x3ef: {  	s22 =	simm.s32 $0x0;
	s23 =	simm.s32 $0x60C0;
	v4 =	vld [tilespmem:s20+$0xFFFFFFC0];
	[tilespmem:s20+$0xFFFFFFF0] =	vst v6;
	v6 =	vadd.f32 v10, v9  }
.LBB2_36:
0x3f0: {  	v7 =	vld [tilespmem:s23+$0x30];
	s21 =	sadd.s32 $0x80, s21  }
0x3f1: {  	s22 =	sadd.s32 $0x80, s22;
	v8 =	vld [tilespmem:s21+$0x30];
	[tilespmem:s20+$0x0] =	vst v6;
	v1 =	vadd.f32 v3, v1  }
0x3f2: {  	p0 =	slt.u32 s22, $0x5F80;
	v3 =	vld [tilespmem:s21+$0xFFFFFFC0]  }
0x3f3: {  	v6 =	vld [tilespmem:s23+$0xFFFFFFD0];
	[tilespmem:s20+$0x10] =	vst v1;
	v1 =	vadd.f32 v5, v2  }
0x3f4: {  	v2 =	vld [tilespmem:s21+$0xFFFFFFD0];
	v9 =	vadd.f32 v0, v4  }
0x3f5: {  	v4 =	vld [tilespmem:s23+$0xFFFFFFE0];
	[tilespmem:s20+$0x20] =	vst v1  }
0x3f6: {  	v1 =	vld [tilespmem:s21+$0xFFFFFFE0];
	v5 =	vadd.f32 v8, v7;
	[tilespmem:s20+$0xFFFFFFC0] =	vst v9;
	s20 =	smov.u32 s23  }
0x3f7: {  	v7 =	vld [tilespmem:s23+$0xFFFFFFF0];
	v0 =	vmov v3  }
0x3f8: {  	v8 =	vld [tilespmem:s21+$0xFFFFFFF0];
	[tilespmem:s23+$0x30] =	vst v5  }
0x3f9: {  	v2 =	vadd.f32 v2, v6;
	v6 =	vld [tilespmem:s23+$0x0]  }
0x3fa: {  	v9 =	vld [tilespmem:s21+$0x0]  }
.Ltmp17:
0x3fb: {  	[tilespmem:s23+$0xFFFFFFD0] =	vst v2;
	v2 =	vadd.f32 v1, v4;
	v1 =	vld [tilespmem:s23+$0x10];
	(pc) =	sbr.rel @p0 .LBB2_36-.Ltmp17, $4  }
0x3fc: {  	v3 =	vld [tilespmem:s21+$0x10]  }
0x3fd: {  	[tilespmem:s23+$0xFFFFFFE0] =	vst v2;
	v7 =	vadd.f32 v8, v7;
	v2 =	vld [tilespmem:s23+$0x20]  }
0x3fe: {  	v5 =	vld [tilespmem:s21+$0x20]  }
0x3ff: {  	s23 =	sadd.s32 $0x80, s23;
	v4 =	vld [tilespmem:s20+$0xFFFFFFC0];
	[tilespmem:s20+$0xFFFFFFF0] =	vst v7;
	v6 =	vadd.f32 v9, v6  }
0x400: {  	_ =	sdelay $0x1  }
0x401: {  	v1 =	vadd.f32 v3, v1  }
0x402: {  	[tilespmem:s20+$0x0] =	vst v6;
	v2 =	vadd.f32 v5, v2  }
0x403: {  	[tilespmem:s20+$0x10] =	vst v1;
	v0 =	vadd.f32 v0, v4  }
0x404: {  	[tilespmem:s20+$0x20] =	vst v2  }
0x405: {  	[tilespmem:s20+$0xFFFFFFC0] =	vst v0  }
0x406: {  	s20 =	sld [smem:$0x7D2];
	_ =	sdelay $0x2  }
0x407: {  	[hbm4b:s20+s1] =	stream.linear.scatter [tilespmem:s14], [sflag:$0x4], $0x6000, $0x38;
	[tilespmem:$0x18000] =	vst v63  }
0x408: {  	_ =	swait.ge [sflag:s13], $0x6000  }
0x409: {  	[sflag:s13] =	ssyncset.done $0x0  }
0x40a: {  	[sflag:s13] =	ssyncadd.s32 $0xFFFFA000  }
0x40b: {  	_ =	swait.ge [sflag:s13], $0x6000  }
0x40c: {  	[sflag:s13] =	ssyncset.done $0x0  }
0x40d: {  	[sflag:s13] =	ssyncadd.s32 $0xFFFFA000  }
0x40e: {  	_ =	swait.ge [sflag:s18], $0x6000  }
0x40f: {  	s22 =	sld [smem:$0x7D5]  }
0x410: {  	[sflag:s18] =	ssyncset.done $0x0  }
0x411: {  	s23 =	sld [smem:$0x7F7];
	[sflag:s18] =	ssyncadd.s32 $0xFFFFA000  }
0x412: {  	[tilespmem:s14], [sflag:$0x2] =	stream.linear.gather [hbm4b:s22+s1], $0x6000, $0x38;
	[tilespmem:$0x18000] =	vst v63  }
0x413: {  	s20 =	simm.s32 $0x40  }
0x414: {  	[tilespmem:s15], [sflag:$0x2] =	stream.linear.gather [hbm4b:s23+s1], $0x6000, $0x38;
	[tilespmem:$0x18000] =	vst v63  }
0x415: {  	s21 =	simm.s32 $0xC040;
	v1 =	vld [tilespmem:s20+$0x30]  }
0x416: {  	v2 =	vld [tilespmem:s21+$0x30]  }
0x417: {  	v0 =	vld [tilespmem:s21+$0xFFFFFFC0]  }
0x418: {  	v3 =	vld [tilespmem:s20+$0xFFFFFFD0]  }
0x419: {  	v4 =	vld [tilespmem:s21+$0xFFFFFFD0]  }
0x41a: {  	v5 =	vld [tilespmem:s20+$0xFFFFFFE0]  }
0x41b: {  	v6 =	vld [tilespmem:s21+$0xFFFFFFE0]  }
0x41c: {  	v7 =	vld [tilespmem:s20+$0xFFFFFFF0]  }
0x41d: {  	v8 =	vld [tilespmem:s21+$0xFFFFFFF0]  }
0x41e: {  	v9 =	vld [tilespmem:s20+$0x0]  }
0x41f: {  	v10 =	vld [tilespmem:s21+$0x0];
	v2 =	vadd.f32 v2, v1  }
0x420: {  	v4 =	vadd.f32 v4, v3;
	v1 =	vld [tilespmem:s20+$0x10]  }
0x421: {  	v5 =	vadd.f32 v6, v5;
	v3 =	vld [tilespmem:s21+$0x10];
	[tilespmem:s20+$0x30] =	vst v2  }
0x422: {  	v6 =	vadd.f32 v8, v7;
	[tilespmem:s20+$0xFFFFFFD0] =	vst v4;
	v2 =	vld [tilespmem:s20+$0x20]  }
0x423: {  	[tilespmem:s20+$0xFFFFFFE0] =	vst v5;
	v5 =	vld [tilespmem:s21+$0x20]  }
0x424: {  	s22 =	simm.s32 $0x0;
	s23 =	simm.s32 $0xC0;
	v4 =	vld [tilespmem:s20+$0xFFFFFFC0];
	[tilespmem:s20+$0xFFFFFFF0] =	vst v6;
	v6 =	vadd.f32 v10, v9  }
.LBB2_38:
0x425: {  	v7 =	vld [tilespmem:s23+$0x30];
	s21 =	sadd.s32 $0x80, s21  }
0x426: {  	s22 =	sadd.s32 $0x80, s22;
	v8 =	vld [tilespmem:s21+$0x30];
	[tilespmem:s20+$0x0] =	vst v6;
	v1 =	vadd.f32 v3, v1  }
0x427: {  	p0 =	slt.u32 s22, $0x5F80;
	v3 =	vld [tilespmem:s21+$0xFFFFFFC0]  }
0x428: {  	v6 =	vld [tilespmem:s23+$0xFFFFFFD0];
	[tilespmem:s20+$0x10] =	vst v1;
	v1 =	vadd.f32 v5, v2  }
0x429: {  	v2 =	vld [tilespmem:s21+$0xFFFFFFD0];
	v9 =	vadd.f32 v0, v4  }
0x42a: {  	v4 =	vld [tilespmem:s23+$0xFFFFFFE0];
	[tilespmem:s20+$0x20] =	vst v1  }
0x42b: {  	v1 =	vld [tilespmem:s21+$0xFFFFFFE0];
	v5 =	vadd.f32 v8, v7;
	[tilespmem:s20+$0xFFFFFFC0] =	vst v9;
	s20 =	smov.u32 s23  }
0x42c: {  	v7 =	vld [tilespmem:s23+$0xFFFFFFF0];
	v0 =	vmov v3  }
0x42d: {  	v8 =	vld [tilespmem:s21+$0xFFFFFFF0];
	[tilespmem:s23+$0x30] =	vst v5  }
0x42e: {  	v2 =	vadd.f32 v2, v6;
	v6 =	vld [tilespmem:s23+$0x0]  }
0x42f: {  	v9 =	vld [tilespmem:s21+$0x0]  }
.Ltmp18:
0x430: {  	[tilespmem:s23+$0xFFFFFFD0] =	vst v2;
	v2 =	vadd.f32 v1, v4;
	v1 =	vld [tilespmem:s23+$0x10];
	(pc) =	sbr.rel @p0 .LBB2_38-.Ltmp18, $4  }
0x431: {  	v3 =	vld [tilespmem:s21+$0x10]  }
0x432: {  	[tilespmem:s23+$0xFFFFFFE0] =	vst v2;
	v7 =	vadd.f32 v8, v7;
	v2 =	vld [tilespmem:s23+$0x20]  }
0x433: {  	v5 =	vld [tilespmem:s21+$0x20]  }
0x434: {  	s23 =	sadd.s32 $0x80, s23;
	v4 =	vld [tilespmem:s20+$0xFFFFFFC0];
	[tilespmem:s20+$0xFFFFFFF0] =	vst v7;
	v6 =	vadd.f32 v9, v6  }
0x435: {  	_ =	sdelay $0x1  }
0x436: {  	v1 =	vadd.f32 v3, v1  }
0x437: {  	[tilespmem:s20+$0x0] =	vst v6;
	v2 =	vadd.f32 v5, v2  }
0x438: {  	[tilespmem:s20+$0x10] =	vst v1;
	v0 =	vadd.f32 v0, v4  }
0x439: {  	[tilespmem:s20+$0x20] =	vst v2  }
0x43a: {  	[tilespmem:s20+$0xFFFFFFC0] =	vst v0  }
0x43b: {  	s20 =	sld [smem:$0x7D4];
	_ =	sdelay $0x2  }
0x43c: {  	[hbm4b:s20+s1] =	stream.linear.scatter [tilespmem:s1], [sflag:$0x3], $0x6000, $0x38;
	[tilespmem:$0x18000] =	vst v63  }
0x43d: {  	_ =	swait.ge [sflag:s16], $0x6000  }
0x43e: {  	[sflag:s16] =	ssyncset.done $0x0  }
0x43f: {  	[sflag:s16] =	ssyncadd.s32 $0xFFFFA000  }
0x440: {  	_ =	swait.ge [sflag:s16], $0x6000  }
0x441: {  	[sflag:s16] =	ssyncset.done $0x0  }
0x442: {  	[sflag:s16] =	ssyncadd.s32 $0xFFFFA000  }
0x443: {  	_ =	swait.ge [sflag:s17], $0x6000  }
0x444: {  	s22 =	sld [smem:$0x7D7]  }
0x445: {  	[sflag:s17] =	ssyncset.done $0x0  }
0x446: {  	s23 =	sld [smem:$0x7F8];
	[sflag:s17] =	ssyncadd.s32 $0xFFFFA000  }
0x447: {  	[tilespmem:s1], [sflag:$0x1] =	stream.linear.gather [hbm4b:s22+s1], $0x6000, $0x38;
	[tilespmem:$0x18000] =	vst v63  }
0x448: {  	s20 =	simm.s32 $0x6040  }
0x449: {  	[tilespmem:s12], [sflag:$0x1] =	stream.linear.gather [hbm4b:s23+s1], $0x6000, $0x38;
	[tilespmem:$0x18000] =	vst v63  }
0x44a: {  	s21 =	simm.s32 $0x12040;
	v1 =	vld [tilespmem:s20+$0x30]  }
0x44b: {  	v2 =	vld [tilespmem:s21+$0x30]  }
0x44c: {  	v0 =	vld [tilespmem:s21+$0xFFFFFFC0]  }
0x44d: {  	v3 =	vld [tilespmem:s20+$0xFFFFFFD0]  }
0x44e: {  	v4 =	vld [tilespmem:s21+$0xFFFFFFD0]  }
0x44f: {  	v5 =	vld [tilespmem:s20+$0xFFFFFFE0]  }
0x450: {  	v6 =	vld [tilespmem:s21+$0xFFFFFFE0]  }
0x451: {  	v7 =	vld [tilespmem:s20+$0xFFFFFFF0]  }
0x452: {  	v8 =	vld [tilespmem:s21+$0xFFFFFFF0]  }
0x453: {  	v9 =	vld [tilespmem:s20+$0x0]  }
0x454: {  	v10 =	vld [tilespmem:s21+$0x0];
	v2 =	vadd.f32 v2, v1  }
0x455: {  	v4 =	vadd.f32 v4, v3;
	v1 =	vld [tilespmem:s20+$0x10]  }
0x456: {  	v5 =	vadd.f32 v6, v5;
	v3 =	vld [tilespmem:s21+$0x10];
	[tilespmem:s20+$0x30] =	vst v2  }
0x457: {  	v6 =	vadd.f32 v8, v7;
	[tilespmem:s20+$0xFFFFFFD0] =	vst v4;
	v2 =	vld [tilespmem:s20+$0x20]  }
0x458: {  	[tilespmem:s20+$0xFFFFFFE0] =	vst v5;
	v5 =	vld [tilespmem:s21+$0x20]  }
0x459: {  	s22 =	simm.s32 $0x0;
	s23 =	simm.s32 $0x60C0;
	v4 =	vld [tilespmem:s20+$0xFFFFFFC0];
	[tilespmem:s20+$0xFFFFFFF0] =	vst v6;
	v6 =	vadd.f32 v10, v9  }
.LBB2_40:
0x45a: {  	v7 =	vld [tilespmem:s23+$0x30];
	s21 =	sadd.s32 $0x80, s21  }
0x45b: {  	s22 =	sadd.s32 $0x80, s22;
	v8 =	vld [tilespmem:s21+$0x30];
	[tilespmem:s20+$0x0] =	vst v6;
	v1 =	vadd.f32 v3, v1  }
0x45c: {  	p0 =	slt.u32 s22, $0x5F80;
	v3 =	vld [tilespmem:s21+$0xFFFFFFC0]  }
0x45d: {  	v6 =	vld [tilespmem:s23+$0xFFFFFFD0];
	[tilespmem:s20+$0x10] =	vst v1;
	v1 =	vadd.f32 v5, v2  }
0x45e: {  	v2 =	vld [tilespmem:s21+$0xFFFFFFD0];
	v9 =	vadd.f32 v0, v4  }
0x45f: {  	v4 =	vld [tilespmem:s23+$0xFFFFFFE0];
	[tilespmem:s20+$0x20] =	vst v1  }
0x460: {  	v1 =	vld [tilespmem:s21+$0xFFFFFFE0];
	v5 =	vadd.f32 v8, v7;
	[tilespmem:s20+$0xFFFFFFC0] =	vst v9;
	s20 =	smov.u32 s23  }
0x461: {  	v7 =	vld [tilespmem:s23+$0xFFFFFFF0];
	v0 =	vmov v3  }
0x462: {  	v8 =	vld [tilespmem:s21+$0xFFFFFFF0];
	[tilespmem:s23+$0x30] =	vst v5  }
0x463: {  	v2 =	vadd.f32 v2, v6;
	v6 =	vld [tilespmem:s23+$0x0]  }
0x464: {  	v9 =	vld [tilespmem:s21+$0x0]  }
.Ltmp19:
0x465: {  	[tilespmem:s23+$0xFFFFFFD0] =	vst v2;
	v2 =	vadd.f32 v1, v4;
	v1 =	vld [tilespmem:s23+$0x10];
	(pc) =	sbr.rel @p0 .LBB2_40-.Ltmp19, $4  }
0x466: {  	v3 =	vld [tilespmem:s21+$0x10]  }
0x467: {  	[tilespmem:s23+$0xFFFFFFE0] =	vst v2;
	v7 =	vadd.f32 v8, v7;
	v2 =	vld [tilespmem:s23+$0x20]  }
0x468: {  	v5 =	vld [tilespmem:s21+$0x20]  }
0x469: {  	s23 =	sadd.s32 $0x80, s23;
	v4 =	vld [tilespmem:s20+$0xFFFFFFC0];
	[tilespmem:s20+$0xFFFFFFF0] =	vst v7;
	v6 =	vadd.f32 v9, v6  }
0x46a: {  	_ =	sdelay $0x1  }
0x46b: {  	v1 =	vadd.f32 v3, v1  }
0x46c: {  	[tilespmem:s20+$0x0] =	vst v6;
	v2 =	vadd.f32 v5, v2  }
0x46d: {  	[tilespmem:s20+$0x10] =	vst v1;
	v0 =	vadd.f32 v0, v4  }
0x46e: {  	[tilespmem:s20+$0x20] =	vst v2  }
0x46f: {  	[tilespmem:s20+$0xFFFFFFC0] =	vst v0  }
0x470: {  	s20 =	sld [smem:$0x7D6];
	_ =	sdelay $0x2  }
0x471: {  	[hbm4b:s20+s1] =	stream.linear.scatter [tilespmem:s14], [sflag:$0x4], $0x6000, $0x38;
	[tilespmem:$0x18000] =	vst v63  }
0x472: {  	_ =	swait.ge [sflag:s13], $0x6000  }
0x473: {  	[sflag:s13] =	ssyncset.done $0x0  }
0x474: {  	[sflag:s13] =	ssyncadd.s32 $0xFFFFA000  }
0x475: {  	_ =	swait.ge [sflag:s13], $0x6000  }
0x476: {  	[sflag:s13] =	ssyncset.done $0x0  }
0x477: {  	[sflag:s13] =	ssyncadd.s32 $0xFFFFA000  }
0x478: {  	_ =	swait.ge [sflag:s18], $0x6000  }
0x479: {  	s22 =	sld [smem:$0x7D9]  }
0x47a: {  	[sflag:s18] =	ssyncset.done $0x0  }
0x47b: {  	s23 =	sld [smem:$0x7F9];
	[sflag:s18] =	ssyncadd.s32 $0xFFFFA000  }
0x47c: {  	[tilespmem:s14], [sflag:$0x2] =	stream.linear.gather [hbm4b:s22+s1], $0x6000, $0x38;
	[tilespmem:$0x18000] =	vst v63  }
0x47d: {  	s20 =	simm.s32 $0x40  }
0x47e: {  	[tilespmem:s15], [sflag:$0x2] =	stream.linear.gather [hbm4b:s23+s1], $0x6000, $0x38;
	[tilespmem:$0x18000] =	vst v63  }
0x47f: {  	s21 =	simm.s32 $0xC040;
	v1 =	vld [tilespmem:s20+$0x30]  }
0x480: {  	v2 =	vld [tilespmem:s21+$0x30]  }
0x481: {  	v0 =	vld [tilespmem:s21+$0xFFFFFFC0]  }
0x482: {  	v3 =	vld [tilespmem:s20+$0xFFFFFFD0]  }
0x483: {  	v4 =	vld [tilespmem:s21+$0xFFFFFFD0]  }
0x484: {  	v5 =	vld [tilespmem:s20+$0xFFFFFFE0]  }
0x485: {  	v6 =	vld [tilespmem:s21+$0xFFFFFFE0]  }
0x486: {  	v7 =	vld [tilespmem:s20+$0xFFFFFFF0]  }
0x487: {  	v8 =	vld [tilespmem:s21+$0xFFFFFFF0]  }
0x488: {  	v9 =	vld [tilespmem:s20+$0x0]  }
0x489: {  	v10 =	vld [tilespmem:s21+$0x0];
	v2 =	vadd.f32 v2, v1  }
0x48a: {  	v4 =	vadd.f32 v4, v3;
	v1 =	vld [tilespmem:s20+$0x10]  }
0x48b: {  	v5 =	vadd.f32 v6, v5;
	v3 =	vld [tilespmem:s21+$0x10];
	[tilespmem:s20+$0x30] =	vst v2  }
0x48c: {  	v6 =	vadd.f32 v8, v7;
	[tilespmem:s20+$0xFFFFFFD0] =	vst v4;
	v2 =	vld [tilespmem:s20+$0x20]  }
0x48d: {  	[tilespmem:s20+$0xFFFFFFE0] =	vst v5;
	v5 =	vld [tilespmem:s21+$0x20]  }
0x48e: {  	s22 =	simm.s32 $0x0;
	s23 =	simm.s32 $0xC0;
	v4 =	vld [tilespmem:s20+$0xFFFFFFC0];
	[tilespmem:s20+$0xFFFFFFF0] =	vst v6;
	v6 =	vadd.f32 v10, v9  }
.LBB2_42:
0x48f: {  	v7 =	vld [tilespmem:s23+$0x30];
	s21 =	sadd.s32 $0x80, s21  }
0x490: {  	s22 =	sadd.s32 $0x80, s22;
	v8 =	vld [tilespmem:s21+$0x30];
	[tilespmem:s20+$0x0] =	vst v6;
	v1 =	vadd.f32 v3, v1  }
0x491: {  	p0 =	slt.u32 s22, $0x5F80;
	v3 =	vld [tilespmem:s21+$0xFFFFFFC0]  }
0x492: {  	v6 =	vld [tilespmem:s23+$0xFFFFFFD0];
	[tilespmem:s20+$0x10] =	vst v1;
	v1 =	vadd.f32 v5, v2  }
0x493: {  	v2 =	vld [tilespmem:s21+$0xFFFFFFD0];
	v9 =	vadd.f32 v0, v4  }
0x494: {  	v4 =	vld [tilespmem:s23+$0xFFFFFFE0];
	[tilespmem:s20+$0x20] =	vst v1  }
0x495: {  	v1 =	vld [tilespmem:s21+$0xFFFFFFE0];
	v5 =	vadd.f32 v8, v7;
	[tilespmem:s20+$0xFFFFFFC0] =	vst v9;
	s20 =	smov.u32 s23  }
0x496: {  	v7 =	vld [tilespmem:s23+$0xFFFFFFF0];
	v0 =	vmov v3  }
0x497: {  	v8 =	vld [tilespmem:s21+$0xFFFFFFF0];
	[tilespmem:s23+$0x30] =	vst v5  }
0x498: {  	v2 =	vadd.f32 v2, v6;
	v6 =	vld [tilespmem:s23+$0x0]  }
0x499: {  	v9 =	vld [tilespmem:s21+$0x0]  }
.Ltmp20:
0x49a: {  	[tilespmem:s23+$0xFFFFFFD0] =	vst v2;
	v2 =	vadd.f32 v1, v4;
	v1 =	vld [tilespmem:s23+$0x10];
	(pc) =	sbr.rel @p0 .LBB2_42-.Ltmp20, $4  }
0x49b: {  	v3 =	vld [tilespmem:s21+$0x10]  }
0x49c: {  	[tilespmem:s23+$0xFFFFFFE0] =	vst v2;
	v7 =	vadd.f32 v8, v7;
	v2 =	vld [tilespmem:s23+$0x20]  }
0x49d: {  	v5 =	vld [tilespmem:s21+$0x20]  }
0x49e: {  	s23 =	sadd.s32 $0x80, s23;
	v4 =	vld [tilespmem:s20+$0xFFFFFFC0];
	[tilespmem:s20+$0xFFFFFFF0] =	vst v7;
	v6 =	vadd.f32 v9, v6  }
0x49f: {  	_ =	sdelay $0x1  }
0x4a0: {  	v1 =	vadd.f32 v3, v1  }
0x4a1: {  	[tilespmem:s20+$0x0] =	vst v6;
	v2 =	vadd.f32 v5, v2  }
0x4a2: {  	[tilespmem:s20+$0x10] =	vst v1;
	v0 =	vadd.f32 v0, v4  }
0x4a3: {  	[tilespmem:s20+$0x20] =	vst v2  }
0x4a4: {  	[tilespmem:s20+$0xFFFFFFC0] =	vst v0  }
0x4a5: {  	s20 =	sld [smem:$0x7D8];
	_ =	sdelay $0x2  }
0x4a6: {  	[hbm4b:s20+s1] =	stream.linear.scatter [tilespmem:s1], [sflag:$0x3], $0x6000, $0x38;
	[tilespmem:$0x18000] =	vst v63  }
0x4a7: {  	_ =	swait.ge [sflag:s16], $0x6000  }
0x4a8: {  	[sflag:s16] =	ssyncset.done $0x0  }
0x4a9: {  	[sflag:s16] =	ssyncadd.s32 $0xFFFFA000  }
0x4aa: {  	_ =	swait.ge [sflag:s16], $0x6000  }
0x4ab: {  	[sflag:s16] =	ssyncset.done $0x0  }
0x4ac: {  	[sflag:s16] =	ssyncadd.s32 $0xFFFFA000  }
0x4ad: {  	_ =	swait.ge [sflag:s17], $0x6000  }
0x4ae: {  	s22 =	sld [smem:$0x7DB]  }
0x4af: {  	[sflag:s17] =	ssyncset.done $0x0  }
0x4b0: {  	s23 =	sld [smem:$0x7FA];
	[sflag:s17] =	ssyncadd.s32 $0xFFFFA000  }
0x4b1: {  	[tilespmem:s1], [sflag:$0x1] =	stream.linear.gather [hbm4b:s22+s1], $0x6000, $0x38;
	[tilespmem:$0x18000] =	vst v63  }
0x4b2: {  	s20 =	simm.s32 $0x6040  }
0x4b3: {  	[tilespmem:s12], [sflag:$0x1] =	stream.linear.gather [hbm4b:s23+s1], $0x6000, $0x38;
	[tilespmem:$0x18000] =	vst v63  }
0x4b4: {  	s21 =	simm.s32 $0x12040;
	v1 =	vld [tilespmem:s20+$0x30]  }
0x4b5: {  	v2 =	vld [tilespmem:s21+$0x30]  }
0x4b6: {  	v0 =	vld [tilespmem:s21+$0xFFFFFFC0]  }
0x4b7: {  	v3 =	vld [tilespmem:s20+$0xFFFFFFD0]  }
0x4b8: {  	v4 =	vld [tilespmem:s21+$0xFFFFFFD0]  }
0x4b9: {  	v5 =	vld [tilespmem:s20+$0xFFFFFFE0]  }
0x4ba: {  	v6 =	vld [tilespmem:s21+$0xFFFFFFE0]  }
0x4bb: {  	v7 =	vld [tilespmem:s20+$0xFFFFFFF0]  }
0x4bc: {  	v8 =	vld [tilespmem:s21+$0xFFFFFFF0]  }
0x4bd: {  	v9 =	vld [tilespmem:s20+$0x0]  }
0x4be: {  	v10 =	vld [tilespmem:s21+$0x0];
	v2 =	vadd.f32 v2, v1  }
0x4bf: {  	v4 =	vadd.f32 v4, v3;
	v1 =	vld [tilespmem:s20+$0x10]  }
0x4c0: {  	v5 =	vadd.f32 v6, v5;
	v3 =	vld [tilespmem:s21+$0x10];
	[tilespmem:s20+$0x30] =	vst v2  }
0x4c1: {  	v6 =	vadd.f32 v8, v7;
	[tilespmem:s20+$0xFFFFFFD0] =	vst v4;
	v2 =	vld [tilespmem:s20+$0x20]  }
0x4c2: {  	[tilespmem:s20+$0xFFFFFFE0] =	vst v5;
	v5 =	vld [tilespmem:s21+$0x20]  }
0x4c3: {  	s22 =	simm.s32 $0x0;
	s23 =	simm.s32 $0x60C0;
	v4 =	vld [tilespmem:s20+$0xFFFFFFC0];
	[tilespmem:s20+$0xFFFFFFF0] =	vst v6;
	v6 =	vadd.f32 v10, v9  }
.LBB2_44:
0x4c4: {  	v7 =	vld [tilespmem:s23+$0x30];
	s21 =	sadd.s32 $0x80, s21  }
0x4c5: {  	s22 =	sadd.s32 $0x80, s22;
	v8 =	vld [tilespmem:s21+$0x30];
	[tilespmem:s20+$0x0] =	vst v6;
	v1 =	vadd.f32 v3, v1  }
0x4c6: {  	p0 =	slt.u32 s22, $0x5F80;
	v3 =	vld [tilespmem:s21+$0xFFFFFFC0]  }
0x4c7: {  	v6 =	vld [tilespmem:s23+$0xFFFFFFD0];
	[tilespmem:s20+$0x10] =	vst v1;
	v1 =	vadd.f32 v5, v2  }
0x4c8: {  	v2 =	vld [tilespmem:s21+$0xFFFFFFD0];
	v9 =	vadd.f32 v0, v4  }
0x4c9: {  	v4 =	vld [tilespmem:s23+$0xFFFFFFE0];
	[tilespmem:s20+$0x20] =	vst v1  }
0x4ca: {  	v1 =	vld [tilespmem:s21+$0xFFFFFFE0];
	v5 =	vadd.f32 v8, v7;
	[tilespmem:s20+$0xFFFFFFC0] =	vst v9;
	s20 =	smov.u32 s23  }
0x4cb: {  	v7 =	vld [tilespmem:s23+$0xFFFFFFF0];
	v0 =	vmov v3  }
0x4cc: {  	v8 =	vld [tilespmem:s21+$0xFFFFFFF0];
	[tilespmem:s23+$0x30] =	vst v5  }
0x4cd: {  	v2 =	vadd.f32 v2, v6;
	v6 =	vld [tilespmem:s23+$0x0]  }
0x4ce: {  	v9 =	vld [tilespmem:s21+$0x0]  }
.Ltmp21:
0x4cf: {  	[tilespmem:s23+$0xFFFFFFD0] =	vst v2;
	v2 =	vadd.f32 v1, v4;
	v1 =	vld [tilespmem:s23+$0x10];
	(pc) =	sbr.rel @p0 .LBB2_44-.Ltmp21, $4  }
0x4d0: {  	v3 =	vld [tilespmem:s21+$0x10]  }
0x4d1: {  	[tilespmem:s23+$0xFFFFFFE0] =	vst v2;
	v7 =	vadd.f32 v8, v7;
	v2 =	vld [tilespmem:s23+$0x20]  }
0x4d2: {  	v5 =	vld [tilespmem:s21+$0x20]  }
0x4d3: {  	s23 =	sadd.s32 $0x80, s23;
	v4 =	vld [tilespmem:s20+$0xFFFFFFC0];
	[tilespmem:s20+$0xFFFFFFF0] =	vst v7;
	v6 =	vadd.f32 v9, v6  }
0x4d4: {  	_ =	sdelay $0x1  }
0x4d5: {  	v1 =	vadd.f32 v3, v1  }
0x4d6: {  	[tilespmem:s20+$0x0] =	vst v6;
	v2 =	vadd.f32 v5, v2  }
0x4d7: {  	[tilespmem:s20+$0x10] =	vst v1;
	v0 =	vadd.f32 v0, v4  }
0x4d8: {  	[tilespmem:s20+$0x20] =	vst v2  }
0x4d9: {  	[tilespmem:s20+$0xFFFFFFC0] =	vst v0  }
0x4da: {  	s20 =	sld [smem:$0x7DA];
	_ =	sdelay $0x2  }
0x4db: {  	[hbm4b:s20+s1] =	stream.linear.scatter [tilespmem:s14], [sflag:$0x4], $0x6000, $0x38;
	[tilespmem:$0x18000] =	vst v63  }
0x4dc: {  	_ =	swait.ge [sflag:s13], $0x6000  }
0x4dd: {  	[sflag:s13] =	ssyncset.done $0x0  }
0x4de: {  	[sflag:s13] =	ssyncadd.s32 $0xFFFFA000  }
0x4df: {  	_ =	swait.ge [sflag:s13], $0x6000  }
0x4e0: {  	[sflag:s13] =	ssyncset.done $0x0  }
0x4e1: {  	[sflag:s13] =	ssyncadd.s32 $0xFFFFA000  }
0x4e2: {  	_ =	swait.ge [sflag:s18], $0x6000  }
0x4e3: {  	s22 =	sld [smem:$0x7DD]  }
0x4e4: {  	[sflag:s18] =	ssyncset.done $0x0  }
0x4e5: {  	s23 =	sld [smem:$0x7FB];
	[sflag:s18] =	ssyncadd.s32 $0xFFFFA000  }
0x4e6: {  	[tilespmem:s14], [sflag:$0x2] =	stream.linear.gather [hbm4b:s22+s1], $0x6000, $0x38;
	[tilespmem:$0x18000] =	vst v63  }
0x4e7: {  	s20 =	simm.s32 $0x40  }
0x4e8: {  	[tilespmem:s15], [sflag:$0x2] =	stream.linear.gather [hbm4b:s23+s1], $0x6000, $0x38;
	[tilespmem:$0x18000] =	vst v63  }
0x4e9: {  	s21 =	simm.s32 $0xC040;
	v1 =	vld [tilespmem:s20+$0x30]  }
0x4ea: {  	v2 =	vld [tilespmem:s21+$0x30]  }
0x4eb: {  	v0 =	vld [tilespmem:s21+$0xFFFFFFC0]  }
0x4ec: {  	v3 =	vld [tilespmem:s20+$0xFFFFFFD0]  }
0x4ed: {  	v4 =	vld [tilespmem:s21+$0xFFFFFFD0]  }
0x4ee: {  	v5 =	vld [tilespmem:s20+$0xFFFFFFE0]  }
0x4ef: {  	v6 =	vld [tilespmem:s21+$0xFFFFFFE0]  }
0x4f0: {  	v7 =	vld [tilespmem:s20+$0xFFFFFFF0]  }
0x4f1: {  	v8 =	vld [tilespmem:s21+$0xFFFFFFF0]  }
0x4f2: {  	v9 =	vld [tilespmem:s20+$0x0]  }
0x4f3: {  	v10 =	vld [tilespmem:s21+$0x0];
	v2 =	vadd.f32 v2, v1  }
0x4f4: {  	v4 =	vadd.f32 v4, v3;
	v1 =	vld [tilespmem:s20+$0x10]  }
0x4f5: {  	v5 =	vadd.f32 v6, v5;
	v3 =	vld [tilespmem:s21+$0x10];
	[tilespmem:s20+$0x30] =	vst v2  }
0x4f6: {  	v6 =	vadd.f32 v8, v7;
	[tilespmem:s20+$0xFFFFFFD0] =	vst v4;
	v2 =	vld [tilespmem:s20+$0x20]  }
0x4f7: {  	[tilespmem:s20+$0xFFFFFFE0] =	vst v5;
	v5 =	vld [tilespmem:s21+$0x20]  }
0x4f8: {  	s22 =	simm.s32 $0x0;
	s23 =	simm.s32 $0xC0;
	v4 =	vld [tilespmem:s20+$0xFFFFFFC0];
	[tilespmem:s20+$0xFFFFFFF0] =	vst v6;
	v6 =	vadd.f32 v10, v9  }
.LBB2_46:
0x4f9: {  	v7 =	vld [tilespmem:s23+$0x30];
	s21 =	sadd.s32 $0x80, s21  }
0x4fa: {  	s22 =	sadd.s32 $0x80, s22;
	v8 =	vld [tilespmem:s21+$0x30];
	[tilespmem:s20+$0x0] =	vst v6;
	v1 =	vadd.f32 v3, v1  }
0x4fb: {  	p0 =	slt.u32 s22, $0x5F80;
	v3 =	vld [tilespmem:s21+$0xFFFFFFC0]  }
0x4fc: {  	v6 =	vld [tilespmem:s23+$0xFFFFFFD0];
	[tilespmem:s20+$0x10] =	vst v1;
	v1 =	vadd.f32 v5, v2  }
0x4fd: {  	v2 =	vld [tilespmem:s21+$0xFFFFFFD0];
	v9 =	vadd.f32 v0, v4  }
0x4fe: {  	v4 =	vld [tilespmem:s23+$0xFFFFFFE0];
	[tilespmem:s20+$0x20] =	vst v1  }
0x4ff: {  	v1 =	vld [tilespmem:s21+$0xFFFFFFE0];
	v5 =	vadd.f32 v8, v7;
	[tilespmem:s20+$0xFFFFFFC0] =	vst v9;
	s20 =	smov.u32 s23  }
0x500: {  	v7 =	vld [tilespmem:s23+$0xFFFFFFF0];
	v0 =	vmov v3  }
0x501: {  	v8 =	vld [tilespmem:s21+$0xFFFFFFF0];
	[tilespmem:s23+$0x30] =	vst v5  }
0x502: {  	v2 =	vadd.f32 v2, v6;
	v6 =	vld [tilespmem:s23+$0x0]  }
0x503: {  	v9 =	vld [tilespmem:s21+$0x0]  }
.Ltmp22:
0x504: {  	[tilespmem:s23+$0xFFFFFFD0] =	vst v2;
	v2 =	vadd.f32 v1, v4;
	v1 =	vld [tilespmem:s23+$0x10];
	(pc) =	sbr.rel @p0 .LBB2_46-.Ltmp22, $4  }
0x505: {  	v3 =	vld [tilespmem:s21+$0x10]  }
0x506: {  	[tilespmem:s23+$0xFFFFFFE0] =	vst v2;
	v7 =	vadd.f32 v8, v7;
	v2 =	vld [tilespmem:s23+$0x20]  }
0x507: {  	v5 =	vld [tilespmem:s21+$0x20]  }
0x508: {  	s23 =	sadd.s32 $0x80, s23;
	v4 =	vld [tilespmem:s20+$0xFFFFFFC0];
	[tilespmem:s20+$0xFFFFFFF0] =	vst v7;
	v6 =	vadd.f32 v9, v6  }
0x509: {  	_ =	sdelay $0x1  }
0x50a: {  	v1 =	vadd.f32 v3, v1  }
0x50b: {  	[tilespmem:s20+$0x0] =	vst v6;
	v2 =	vadd.f32 v5, v2  }
0x50c: {  	[tilespmem:s20+$0x10] =	vst v1;
	v0 =	vadd.f32 v0, v4  }
0x50d: {  	[tilespmem:s20+$0x20] =	vst v2  }
0x50e: {  	[tilespmem:s20+$0xFFFFFFC0] =	vst v0  }
0x50f: {  	s20 =	sld [smem:$0x7DC];
	_ =	sdelay $0x2  }
0x510: {  	[hbm4b:s20+s1] =	stream.linear.scatter [tilespmem:s1], [sflag:$0x3], $0x6000, $0x38;
	[tilespmem:$0x18000] =	vst v63  }
0x511: {  	_ =	swait.ge [sflag:s16], $0x6000  }
0x512: {  	[sflag:s16] =	ssyncset.done $0x0  }
0x513: {  	[sflag:s16] =	ssyncadd.s32 $0xFFFFA000  }
0x514: {  	_ =	swait.ge [sflag:s16], $0x6000  }
0x515: {  	[sflag:s16] =	ssyncset.done $0x0  }
0x516: {  	[sflag:s16] =	ssyncadd.s32 $0xFFFFA000  }
0x517: {  	_ =	swait.ge [sflag:s17], $0x6000  }
0x518: {  	s22 =	sld [smem:$0x7DF]  }
0x519: {  	[sflag:s17] =	ssyncset.done $0x0  }
0x51a: {  	s23 =	sld [smem:$0x7FC];
	[sflag:s17] =	ssyncadd.s32 $0xFFFFA000  }
0x51b: {  	[tilespmem:s1], [sflag:$0x1] =	stream.linear.gather [hbm4b:s22+s1], $0x6000, $0x38;
	[tilespmem:$0x18000] =	vst v63  }
0x51c: {  	s20 =	simm.s32 $0x6040  }
0x51d: {  	[tilespmem:s12], [sflag:$0x1] =	stream.linear.gather [hbm4b:s23+s1], $0x6000, $0x38;
	[tilespmem:$0x18000] =	vst v63  }
0x51e: {  	s21 =	simm.s32 $0x12040;
	v1 =	vld [tilespmem:s20+$0x30]  }
0x51f: {  	v2 =	vld [tilespmem:s21+$0x30]  }
0x520: {  	v0 =	vld [tilespmem:s21+$0xFFFFFFC0]  }
0x521: {  	v3 =	vld [tilespmem:s20+$0xFFFFFFD0]  }
0x522: {  	v4 =	vld [tilespmem:s21+$0xFFFFFFD0]  }
0x523: {  	v5 =	vld [tilespmem:s20+$0xFFFFFFE0]  }
0x524: {  	v6 =	vld [tilespmem:s21+$0xFFFFFFE0]  }
0x525: {  	v7 =	vld [tilespmem:s20+$0xFFFFFFF0]  }
0x526: {  	v8 =	vld [tilespmem:s21+$0xFFFFFFF0]  }
0x527: {  	v9 =	vld [tilespmem:s20+$0x0]  }
0x528: {  	v10 =	vld [tilespmem:s21+$0x0];
	v2 =	vadd.f32 v2, v1  }
0x529: {  	v4 =	vadd.f32 v4, v3;
	v1 =	vld [tilespmem:s20+$0x10]  }
0x52a: {  	v5 =	vadd.f32 v6, v5;
	v3 =	vld [tilespmem:s21+$0x10];
	[tilespmem:s20+$0x30] =	vst v2  }
0x52b: {  	v6 =	vadd.f32 v8, v7;
	[tilespmem:s20+$0xFFFFFFD0] =	vst v4;
	v2 =	vld [tilespmem:s20+$0x20]  }
0x52c: {  	[tilespmem:s20+$0xFFFFFFE0] =	vst v5;
	v5 =	vld [tilespmem:s21+$0x20]  }
0x52d: {  	s22 =	simm.s32 $0x0;
	s23 =	simm.s32 $0x60C0;
	v4 =	vld [tilespmem:s20+$0xFFFFFFC0];
	[tilespmem:s20+$0xFFFFFFF0] =	vst v6;
	v6 =	vadd.f32 v10, v9  }
.LBB2_48:
0x52e: {  	v7 =	vld [tilespmem:s23+$0x30];
	s21 =	sadd.s32 $0x80, s21  }
0x52f: {  	s22 =	sadd.s32 $0x80, s22;
	v8 =	vld [tilespmem:s21+$0x30];
	[tilespmem:s20+$0x0] =	vst v6;
	v1 =	vadd.f32 v3, v1  }
0x530: {  	p0 =	slt.u32 s22, $0x5F80;
	v3 =	vld [tilespmem:s21+$0xFFFFFFC0]  }
0x531: {  	v6 =	vld [tilespmem:s23+$0xFFFFFFD0];
	[tilespmem:s20+$0x10] =	vst v1;
	v1 =	vadd.f32 v5, v2  }
0x532: {  	v2 =	vld [tilespmem:s21+$0xFFFFFFD0];
	v9 =	vadd.f32 v0, v4  }
0x533: {  	v4 =	vld [tilespmem:s23+$0xFFFFFFE0];
	[tilespmem:s20+$0x20] =	vst v1  }
0x534: {  	v1 =	vld [tilespmem:s21+$0xFFFFFFE0];
	v5 =	vadd.f32 v8, v7;
	[tilespmem:s20+$0xFFFFFFC0] =	vst v9;
	s20 =	smov.u32 s23  }
0x535: {  	v7 =	vld [tilespmem:s23+$0xFFFFFFF0];
	v0 =	vmov v3  }
0x536: {  	v8 =	vld [tilespmem:s21+$0xFFFFFFF0];
	[tilespmem:s23+$0x30] =	vst v5  }
0x537: {  	v2 =	vadd.f32 v2, v6;
	v6 =	vld [tilespmem:s23+$0x0]  }
0x538: {  	v9 =	vld [tilespmem:s21+$0x0]  }
.Ltmp23:
0x539: {  	[tilespmem:s23+$0xFFFFFFD0] =	vst v2;
	v2 =	vadd.f32 v1, v4;
	v1 =	vld [tilespmem:s23+$0x10];
	(pc) =	sbr.rel @p0 .LBB2_48-.Ltmp23, $4  }
0x53a: {  	v3 =	vld [tilespmem:s21+$0x10]  }
0x53b: {  	[tilespmem:s23+$0xFFFFFFE0] =	vst v2;
	v7 =	vadd.f32 v8, v7;
	v2 =	vld [tilespmem:s23+$0x20]  }
0x53c: {  	v5 =	vld [tilespmem:s21+$0x20]  }
0x53d: {  	s23 =	sadd.s32 $0x80, s23;
	v4 =	vld [tilespmem:s20+$0xFFFFFFC0];
	[tilespmem:s20+$0xFFFFFFF0] =	vst v7;
	v6 =	vadd.f32 v9, v6  }
0x53e: {  	_ =	sdelay $0x1  }
0x53f: {  	v1 =	vadd.f32 v3, v1  }
0x540: {  	[tilespmem:s20+$0x0] =	vst v6;
	v2 =	vadd.f32 v5, v2  }
0x541: {  	[tilespmem:s20+$0x10] =	vst v1;
	v0 =	vadd.f32 v0, v4  }
0x542: {  	[tilespmem:s20+$0x20] =	vst v2  }
0x543: {  	[tilespmem:s20+$0xFFFFFFC0] =	vst v0  }
0x544: {  	s20 =	sld [smem:$0x7DE];
	_ =	sdelay $0x2  }
0x545: {  	[hbm4b:s20+s1] =	stream.linear.scatter [tilespmem:s14], [sflag:$0x4], $0x6000, $0x38;
	[tilespmem:$0x18000] =	vst v63  }
0x546: {  	_ =	swait.ge [sflag:s13], $0x6000  }
0x547: {  	[sflag:s13] =	ssyncset.done $0x0  }
0x548: {  	[sflag:s13] =	ssyncadd.s32 $0xFFFFA000  }
0x549: {  	_ =	swait.ge [sflag:s13], $0x6000  }
0x54a: {  	[sflag:s13] =	ssyncset.done $0x0  }
0x54b: {  	[sflag:s13] =	ssyncadd.s32 $0xFFFFA000  }
0x54c: {  	_ =	swait.ge [sflag:s18], $0x6000  }
0x54d: {  	s22 =	sld [smem:$0x7E1]  }
0x54e: {  	[sflag:s18] =	ssyncset.done $0x0  }
0x54f: {  	s23 =	sld [smem:$0x7FD];
	[sflag:s18] =	ssyncadd.s32 $0xFFFFA000  }
0x550: {  	[tilespmem:s14], [sflag:$0x2] =	stream.linear.gather [hbm4b:s22+s1], $0x6000, $0x38;
	[tilespmem:$0x18000] =	vst v63  }
0x551: {  	s20 =	simm.s32 $0x40  }
0x552: {  	[tilespmem:s15], [sflag:$0x2] =	stream.linear.gather [hbm4b:s23+s1], $0x6000, $0x38;
	[tilespmem:$0x18000] =	vst v63  }
0x553: {  	s21 =	simm.s32 $0xC040;
	v1 =	vld [tilespmem:s20+$0x30]  }
0x554: {  	v2 =	vld [tilespmem:s21+$0x30]  }
0x555: {  	v0 =	vld [tilespmem:s21+$0xFFFFFFC0]  }
0x556: {  	v3 =	vld [tilespmem:s20+$0xFFFFFFD0]  }
0x557: {  	v4 =	vld [tilespmem:s21+$0xFFFFFFD0]  }
0x558: {  	v5 =	vld [tilespmem:s20+$0xFFFFFFE0]  }
0x559: {  	v6 =	vld [tilespmem:s21+$0xFFFFFFE0]  }
0x55a: {  	v7 =	vld [tilespmem:s20+$0xFFFFFFF0]  }
0x55b: {  	v8 =	vld [tilespmem:s21+$0xFFFFFFF0]  }
0x55c: {  	v9 =	vld [tilespmem:s20+$0x0]  }
0x55d: {  	v10 =	vld [tilespmem:s21+$0x0];
	v2 =	vadd.f32 v2, v1  }
0x55e: {  	v4 =	vadd.f32 v4, v3;
	v1 =	vld [tilespmem:s20+$0x10]  }
0x55f: {  	v5 =	vadd.f32 v6, v5;
	v3 =	vld [tilespmem:s21+$0x10];
	[tilespmem:s20+$0x30] =	vst v2  }
0x560: {  	v6 =	vadd.f32 v8, v7;
	[tilespmem:s20+$0xFFFFFFD0] =	vst v4;
	v2 =	vld [tilespmem:s20+$0x20]  }
0x561: {  	[tilespmem:s20+$0xFFFFFFE0] =	vst v5;
	v5 =	vld [tilespmem:s21+$0x20]  }
0x562: {  	s22 =	simm.s32 $0x0;
	s23 =	simm.s32 $0xC0;
	v4 =	vld [tilespmem:s20+$0xFFFFFFC0];
	[tilespmem:s20+$0xFFFFFFF0] =	vst v6;
	v6 =	vadd.f32 v10, v9  }
.LBB2_50:
0x563: {  	v7 =	vld [tilespmem:s23+$0x30];
	s21 =	sadd.s32 $0x80, s21  }
0x564: {  	s22 =	sadd.s32 $0x80, s22;
	v8 =	vld [tilespmem:s21+$0x30];
	[tilespmem:s20+$0x0] =	vst v6;
	v1 =	vadd.f32 v3, v1  }
0x565: {  	p0 =	slt.u32 s22, $0x5F80;
	v3 =	vld [tilespmem:s21+$0xFFFFFFC0]  }
0x566: {  	v6 =	vld [tilespmem:s23+$0xFFFFFFD0];
	[tilespmem:s20+$0x10] =	vst v1;
	v1 =	vadd.f32 v5, v2  }
0x567: {  	v2 =	vld [tilespmem:s21+$0xFFFFFFD0];
	v9 =	vadd.f32 v0, v4  }
0x568: {  	v4 =	vld [tilespmem:s23+$0xFFFFFFE0];
	[tilespmem:s20+$0x20] =	vst v1  }
0x569: {  	v1 =	vld [tilespmem:s21+$0xFFFFFFE0];
	v5 =	vadd.f32 v8, v7;
	[tilespmem:s20+$0xFFFFFFC0] =	vst v9;
	s20 =	smov.u32 s23  }
0x56a: {  	v7 =	vld [tilespmem:s23+$0xFFFFFFF0];
	v0 =	vmov v3  }
0x56b: {  	v8 =	vld [tilespmem:s21+$0xFFFFFFF0];
	[tilespmem:s23+$0x30] =	vst v5  }
0x56c: {  	v2 =	vadd.f32 v2, v6;
	v6 =	vld [tilespmem:s23+$0x0]  }
0x56d: {  	v9 =	vld [tilespmem:s21+$0x0]  }
.Ltmp24:
0x56e: {  	[tilespmem:s23+$0xFFFFFFD0] =	vst v2;
	v2 =	vadd.f32 v1, v4;
	v1 =	vld [tilespmem:s23+$0x10];
	(pc) =	sbr.rel @p0 .LBB2_50-.Ltmp24, $4  }
0x56f: {  	v3 =	vld [tilespmem:s21+$0x10]  }
0x570: {  	[tilespmem:s23+$0xFFFFFFE0] =	vst v2;
	v7 =	vadd.f32 v8, v7;
	v2 =	vld [tilespmem:s23+$0x20]  }
0x571: {  	v5 =	vld [tilespmem:s21+$0x20]  }
0x572: {  	s23 =	sadd.s32 $0x80, s23;
	v4 =	vld [tilespmem:s20+$0xFFFFFFC0];
	[tilespmem:s20+$0xFFFFFFF0] =	vst v7;
	v6 =	vadd.f32 v9, v6  }
0x573: {  	_ =	sdelay $0x1  }
0x574: {  	v1 =	vadd.f32 v3, v1  }
0x575: {  	[tilespmem:s20+$0x0] =	vst v6;
	v2 =	vadd.f32 v5, v2  }
0x576: {  	[tilespmem:s20+$0x10] =	vst v1;
	v0 =	vadd.f32 v0, v4  }
0x577: {  	[tilespmem:s20+$0x20] =	vst v2  }
0x578: {  	[tilespmem:s20+$0xFFFFFFC0] =	vst v0  }
0x579: {  	s20 =	sld [smem:$0x7E0];
	_ =	sdelay $0x2  }
0x57a: {  	[hbm4b:s20+s1] =	stream.linear.scatter [tilespmem:s1], [sflag:$0x3], $0x6000, $0x38;
	[tilespmem:$0x18000] =	vst v63  }
0x57b: {  	_ =	swait.ge [sflag:s16], $0x6000  }
0x57c: {  	[sflag:s16] =	ssyncset.done $0x0  }
0x57d: {  	[sflag:s16] =	ssyncadd.s32 $0xFFFFA000  }
0x57e: {  	_ =	swait.ge [sflag:s16], $0x6000  }
0x57f: {  	[sflag:s16] =	ssyncset.done $0x0  }
0x580: {  	[sflag:s16] =	ssyncadd.s32 $0xFFFFA000  }
0x581: {  	_ =	swait.ge [sflag:s17], $0x6000  }
0x582: {  	s23 =	sld [smem:$0x7E3]  }
0x583: {  	[sflag:s17] =	ssyncset.done $0x0  }
0x584: {  	[sflag:s17] =	ssyncadd.s32 $0xFFFFA000  }
0x585: {  	[tilespmem:s1], [sflag:$0x1] =	stream.linear.gather [hbm4b:s23+s1], $0x6000, $0x38;
	[tilespmem:$0x18000] =	vst v63  }
0x586: {  	s20 =	simm.s32 $0x6040  }
0x587: {  	[tilespmem:s12], [sflag:$0x1] =	stream.linear.gather [hbm4b:s24+s1], $0x6000, $0x38;
	[tilespmem:$0x18000] =	vst v63  }
0x588: {  	s21 =	simm.s32 $0x12040;
	v1 =	vld [tilespmem:s20+$0x30]  }
0x589: {  	v2 =	vld [tilespmem:s21+$0x30]  }
0x58a: {  	v0 =	vld [tilespmem:s21+$0xFFFFFFC0]  }
0x58b: {  	v3 =	vld [tilespmem:s20+$0xFFFFFFD0]  }
0x58c: {  	v4 =	vld [tilespmem:s21+$0xFFFFFFD0]  }
0x58d: {  	v5 =	vld [tilespmem:s20+$0xFFFFFFE0]  }
0x58e: {  	v6 =	vld [tilespmem:s21+$0xFFFFFFE0]  }
0x58f: {  	v7 =	vld [tilespmem:s20+$0xFFFFFFF0]  }
0x590: {  	v8 =	vld [tilespmem:s21+$0xFFFFFFF0]  }
0x591: {  	v9 =	vld [tilespmem:s20+$0x0]  }
0x592: {  	v10 =	vld [tilespmem:s21+$0x0];
	v2 =	vadd.f32 v2, v1  }
0x593: {  	v4 =	vadd.f32 v4, v3;
	v1 =	vld [tilespmem:s20+$0x10]  }
0x594: {  	v5 =	vadd.f32 v6, v5;
	v3 =	vld [tilespmem:s21+$0x10];
	[tilespmem:s20+$0x30] =	vst v2  }
0x595: {  	v6 =	vadd.f32 v8, v7;
	[tilespmem:s20+$0xFFFFFFD0] =	vst v4;
	v2 =	vld [tilespmem:s20+$0x20]  }
0x596: {  	[tilespmem:s20+$0xFFFFFFE0] =	vst v5;
	v5 =	vld [tilespmem:s21+$0x20]  }
0x597: {  	s22 =	simm.s32 $0x0;
	s23 =	simm.s32 $0x60C0;
	v4 =	vld [tilespmem:s20+$0xFFFFFFC0];
	[tilespmem:s20+$0xFFFFFFF0] =	vst v6;
	v6 =	vadd.f32 v10, v9  }
.LBB2_52:
0x598: {  	v7 =	vld [tilespmem:s23+$0x30];
	s21 =	sadd.s32 $0x80, s21  }
0x599: {  	s22 =	sadd.s32 $0x80, s22;
	v8 =	vld [tilespmem:s21+$0x30];
	[tilespmem:s20+$0x0] =	vst v6;
	v1 =	vadd.f32 v3, v1  }
0x59a: {  	p0 =	slt.u32 s22, $0x5F80;
	v3 =	vld [tilespmem:s21+$0xFFFFFFC0]  }
0x59b: {  	v6 =	vld [tilespmem:s23+$0xFFFFFFD0];
	[tilespmem:s20+$0x10] =	vst v1;
	v1 =	vadd.f32 v5, v2  }
0x59c: {  	v2 =	vld [tilespmem:s21+$0xFFFFFFD0];
	v9 =	vadd.f32 v0, v4  }
0x59d: {  	v4 =	vld [tilespmem:s23+$0xFFFFFFE0];
	[tilespmem:s20+$0x20] =	vst v1  }
0x59e: {  	v1 =	vld [tilespmem:s21+$0xFFFFFFE0];
	v5 =	vadd.f32 v8, v7;
	[tilespmem:s20+$0xFFFFFFC0] =	vst v9;
	s20 =	smov.u32 s23  }
0x59f: {  	v7 =	vld [tilespmem:s23+$0xFFFFFFF0];
	v0 =	vmov v3  }
0x5a0: {  	v8 =	vld [tilespmem:s21+$0xFFFFFFF0];
	[tilespmem:s23+$0x30] =	vst v5  }
0x5a1: {  	v2 =	vadd.f32 v2, v6;
	v6 =	vld [tilespmem:s23+$0x0]  }
0x5a2: {  	v9 =	vld [tilespmem:s21+$0x0]  }
.Ltmp25:
0x5a3: {  	[tilespmem:s23+$0xFFFFFFD0] =	vst v2;
	v2 =	vadd.f32 v1, v4;
	v1 =	vld [tilespmem:s23+$0x10];
	(pc) =	sbr.rel @p0 .LBB2_52-.Ltmp25, $4  }
0x5a4: {  	v3 =	vld [tilespmem:s21+$0x10]  }
0x5a5: {  	[tilespmem:s23+$0xFFFFFFE0] =	vst v2;
	v7 =	vadd.f32 v8, v7;
	v2 =	vld [tilespmem:s23+$0x20]  }
0x5a6: {  	v5 =	vld [tilespmem:s21+$0x20]  }
0x5a7: {  	s23 =	sadd.s32 $0x80, s23;
	v4 =	vld [tilespmem:s20+$0xFFFFFFC0];
	[tilespmem:s20+$0xFFFFFFF0] =	vst v7;
	v6 =	vadd.f32 v9, v6  }
0x5a8: {  	_ =	sdelay $0x1  }
0x5a9: {  	v1 =	vadd.f32 v3, v1  }
0x5aa: {  	[tilespmem:s20+$0x0] =	vst v6;
	v2 =	vadd.f32 v5, v2  }
0x5ab: {  	[tilespmem:s20+$0x10] =	vst v1;
	v0 =	vadd.f32 v0, v4  }
0x5ac: {  	[tilespmem:s20+$0x20] =	vst v2  }
0x5ad: {  	[tilespmem:s20+$0xFFFFFFC0] =	vst v0  }
0x5ae: {  	s20 =	sld [smem:$0x7E2];
	_ =	sdelay $0x2  }
0x5af: {  	[hbm4b:s20+s1] =	stream.linear.scatter [tilespmem:s14], [sflag:$0x4], $0x6000, $0x38;
	[tilespmem:$0x18000] =	vst v63  }
0x5b0: {  	_ =	swait.ge [sflag:s13], $0x6000  }
0x5b1: {  	[sflag:s13] =	ssyncset.done $0x0  }
0x5b2: {  	[sflag:s13] =	ssyncadd.s32 $0xFFFFA000  }
0x5b3: {  	_ =	swait.ge [sflag:s13], $0x6000  }
0x5b4: {  	[sflag:s13] =	ssyncset.done $0x0  }
0x5b5: {  	[sflag:s13] =	ssyncadd.s32 $0xFFFFA000  }
0x5b6: {  	_ =	swait.ge [sflag:s18], $0x6000  }
0x5b7: {  	s23 =	sld [smem:$0x7E5]  }
0x5b8: {  	[sflag:s18] =	ssyncset.done $0x0  }
0x5b9: {  	[sflag:s18] =	ssyncadd.s32 $0xFFFFA000  }
0x5ba: {  	[tilespmem:s14], [sflag:$0x2] =	stream.linear.gather [hbm4b:s23+s1], $0x6000, $0x38;
	[tilespmem:$0x18000] =	vst v63  }
0x5bb: {  	s20 =	simm.s32 $0x40  }
0x5bc: {  	[tilespmem:s15], [sflag:$0x2] =	stream.linear.gather [hbm4b:s25+s1], $0x6000, $0x38;
	[tilespmem:$0x18000] =	vst v63  }
0x5bd: {  	s21 =	simm.s32 $0xC040;
	v1 =	vld [tilespmem:s20+$0x30]  }
0x5be: {  	v2 =	vld [tilespmem:s21+$0x30]  }
0x5bf: {  	v0 =	vld [tilespmem:s21+$0xFFFFFFC0]  }
0x5c0: {  	v3 =	vld [tilespmem:s20+$0xFFFFFFD0]  }
0x5c1: {  	v4 =	vld [tilespmem:s21+$0xFFFFFFD0]  }
0x5c2: {  	v5 =	vld [tilespmem:s20+$0xFFFFFFE0]  }
0x5c3: {  	v6 =	vld [tilespmem:s21+$0xFFFFFFE0]  }
0x5c4: {  	v7 =	vld [tilespmem:s20+$0xFFFFFFF0]  }
0x5c5: {  	v8 =	vld [tilespmem:s21+$0xFFFFFFF0]  }
0x5c6: {  	v9 =	vld [tilespmem:s20+$0x0]  }
0x5c7: {  	v10 =	vld [tilespmem:s21+$0x0];
	v2 =	vadd.f32 v2, v1  }
0x5c8: {  	v4 =	vadd.f32 v4, v3;
	v1 =	vld [tilespmem:s20+$0x10]  }
0x5c9: {  	v5 =	vadd.f32 v6, v5;
	v3 =	vld [tilespmem:s21+$0x10];
	[tilespmem:s20+$0x30] =	vst v2  }
0x5ca: {  	v6 =	vadd.f32 v8, v7;
	[tilespmem:s20+$0xFFFFFFD0] =	vst v4;
	v2 =	vld [tilespmem:s20+$0x20]  }
0x5cb: {  	[tilespmem:s20+$0xFFFFFFE0] =	vst v5;
	v5 =	vld [tilespmem:s21+$0x20]  }
0x5cc: {  	s22 =	simm.s32 $0x0;
	s23 =	simm.s32 $0xC0;
	v4 =	vld [tilespmem:s20+$0xFFFFFFC0];
	[tilespmem:s20+$0xFFFFFFF0] =	vst v6;
	v6 =	vadd.f32 v10, v9  }
.LBB2_54:
0x5cd: {  	v7 =	vld [tilespmem:s23+$0x30];
	s21 =	sadd.s32 $0x80, s21  }
0x5ce: {  	s22 =	sadd.s32 $0x80, s22;
	v8 =	vld [tilespmem:s21+$0x30];
	[tilespmem:s20+$0x0] =	vst v6;
	v1 =	vadd.f32 v3, v1  }
0x5cf: {  	p0 =	slt.u32 s22, $0x5F80;
	v3 =	vld [tilespmem:s21+$0xFFFFFFC0]  }
0x5d0: {  	v6 =	vld [tilespmem:s23+$0xFFFFFFD0];
	[tilespmem:s20+$0x10] =	vst v1;
	v1 =	vadd.f32 v5, v2  }
0x5d1: {  	v2 =	vld [tilespmem:s21+$0xFFFFFFD0];
	v9 =	vadd.f32 v0, v4  }
0x5d2: {  	v4 =	vld [tilespmem:s23+$0xFFFFFFE0];
	[tilespmem:s20+$0x20] =	vst v1  }
0x5d3: {  	v1 =	vld [tilespmem:s21+$0xFFFFFFE0];
	v5 =	vadd.f32 v8, v7;
	[tilespmem:s20+$0xFFFFFFC0] =	vst v9;
	s20 =	smov.u32 s23  }
0x5d4: {  	v7 =	vld [tilespmem:s23+$0xFFFFFFF0];
	v0 =	vmov v3  }
0x5d5: {  	v8 =	vld [tilespmem:s21+$0xFFFFFFF0];
	[tilespmem:s23+$0x30] =	vst v5  }
0x5d6: {  	v2 =	vadd.f32 v2, v6;
	v6 =	vld [tilespmem:s23+$0x0]  }
0x5d7: {  	v9 =	vld [tilespmem:s21+$0x0]  }
.Ltmp26:
0x5d8: {  	[tilespmem:s23+$0xFFFFFFD0] =	vst v2;
	v2 =	vadd.f32 v1, v4;
	v1 =	vld [tilespmem:s23+$0x10];
	(pc) =	sbr.rel @p0 .LBB2_54-.Ltmp26, $4  }
0x5d9: {  	v3 =	vld [tilespmem:s21+$0x10]  }
0x5da: {  	[tilespmem:s23+$0xFFFFFFE0] =	vst v2;
	v7 =	vadd.f32 v8, v7;
	v2 =	vld [tilespmem:s23+$0x20]  }
0x5db: {  	v5 =	vld [tilespmem:s21+$0x20]  }
0x5dc: {  	s23 =	sadd.s32 $0x80, s23;
	v4 =	vld [tilespmem:s20+$0xFFFFFFC0];
	[tilespmem:s20+$0xFFFFFFF0] =	vst v7;
	v6 =	vadd.f32 v9, v6  }
0x5dd: {  	_ =	sdelay $0x1  }
0x5de: {  	v1 =	vadd.f32 v3, v1  }
0x5df: {  	[tilespmem:s20+$0x0] =	vst v6;
	v2 =	vadd.f32 v5, v2  }
0x5e0: {  	[tilespmem:s20+$0x10] =	vst v1;
	v0 =	vadd.f32 v0, v4  }
0x5e1: {  	[tilespmem:s20+$0x20] =	vst v2  }
0x5e2: {  	[tilespmem:s20+$0xFFFFFFC0] =	vst v0  }
0x5e3: {  	s20 =	sld [smem:$0x7E4];
	_ =	sdelay $0x2  }
0x5e4: {  	[hbm4b:s20+s1] =	stream.linear.scatter [tilespmem:s1], [sflag:$0x3], $0x6000, $0x38;
	[tilespmem:$0x18000] =	vst v63  }
0x5e5: {  	_ =	swait.ge [sflag:s16], $0x6000  }
0x5e6: {  	[sflag:s16] =	ssyncset.done $0x0  }
0x5e7: {  	[sflag:s16] =	ssyncadd.s32 $0xFFFFA000  }
0x5e8: {  	_ =	swait.ge [sflag:s16], $0x6000  }
0x5e9: {  	[sflag:s16] =	ssyncset.done $0x0  }
0x5ea: {  	[sflag:s16] =	ssyncadd.s32 $0xFFFFA000  }
0x5eb: {  	_ =	swait.ge [sflag:s17], $0x6000  }
0x5ec: {  	s23 =	sld [smem:$0x7E7]  }
0x5ed: {  	[sflag:s17] =	ssyncset.done $0x0  }
0x5ee: {  	[sflag:s17] =	ssyncadd.s32 $0xFFFFA000  }
0x5ef: {  	[tilespmem:s1], [sflag:$0x1] =	stream.linear.gather [hbm4b:s23+s1], $0x6000, $0x38;
	[tilespmem:$0x18000] =	vst v63  }
0x5f0: {  	s20 =	simm.s32 $0x6040  }
0x5f1: {  	[tilespmem:s12], [sflag:$0x1] =	stream.linear.gather [hbm4b:s26+s1], $0x6000, $0x38;
	[tilespmem:$0x18000] =	vst v63  }
0x5f2: {  	s21 =	simm.s32 $0x12040;
	v1 =	vld [tilespmem:s20+$0x30]  }
0x5f3: {  	v2 =	vld [tilespmem:s21+$0x30]  }
0x5f4: {  	v0 =	vld [tilespmem:s21+$0xFFFFFFC0]  }
0x5f5: {  	v3 =	vld [tilespmem:s20+$0xFFFFFFD0]  }
0x5f6: {  	v4 =	vld [tilespmem:s21+$0xFFFFFFD0]  }
0x5f7: {  	v5 =	vld [tilespmem:s20+$0xFFFFFFE0]  }
0x5f8: {  	v6 =	vld [tilespmem:s21+$0xFFFFFFE0]  }
0x5f9: {  	v7 =	vld [tilespmem:s20+$0xFFFFFFF0]  }
0x5fa: {  	v8 =	vld [tilespmem:s21+$0xFFFFFFF0]  }
0x5fb: {  	v9 =	vld [tilespmem:s20+$0x0]  }
0x5fc: {  	v10 =	vld [tilespmem:s21+$0x0];
	v2 =	vadd.f32 v2, v1  }
0x5fd: {  	v4 =	vadd.f32 v4, v3;
	v1 =	vld [tilespmem:s20+$0x10]  }
0x5fe: {  	v5 =	vadd.f32 v6, v5;
	v3 =	vld [tilespmem:s21+$0x10];
	[tilespmem:s20+$0x30] =	vst v2  }
0x5ff: {  	v6 =	vadd.f32 v8, v7;
	[tilespmem:s20+$0xFFFFFFD0] =	vst v4;
	v2 =	vld [tilespmem:s20+$0x20]  }
0x600: {  	[tilespmem:s20+$0xFFFFFFE0] =	vst v5;
	v5 =	vld [tilespmem:s21+$0x20]  }
0x601: {  	s22 =	simm.s32 $0x0;
	s23 =	simm.s32 $0x60C0;
	v4 =	vld [tilespmem:s20+$0xFFFFFFC0];
	[tilespmem:s20+$0xFFFFFFF0] =	vst v6;
	v6 =	vadd.f32 v10, v9  }
.LBB2_56:
0x602: {  	v7 =	vld [tilespmem:s23+$0x30];
	s21 =	sadd.s32 $0x80, s21  }
0x603: {  	s22 =	sadd.s32 $0x80, s22;
	v8 =	vld [tilespmem:s21+$0x30];
	[tilespmem:s20+$0x0] =	vst v6;
	v1 =	vadd.f32 v3, v1  }
0x604: {  	p0 =	slt.u32 s22, $0x5F80;
	v3 =	vld [tilespmem:s21+$0xFFFFFFC0]  }
0x605: {  	v6 =	vld [tilespmem:s23+$0xFFFFFFD0];
	[tilespmem:s20+$0x10] =	vst v1;
	v1 =	vadd.f32 v5, v2  }
0x606: {  	v2 =	vld [tilespmem:s21+$0xFFFFFFD0];
	v9 =	vadd.f32 v0, v4  }
0x607: {  	v4 =	vld [tilespmem:s23+$0xFFFFFFE0];
	[tilespmem:s20+$0x20] =	vst v1  }
0x608: {  	v1 =	vld [tilespmem:s21+$0xFFFFFFE0];
	v5 =	vadd.f32 v8, v7;
	[tilespmem:s20+$0xFFFFFFC0] =	vst v9;
	s20 =	smov.u32 s23  }
0x609: {  	v7 =	vld [tilespmem:s23+$0xFFFFFFF0];
	v0 =	vmov v3  }
0x60a: {  	v8 =	vld [tilespmem:s21+$0xFFFFFFF0];
	[tilespmem:s23+$0x30] =	vst v5  }
0x60b: {  	v2 =	vadd.f32 v2, v6;
	v6 =	vld [tilespmem:s23+$0x0]  }
0x60c: {  	v9 =	vld [tilespmem:s21+$0x0]  }
.Ltmp27:
0x60d: {  	[tilespmem:s23+$0xFFFFFFD0] =	vst v2;
	v2 =	vadd.f32 v1, v4;
	v1 =	vld [tilespmem:s23+$0x10];
	(pc) =	sbr.rel @p0 .LBB2_56-.Ltmp27, $4  }
0x60e: {  	v3 =	vld [tilespmem:s21+$0x10]  }
0x60f: {  	[tilespmem:s23+$0xFFFFFFE0] =	vst v2;
	v7 =	vadd.f32 v8, v7;
	v2 =	vld [tilespmem:s23+$0x20]  }
0x610: {  	v5 =	vld [tilespmem:s21+$0x20]  }
0x611: {  	s23 =	sadd.s32 $0x80, s23;
	v4 =	vld [tilespmem:s20+$0xFFFFFFC0];
	[tilespmem:s20+$0xFFFFFFF0] =	vst v7;
	v6 =	vadd.f32 v9, v6  }
0x612: {  	_ =	sdelay $0x1  }
0x613: {  	v1 =	vadd.f32 v3, v1  }
0x614: {  	[tilespmem:s20+$0x0] =	vst v6;
	v2 =	vadd.f32 v5, v2  }
0x615: {  	[tilespmem:s20+$0x10] =	vst v1;
	v0 =	vadd.f32 v0, v4  }
0x616: {  	[tilespmem:s20+$0x20] =	vst v2  }
0x617: {  	[tilespmem:s20+$0xFFFFFFC0] =	vst v0  }
0x618: {  	s20 =	sld [smem:$0x7E6];
	_ =	sdelay $0x2  }
0x619: {  	[hbm4b:s20+s1] =	stream.linear.scatter [tilespmem:s14], [sflag:$0x4], $0x6000, $0x38;
	[tilespmem:$0x18000] =	vst v63  }
0x61a: {  	_ =	swait.ge [sflag:s13], $0x6000  }
0x61b: {  	[sflag:s13] =	ssyncset.done $0x0  }
0x61c: {  	[sflag:s13] =	ssyncadd.s32 $0xFFFFA000  }
0x61d: {  	_ =	swait.ge [sflag:s13], $0x6000  }
0x61e: {  	[sflag:s13] =	ssyncset.done $0x0  }
0x61f: {  	[sflag:s13] =	ssyncadd.s32 $0xFFFFA000  }
0x620: {  	_ =	swait.ge [sflag:s18], $0x6000  }
0x621: {  	s23 =	sld [smem:$0x7E9]  }
0x622: {  	[sflag:s18] =	ssyncset.done $0x0  }
0x623: {  	[sflag:s18] =	ssyncadd.s32 $0xFFFFA000  }
0x624: {  	[tilespmem:s14], [sflag:$0x2] =	stream.linear.gather [hbm4b:s23+s1], $0x6000, $0x38;
	[tilespmem:$0x18000] =	vst v63  }
0x625: {  	s20 =	simm.s32 $0x40  }
0x626: {  	[tilespmem:s15], [sflag:$0x2] =	stream.linear.gather [hbm4b:s28+s1], $0x6000, $0x38;
	[tilespmem:$0x18000] =	vst v63  }
0x627: {  	s21 =	simm.s32 $0xC040;
	v1 =	vld [tilespmem:s20+$0x30]  }
0x628: {  	v2 =	vld [tilespmem:s21+$0x30]  }
0x629: {  	v0 =	vld [tilespmem:s21+$0xFFFFFFC0]  }
0x62a: {  	v3 =	vld [tilespmem:s20+$0xFFFFFFD0]  }
0x62b: {  	v4 =	vld [tilespmem:s21+$0xFFFFFFD0]  }
0x62c: {  	v5 =	vld [tilespmem:s20+$0xFFFFFFE0]  }
0x62d: {  	v6 =	vld [tilespmem:s21+$0xFFFFFFE0]  }
0x62e: {  	v7 =	vld [tilespmem:s20+$0xFFFFFFF0]  }
0x62f: {  	v8 =	vld [tilespmem:s21+$0xFFFFFFF0]  }
0x630: {  	v9 =	vld [tilespmem:s20+$0x0]  }
0x631: {  	v10 =	vld [tilespmem:s21+$0x0];
	v2 =	vadd.f32 v2, v1  }
0x632: {  	v4 =	vadd.f32 v4, v3;
	v1 =	vld [tilespmem:s20+$0x10]  }
0x633: {  	v5 =	vadd.f32 v6, v5;
	v3 =	vld [tilespmem:s21+$0x10];
	[tilespmem:s20+$0x30] =	vst v2  }
0x634: {  	v6 =	vadd.f32 v8, v7;
	[tilespmem:s20+$0xFFFFFFD0] =	vst v4;
	v2 =	vld [tilespmem:s20+$0x20]  }
0x635: {  	[tilespmem:s20+$0xFFFFFFE0] =	vst v5;
	v5 =	vld [tilespmem:s21+$0x20]  }
0x636: {  	s22 =	simm.s32 $0x0;
	s23 =	simm.s32 $0xC0;
	v4 =	vld [tilespmem:s20+$0xFFFFFFC0];
	[tilespmem:s20+$0xFFFFFFF0] =	vst v6;
	v6 =	vadd.f32 v10, v9  }
.LBB2_58:
0x637: {  	v7 =	vld [tilespmem:s23+$0x30];
	s21 =	sadd.s32 $0x80, s21  }
0x638: {  	s22 =	sadd.s32 $0x80, s22;
	v8 =	vld [tilespmem:s21+$0x30];
	[tilespmem:s20+$0x0] =	vst v6;
	v1 =	vadd.f32 v3, v1  }
0x639: {  	p0 =	slt.u32 s22, $0x5F80;
	v3 =	vld [tilespmem:s21+$0xFFFFFFC0]  }
0x63a: {  	v6 =	vld [tilespmem:s23+$0xFFFFFFD0];
	[tilespmem:s20+$0x10] =	vst v1;
	v1 =	vadd.f32 v5, v2  }
0x63b: {  	v2 =	vld [tilespmem:s21+$0xFFFFFFD0];
	v9 =	vadd.f32 v0, v4  }
0x63c: {  	v4 =	vld [tilespmem:s23+$0xFFFFFFE0];
	[tilespmem:s20+$0x20] =	vst v1  }
0x63d: {  	v1 =	vld [tilespmem:s21+$0xFFFFFFE0];
	v5 =	vadd.f32 v8, v7;
	[tilespmem:s20+$0xFFFFFFC0] =	vst v9;
	s20 =	smov.u32 s23  }
0x63e: {  	v7 =	vld [tilespmem:s23+$0xFFFFFFF0];
	v0 =	vmov v3  }
0x63f: {  	v8 =	vld [tilespmem:s21+$0xFFFFFFF0];
	[tilespmem:s23+$0x30] =	vst v5  }
0x640: {  	v2 =	vadd.f32 v2, v6;
	v6 =	vld [tilespmem:s23+$0x0]  }
0x641: {  	v9 =	vld [tilespmem:s21+$0x0]  }
.Ltmp28:
0x642: {  	[tilespmem:s23+$0xFFFFFFD0] =	vst v2;
	v2 =	vadd.f32 v1, v4;
	v1 =	vld [tilespmem:s23+$0x10];
	(pc) =	sbr.rel @p0 .LBB2_58-.Ltmp28, $4  }
0x643: {  	v3 =	vld [tilespmem:s21+$0x10]  }
0x644: {  	[tilespmem:s23+$0xFFFFFFE0] =	vst v2;
	v7 =	vadd.f32 v8, v7;
	v2 =	vld [tilespmem:s23+$0x20]  }
0x645: {  	v5 =	vld [tilespmem:s21+$0x20]  }
0x646: {  	s23 =	sadd.s32 $0x80, s23;
	v4 =	vld [tilespmem:s20+$0xFFFFFFC0];
	[tilespmem:s20+$0xFFFFFFF0] =	vst v7;
	v6 =	vadd.f32 v9, v6  }
0x647: {  	_ =	sdelay $0x1  }
0x648: {  	v1 =	vadd.f32 v3, v1  }
0x649: {  	[tilespmem:s20+$0x0] =	vst v6;
	v2 =	vadd.f32 v5, v2  }
0x64a: {  	[tilespmem:s20+$0x10] =	vst v1;
	v0 =	vadd.f32 v0, v4  }
0x64b: {  	[tilespmem:s20+$0x20] =	vst v2  }
0x64c: {  	[tilespmem:s20+$0xFFFFFFC0] =	vst v0  }
0x64d: {  	s20 =	sld [smem:$0x7E8];
	_ =	sdelay $0x2  }
0x64e: {  	[hbm4b:s20+s1] =	stream.linear.scatter [tilespmem:s1], [sflag:$0x3], $0x6000, $0x38;
	[tilespmem:$0x18000] =	vst v63  }
0x64f: {  	_ =	swait.ge [sflag:s16], $0x6000  }
0x650: {  	[sflag:s16] =	ssyncset.done $0x0  }
0x651: {  	[sflag:s16] =	ssyncadd.s32 $0xFFFFA000  }
0x652: {  	_ =	swait.ge [sflag:s16], $0x6000  }
0x653: {  	[sflag:s16] =	ssyncset.done $0x0  }
0x654: {  	[sflag:s16] =	ssyncadd.s32 $0xFFFFA000  }
0x655: {  	_ =	swait.ge [sflag:s17], $0x6000  }
0x656: {  	s23 =	sld [smem:$0x7EB]  }
0x657: {  	[sflag:s17] =	ssyncset.done $0x0  }
0x658: {  	[sflag:s17] =	ssyncadd.s32 $0xFFFFA000  }
0x659: {  	[tilespmem:s1], [sflag:$0x1] =	stream.linear.gather [hbm4b:s23+s1], $0x6000, $0x38;
	[tilespmem:$0x18000] =	vst v63  }
0x65a: {  	s20 =	simm.s32 $0x6040  }
0x65b: {  	[tilespmem:s12], [sflag:$0x1] =	stream.linear.gather [hbm4b:s29+s1], $0x6000, $0x38;
	[tilespmem:$0x18000] =	vst v63  }
0x65c: {  	s21 =	simm.s32 $0x12040;
	v1 =	vld [tilespmem:s20+$0x30]  }
0x65d: {  	v2 =	vld [tilespmem:s21+$0x30]  }
0x65e: {  	v0 =	vld [tilespmem:s21+$0xFFFFFFC0]  }
0x65f: {  	v3 =	vld [tilespmem:s20+$0xFFFFFFD0]  }
0x660: {  	v4 =	vld [tilespmem:s21+$0xFFFFFFD0]  }
0x661: {  	v5 =	vld [tilespmem:s20+$0xFFFFFFE0]  }
0x662: {  	v6 =	vld [tilespmem:s21+$0xFFFFFFE0]  }
0x663: {  	v7 =	vld [tilespmem:s20+$0xFFFFFFF0]  }
0x664: {  	v8 =	vld [tilespmem:s21+$0xFFFFFFF0]  }
0x665: {  	v9 =	vld [tilespmem:s20+$0x0]  }
0x666: {  	v10 =	vld [tilespmem:s21+$0x0];
	v2 =	vadd.f32 v2, v1  }
0x667: {  	v4 =	vadd.f32 v4, v3;
	v1 =	vld [tilespmem:s20+$0x10]  }
0x668: {  	v5 =	vadd.f32 v6, v5;
	v3 =	vld [tilespmem:s21+$0x10];
	[tilespmem:s20+$0x30] =	vst v2  }
0x669: {  	v6 =	vadd.f32 v8, v7;
	[tilespmem:s20+$0xFFFFFFD0] =	vst v4;
	v2 =	vld [tilespmem:s20+$0x20]  }
0x66a: {  	[tilespmem:s20+$0xFFFFFFE0] =	vst v5;
	v5 =	vld [tilespmem:s21+$0x20]  }
0x66b: {  	s22 =	simm.s32 $0x0;
	s23 =	simm.s32 $0x60C0;
	v4 =	vld [tilespmem:s20+$0xFFFFFFC0];
	[tilespmem:s20+$0xFFFFFFF0] =	vst v6;
	v6 =	vadd.f32 v10, v9  }
.LBB2_60:
0x66c: {  	v7 =	vld [tilespmem:s23+$0x30];
	s21 =	sadd.s32 $0x80, s21  }
0x66d: {  	s22 =	sadd.s32 $0x80, s22;
	v8 =	vld [tilespmem:s21+$0x30];
	[tilespmem:s20+$0x0] =	vst v6;
	v1 =	vadd.f32 v3, v1  }
0x66e: {  	p0 =	slt.u32 s22, $0x5F80;
	v3 =	vld [tilespmem:s21+$0xFFFFFFC0]  }
0x66f: {  	v6 =	vld [tilespmem:s23+$0xFFFFFFD0];
	[tilespmem:s20+$0x10] =	vst v1;
	v1 =	vadd.f32 v5, v2  }
0x670: {  	v2 =	vld [tilespmem:s21+$0xFFFFFFD0];
	v9 =	vadd.f32 v0, v4  }
0x671: {  	v4 =	vld [tilespmem:s23+$0xFFFFFFE0];
	[tilespmem:s20+$0x20] =	vst v1  }
0x672: {  	v1 =	vld [tilespmem:s21+$0xFFFFFFE0];
	v5 =	vadd.f32 v8, v7;
	[tilespmem:s20+$0xFFFFFFC0] =	vst v9;
	s20 =	smov.u32 s23  }
0x673: {  	v7 =	vld [tilespmem:s23+$0xFFFFFFF0];
	v0 =	vmov v3  }
0x674: {  	v8 =	vld [tilespmem:s21+$0xFFFFFFF0];
	[tilespmem:s23+$0x30] =	vst v5  }
0x675: {  	v2 =	vadd.f32 v2, v6;
	v6 =	vld [tilespmem:s23+$0x0]  }
0x676: {  	v9 =	vld [tilespmem:s21+$0x0]  }
.Ltmp29:
0x677: {  	[tilespmem:s23+$0xFFFFFFD0] =	vst v2;
	v2 =	vadd.f32 v1, v4;
	v1 =	vld [tilespmem:s23+$0x10];
	(pc) =	sbr.rel @p0 .LBB2_60-.Ltmp29, $4  }
0x678: {  	v3 =	vld [tilespmem:s21+$0x10]  }
0x679: {  	[tilespmem:s23+$0xFFFFFFE0] =	vst v2;
	v7 =	vadd.f32 v8, v7;
	v2 =	vld [tilespmem:s23+$0x20]  }
0x67a: {  	v5 =	vld [tilespmem:s21+$0x20]  }
0x67b: {  	s23 =	sadd.s32 $0x80, s23;
	v4 =	vld [tilespmem:s20+$0xFFFFFFC0];
	[tilespmem:s20+$0xFFFFFFF0] =	vst v7;
	v6 =	vadd.f32 v9, v6  }
0x67c: {  	_ =	sdelay $0x1  }
0x67d: {  	v1 =	vadd.f32 v3, v1  }
0x67e: {  	[tilespmem:s20+$0x0] =	vst v6;
	v2 =	vadd.f32 v5, v2  }
0x67f: {  	[tilespmem:s20+$0x10] =	vst v1;
	v0 =	vadd.f32 v0, v4  }
0x680: {  	[tilespmem:s20+$0x20] =	vst v2  }
0x681: {  	[tilespmem:s20+$0xFFFFFFC0] =	vst v0  }
0x682: {  	s20 =	sld [smem:$0x7EA];
	_ =	sdelay $0x2  }
0x683: {  	[hbm4b:s20+s1] =	stream.linear.scatter [tilespmem:s14], [sflag:$0x4], $0x6000, $0x38;
	[tilespmem:$0x18000] =	vst v63  }
0x684: {  	_ =	swait.ge [sflag:s13], $0x6000  }
0x685: {  	[sflag:s13] =	ssyncset.done $0x0  }
0x686: {  	[sflag:s13] =	ssyncadd.s32 $0xFFFFA000  }
0x687: {  	_ =	swait.ge [sflag:s13], $0x6000  }
0x688: {  	[sflag:s13] =	ssyncset.done $0x0  }
0x689: {  	[sflag:s13] =	ssyncadd.s32 $0xFFFFA000  }
0x68a: {  	_ =	swait.ge [sflag:s18], $0x6000  }
0x68b: {  	s23 =	sld [smem:$0x7EC]  }
0x68c: {  	[sflag:s18] =	ssyncset.done $0x0  }
0x68d: {  	[sflag:s18] =	ssyncadd.s32 $0xFFFFA000  }
0x68e: {  	[tilespmem:s14], [sflag:$0x2] =	stream.linear.gather [hbm4b:s23+s1], $0x6000, $0x38;
	[tilespmem:$0x18000] =	vst v63  }
0x68f: {  	s20 =	simm.s32 $0x40  }
0x690: {  	[tilespmem:s15], [sflag:$0x2] =	stream.linear.gather [hbm4b:s30+s1], $0x6000, $0x38;
	[tilespmem:$0x18000] =	vst v63  }
0x691: {  	s21 =	simm.s32 $0xC040;
	v1 =	vld [tilespmem:s20+$0x30]  }
0x692: {  	v2 =	vld [tilespmem:s21+$0x30]  }
0x693: {  	v0 =	vld [tilespmem:s21+$0xFFFFFFC0]  }
0x694: {  	v3 =	vld [tilespmem:s20+$0xFFFFFFD0]  }
0x695: {  	v4 =	vld [tilespmem:s21+$0xFFFFFFD0]  }
0x696: {  	v5 =	vld [tilespmem:s20+$0xFFFFFFE0]  }
0x697: {  	v6 =	vld [tilespmem:s21+$0xFFFFFFE0]  }
0x698: {  	v7 =	vld [tilespmem:s20+$0xFFFFFFF0]  }
0x699: {  	v8 =	vld [tilespmem:s21+$0xFFFFFFF0]  }
0x69a: {  	v9 =	vld [tilespmem:s20+$0x0]  }
0x69b: {  	v10 =	vld [tilespmem:s21+$0x0];
	v2 =	vadd.f32 v2, v1  }
0x69c: {  	v4 =	vadd.f32 v4, v3;
	v1 =	vld [tilespmem:s20+$0x10]  }
0x69d: {  	v5 =	vadd.f32 v6, v5;
	v3 =	vld [tilespmem:s21+$0x10];
	[tilespmem:s20+$0x30] =	vst v2  }
0x69e: {  	v6 =	vadd.f32 v8, v7;
	[tilespmem:s20+$0xFFFFFFD0] =	vst v4;
	v2 =	vld [tilespmem:s20+$0x20]  }
0x69f: {  	[tilespmem:s20+$0xFFFFFFE0] =	vst v5;
	v5 =	vld [tilespmem:s21+$0x20]  }
0x6a0: {  	s22 =	simm.s32 $0x0;
	s23 =	simm.s32 $0xC0;
	v4 =	vld [tilespmem:s20+$0xFFFFFFC0];
	[tilespmem:s20+$0xFFFFFFF0] =	vst v6;
	v6 =	vadd.f32 v10, v9  }
.LBB2_62:
0x6a1: {  	v7 =	vld [tilespmem:s23+$0x30];
	s21 =	sadd.s32 $0x80, s21  }
0x6a2: {  	s22 =	sadd.s32 $0x80, s22;
	v8 =	vld [tilespmem:s21+$0x30];
	[tilespmem:s20+$0x0] =	vst v6;
	v1 =	vadd.f32 v3, v1  }
0x6a3: {  	p0 =	slt.u32 s22, $0x5F80;
	v3 =	vld [tilespmem:s21+$0xFFFFFFC0]  }
0x6a4: {  	v6 =	vld [tilespmem:s23+$0xFFFFFFD0];
	[tilespmem:s20+$0x10] =	vst v1;
	v1 =	vadd.f32 v5, v2  }
0x6a5: {  	v2 =	vld [tilespmem:s21+$0xFFFFFFD0];
	v9 =	vadd.f32 v0, v4  }
0x6a6: {  	v4 =	vld [tilespmem:s23+$0xFFFFFFE0];
	[tilespmem:s20+$0x20] =	vst v1  }
0x6a7: {  	v1 =	vld [tilespmem:s21+$0xFFFFFFE0];
	v5 =	vadd.f32 v8, v7;
	[tilespmem:s20+$0xFFFFFFC0] =	vst v9;
	s20 =	smov.u32 s23  }
0x6a8: {  	v7 =	vld [tilespmem:s23+$0xFFFFFFF0];
	v0 =	vmov v3  }
0x6a9: {  	v8 =	vld [tilespmem:s21+$0xFFFFFFF0];
	[tilespmem:s23+$0x30] =	vst v5  }
0x6aa: {  	v2 =	vadd.f32 v2, v6;
	v6 =	vld [tilespmem:s23+$0x0]  }
0x6ab: {  	v9 =	vld [tilespmem:s21+$0x0]  }
.Ltmp30:
0x6ac: {  	[tilespmem:s23+$0xFFFFFFD0] =	vst v2;
	v2 =	vadd.f32 v1, v4;
	v1 =	vld [tilespmem:s23+$0x10];
	(pc) =	sbr.rel @p0 .LBB2_62-.Ltmp30, $4  }
0x6ad: {  	v3 =	vld [tilespmem:s21+$0x10]  }
0x6ae: {  	[tilespmem:s23+$0xFFFFFFE0] =	vst v2;
	v7 =	vadd.f32 v8, v7;
	v2 =	vld [tilespmem:s23+$0x20]  }
0x6af: {  	v5 =	vld [tilespmem:s21+$0x20]  }
0x6b0: {  	s23 =	sadd.s32 $0x80, s23;
	v4 =	vld [tilespmem:s20+$0xFFFFFFC0];
	[tilespmem:s20+$0xFFFFFFF0] =	vst v7;
	v6 =	vadd.f32 v9, v6  }
0x6b1: {  	_ =	sdelay $0x1  }
0x6b2: {  	v1 =	vadd.f32 v3, v1  }
0x6b3: {  	[tilespmem:s20+$0x0] =	vst v6;
	v2 =	vadd.f32 v5, v2  }
0x6b4: {  	[tilespmem:s20+$0x10] =	vst v1;
	v0 =	vadd.f32 v0, v4  }
0x6b5: {  	[tilespmem:s20+$0x20] =	vst v2  }
0x6b6: {  	[tilespmem:s20+$0xFFFFFFC0] =	vst v0  }
0x6b7: {  	s20 =	sld [smem:$0x7ED];
	_ =	sdelay $0x2  }
0x6b8: {  	[hbm4b:s20+s1] =	stream.linear.scatter [tilespmem:s1], [sflag:$0x3], $0x6000, $0x38;
	[tilespmem:$0x18000] =	vst v63  }
0x6b9: {  	_ =	swait.ge [sflag:s16], $0x6000  }
0x6ba: {  	[sflag:s16] =	ssyncset.done $0x0  }
0x6bb: {  	[sflag:s16] =	ssyncadd.s32 $0xFFFFA000  }
0x6bc: {  	_ =	swait.ge [sflag:s16], $0x6000  }
0x6bd: {  	[sflag:s16] =	ssyncset.done $0x0  }
0x6be: {  	s20 =	simm.s32 $0x6040;
	[sflag:s16] =	ssyncadd.s32 $0xFFFFA000  }
0x6bf: {  	s21 =	simm.s32 $0x12040;
	v1 =	vld [tilespmem:s20+$0x30]  }
0x6c0: {  	v2 =	vld [tilespmem:s21+$0x30]  }
0x6c1: {  	v0 =	vld [tilespmem:s21+$0xFFFFFFC0]  }
0x6c2: {  	v3 =	vld [tilespmem:s20+$0xFFFFFFD0]  }
0x6c3: {  	v4 =	vld [tilespmem:s21+$0xFFFFFFD0]  }
0x6c4: {  	v5 =	vld [tilespmem:s20+$0xFFFFFFE0]  }
0x6c5: {  	v6 =	vld [tilespmem:s21+$0xFFFFFFE0]  }
0x6c6: {  	v7 =	vld [tilespmem:s20+$0xFFFFFFF0]  }
0x6c7: {  	v8 =	vld [tilespmem:s21+$0xFFFFFFF0]  }
0x6c8: {  	v9 =	vld [tilespmem:s20+$0x0]  }
0x6c9: {  	v10 =	vld [tilespmem:s21+$0x0];
	v2 =	vadd.f32 v2, v1  }
0x6ca: {  	v4 =	vadd.f32 v4, v3;
	v1 =	vld [tilespmem:s20+$0x10]  }
0x6cb: {  	v5 =	vadd.f32 v6, v5;
	v3 =	vld [tilespmem:s21+$0x10];
	[tilespmem:s20+$0x30] =	vst v2  }
0x6cc: {  	v6 =	vadd.f32 v8, v7;
	[tilespmem:s20+$0xFFFFFFD0] =	vst v4;
	v2 =	vld [tilespmem:s20+$0x20]  }
0x6cd: {  	[tilespmem:s20+$0xFFFFFFE0] =	vst v5;
	v5 =	vld [tilespmem:s21+$0x20]  }
0x6ce: {  	s22 =	simm.s32 $0x0;
	s23 =	simm.s32 $0x60C0;
	v4 =	vld [tilespmem:s20+$0xFFFFFFC0];
	[tilespmem:s20+$0xFFFFFFF0] =	vst v6;
	v6 =	vadd.f32 v10, v9  }
.LBB2_64:
0x6cf: {  	v7 =	vld [tilespmem:s23+$0x30];
	s21 =	sadd.s32 $0x80, s21  }
0x6d0: {  	s22 =	sadd.s32 $0x80, s22;
	v8 =	vld [tilespmem:s21+$0x30];
	[tilespmem:s20+$0x0] =	vst v6;
	v1 =	vadd.f32 v3, v1  }
0x6d1: {  	p0 =	slt.u32 s22, $0x5F80;
	v3 =	vld [tilespmem:s21+$0xFFFFFFC0]  }
0x6d2: {  	v6 =	vld [tilespmem:s23+$0xFFFFFFD0];
	[tilespmem:s20+$0x10] =	vst v1;
	v1 =	vadd.f32 v5, v2  }
0x6d3: {  	v2 =	vld [tilespmem:s21+$0xFFFFFFD0];
	v9 =	vadd.f32 v0, v4  }
0x6d4: {  	v4 =	vld [tilespmem:s23+$0xFFFFFFE0];
	[tilespmem:s20+$0x20] =	vst v1  }
0x6d5: {  	v1 =	vld [tilespmem:s21+$0xFFFFFFE0];
	v5 =	vadd.f32 v8, v7;
	[tilespmem:s20+$0xFFFFFFC0] =	vst v9;
	s20 =	smov.u32 s23  }
0x6d6: {  	v7 =	vld [tilespmem:s23+$0xFFFFFFF0];
	v0 =	vmov v3  }
0x6d7: {  	v8 =	vld [tilespmem:s21+$0xFFFFFFF0];
	[tilespmem:s23+$0x30] =	vst v5  }
0x6d8: {  	v2 =	vadd.f32 v2, v6;
	v6 =	vld [tilespmem:s23+$0x0]  }
0x6d9: {  	v9 =	vld [tilespmem:s21+$0x0]  }
.Ltmp31:
0x6da: {  	[tilespmem:s23+$0xFFFFFFD0] =	vst v2;
	v2 =	vadd.f32 v1, v4;
	v1 =	vld [tilespmem:s23+$0x10];
	(pc) =	sbr.rel @p0 .LBB2_64-.Ltmp31, $4  }
0x6db: {  	v3 =	vld [tilespmem:s21+$0x10]  }
0x6dc: {  	[tilespmem:s23+$0xFFFFFFE0] =	vst v2;
	v7 =	vadd.f32 v8, v7;
	v2 =	vld [tilespmem:s23+$0x20]  }
0x6dd: {  	v5 =	vld [tilespmem:s21+$0x20]  }
0x6de: {  	s23 =	sadd.s32 $0x80, s23;
	v4 =	vld [tilespmem:s20+$0xFFFFFFC0];
	[tilespmem:s20+$0xFFFFFFF0] =	vst v7;
	v6 =	vadd.f32 v9, v6  }
0x6df: {  	_ =	sdelay $0x1  }
0x6e0: {  	v1 =	vadd.f32 v3, v1  }
0x6e1: {  	[tilespmem:s20+$0x0] =	vst v6;
	v2 =	vadd.f32 v5, v2  }
0x6e2: {  	[tilespmem:s20+$0x10] =	vst v1;
	v0 =	vadd.f32 v0, v4  }
0x6e3: {  	[tilespmem:s20+$0x20] =	vst v2  }
0x6e4: {  	[tilespmem:s20+$0xFFFFFFC0] =	vst v0  }
0x6e5: {  	s20 =	sld [smem:$0x7EE];
	_ =	sdelay $0x1  }
0x6e6: {  	s19 =	sadd.s32 $0x1, s19  }
0x6e7: {  	[hbm4b:s20+s1] =	stream.linear.scatter [tilespmem:s14], [sflag:$0x4], $0x6000, $0x38;
	[tilespmem:$0x18000] =	vst v63  }
0x6e8: {  	p0 =	sne.s32 s19, s31;
	_ =	swait.ge [sflag:s17], $0x6000  }
.Ltmp32:
0x6e9: {  	[sflag:s17] =	ssyncset.done $0x0;
	(pc) =	sbr.rel @p0 .LBB2_1-.Ltmp32, $4  }
0x6ea: {  	[sflag:s17] =	ssyncadd.s32 $0xFFFFA000  }
0x6eb: {  	_ =	swait.ge [sflag:s18], $0x6000  }
0x6ec: {  	[sflag:s18] =	ssyncset.done $0x0  }
0x6ed: {  	[sflag:s18] =	ssyncadd.s32 $0xFFFFA000  }
0x6ee: {  	_ =	sfence.sel $0x180000  }
0x6ef: {  	[bflag:$0x0] =	sbarrier.arrive $0xFFFF  }
0x6f0: {  	_ =	strace $0x90000047  }
0x6f1: {  	s0 =	stileid.u32;
	[bflag:$0x2] =	sbarrier.arrive $0xFFFF  }
0x6f2: {  	p0 =	sne.s32 s0, $0x0;
	s0 =	rddreg [dreg:$0x2]  }
0x6f3: {  	s0 =	sadd.s32 @!p0 $0x100000, s0  }
0x6f4: {  	[sflag:s0] =	ssyncadd.tile.s32 @!p0 $0x1;
	_ =	shalt  }
.Lfunc_end2:
_tile_overlayer_lowered:
.L_overlay_start_2:
0x6f5: {  	(tag) =	ssettag $0x2  }
0x6f6: {  	s0 =	rddreg [dreg:$0x0];
	s2 =	stileid.u32  }
0x6f7: {  	s1 =	rddreg [dreg:$0x1];
	p0 =	sne.s32 s2, $0x0  }
0x6f8: {  	s3 =	rddreg [dreg:$0x2];
	[bflag:$0x3] =	sbarrier.arrive $0xFFFF;
	s2 =	simm.s32 @!p0 $0x1C05  }
0x6f9: {  	[timem:s3], [sflag:s2] =	dma.local @!p0 [hbm:s0], s1  }
0x6fa: {  	s0 =	simm.s32 @!p0 $0x5  }
0x6fb: {  	_ =	swait.ge @!p0 [sflag:s0], s1  }
0x6fc: {  	s1 =	ssub.s32 @!p0 $0x0, s1;
	[sflag:s0] =	ssyncset.done @!p0 $0x0  }
0x6fd: {  	[sflag:s0] =	ssyncadd.s32 @!p0 s1  }
0x6fe: {  	[bflag:$0x3] =	sbarrier.arrive $0xFFFF  }
0x6ff: {  	_ =	shalt  }

</sc_bundles>
